<compile_context>
chip_gen: v7x
topology: tpu7x:2x2x1
jax: 0.10.2.dev20260603
libtpu: 0.0.44.dev20260713+nightly
codegen_flags: <defaults>
</compile_context>

<pallas_src>
import functools

import jax
import jax.numpy as jnp
from jax import lax
from jax.experimental import pallas as pl
from jax.experimental.pallas import tpu as pltpu
from jax.experimental.pallas import tpu_sc as plsc

N_NODES = 10000
N_PAD = 10240
N_EDGES = 320000
D_FEAT = 128
D_EDGE = 16
D = 128
NC, NS = 2, 16
NW = NC * NS
CW = 128
CHUNKS = 80
E_PAD = NW * CHUNKS * CW
C0 = 120
C1 = 40
CA = 160
E_PAD_S = NS * CA * CW
ROWS_PT = N_PAD // NS

def _scatter_body(table, src, dst, zeros, out, sb0, sb1, db0, db1, rows0,
                  rows1, acc, gs0, gs1, ss0, ss1, is0, is1, id0, id1):
    cid = lax.axis_index("c")
    sid = lax.axis_index("s")
    nch = jnp.where(cid == 0, C0, C1)
    base = jnp.where(cid == 0, sid * C0, NS * C0 + sid * C1)
    pltpu.sync_copy(zeros, rows0)
    for r in range(ROWS_PT // CW):
        pltpu.sync_copy(rows0, acc.at[pl.ds(sid * ROWS_PT + r * CW, CW)])
    plsc.subcore_barrier()

    def s_idx(j, sb, sem):
        return pltpu.async_copy(src.at[pl.ds(base + j, 1)], sb, sem)

    def d_idx(j, db, sem):
        return pltpu.async_copy(dst.at[pl.ds(base + j, 1)], db, sem)

    def i_wait(sb, sem):
        pltpu.make_async_copy(src.at[pl.ds(base, 1)], sb, sem).wait()

    def gath(sb, rows, sem):
        return pltpu.async_copy(table.at[sb.at[0]], rows, sem)

    def g_wait(sb, rows, sem):
        pltpu.make_async_copy(table.at[sb.at[0]], rows, sem).wait()

    def scat(rows, db, sem):
        return pltpu.async_copy(rows, acc.at[db.at[0]], sem, add=True)

    def scat_wait(rows, db, sem):
        pltpu.make_async_copy(rows, acc.at[db.at[0]], sem).wait()

    s_idx(0, sb0, is0)
    d_idx(0, db0, id0)
    i_wait(sb0, is0)
    gath(sb0, rows0, gs0)
    s_idx(1, sb1, is1)

    def body(i, carry):
        j0 = 2 * i
        j1 = j0 + 1
        @pl.when(i >= 1)
        def _():
            scat_wait(rows1, db1, ss1)

        d_idx(j1, db1, id1)
        i_wait(sb1, is1)
        gath(sb1, rows1, gs1)
        g_wait(sb0, rows0, gs0)
        s_idx(j0 + 2, sb0, is0)
        pltpu.make_async_copy(dst.at[pl.ds(base, 1)], db0, id0).wait()
        scat(rows0, db0, ss0)
        scat_wait(rows0, db0, ss0)
        d_idx(j0 + 2, db0, id0)
        i_wait(sb0, is0)
        gath(sb0, rows0, gs0)
        g_wait(sb1, rows1, gs1)
        s_idx(j1 + 2, sb1, is1)
        pltpu.make_async_copy(dst.at[pl.ds(base, 1)], db1, id1).wait()
        scat(rows1, db1, ss1)
        return carry

    lax.fori_loop(0, nch // 2 - 1, body, 0)
    scat_wait(rows1, db1, ss1)
    d_idx(nch - 1, db1, id1)
    i_wait(sb1, is1)
    gath(sb1, rows1, gs1)
    g_wait(sb0, rows0, gs0)
    pltpu.make_async_copy(dst.at[pl.ds(base, 1)], db0, id0).wait()
    scat(rows0, db0, ss0)
    scat_wait(rows0, db0, ss0)
    g_wait(sb1, rows1, gs1)
    pltpu.make_async_copy(dst.at[pl.ds(base, 1)], db1, id1).wait()
    scat(rows1, db1, ss1)
    scat_wait(rows1, db1, ss1)
    plsc.subcore_barrier()
    for r in range(ROWS_PT // CW):
        sl = pl.ds(sid * ROWS_PT + r * CW, CW)
        pltpu.sync_copy(acc.at[sl], rows0)
        pltpu.sync_copy(rows0, out.at[cid, sl])


@functools.cache
def _scatter_rows():
    mesh = plsc.VectorSubcoreMesh(core_axis_name="c", subcore_axis_name="s")
    return pl.kernel(
        _scatter_body,
        out_type=jax.ShapeDtypeStruct((NC, N_PAD, D), jnp.float32),
        mesh=mesh,
        scratch_types=[
            pltpu.VMEM((1, CW), jnp.int32),
            pltpu.VMEM((1, CW), jnp.int32),
            pltpu.VMEM((1, CW), jnp.int32),
            pltpu.VMEM((1, CW), jnp.int32),
            pltpu.VMEM((CW, D), jnp.float32),
            pltpu.VMEM((CW, D), jnp.float32),
            pltpu.VMEM_SHARED((N_PAD, D), jnp.float32),
            pltpu.SemaphoreType.DMA,
            pltpu.SemaphoreType.DMA,
            pltpu.SemaphoreType.DMA,
            pltpu.SemaphoreType.DMA,
            pltpu.SemaphoreType.DMA,
            pltpu.SemaphoreType.DMA,
            pltpu.SemaphoreType.DMA,
            pltpu.SemaphoreType.DMA,
        ],
    )


def _degree_body(ones, dst, zeros, out, dst_v, rows0, acc, ss0):
    cid = lax.axis_index("c")
    sid = lax.axis_index("s")
    wid = cid * NS + sid
    pltpu.sync_copy(zeros, rows0)
    for r in range(ROWS_PT // CW):
        pltpu.sync_copy(rows0, acc.at[pl.ds(sid * ROWS_PT + r * CW, CW)])
    pltpu.sync_copy(dst.at[pl.ds(wid * CHUNKS, CHUNKS)], dst_v)
    pltpu.sync_copy(ones, rows0)
    plsc.subcore_barrier()

    def body(j, carry):
        pltpu.async_copy(rows0, acc.at[dst_v.at[j]], ss0, add=True)

        @pl.when(j >= 1)
        def _():
            pltpu.make_async_copy(rows0, acc.at[dst_v.at[j]], ss0).wait()

        return carry

    lax.fori_loop(0, CHUNKS, body, 0)
    pltpu.make_async_copy(rows0, acc.at[dst_v.at[0]], ss0).wait()
    plsc.subcore_barrier()
    for r in range(ROWS_PT // CW):
        sl = pl.ds(sid * ROWS_PT + r * CW, CW)
        pltpu.sync_copy(acc.at[sl], rows0)
        pltpu.sync_copy(rows0, out.at[cid, sl])


@functools.cache
def _degree():
    mesh = plsc.VectorSubcoreMesh(core_axis_name="c", subcore_axis_name="s")
    return pl.kernel(
        _degree_body,
        out_type=jax.ShapeDtypeStruct((NC, N_PAD, D), jnp.float32),
        mesh=mesh,
        scratch_types=[
            pltpu.VMEM((CHUNKS, CW), jnp.int32),
            pltpu.VMEM((CW, D), jnp.float32),
            pltpu.VMEM_SHARED((N_PAD, D), jnp.float32),
            pltpu.SemaphoreType.DMA,
        ],
    )


_NB = 1024
_EB = 2000


def _node_mlp_body(x_ref, w1_ref, b1_ref, w2_ref, b2_ref, o_ref):
    h = jnp.maximum(
        jnp.dot(x_ref[...], w1_ref[...], preferred_element_type=jnp.float32)
        + b1_ref[...], 0.0)
    o_ref[...] = jnp.maximum(
        jnp.dot(h, w2_ref[...], preferred_element_type=jnp.float32)
        + b2_ref[...], 0.0)


def _mlp2(body, n_rows, blk, d_in):
    return pl.pallas_call(
        body,
        grid=(n_rows // blk,),
        in_specs=[
            pl.BlockSpec((blk, d_in), lambda i: (i, 0)),
            pl.BlockSpec((d_in, D), lambda i: (0, 0)),
            pl.BlockSpec((1, D), lambda i: (0, 0)),
            pl.BlockSpec((D, D), lambda i: (0, 0)),
            pl.BlockSpec((1, D), lambda i: (0, 0)),
        ],
        out_specs=pl.BlockSpec((blk, D), lambda i: (i, 0)),
        out_shape=jax.ShapeDtypeStruct((n_rows, D), jnp.float32),
    )


def _l1_body(h_ref, w_ref, dg_ref, t_ref, dv_ref):
    deg = dg_ref[0, :, 0:1] + dg_ref[1, :, 0:1] + 1.0
    dv = jnp.broadcast_to(lax.rsqrt(deg), t_ref.shape)
    dv_ref[...] = dv
    t_ref[...] = dv * jnp.dot(h_ref[...], w_ref[...],
                              preferred_element_type=jnp.float32)


_l1prep = pl.pallas_call(
    _l1_body,
    grid=(N_PAD // _NB,),
    in_specs=[
        pl.BlockSpec((_NB, D), lambda i: (i, 0)),
        pl.BlockSpec((D, D), lambda i: (0, 0)),
        pl.BlockSpec((NC, _NB, D), lambda i: (0, i, 0)),
    ],
    out_specs=[
        pl.BlockSpec((_NB, D), lambda i: (i, 0)),
        pl.BlockSpec((_NB, D), lambda i: (i, 0)),
    ],
    out_shape=[
        jax.ShapeDtypeStruct((N_PAD, D), jnp.float32),
        jax.ShapeDtypeStruct((N_PAD, D), jnp.float32),
    ],
)


def _mid_body(s_ref, t_ref, dv_ref, b_ref, w_ref, o_ref):
    dv = dv_ref[...]
    h = jnp.maximum(
        dv * (s_ref[0] + s_ref[1] + t_ref[...]) + b_ref[...], 0.0)
    o_ref[...] = dv * jnp.dot(h, w_ref[...],
                              preferred_element_type=jnp.float32)


_midlayer = pl.pallas_call(
    _mid_body,
    grid=(N_PAD // _NB,),
    in_specs=[
        pl.BlockSpec((NC, _NB, D), lambda i: (0, i, 0)),
        pl.BlockSpec((_NB, D), lambda i: (i, 0)),
        pl.BlockSpec((_NB, D), lambda i: (i, 0)),
        pl.BlockSpec((1, D), lambda i: (0, 0)),
        pl.BlockSpec((D, D), lambda i: (0, 0)),
    ],
    out_specs=pl.BlockSpec((_NB, D), lambda i: (i, 0)),
    out_shape=jax.ShapeDtypeStruct((N_PAD, D), jnp.float32),
)


def _fin_body(s_ref, t_ref, dv_ref, b_ref, o_ref):
    o_ref[...] = (dv_ref[...] * (s_ref[0] + s_ref[1] + t_ref[...])
                  + b_ref[...])


_final = pl.pallas_call(
    _fin_body,
    grid=(N_PAD // _NB,),
    in_specs=[
        pl.BlockSpec((NC, _NB, D), lambda i: (0, i, 0)),
        pl.BlockSpec((_NB, D), lambda i: (i, 0)),
        pl.BlockSpec((_NB, D), lambda i: (i, 0)),
        pl.BlockSpec((1, D), lambda i: (0, 0)),
    ],
    out_specs=pl.BlockSpec((_NB, D), lambda i: (i, 0)),
    out_shape=jax.ShapeDtypeStruct((N_PAD, D), jnp.float32),
)


def kernel(x, edge_index, edge_attr, Wn1, bn1, Wn2, bn2, We1, be1, We2, be2,
           Wg1, bg1, Wg2, bg2, Wg3, bg3):
    src = edge_index[0].astype(jnp.int32)
    dst = edge_index[1].astype(jnp.int32)
    fill_d = jnp.full((E_PAD - N_EDGES,), N_NODES, jnp.int32)
    dstp_d = jnp.concatenate([dst, fill_d]).reshape(NW * CHUNKS, CW)
    fill_s = jnp.full((E_PAD_S - N_EDGES,), N_NODES, jnp.int32)
    srcp = jnp.concatenate([src, fill_s]).reshape(NS * CA, CW)
    dstp = jnp.concatenate([dst, fill_s]).reshape(NS * CA, CW)
    xp = jnp.pad(x, ((0, N_PAD - N_NODES), (0, 0)))
    zeros_d = jnp.zeros((CW, D), jnp.float32)
    ones_row = jnp.ones((CW, D), jnp.float32)

    degp = _degree()(ones_row, dstp_d, zeros_d)
    h = _mlp2(_node_mlp_body, N_PAD, _NB, D_FEAT)(
        xp, Wn1, bn1.reshape(1, D), Wn2, bn2.reshape(1, D))
    e = _mlp2(_node_mlp_body, N_EDGES, _EB, D_EDGE)(
        edge_attr, We1, be1.reshape(1, D), We2, be2.reshape(1, D))
    t1, dinv = _l1prep(h, Wg1, degp)
    s1 = _scatter_rows()(t1, srcp, dstp, zeros_d)
    t2 = _midlayer(s1, t1, dinv, bg1.reshape(1, D), Wg2)
    s2 = _scatter_rows()(t2, srcp, dstp, zeros_d)
    t3 = _midlayer(s2, t2, dinv, bg2.reshape(1, D), Wg3)
    s3 = _scatter_rows()(t3, srcp, dstp, zeros_d)
    hout = _final(s3, t3, dinv, bg3.reshape(1, D))
    return hout[:N_NODES], e

# --- scband reference (transcript-rebuilt; emitter-appended) ---
"""Pipeline reference for scband-headless-edge-regression-model-39247411151001 (READ-ONLY COPY).

The authoritative reference and input builder live on the scoring server;
editing this copy changes nothing except your own understanding.
"""

import jax, jax.numpy as jnp
import numpy as np

N_NODES = 10000
N_EDGES = 320000
D_FEAT = 128
D_EDGE = 16
D_HID = 128
D_EMB = 128


def setup_inputs(seed: int = 0) -> dict:
    key = jax.random.key(seed)
    ks = jax.random.split(key, 20)
    x = jax.random.normal(ks[0], (N_NODES, D_FEAT), dtype=jnp.float32)
    edge_index = jax.random.randint(ks[1], (2, N_EDGES), 0, N_NODES, dtype=jnp.int64 if jax.config.jax_enable_x64 else jnp.int32)
    edge_attr = jax.random.normal(ks[2], (N_EDGES, D_EDGE), dtype=jnp.float32)
    s = 0.05
    # node embedder: Linear(128->128), Linear(128->128)
    Wn1 = jax.random.normal(ks[3], (D_FEAT, D_HID), dtype=jnp.float32) * s
    bn1 = jnp.zeros((D_HID,), dtype=jnp.float32)
    Wn2 = jax.random.normal(ks[4], (D_HID, D_EMB), dtype=jnp.float32) * s
    bn2 = jnp.zeros((D_EMB,), dtype=jnp.float32)
    # edge embedder: Linear(16->128), Linear(128->128)
    We1 = jax.random.normal(ks[5], (D_EDGE, D_HID), dtype=jnp.float32) * s
    be1 = jnp.zeros((D_HID,), dtype=jnp.float32)
    We2 = jax.random.normal(ks[6], (D_HID, D_EMB), dtype=jnp.float32) * s
    be2 = jnp.zeros((D_EMB,), dtype=jnp.float32)
    # 3 GCN layers (128 -> 128 each)
    Wg1 = jax.random.normal(ks[7], (D_EMB, D_HID), dtype=jnp.float32) * s
    bg1 = jnp.zeros((D_HID,), dtype=jnp.float32)
    Wg2 = jax.random.normal(ks[8], (D_HID, D_HID), dtype=jnp.float32) * s
    bg2 = jnp.zeros((D_HID,), dtype=jnp.float32)
    Wg3 = jax.random.normal(ks[9], (D_HID, D_HID), dtype=jnp.float32) * s
    bg3 = jnp.zeros((D_HID,), dtype=jnp.float32)
    return {"x": x, "edge_index": edge_index, "edge_attr": edge_attr,
            "Wn1": Wn1, "bn1": bn1, "Wn2": Wn2, "bn2": bn2,
            "We1": We1, "be1": be1, "We2": We2, "be2": be2,
            "Wg1": Wg1, "bg1": bg1, "Wg2": Wg2, "bg2": bg2,
            "Wg3": Wg3, "bg3": bg3}


def _gcn_conv(h, edge_index, W, b, n_nodes):
    # PyG GCNConv (eval): add self-loops, symmetric normalization D^-1/2 (A+I) D^-1/2 X W + b
    loop = jnp.arange(n_nodes, dtype=edge_index.dtype)
    src = jnp.concatenate([edge_index[0], loop])
    dst = jnp.concatenate([edge_index[1], loop])
    deg = jnp.zeros((n_nodes,), dtype=h.dtype).at[dst].add(1.0)
    dinv = jnp.where(deg > 0, 1.0 / jnp.sqrt(deg), 0.0)
    norm = dinv[src] * dinv[dst]
    hw = h @ W
    msg = jnp.take(hw, src, axis=0) * norm[:, None]
    out = jnp.zeros((n_nodes, W.shape[1]), dtype=h.dtype).at[dst].add(msg)
    return out + b


def reference(x, edge_index, edge_attr, Wn1, bn1, Wn2, bn2, We1, be1, We2, be2, Wg1, bg1, Wg2, bg2, Wg3, bg3):
    n_nodes = x.shape[0]
    # node embedder (dropout inactive in eval)
    h = jax.nn.relu(x @ Wn1 + bn1)
    h = jax.nn.relu(h @ Wn2 + bn2)
    # edge embedder
    e = jax.nn.relu(edge_attr @ We1 + be1)
    e = jax.nn.relu(e @ We2 + be2)
    # message passing: 3 GCN layers, relu between all but last
    h = jax.nn.relu(_gcn_conv(h, edge_index, Wg1, bg1, n_nodes))
    h = jax.nn.relu(_gcn_conv(h, edge_index, Wg2, bg2, n_nodes))
    h = _gcn_conv(h, edge_index, Wg3, bg3, n_nodes)
    return (h, e)

if __name__ == "__main__":
    import jax
    _d = setup_inputs()
    print(jax.jit(kernel)(*tuple(_d.values())))

</pallas_src>

<mosaic_0001>
#map = affine_map<(d0, d1) -> (0, 0)>
#map1 = affine_map<(d0, d1) -> (0, 0, 0)>
module attributes {stable_mosaic.version = 14 : i64} {
  func.func @_degree_body(%arg0: i32, %arg1: i32, %arg2: memref<128x128xf32, #tpu.memory_space<hbm>>, %arg3: memref<2560x128xi32, #tpu.memory_space<hbm>>, %arg4: memref<128x128xf32, #tpu.memory_space<hbm>>, %arg5: memref<2x10240x128xf32, #tpu.memory_space<hbm>>, %arg6: memref<80x128xi32, #tpu.memory_space<vmem>>, %arg7: memref<128x128xf32, #tpu.memory_space<vmem>>, %arg8: memref<10240x128xf32, #tpu.memory_space<vmem_shared>>, %arg9: memref<!tpu.dma_semaphore, #tpu.memory_space<semaphore_mem>>) attributes {dimension_semantics = [#tpu.dimension_semantics<core_parallel>, #tpu.dimension_semantics<subcore_parallel>], iteration_bounds = array<i64: 2, 16>, scalar_prefetch = 0 : i64, scratch_operands = 4 : i64, tpu.core_type = #tpu.core_type<sc_vector_subcore>, window_params = [{transform_indices = #map}, {transform_indices = #map}, {transform_indices = #map}, {transform_indices = #map1}]} {
    %mul3A = arith.constant 16 : i32
    %mul3A_0 = arith.muli %arg0, %mul3A : i32
    %add3A = arith.addi %mul3A_0, %arg1 : i32
    "tpu.region"() ({
      %run_scoped3A = tpu.sem_alloc : memref<!tpu.dma_semaphore, #tpu.memory_space<semaphore_mem>>
      tpu.enqueue_dma source(%arg4 : memref<128x128xf32, #tpu.memory_space<hbm>>) target(%arg7 : memref<128x128xf32, #tpu.memory_space<vmem>>) target_semaphore(%run_scoped3A : memref<!tpu.dma_semaphore, #tpu.memory_space<semaphore_mem>>)
      tpu.wait_dma2 semaphore(%run_scoped3A : memref<!tpu.dma_semaphore, #tpu.memory_space<semaphore_mem>>) src(%arg4 : memref<128x128xf32, #tpu.memory_space<hbm>>) dst(%arg7 : memref<128x128xf32, #tpu.memory_space<vmem>>)
      tpu.yield
    }) : () -> ()
    %mul3A_1 = arith.constant 640 : i32
    %mul3A_2 = arith.muli %arg1, %mul3A_1 : i32
    %add3A_3 = arith.constant 0 : i32
    %add3A_4 = arith.addi %mul3A_2, %add3A_3 : i32
    "tpu.region"() ({
      %run_scoped3A = tpu.sem_alloc : memref<!tpu.dma_semaphore, #tpu.memory_space<semaphore_mem>>
      %dma_start3A = arith.constant 0 : i32
      %dma_start3A_55 = tpu.memref_slice %arg8[%add3A_4, %dma_start3A] : memref<10240x128xf32, #tpu.memory_space<vmem_shared>> -> memref<128x128xf32, #tpu.memory_space<vmem_shared>>
      %dma_start3A_56 = arith.constant 0 : i32
      %dma_start3A_57 = tpu.memref_slice %arg8[%add3A_4, %dma_start3A_56] : memref<10240x128xf32, #tpu.memory_space<vmem_shared>> -> memref<128x128xf32, #tpu.memory_space<vmem_shared>>
      tpu.enqueue_dma source(%arg7 : memref<128x128xf32, #tpu.memory_space<vmem>>) target(%dma_start3A_57 : memref<128x128xf32, #tpu.memory_space<vmem_shared>>) target_semaphore(%run_scoped3A : memref<!tpu.dma_semaphore, #tpu.memory_space<semaphore_mem>>)
      %dma_wait3A_58 = arith.constant 0 : i32
      %dma_wait3A_59 = tpu.memref_slice %arg8[%add3A_4, %dma_wait3A_58] : memref<10240x128xf32, #tpu.memory_space<vmem_shared>> -> memref<128x128xf32, #tpu.memory_space<vmem_shared>>
      %dma_wait3A_60 = arith.constant 0 : i32
      %dma_wait3A_61 = tpu.memref_slice %arg8[%add3A_4, %dma_wait3A_60] : memref<10240x128xf32, #tpu.memory_space<vmem_shared>> -> memref<128x128xf32, #tpu.memory_space<vmem_shared>>
      tpu.wait_dma2 semaphore(%run_scoped3A : memref<!tpu.dma_semaphore, #tpu.memory_space<semaphore_mem>>) src(%arg7 : memref<128x128xf32, #tpu.memory_space<vmem>>) dst(%dma_wait3A_61 : memref<128x128xf32, #tpu.memory_space<vmem_shared>>)
      tpu.yield
    }) : () -> ()
    %mul3A_5 = arith.constant 640 : i32
    %mul3A_6 = arith.muli %arg1, %mul3A_5 : i32
    %add3A_7 = arith.constant 128 : i32
    %add3A_8 = arith.addi %mul3A_6, %add3A_7 : i32
    "tpu.region"() ({
      %run_scoped3A = tpu.sem_alloc : memref<!tpu.dma_semaphore, #tpu.memory_space<semaphore_mem>>
      %dma_start3A = arith.constant 0 : i32
      %dma_start3A_55 = tpu.memref_slice %arg8[%add3A_8, %dma_start3A] : memref<10240x128xf32, #tpu.memory_space<vmem_shared>> -> memref<128x128xf32, #tpu.memory_space<vmem_shared>>
      %dma_start3A_56 = arith.constant 0 : i32
      %dma_start3A_57 = tpu.memref_slice %arg8[%add3A_8, %dma_start3A_56] : memref<10240x128xf32, #tpu.memory_space<vmem_shared>> -> memref<128x128xf32, #tpu.memory_space<vmem_shared>>
      tpu.enqueue_dma source(%arg7 : memref<128x128xf32, #tpu.memory_space<vmem>>) target(%dma_start3A_57 : memref<128x128xf32, #tpu.memory_space<vmem_shared>>) target_semaphore(%run_scoped3A : memref<!tpu.dma_semaphore, #tpu.memory_space<semaphore_mem>>)
      %dma_wait3A_58 = arith.constant 0 : i32
      %dma_wait3A_59 = tpu.memref_slice %arg8[%add3A_8, %dma_wait3A_58] : memref<10240x128xf32, #tpu.memory_space<vmem_shared>> -> memref<128x128xf32, #tpu.memory_space<vmem_shared>>
      %dma_wait3A_60 = arith.constant 0 : i32
      %dma_wait3A_61 = tpu.memref_slice %arg8[%add3A_8, %dma_wait3A_60] : memref<10240x128xf32, #tpu.memory_space<vmem_shared>> -> memref<128x128xf32, #tpu.memory_space<vmem_shared>>
      tpu.wait_dma2 semaphore(%run_scoped3A : memref<!tpu.dma_semaphore, #tpu.memory_space<semaphore_mem>>) src(%arg7 : memref<128x128xf32, #tpu.memory_space<vmem>>) dst(%dma_wait3A_61 : memref<128x128xf32, #tpu.memory_space<vmem_shared>>)
      tpu.yield
    }) : () -> ()
    %mul3A_9 = arith.constant 640 : i32
    %mul3A_10 = arith.muli %arg1, %mul3A_9 : i32
    %add3A_11 = arith.constant 256 : i32
    %add3A_12 = arith.addi %mul3A_10, %add3A_11 : i32
    "tpu.region"() ({
      %run_scoped3A = tpu.sem_alloc : memref<!tpu.dma_semaphore, #tpu.memory_space<semaphore_mem>>
      %dma_start3A = arith.constant 0 : i32
      %dma_start3A_55 = tpu.memref_slice %arg8[%add3A_12, %dma_start3A] : memref<10240x128xf32, #tpu.memory_space<vmem_shared>> -> memref<128x128xf32, #tpu.memory_space<vmem_shared>>
      %dma_start3A_56 = arith.constant 0 : i32
      %dma_start3A_57 = tpu.memref_slice %arg8[%add3A_12, %dma_start3A_56] : memref<10240x128xf32, #tpu.memory_space<vmem_shared>> -> memref<128x128xf32, #tpu.memory_space<vmem_shared>>
      tpu.enqueue_dma source(%arg7 : memref<128x128xf32, #tpu.memory_space<vmem>>) target(%dma_start3A_57 : memref<128x128xf32, #tpu.memory_space<vmem_shared>>) target_semaphore(%run_scoped3A : memref<!tpu.dma_semaphore, #tpu.memory_space<semaphore_mem>>)
      %dma_wait3A_58 = arith.constant 0 : i32
      %dma_wait3A_59 = tpu.memref_slice %arg8[%add3A_12, %dma_wait3A_58] : memref<10240x128xf32, #tpu.memory_space<vmem_shared>> -> memref<128x128xf32, #tpu.memory_space<vmem_shared>>
      %dma_wait3A_60 = arith.constant 0 : i32
      %dma_wait3A_61 = tpu.memref_slice %arg8[%add3A_12, %dma_wait3A_60] : memref<10240x128xf32, #tpu.memory_space<vmem_shared>> -> memref<128x128xf32, #tpu.memory_space<vmem_shared>>
      tpu.wait_dma2 semaphore(%run_scoped3A : memref<!tpu.dma_semaphore, #tpu.memory_space<semaphore_mem>>) src(%arg7 : memref<128x128xf32, #tpu.memory_space<vmem>>) dst(%dma_wait3A_61 : memref<128x128xf32, #tpu.memory_space<vmem_shared>>)
      tpu.yield
    }) : () -> ()
    %mul3A_13 = arith.constant 640 : i32
    %mul3A_14 = arith.muli %arg1, %mul3A_13 : i32
    %add3A_15 = arith.constant 384 : i32
    %add3A_16 = arith.addi %mul3A_14, %add3A_15 : i32
    "tpu.region"() ({
      %run_scoped3A = tpu.sem_alloc : memref<!tpu.dma_semaphore, #tpu.memory_space<semaphore_mem>>
      %dma_start3A = arith.constant 0 : i32
      %dma_start3A_55 = tpu.memref_slice %arg8[%add3A_16, %dma_start3A] : memref<10240x128xf32, #tpu.memory_space<vmem_shared>> -> memref<128x128xf32, #tpu.memory_space<vmem_shared>>
      %dma_start3A_56 = arith.constant 0 : i32
      %dma_start3A_57 = tpu.memref_slice %arg8[%add3A_16, %dma_start3A_56] : memref<10240x128xf32, #tpu.memory_space<vmem_shared>> -> memref<128x128xf32, #tpu.memory_space<vmem_shared>>
      tpu.enqueue_dma source(%arg7 : memref<128x128xf32, #tpu.memory_space<vmem>>) target(%dma_start3A_57 : memref<128x128xf32, #tpu.memory_space<vmem_shared>>) target_semaphore(%run_scoped3A : memref<!tpu.dma_semaphore, #tpu.memory_space<semaphore_mem>>)
      %dma_wait3A_58 = arith.constant 0 : i32
      %dma_wait3A_59 = tpu.memref_slice %arg8[%add3A_16, %dma_wait3A_58] : memref<10240x128xf32, #tpu.memory_space<vmem_shared>> -> memref<128x128xf32, #tpu.memory_space<vmem_shared>>
      %dma_wait3A_60 = arith.constant 0 : i32
      %dma_wait3A_61 = tpu.memref_slice %arg8[%add3A_16, %dma_wait3A_60] : memref<10240x128xf32, #tpu.memory_space<vmem_shared>> -> memref<128x128xf32, #tpu.memory_space<vmem_shared>>
      tpu.wait_dma2 semaphore(%run_scoped3A : memref<!tpu.dma_semaphore, #tpu.memory_space<semaphore_mem>>) src(%arg7 : memref<128x128xf32, #tpu.memory_space<vmem>>) dst(%dma_wait3A_61 : memref<128x128xf32, #tpu.memory_space<vmem_shared>>)
      tpu.yield
    }) : () -> ()
    %mul3A_17 = arith.constant 640 : i32
    %mul3A_18 = arith.muli %arg1, %mul3A_17 : i32
    %add3A_19 = arith.constant 512 : i32
    %add3A_20 = arith.addi %mul3A_18, %add3A_19 : i32
    "tpu.region"() ({
      %run_scoped3A = tpu.sem_alloc : memref<!tpu.dma_semaphore, #tpu.memory_space<semaphore_mem>>
      %dma_start3A = arith.constant 0 : i32
      %dma_start3A_55 = tpu.memref_slice %arg8[%add3A_20, %dma_start3A] : memref<10240x128xf32, #tpu.memory_space<vmem_shared>> -> memref<128x128xf32, #tpu.memory_space<vmem_shared>>
      %dma_start3A_56 = arith.constant 0 : i32
      %dma_start3A_57 = tpu.memref_slice %arg8[%add3A_20, %dma_start3A_56] : memref<10240x128xf32, #tpu.memory_space<vmem_shared>> -> memref<128x128xf32, #tpu.memory_space<vmem_shared>>
      tpu.enqueue_dma source(%arg7 : memref<128x128xf32, #tpu.memory_space<vmem>>) target(%dma_start3A_57 : memref<128x128xf32, #tpu.memory_space<vmem_shared>>) target_semaphore(%run_scoped3A : memref<!tpu.dma_semaphore, #tpu.memory_space<semaphore_mem>>)
      %dma_wait3A_58 = arith.constant 0 : i32
      %dma_wait3A_59 = tpu.memref_slice %arg8[%add3A_20, %dma_wait3A_58] : memref<10240x128xf32, #tpu.memory_space<vmem_shared>> -> memref<128x128xf32, #tpu.memory_space<vmem_shared>>
      %dma_wait3A_60 = arith.constant 0 : i32
      %dma_wait3A_61 = tpu.memref_slice %arg8[%add3A_20, %dma_wait3A_60] : memref<10240x128xf32, #tpu.memory_space<vmem_shared>> -> memref<128x128xf32, #tpu.memory_space<vmem_shared>>
      tpu.wait_dma2 semaphore(%run_scoped3A : memref<!tpu.dma_semaphore, #tpu.memory_space<semaphore_mem>>) src(%arg7 : memref<128x128xf32, #tpu.memory_space<vmem>>) dst(%dma_wait3A_61 : memref<128x128xf32, #tpu.memory_space<vmem_shared>>)
      tpu.yield
    }) : () -> ()
    %mul3A_21 = arith.constant 80 : i32
    %mul3A_22 = arith.muli %add3A, %mul3A_21 : i32
    "tpu.region"() ({
      %run_scoped3A = tpu.sem_alloc : memref<!tpu.dma_semaphore, #tpu.memory_space<semaphore_mem>>
      %dma_start3A = arith.constant 0 : i32
      %dma_start3A_55 = tpu.memref_slice %arg3[%mul3A_22, %dma_start3A] : memref<2560x128xi32, #tpu.memory_space<hbm>> -> memref<80x128xi32, #tpu.memory_space<hbm>>
      %dma_start3A_56 = arith.constant 0 : i32
      %dma_start3A_57 = tpu.memref_slice %arg3[%mul3A_22, %dma_start3A_56] : memref<2560x128xi32, #tpu.memory_space<hbm>> -> memref<80x128xi32, #tpu.memory_space<hbm>>
      tpu.enqueue_dma source(%dma_start3A_57 : memref<80x128xi32, #tpu.memory_space<hbm>>) target(%arg6 : memref<80x128xi32, #tpu.memory_space<vmem>>) target_semaphore(%run_scoped3A : memref<!tpu.dma_semaphore, #tpu.memory_space<semaphore_mem>>)
      %dma_wait3A_58 = arith.constant 0 : i32
      %dma_wait3A_59 = tpu.memref_slice %arg3[%mul3A_22, %dma_wait3A_58] : memref<2560x128xi32, #tpu.memory_space<hbm>> -> memref<80x128xi32, #tpu.memory_space<hbm>>
      %dma_wait3A_60 = arith.constant 0 : i32
      %dma_wait3A_61 = tpu.memref_slice %arg3[%mul3A_22, %dma_wait3A_60] : memref<2560x128xi32, #tpu.memory_space<hbm>> -> memref<80x128xi32, #tpu.memory_space<hbm>>
      tpu.wait_dma2 semaphore(%run_scoped3A : memref<!tpu.dma_semaphore, #tpu.memory_space<semaphore_mem>>) src(%dma_wait3A_61 : memref<80x128xi32, #tpu.memory_space<hbm>>) dst(%arg6 : memref<80x128xi32, #tpu.memory_space<vmem>>)
      tpu.yield
    }) : () -> ()
    "tpu.region"() ({
      %run_scoped3A = tpu.sem_alloc : memref<!tpu.dma_semaphore, #tpu.memory_space<semaphore_mem>>
      tpu.enqueue_dma source(%arg2 : memref<128x128xf32, #tpu.memory_space<hbm>>) target(%arg7 : memref<128x128xf32, #tpu.memory_space<vmem>>) target_semaphore(%run_scoped3A : memref<!tpu.dma_semaphore, #tpu.memory_space<semaphore_mem>>)
      tpu.wait_dma2 semaphore(%run_scoped3A : memref<!tpu.dma_semaphore, #tpu.memory_space<semaphore_mem>>) src(%arg2 : memref<128x128xf32, #tpu.memory_space<hbm>>) dst(%arg7 : memref<128x128xf32, #tpu.memory_space<vmem>>)
      tpu.yield
    }) : () -> ()
    %barrier3A = arith.constant 0 : index
    tpu.barrier barrier_id(%barrier3A)
    %scan3A = arith.constant 0 : i32
    %scan3A_23 = arith.constant 0 : i32
    %scan3A_24 = arith.constant 80 : i32
    %scan3A_25 = arith.addi %scan3A_23, %scan3A_24 : i32
    %scan3A_26 = arith.constant 1 : i32
    scf.for %scan3A_55 = %scan3A_23 to %scan3A_25 step %scan3A_26  : i32 {
      %dma_start3A = arith.constant 0 : i32
      %dma_start3A_56 = tpu.memref_slice %arg6[%scan3A_55, %dma_start3A] : memref<80x128xi32, #tpu.memory_space<vmem>> -> memref<1x128xi32, #tpu.memory_space<vmem>>
      %dma_start3A_57 = tpu.memref_squeeze %dma_start3A_56 : memref<1x128xi32, #tpu.memory_space<vmem>> -> memref<128xi32, #tpu.memory_space<vmem>>
      %dma_start3A_58 = arith.constant 0 : i32
      %dma_start3A_59 = arith.constant 0 : i32
      %dma_start3A_60 = tpu.memref_slice %arg8[%dma_start3A_58, %dma_start3A_59] : memref<10240x128xf32, #tpu.memory_space<vmem_shared>> -> memref<10240x128xf32, #tpu.memory_space<vmem_shared>>
      tpu.enqueue_indirect_dma source(%arg7 : memref<128x128xf32, #tpu.memory_space<vmem>>) target(%dma_start3A_60 : memref<10240x128xf32, #tpu.memory_space<vmem_shared>>) offsets(%dma_start3A_57 : memref<128xi32, #tpu.memory_space<vmem>>) semaphore(%arg9 : memref<!tpu.dma_semaphore, #tpu.memory_space<semaphore_mem>>) {add = true}
      %ge3A = arith.constant 1 : i32
      %ge3A_61 = arith.cmpi sge, %scan3A_55, %ge3A : i32
      %convert_element_type3A = arith.extui %ge3A_61 : i1 to i32
      %cond3A = arith.constant 0 : i32
      %cond3A_62 = arith.cmpi ne, %convert_element_type3A, %cond3A : i32
      scf.if %cond3A_62 {
        %dma_wait3A_63 = arith.constant 0 : i32
        %dma_wait3A_64 = tpu.memref_slice %arg6[%scan3A_55, %dma_wait3A_63] : memref<80x128xi32, #tpu.memory_space<vmem>> -> memref<1x128xi32, #tpu.memory_space<vmem>>
        %dma_wait3A_65 = tpu.memref_squeeze %dma_wait3A_64 : memref<1x128xi32, #tpu.memory_space<vmem>> -> memref<128xi32, #tpu.memory_space<vmem>>
        %dma_wait3A_66 = arith.constant 0 : i32
        %dma_wait3A_67 = arith.constant 0 : i32
        %dma_wait3A_68 = tpu.memref_slice %arg8[%dma_wait3A_66, %dma_wait3A_67] : memref<10240x128xf32, #tpu.memory_space<vmem_shared>> -> memref<10240x128xf32, #tpu.memory_space<vmem_shared>>
        tpu.wait_indirect_dma semaphore(%arg9 : memref<!tpu.dma_semaphore, #tpu.memory_space<semaphore_mem>>) src(%arg7 : memref<128x128xf32, #tpu.memory_space<vmem>>) dst(%dma_wait3A_68 : memref<10240x128xf32, #tpu.memory_space<vmem_shared>>)
      } else {
      }
    }
    %scan3A_27 = arith.constant 80 : i32
    %dma_wait3A = arith.constant 0 : i32
    %dma_wait3A_28 = arith.constant 0 : i32
    %dma_wait3A_29 = tpu.memref_slice %arg6[%dma_wait3A, %dma_wait3A_28] : memref<80x128xi32, #tpu.memory_space<vmem>> -> memref<1x128xi32, #tpu.memory_space<vmem>>
    %dma_wait3A_30 = tpu.memref_squeeze %dma_wait3A_29 : memref<1x128xi32, #tpu.memory_space<vmem>> -> memref<128xi32, #tpu.memory_space<vmem>>
    %dma_wait3A_31 = arith.constant 0 : i32
    %dma_wait3A_32 = arith.constant 0 : i32
    %dma_wait3A_33 = tpu.memref_slice %arg8[%dma_wait3A_31, %dma_wait3A_32] : memref<10240x128xf32, #tpu.memory_space<vmem_shared>> -> memref<10240x128xf32, #tpu.memory_space<vmem_shared>>
    tpu.wait_indirect_dma semaphore(%arg9 : memref<!tpu.dma_semaphore, #tpu.memory_space<semaphore_mem>>) src(%arg7 : memref<128x128xf32, #tpu.memory_space<vmem>>) dst(%dma_wait3A_33 : memref<10240x128xf32, #tpu.memory_space<vmem_shared>>)
    %barrier3A_34 = arith.constant 0 : index
    tpu.barrier barrier_id(%barrier3A_34)
    %mul3A_35 = arith.constant 640 : i32
    %mul3A_36 = arith.muli %arg1, %mul3A_35 : i32
    %add3A_37 = arith.constant 0 : i32
    %add3A_38 = arith.addi %mul3A_36, %add3A_37 : i32
    "tpu.region"() ({
      %run_scoped3A = tpu.sem_alloc : memref<!tpu.dma_semaphore, #tpu.memory_space<semaphore_mem>>
      %dma_start3A = arith.constant 0 : i32
      %dma_start3A_55 = tpu.memref_slice %arg8[%add3A_38, %dma_start3A] : memref<10240x128xf32, #tpu.memory_space<vmem_shared>> -> memref<128x128xf32, #tpu.memory_space<vmem_shared>>
      %dma_start3A_56 = arith.constant 0 : i32
      %dma_start3A_57 = tpu.memref_slice %arg8[%add3A_38, %dma_start3A_56] : memref<10240x128xf32, #tpu.memory_space<vmem_shared>> -> memref<128x128xf32, #tpu.memory_space<vmem_shared>>
      tpu.enqueue_dma source(%dma_start3A_57 : memref<128x128xf32, #tpu.memory_space<vmem_shared>>) target(%arg7 : memref<128x128xf32, #tpu.memory_space<vmem>>) target_semaphore(%run_scoped3A : memref<!tpu.dma_semaphore, #tpu.memory_space<semaphore_mem>>)
      %dma_wait3A_58 = arith.constant 0 : i32
      %dma_wait3A_59 = tpu.memref_slice %arg8[%add3A_38, %dma_wait3A_58] : memref<10240x128xf32, #tpu.memory_space<vmem_shared>> -> memref<128x128xf32, #tpu.memory_space<vmem_shared>>
      %dma_wait3A_60 = arith.constant 0 : i32
      %dma_wait3A_61 = tpu.memref_slice %arg8[%add3A_38, %dma_wait3A_60] : memref<10240x128xf32, #tpu.memory_space<vmem_shared>> -> memref<128x128xf32, #tpu.memory_space<vmem_shared>>
      tpu.wait_dma2 semaphore(%run_scoped3A : memref<!tpu.dma_semaphore, #tpu.memory_space<semaphore_mem>>) src(%dma_wait3A_61 : memref<128x128xf32, #tpu.memory_space<vmem_shared>>) dst(%arg7 : memref<128x128xf32, #tpu.memory_space<vmem>>)
      tpu.yield
    }) : () -> ()
    "tpu.region"() ({
      %run_scoped3A = tpu.sem_alloc : memref<!tpu.dma_semaphore, #tpu.memory_space<semaphore_mem>>
      %dma_start3A = arith.constant 0 : i32
      %dma_start3A_55 = tpu.memref_slice %arg5[%arg0, %add3A_38, %dma_start3A] : memref<2x10240x128xf32, #tpu.memory_space<hbm>> -> memref<1x128x128xf32, #tpu.memory_space<hbm>>
      %dma_start3A_56 = tpu.memref_squeeze %dma_start3A_55 : memref<1x128x128xf32, #tpu.memory_space<hbm>> -> memref<128x128xf32, #tpu.memory_space<hbm>>
      %dma_start3A_57 = arith.constant 0 : i32
      %dma_start3A_58 = tpu.memref_slice %arg5[%arg0, %add3A_38, %dma_start3A_57] : memref<2x10240x128xf32, #tpu.memory_space<hbm>> -> memref<1x128x128xf32, #tpu.memory_space<hbm>>
      %dma_start3A_59 = tpu.memref_squeeze %dma_start3A_58 : memref<1x128x128xf32, #tpu.memory_space<hbm>> -> memref<128x128xf32, #tpu.memory_space<hbm>>
      tpu.enqueue_dma source(%arg7 : memref<128x128xf32, #tpu.memory_space<vmem>>) target(%dma_start3A_59 : memref<128x128xf32, #tpu.memory_space<hbm>>) target_semaphore(%run_scoped3A : memref<!tpu.dma_semaphore, #tpu.memory_space<semaphore_mem>>)
      %dma_wait3A_60 = arith.constant 0 : i32
      %dma_wait3A_61 = tpu.memref_slice %arg5[%arg0, %add3A_38, %dma_wait3A_60] : memref<2x10240x128xf32, #tpu.memory_space<hbm>> -> memref<1x128x128xf32, #tpu.memory_space<hbm>>
      %dma_wait3A_62 = tpu.memref_squeeze %dma_wait3A_61 : memref<1x128x128xf32, #tpu.memory_space<hbm>> -> memref<128x128xf32, #tpu.memory_space<hbm>>
      %dma_wait3A_63 = arith.constant 0 : i32
      %dma_wait3A_64 = tpu.memref_slice %arg5[%arg0, %add3A_38, %dma_wait3A_63] : memref<2x10240x128xf32, #tpu.memory_space<hbm>> -> memref<1x128x128xf32, #tpu.memory_space<hbm>>
      %dma_wait3A_65 = tpu.memref_squeeze %dma_wait3A_64 : memref<1x128x128xf32, #tpu.memory_space<hbm>> -> memref<128x128xf32, #tpu.memory_space<hbm>>
      tpu.wait_dma2 semaphore(%run_scoped3A : memref<!tpu.dma_semaphore, #tpu.memory_space<semaphore_mem>>) src(%arg7 : memref<128x128xf32, #tpu.memory_space<vmem>>) dst(%dma_wait3A_65 : memref<128x128xf32, #tpu.memory_space<hbm>>)
      tpu.yield
    }) : () -> ()
    %mul3A_39 = arith.constant 640 : i32
    %mul3A_40 = arith.muli %arg1, %mul3A_39 : i32
    %add3A_41 = arith.constant 128 : i32
    %add3A_42 = arith.addi %mul3A_40, %add3A_41 : i32
    "tpu.region"() ({
      %run_scoped3A = tpu.sem_alloc : memref<!tpu.dma_semaphore, #tpu.memory_space<semaphore_mem>>
      %dma_start3A = arith.constant 0 : i32
      %dma_start3A_55 = tpu.memref_slice %arg8[%add3A_42, %dma_start3A] : memref<10240x128xf32, #tpu.memory_space<vmem_shared>> -> memref<128x128xf32, #tpu.memory_space<vmem_shared>>
      %dma_start3A_56 = arith.constant 0 : i32
      %dma_start3A_57 = tpu.memref_slice %arg8[%add3A_42, %dma_start3A_56] : memref<10240x128xf32, #tpu.memory_space<vmem_shared>> -> memref<128x128xf32, #tpu.memory_space<vmem_shared>>
      tpu.enqueue_dma source(%dma_start3A_57 : memref<128x128xf32, #tpu.memory_space<vmem_shared>>) target(%arg7 : memref<128x128xf32, #tpu.memory_space<vmem>>) target_semaphore(%run_scoped3A : memref<!tpu.dma_semaphore, #tpu.memory_space<semaphore_mem>>)
      %dma_wait3A_58 = arith.constant 0 : i32
      %dma_wait3A_59 = tpu.memref_slice %arg8[%add3A_42, %dma_wait3A_58] : memref<10240x128xf32, #tpu.memory_space<vmem_shared>> -> memref<128x128xf32, #tpu.memory_space<vmem_shared>>
      %dma_wait3A_60 = arith.constant 0 : i32
      %dma_wait3A_61 = tpu.memref_slice %arg8[%add3A_42, %dma_wait3A_60] : memref<10240x128xf32, #tpu.memory_space<vmem_shared>> -> memref<128x128xf32, #tpu.memory_space<vmem_shared>>
      tpu.wait_dma2 semaphore(%run_scoped3A : memref<!tpu.dma_semaphore, #tpu.memory_space<semaphore_mem>>) src(%dma_wait3A_61 : memref<128x128xf32, #tpu.memory_space<vmem_shared>>) dst(%arg7 : memref<128x128xf32, #tpu.memory_space<vmem>>)
      tpu.yield
    }) : () -> ()
    "tpu.region"() ({
      %run_scoped3A = tpu.sem_alloc : memref<!tpu.dma_semaphore, #tpu.memory_space<semaphore_mem>>
      %dma_start3A = arith.constant 0 : i32
      %dma_start3A_55 = tpu.memref_slice %arg5[%arg0, %add3A_42, %dma_start3A] : memref<2x10240x128xf32, #tpu.memory_space<hbm>> -> memref<1x128x128xf32, #tpu.memory_space<hbm>>
      %dma_start3A_56 = tpu.memref_squeeze %dma_start3A_55 : memref<1x128x128xf32, #tpu.memory_space<hbm>> -> memref<128x128xf32, #tpu.memory_space<hbm>>
      %dma_start3A_57 = arith.constant 0 : i32
      %dma_start3A_58 = tpu.memref_slice %arg5[%arg0, %add3A_42, %dma_start3A_57] : memref<2x10240x128xf32, #tpu.memory_space<hbm>> -> memref<1x128x128xf32, #tpu.memory_space<hbm>>
      %dma_start3A_59 = tpu.memref_squeeze %dma_start3A_58 : memref<1x128x128xf32, #tpu.memory_space<hbm>> -> memref<128x128xf32, #tpu.memory_space<hbm>>
      tpu.enqueue_dma source(%arg7 : memref<128x128xf32, #tpu.memory_space<vmem>>) target(%dma_start3A_59 : memref<128x128xf32, #tpu.memory_space<hbm>>) target_semaphore(%run_scoped3A : memref<!tpu.dma_semaphore, #tpu.memory_space<semaphore_mem>>)
      %dma_wait3A_60 = arith.constant 0 : i32
      %dma_wait3A_61 = tpu.memref_slice %arg5[%arg0, %add3A_42, %dma_wait3A_60] : memref<2x10240x128xf32, #tpu.memory_space<hbm>> -> memref<1x128x128xf32, #tpu.memory_space<hbm>>
      %dma_wait3A_62 = tpu.memref_squeeze %dma_wait3A_61 : memref<1x128x128xf32, #tpu.memory_space<hbm>> -> memref<128x128xf32, #tpu.memory_space<hbm>>
      %dma_wait3A_63 = arith.constant 0 : i32
      %dma_wait3A_64 = tpu.memref_slice %arg5[%arg0, %add3A_42, %dma_wait3A_63] : memref<2x10240x128xf32, #tpu.memory_space<hbm>> -> memref<1x128x128xf32, #tpu.memory_space<hbm>>
      %dma_wait3A_65 = tpu.memref_squeeze %dma_wait3A_64 : memref<1x128x128xf32, #tpu.memory_space<hbm>> -> memref<128x128xf32, #tpu.memory_space<hbm>>
      tpu.wait_dma2 semaphore(%run_scoped3A : memref<!tpu.dma_semaphore, #tpu.memory_space<semaphore_mem>>) src(%arg7 : memref<128x128xf32, #tpu.memory_space<vmem>>) dst(%dma_wait3A_65 : memref<128x128xf32, #tpu.memory_space<hbm>>)
      tpu.yield
    }) : () -> ()
    %mul3A_43 = arith.constant 640 : i32
    %mul3A_44 = arith.muli %arg1, %mul3A_43 : i32
    %add3A_45 = arith.constant 256 : i32
    %add3A_46 = arith.addi %mul3A_44, %add3A_45 : i32
    "tpu.region"() ({
      %run_scoped3A = tpu.sem_alloc : memref<!tpu.dma_semaphore, #tpu.memory_space<semaphore_mem>>
      %dma_start3A = arith.constant 0 : i32
      %dma_start3A_55 = tpu.memref_slice %arg8[%add3A_46, %dma_start3A] : memref<10240x128xf32, #tpu.memory_space<vmem_shared>> -> memref<128x128xf32, #tpu.memory_space<vmem_shared>>
      %dma_start3A_56 = arith.constant 0 : i32
      %dma_start3A_57 = tpu.memref_slice %arg8[%add3A_46, %dma_start3A_56] : memref<10240x128xf32, #tpu.memory_space<vmem_shared>> -> memref<128x128xf32, #tpu.memory_space<vmem_shared>>
      tpu.enqueue_dma source(%dma_start3A_57 : memref<128x128xf32, #tpu.memory_space<vmem_shared>>) target(%arg7 : memref<128x128xf32, #tpu.memory_space<vmem>>) target_semaphore(%run_scoped3A : memref<!tpu.dma_semaphore, #tpu.memory_space<semaphore_mem>>)
      %dma_wait3A_58 = arith.constant 0 : i32
      %dma_wait3A_59 = tpu.memref_slice %arg8[%add3A_46, %dma_wait3A_58] : memref<10240x128xf32, #tpu.memory_space<vmem_shared>> -> memref<128x128xf32, #tpu.memory_space<vmem_shared>>
      %dma_wait3A_60 = arith.constant 0 : i32
      %dma_wait3A_61 = tpu.memref_slice %arg8[%add3A_46, %dma_wait3A_60] : memref<10240x128xf32, #tpu.memory_space<vmem_shared>> -> memref<128x128xf32, #tpu.memory_space<vmem_shared>>
      tpu.wait_dma2 semaphore(%run_scoped3A : memref<!tpu.dma_semaphore, #tpu.memory_space<semaphore_mem>>) src(%dma_wait3A_61 : memref<128x128xf32, #tpu.memory_space<vmem_shared>>) dst(%arg7 : memref<128x128xf32, #tpu.memory_space<vmem>>)
      tpu.yield
    }) : () -> ()
    "tpu.region"() ({
      %run_scoped3A = tpu.sem_alloc : memref<!tpu.dma_semaphore, #tpu.memory_space<semaphore_mem>>
      %dma_start3A = arith.constant 0 : i32
      %dma_start3A_55 = tpu.memref_slice %arg5[%arg0, %add3A_46, %dma_start3A] : memref<2x10240x128xf32, #tpu.memory_space<hbm>> -> memref<1x128x128xf32, #tpu.memory_space<hbm>>
      %dma_start3A_56 = tpu.memref_squeeze %dma_start3A_55 : memref<1x128x128xf32, #tpu.memory_space<hbm>> -> memref<128x128xf32, #tpu.memory_space<hbm>>
      %dma_start3A_57 = arith.constant 0 : i32
      %dma_start3A_58 = tpu.memref_slice %arg5[%arg0, %add3A_46, %dma_start3A_57] : memref<2x10240x128xf32, #tpu.memory_space<hbm>> -> memref<1x128x128xf32, #tpu.memory_space<hbm>>
      %dma_start3A_59 = tpu.memref_squeeze %dma_start3A_58 : memref<1x128x128xf32, #tpu.memory_space<hbm>> -> memref<128x128xf32, #tpu.memory_space<hbm>>
      tpu.enqueue_dma source(%arg7 : memref<128x128xf32, #tpu.memory_space<vmem>>) target(%dma_start3A_59 : memref<128x128xf32, #tpu.memory_space<hbm>>) target_semaphore(%run_scoped3A : memref<!tpu.dma_semaphore, #tpu.memory_space<semaphore_mem>>)
      %dma_wait3A_60 = arith.constant 0 : i32
      %dma_wait3A_61 = tpu.memref_slice %arg5[%arg0, %add3A_46, %dma_wait3A_60] : memref<2x10240x128xf32, #tpu.memory_space<hbm>> -> memref<1x128x128xf32, #tpu.memory_space<hbm>>
      %dma_wait3A_62 = tpu.memref_squeeze %dma_wait3A_61 : memref<1x128x128xf32, #tpu.memory_space<hbm>> -> memref<128x128xf32, #tpu.memory_space<hbm>>
      %dma_wait3A_63 = arith.constant 0 : i32
      %dma_wait3A_64 = tpu.memref_slice %arg5[%arg0, %add3A_46, %dma_wait3A_63] : memref<2x10240x128xf32, #tpu.memory_space<hbm>> -> memref<1x128x128xf32, #tpu.memory_space<hbm>>
      %dma_wait3A_65 = tpu.memref_squeeze %dma_wait3A_64 : memref<1x128x128xf32, #tpu.memory_space<hbm>> -> memref<128x128xf32, #tpu.memory_space<hbm>>
      tpu.wait_dma2 semaphore(%run_scoped3A : memref<!tpu.dma_semaphore, #tpu.memory_space<semaphore_mem>>) src(%arg7 : memref<128x128xf32, #tpu.memory_space<vmem>>) dst(%dma_wait3A_65 : memref<128x128xf32, #tpu.memory_space<hbm>>)
      tpu.yield
    }) : () -> ()
    %mul3A_47 = arith.constant 640 : i32
    %mul3A_48 = arith.muli %arg1, %mul3A_47 : i32
    %add3A_49 = arith.constant 384 : i32
    %add3A_50 = arith.addi %mul3A_48, %add3A_49 : i32
    "tpu.region"() ({
      %run_scoped3A = tpu.sem_alloc : memref<!tpu.dma_semaphore, #tpu.memory_space<semaphore_mem>>
      %dma_start3A = arith.constant 0 : i32
      %dma_start3A_55 = tpu.memref_slice %arg8[%add3A_50, %dma_start3A] : memref<10240x128xf32, #tpu.memory_space<vmem_shared>> -> memref<128x128xf32, #tpu.memory_space<vmem_shared>>
      %dma_start3A_56 = arith.constant 0 : i32
      %dma_start3A_57 = tpu.memref_slice %arg8[%add3A_50, %dma_start3A_56] : memref<10240x128xf32, #tpu.memory_space<vmem_shared>> -> memref<128x128xf32, #tpu.memory_space<vmem_shared>>
      tpu.enqueue_dma source(%dma_start3A_57 : memref<128x128xf32, #tpu.memory_space<vmem_shared>>) target(%arg7 : memref<128x128xf32, #tpu.memory_space<vmem>>) target_semaphore(%run_scoped3A : memref<!tpu.dma_semaphore, #tpu.memory_space<semaphore_mem>>)
      %dma_wait3A_58 = arith.constant 0 : i32
      %dma_wait3A_59 = tpu.memref_slice %arg8[%add3A_50, %dma_wait3A_58] : memref<10240x128xf32, #tpu.memory_space<vmem_shared>> -> memref<128x128xf32, #tpu.memory_space<vmem_shared>>
      %dma_wait3A_60 = arith.constant 0 : i32
      %dma_wait3A_61 = tpu.memref_slice %arg8[%add3A_50, %dma_wait3A_60] : memref<10240x128xf32, #tpu.memory_space<vmem_shared>> -> memref<128x128xf32, #tpu.memory_space<vmem_shared>>
      tpu.wait_dma2 semaphore(%run_scoped3A : memref<!tpu.dma_semaphore, #tpu.memory_space<semaphore_mem>>) src(%dma_wait3A_61 : memref<128x128xf32, #tpu.memory_space<vmem_shared>>) dst(%arg7 : memref<128x128xf32, #tpu.memory_space<vmem>>)
      tpu.yield
    }) : () -> ()
    "tpu.region"() ({
      %run_scoped3A = tpu.sem_alloc : memref<!tpu.dma_semaphore, #tpu.memory_space<semaphore_mem>>
      %dma_start3A = arith.constant 0 : i32
      %dma_start3A_55 = tpu.memref_slice %arg5[%arg0, %add3A_50, %dma_start3A] : memref<2x10240x128xf32, #tpu.memory_space<hbm>> -> memref<1x128x128xf32, #tpu.memory_space<hbm>>
      %dma_start3A_56 = tpu.memref_squeeze %dma_start3A_55 : memref<1x128x128xf32, #tpu.memory_space<hbm>> -> memref<128x128xf32, #tpu.memory_space<hbm>>
      %dma_start3A_57 = arith.constant 0 : i32
      %dma_start3A_58 = tpu.memref_slice %arg5[%arg0, %add3A_50, %dma_start3A_57] : memref<2x10240x128xf32, #tpu.memory_space<hbm>> -> memref<1x128x128xf32, #tpu.memory_space<hbm>>
      %dma_start3A_59 = tpu.memref_squeeze %dma_start3A_58 : memref<1x128x128xf32, #tpu.memory_space<hbm>> -> memref<128x128xf32, #tpu.memory_space<hbm>>
      tpu.enqueue_dma source(%arg7 : memref<128x128xf32, #tpu.memory_space<vmem>>) target(%dma_start3A_59 : memref<128x128xf32, #tpu.memory_space<hbm>>) target_semaphore(%run_scoped3A : memref<!tpu.dma_semaphore, #tpu.memory_space<semaphore_mem>>)
      %dma_wait3A_60 = arith.constant 0 : i32
      %dma_wait3A_61 = tpu.memref_slice %arg5[%arg0, %add3A_50, %dma_wait3A_60] : memref<2x10240x128xf32, #tpu.memory_space<hbm>> -> memref<1x128x128xf32, #tpu.memory_space<hbm>>
      %dma_wait3A_62 = tpu.memref_squeeze %dma_wait3A_61 : memref<1x128x128xf32, #tpu.memory_space<hbm>> -> memref<128x128xf32, #tpu.memory_space<hbm>>
      %dma_wait3A_63 = arith.constant 0 : i32
      %dma_wait3A_64 = tpu.memref_slice %arg5[%arg0, %add3A_50, %dma_wait3A_63] : memref<2x10240x128xf32, #tpu.memory_space<hbm>> -> memref<1x128x128xf32, #tpu.memory_space<hbm>>
      %dma_wait3A_65 = tpu.memref_squeeze %dma_wait3A_64 : memref<1x128x128xf32, #tpu.memory_space<hbm>> -> memref<128x128xf32, #tpu.memory_space<hbm>>
      tpu.wait_dma2 semaphore(%run_scoped3A : memref<!tpu.dma_semaphore, #tpu.memory_space<semaphore_mem>>) src(%arg7 : memref<128x128xf32, #tpu.memory_space<vmem>>) dst(%dma_wait3A_65 : memref<128x128xf32, #tpu.memory_space<hbm>>)
      tpu.yield
    }) : () -> ()
    %mul3A_51 = arith.constant 640 : i32
    %mul3A_52 = arith.muli %arg1, %mul3A_51 : i32
    %add3A_53 = arith.constant 512 : i32
    %add3A_54 = arith.addi %mul3A_52, %add3A_53 : i32
    "tpu.region"() ({
      %run_scoped3A = tpu.sem_alloc : memref<!tpu.dma_semaphore, #tpu.memory_space<semaphore_mem>>
      %dma_start3A = arith.constant 0 : i32
      %dma_start3A_55 = tpu.memref_slice %arg8[%add3A_54, %dma_start3A] : memref<10240x128xf32, #tpu.memory_space<vmem_shared>> -> memref<128x128xf32, #tpu.memory_space<vmem_shared>>
      %dma_start3A_56 = arith.constant 0 : i32
      %dma_start3A_57 = tpu.memref_slice %arg8[%add3A_54, %dma_start3A_56] : memref<10240x128xf32, #tpu.memory_space<vmem_shared>> -> memref<128x128xf32, #tpu.memory_space<vmem_shared>>
      tpu.enqueue_dma source(%dma_start3A_57 : memref<128x128xf32, #tpu.memory_space<vmem_shared>>) target(%arg7 : memref<128x128xf32, #tpu.memory_space<vmem>>) target_semaphore(%run_scoped3A : memref<!tpu.dma_semaphore, #tpu.memory_space<semaphore_mem>>)
      %dma_wait3A_58 = arith.constant 0 : i32
      %dma_wait3A_59 = tpu.memref_slice %arg8[%add3A_54, %dma_wait3A_58] : memref<10240x128xf32, #tpu.memory_space<vmem_shared>> -> memref<128x128xf32, #tpu.memory_space<vmem_shared>>
      %dma_wait3A_60 = arith.constant 0 : i32
      %dma_wait3A_61 = tpu.memref_slice %arg8[%add3A_54, %dma_wait3A_60] : memref<10240x128xf32, #tpu.memory_space<vmem_shared>> -> memref<128x128xf32, #tpu.memory_space<vmem_shared>>
      tpu.wait_dma2 semaphore(%run_scoped3A : memref<!tpu.dma_semaphore, #tpu.memory_space<semaphore_mem>>) src(%dma_wait3A_61 : memref<128x128xf32, #tpu.memory_space<vmem_shared>>) dst(%arg7 : memref<128x128xf32, #tpu.memory_space<vmem>>)
      tpu.yield
    }) : () -> ()
    "tpu.region"() ({
      %run_scoped3A = tpu.sem_alloc : memref<!tpu.dma_semaphore, #tpu.memory_space<semaphore_mem>>
      %dma_start3A = arith.constant 0 : i32
      %dma_start3A_55 = tpu.memref_slice %arg5[%arg0, %add3A_54, %dma_start3A] : memref<2x10240x128xf32, #tpu.memory_space<hbm>> -> memref<1x128x128xf32, #tpu.memory_space<hbm>>
      %dma_start3A_56 = tpu.memref_squeeze %dma_start3A_55 : memref<1x128x128xf32, #tpu.memory_space<hbm>> -> memref<128x128xf32, #tpu.memory_space<hbm>>
      %dma_start3A_57 = arith.constant 0 : i32
      %dma_start3A_58 = tpu.memref_slice %arg5[%arg0, %add3A_54, %dma_start3A_57] : memref<2x10240x128xf32, #tpu.memory_space<hbm>> -> memref<1x128x128xf32, #tpu.memory_space<hbm>>
      %dma_start3A_59 = tpu.memref_squeeze %dma_start3A_58 : memref<1x128x128xf32, #tpu.memory_space<hbm>> -> memref<128x128xf32, #tpu.memory_space<hbm>>
      tpu.enqueue_dma source(%arg7 : memref<128x128xf32, #tpu.memory_space<vmem>>) target(%dma_start3A_59 : memref<128x128xf32, #tpu.memory_space<hbm>>) target_semaphore(%run_scoped3A : memref<!tpu.dma_semaphore, #tpu.memory_space<semaphore_mem>>)
      %dma_wait3A_60 = arith.constant 0 : i32
      %dma_wait3A_61 = tpu.memref_slice %arg5[%arg0, %add3A_54, %dma_wait3A_60] : memref<2x10240x128xf32, #tpu.memory_space<hbm>> -> memref<1x128x128xf32, #tpu.memory_space<hbm>>
      %dma_wait3A_62 = tpu.memref_squeeze %dma_wait3A_61 : memref<1x128x128xf32, #tpu.memory_space<hbm>> -> memref<128x128xf32, #tpu.memory_space<hbm>>
      %dma_wait3A_63 = arith.constant 0 : i32
      %dma_wait3A_64 = tpu.memref_slice %arg5[%arg0, %add3A_54, %dma_wait3A_63] : memref<2x10240x128xf32, #tpu.memory_space<hbm>> -> memref<1x128x128xf32, #tpu.memory_space<hbm>>
      %dma_wait3A_65 = tpu.memref_squeeze %dma_wait3A_64 : memref<1x128x128xf32, #tpu.memory_space<hbm>> -> memref<128x128xf32, #tpu.memory_space<hbm>>
      tpu.wait_dma2 semaphore(%run_scoped3A : memref<!tpu.dma_semaphore, #tpu.memory_space<semaphore_mem>>) src(%arg7 : memref<128x128xf32, #tpu.memory_space<vmem>>) dst(%dma_wait3A_65 : memref<128x128xf32, #tpu.memory_space<hbm>>)
      tpu.yield
    }) : () -> ()
    return
  }
}

#map = affine_map<(d0, d1) -> (0, 0)>
#map1 = affine_map<(d0, d1) -> (0, 0, 0)>
module attributes {stable_mosaic.version = 14 : i64} {
  func.func @_scatter_body(%arg0: i32, %arg1: i32, %arg2: memref<10240x128xf32, #tpu.memory_space<hbm>>, %arg3: memref<2560x128xi32, #tpu.memory_space<hbm>>, %arg4: memref<2560x128xi32, #tpu.memory_space<hbm>>, %arg5: memref<128x128xf32, #tpu.memory_space<hbm>>, %arg6: memref<2x10240x128xf32, #tpu.memory_space<hbm>>, %arg7: memref<1x128xi32, #tpu.memory_space<vmem>>, %arg8: memref<1x128xi32, #tpu.memory_space<vmem>>, %arg9: memref<1x128xi32, #tpu.memory_space<vmem>>, %arg10: memref<1x128xi32, #tpu.memory_space<vmem>>, %arg11: memref<128x128xf32, #tpu.memory_space<vmem>>, %arg12: memref<128x128xf32, #tpu.memory_space<vmem>>, %arg13: memref<10240x128xf32, #tpu.memory_space<vmem_shared>>, %arg14: memref<!tpu.dma_semaphore, #tpu.memory_space<semaphore_mem>>, %arg15: memref<!tpu.dma_semaphore, #tpu.memory_space<semaphore_mem>>, %arg16: memref<!tpu.dma_semaphore, #tpu.memory_space<semaphore_mem>>, %arg17: memref<!tpu.dma_semaphore, #tpu.memory_space<semaphore_mem>>, %arg18: memref<!tpu.dma_semaphore, #tpu.memory_space<semaphore_mem>>, %arg19: memref<!tpu.dma_semaphore, #tpu.memory_space<semaphore_mem>>, %arg20: memref<!tpu.dma_semaphore, #tpu.memory_space<semaphore_mem>>, %arg21: memref<!tpu.dma_semaphore, #tpu.memory_space<semaphore_mem>>) attributes {dimension_semantics = [#tpu.dimension_semantics<core_parallel>, #tpu.dimension_semantics<subcore_parallel>], iteration_bounds = array<i64: 2, 16>, scalar_prefetch = 0 : i64, scratch_operands = 15 : i64, tpu.core_type = #tpu.core_type<sc_vector_subcore>, window_params = [{transform_indices = #map}, {transform_indices = #map}, {transform_indices = #map}, {transform_indices = #map}, {transform_indices = #map1}]} {
    %eq3A = arith.constant 0 : i32
    %eq3A_0 = arith.cmpi eq, %arg0, %eq3A : i32
    %jit3A = arith.constant 120 : i32
    %jit3A_1 = arith.constant 40 : i32
    %select_n3A = arith.select %eq3A_0, %jit3A, %jit3A_1 : i32
    %eq3A_2 = arith.constant 0 : i32
    %eq3A_3 = arith.cmpi eq, %arg0, %eq3A_2 : i32
    %mul3A = arith.constant 120 : i32
    %mul3A_4 = arith.muli %arg1, %mul3A : i32
    %mul3A_5 = arith.constant 40 : i32
    %mul3A_6 = arith.muli %arg1, %mul3A_5 : i32
    %add3A = arith.constant 1920 : i32
    %add3A_7 = arith.addi %add3A, %mul3A_6 : i32
    %select_n3A_8 = arith.select %eq3A_3, %mul3A_4, %add3A_7 : i32
    "tpu.region"() ({
      %run_scoped3A = tpu.sem_alloc : memref<!tpu.dma_semaphore, #tpu.memory_space<semaphore_mem>>
      tpu.enqueue_dma source(%arg5 : memref<128x128xf32, #tpu.memory_space<hbm>>) target(%arg11 : memref<128x128xf32, #tpu.memory_space<vmem>>) target_semaphore(%run_scoped3A : memref<!tpu.dma_semaphore, #tpu.memory_space<semaphore_mem>>)
      tpu.wait_dma2 semaphore(%run_scoped3A : memref<!tpu.dma_semaphore, #tpu.memory_space<semaphore_mem>>) src(%arg5 : memref<128x128xf32, #tpu.memory_space<hbm>>) dst(%arg11 : memref<128x128xf32, #tpu.memory_space<vmem>>)
      tpu.yield
    }) : () -> ()
    %mul3A_9 = arith.constant 640 : i32
    %mul3A_10 = arith.muli %arg1, %mul3A_9 : i32
    %add3A_11 = arith.constant 0 : i32
    %add3A_12 = arith.addi %mul3A_10, %add3A_11 : i32
    "tpu.region"() ({
      %run_scoped3A = tpu.sem_alloc : memref<!tpu.dma_semaphore, #tpu.memory_space<semaphore_mem>>
      %dma_start3A_181 = arith.constant 0 : i32
      %dma_start3A_182 = tpu.memref_slice %arg13[%add3A_12, %dma_start3A_181] : memref<10240x128xf32, #tpu.memory_space<vmem_shared>> -> memref<128x128xf32, #tpu.memory_space<vmem_shared>>
      %dma_start3A_183 = arith.constant 0 : i32
      %dma_start3A_184 = tpu.memref_slice %arg13[%add3A_12, %dma_start3A_183] : memref<10240x128xf32, #tpu.memory_space<vmem_shared>> -> memref<128x128xf32, #tpu.memory_space<vmem_shared>>
      tpu.enqueue_dma source(%arg11 : memref<128x128xf32, #tpu.memory_space<vmem>>) target(%dma_start3A_184 : memref<128x128xf32, #tpu.memory_space<vmem_shared>>) target_semaphore(%run_scoped3A : memref<!tpu.dma_semaphore, #tpu.memory_space<semaphore_mem>>)
      %dma_wait3A_185 = arith.constant 0 : i32
      %dma_wait3A_186 = tpu.memref_slice %arg13[%add3A_12, %dma_wait3A_185] : memref<10240x128xf32, #tpu.memory_space<vmem_shared>> -> memref<128x128xf32, #tpu.memory_space<vmem_shared>>
      %dma_wait3A_187 = arith.constant 0 : i32
      %dma_wait3A_188 = tpu.memref_slice %arg13[%add3A_12, %dma_wait3A_187] : memref<10240x128xf32, #tpu.memory_space<vmem_shared>> -> memref<128x128xf32, #tpu.memory_space<vmem_shared>>
      tpu.wait_dma2 semaphore(%run_scoped3A : memref<!tpu.dma_semaphore, #tpu.memory_space<semaphore_mem>>) src(%arg11 : memref<128x128xf32, #tpu.memory_space<vmem>>) dst(%dma_wait3A_188 : memref<128x128xf32, #tpu.memory_space<vmem_shared>>)
      tpu.yield
    }) : () -> ()
    %mul3A_13 = arith.constant 640 : i32
    %mul3A_14 = arith.muli %arg1, %mul3A_13 : i32
    %add3A_15 = arith.constant 128 : i32
    %add3A_16 = arith.addi %mul3A_14, %add3A_15 : i32
    "tpu.region"() ({
      %run_scoped3A = tpu.sem_alloc : memref<!tpu.dma_semaphore, #tpu.memory_space<semaphore_mem>>
      %dma_start3A_181 = arith.constant 0 : i32
      %dma_start3A_182 = tpu.memref_slice %arg13[%add3A_16, %dma_start3A_181] : memref<10240x128xf32, #tpu.memory_space<vmem_shared>> -> memref<128x128xf32, #tpu.memory_space<vmem_shared>>
      %dma_start3A_183 = arith.constant 0 : i32
      %dma_start3A_184 = tpu.memref_slice %arg13[%add3A_16, %dma_start3A_183] : memref<10240x128xf32, #tpu.memory_space<vmem_shared>> -> memref<128x128xf32, #tpu.memory_space<vmem_shared>>
      tpu.enqueue_dma source(%arg11 : memref<128x128xf32, #tpu.memory_space<vmem>>) target(%dma_start3A_184 : memref<128x128xf32, #tpu.memory_space<vmem_shared>>) target_semaphore(%run_scoped3A : memref<!tpu.dma_semaphore, #tpu.memory_space<semaphore_mem>>)
      %dma_wait3A_185 = arith.constant 0 : i32
      %dma_wait3A_186 = tpu.memref_slice %arg13[%add3A_16, %dma_wait3A_185] : memref<10240x128xf32, #tpu.memory_space<vmem_shared>> -> memref<128x128xf32, #tpu.memory_space<vmem_shared>>
      %dma_wait3A_187 = arith.constant 0 : i32
      %dma_wait3A_188 = tpu.memref_slice %arg13[%add3A_16, %dma_wait3A_187] : memref<10240x128xf32, #tpu.memory_space<vmem_shared>> -> memref<128x128xf32, #tpu.memory_space<vmem_shared>>
      tpu.wait_dma2 semaphore(%run_scoped3A : memref<!tpu.dma_semaphore, #tpu.memory_space<semaphore_mem>>) src(%arg11 : memref<128x128xf32, #tpu.memory_space<vmem>>) dst(%dma_wait3A_188 : memref<128x128xf32, #tpu.memory_space<vmem_shared>>)
      tpu.yield
    }) : () -> ()
    %mul3A_17 = arith.constant 640 : i32
    %mul3A_18 = arith.muli %arg1, %mul3A_17 : i32
    %add3A_19 = arith.constant 256 : i32
    %add3A_20 = arith.addi %mul3A_18, %add3A_19 : i32
    "tpu.region"() ({
      %run_scoped3A = tpu.sem_alloc : memref<!tpu.dma_semaphore, #tpu.memory_space<semaphore_mem>>
      %dma_start3A_181 = arith.constant 0 : i32
      %dma_start3A_182 = tpu.memref_slice %arg13[%add3A_20, %dma_start3A_181] : memref<10240x128xf32, #tpu.memory_space<vmem_shared>> -> memref<128x128xf32, #tpu.memory_space<vmem_shared>>
      %dma_start3A_183 = arith.constant 0 : i32
      %dma_start3A_184 = tpu.memref_slice %arg13[%add3A_20, %dma_start3A_183] : memref<10240x128xf32, #tpu.memory_space<vmem_shared>> -> memref<128x128xf32, #tpu.memory_space<vmem_shared>>
      tpu.enqueue_dma source(%arg11 : memref<128x128xf32, #tpu.memory_space<vmem>>) target(%dma_start3A_184 : memref<128x128xf32, #tpu.memory_space<vmem_shared>>) target_semaphore(%run_scoped3A : memref<!tpu.dma_semaphore, #tpu.memory_space<semaphore_mem>>)
      %dma_wait3A_185 = arith.constant 0 : i32
      %dma_wait3A_186 = tpu.memref_slice %arg13[%add3A_20, %dma_wait3A_185] : memref<10240x128xf32, #tpu.memory_space<vmem_shared>> -> memref<128x128xf32, #tpu.memory_space<vmem_shared>>
      %dma_wait3A_187 = arith.constant 0 : i32
      %dma_wait3A_188 = tpu.memref_slice %arg13[%add3A_20, %dma_wait3A_187] : memref<10240x128xf32, #tpu.memory_space<vmem_shared>> -> memref<128x128xf32, #tpu.memory_space<vmem_shared>>
      tpu.wait_dma2 semaphore(%run_scoped3A : memref<!tpu.dma_semaphore, #tpu.memory_space<semaphore_mem>>) src(%arg11 : memref<128x128xf32, #tpu.memory_space<vmem>>) dst(%dma_wait3A_188 : memref<128x128xf32, #tpu.memory_space<vmem_shared>>)
      tpu.yield
    }) : () -> ()
    %mul3A_21 = arith.constant 640 : i32
    %mul3A_22 = arith.muli %arg1, %mul3A_21 : i32
    %add3A_23 = arith.constant 384 : i32
    %add3A_24 = arith.addi %mul3A_22, %add3A_23 : i32
    "tpu.region"() ({
      %run_scoped3A = tpu.sem_alloc : memref<!tpu.dma_semaphore, #tpu.memory_space<semaphore_mem>>
      %dma_start3A_181 = arith.constant 0 : i32
      %dma_start3A_182 = tpu.memref_slice %arg13[%add3A_24, %dma_start3A_181] : memref<10240x128xf32, #tpu.memory_space<vmem_shared>> -> memref<128x128xf32, #tpu.memory_space<vmem_shared>>
      %dma_start3A_183 = arith.constant 0 : i32
      %dma_start3A_184 = tpu.memref_slice %arg13[%add3A_24, %dma_start3A_183] : memref<10240x128xf32, #tpu.memory_space<vmem_shared>> -> memref<128x128xf32, #tpu.memory_space<vmem_shared>>
      tpu.enqueue_dma source(%arg11 : memref<128x128xf32, #tpu.memory_space<vmem>>) target(%dma_start3A_184 : memref<128x128xf32, #tpu.memory_space<vmem_shared>>) target_semaphore(%run_scoped3A : memref<!tpu.dma_semaphore, #tpu.memory_space<semaphore_mem>>)
      %dma_wait3A_185 = arith.constant 0 : i32
      %dma_wait3A_186 = tpu.memref_slice %arg13[%add3A_24, %dma_wait3A_185] : memref<10240x128xf32, #tpu.memory_space<vmem_shared>> -> memref<128x128xf32, #tpu.memory_space<vmem_shared>>
      %dma_wait3A_187 = arith.constant 0 : i32
      %dma_wait3A_188 = tpu.memref_slice %arg13[%add3A_24, %dma_wait3A_187] : memref<10240x128xf32, #tpu.memory_space<vmem_shared>> -> memref<128x128xf32, #tpu.memory_space<vmem_shared>>
      tpu.wait_dma2 semaphore(%run_scoped3A : memref<!tpu.dma_semaphore, #tpu.memory_space<semaphore_mem>>) src(%arg11 : memref<128x128xf32, #tpu.memory_space<vmem>>) dst(%dma_wait3A_188 : memref<128x128xf32, #tpu.memory_space<vmem_shared>>)
      tpu.yield
    }) : () -> ()
    %mul3A_25 = arith.constant 640 : i32
    %mul3A_26 = arith.muli %arg1, %mul3A_25 : i32
    %add3A_27 = arith.constant 512 : i32
    %add3A_28 = arith.addi %mul3A_26, %add3A_27 : i32
    "tpu.region"() ({
      %run_scoped3A = tpu.sem_alloc : memref<!tpu.dma_semaphore, #tpu.memory_space<semaphore_mem>>
      %dma_start3A_181 = arith.constant 0 : i32
      %dma_start3A_182 = tpu.memref_slice %arg13[%add3A_28, %dma_start3A_181] : memref<10240x128xf32, #tpu.memory_space<vmem_shared>> -> memref<128x128xf32, #tpu.memory_space<vmem_shared>>
      %dma_start3A_183 = arith.constant 0 : i32
      %dma_start3A_184 = tpu.memref_slice %arg13[%add3A_28, %dma_start3A_183] : memref<10240x128xf32, #tpu.memory_space<vmem_shared>> -> memref<128x128xf32, #tpu.memory_space<vmem_shared>>
      tpu.enqueue_dma source(%arg11 : memref<128x128xf32, #tpu.memory_space<vmem>>) target(%dma_start3A_184 : memref<128x128xf32, #tpu.memory_space<vmem_shared>>) target_semaphore(%run_scoped3A : memref<!tpu.dma_semaphore, #tpu.memory_space<semaphore_mem>>)
      %dma_wait3A_185 = arith.constant 0 : i32
      %dma_wait3A_186 = tpu.memref_slice %arg13[%add3A_28, %dma_wait3A_185] : memref<10240x128xf32, #tpu.memory_space<vmem_shared>> -> memref<128x128xf32, #tpu.memory_space<vmem_shared>>
      %dma_wait3A_187 = arith.constant 0 : i32
      %dma_wait3A_188 = tpu.memref_slice %arg13[%add3A_28, %dma_wait3A_187] : memref<10240x128xf32, #tpu.memory_space<vmem_shared>> -> memref<128x128xf32, #tpu.memory_space<vmem_shared>>
      tpu.wait_dma2 semaphore(%run_scoped3A : memref<!tpu.dma_semaphore, #tpu.memory_space<semaphore_mem>>) src(%arg11 : memref<128x128xf32, #tpu.memory_space<vmem>>) dst(%dma_wait3A_188 : memref<128x128xf32, #tpu.memory_space<vmem_shared>>)
      tpu.yield
    }) : () -> ()
    %barrier3A = arith.constant 0 : index
    tpu.barrier barrier_id(%barrier3A)
    %add3A_29 = arith.constant 0 : i32
    %add3A_30 = arith.addi %select_n3A_8, %add3A_29 : i32
    %dma_start3A = arith.constant 0 : i32
    %dma_start3A_31 = tpu.memref_slice %arg3[%add3A_30, %dma_start3A] : memref<2560x128xi32, #tpu.memory_space<hbm>> -> memref<1x128xi32, #tpu.memory_space<hbm>>
    %dma_start3A_32 = arith.constant 0 : i32
    %dma_start3A_33 = tpu.memref_slice %arg3[%add3A_30, %dma_start3A_32] : memref<2560x128xi32, #tpu.memory_space<hbm>> -> memref<1x128xi32, #tpu.memory_space<hbm>>
    tpu.enqueue_dma source(%dma_start3A_33 : memref<1x128xi32, #tpu.memory_space<hbm>>) target(%arg7 : memref<1x128xi32, #tpu.memory_space<vmem>>) target_semaphore(%arg18 : memref<!tpu.dma_semaphore, #tpu.memory_space<semaphore_mem>>)
    %add3A_34 = arith.constant 0 : i32
    %add3A_35 = arith.addi %select_n3A_8, %add3A_34 : i32
    %dma_start3A_36 = arith.constant 0 : i32
    %dma_start3A_37 = tpu.memref_slice %arg4[%add3A_35, %dma_start3A_36] : memref<2560x128xi32, #tpu.memory_space<hbm>> -> memref<1x128xi32, #tpu.memory_space<hbm>>
    %dma_start3A_38 = arith.constant 0 : i32
    %dma_start3A_39 = tpu.memref_slice %arg4[%add3A_35, %dma_start3A_38] : memref<2560x128xi32, #tpu.memory_space<hbm>> -> memref<1x128xi32, #tpu.memory_space<hbm>>
    tpu.enqueue_dma source(%dma_start3A_39 : memref<1x128xi32, #tpu.memory_space<hbm>>) target(%arg9 : memref<1x128xi32, #tpu.memory_space<vmem>>) target_semaphore(%arg20 : memref<!tpu.dma_semaphore, #tpu.memory_space<semaphore_mem>>)
    %dma_wait3A = arith.constant 0 : i32
    %dma_wait3A_40 = tpu.memref_slice %arg3[%select_n3A_8, %dma_wait3A] : memref<2560x128xi32, #tpu.memory_space<hbm>> -> memref<1x128xi32, #tpu.memory_space<hbm>>
    %dma_wait3A_41 = arith.constant 0 : i32
    %dma_wait3A_42 = tpu.memref_slice %arg3[%select_n3A_8, %dma_wait3A_41] : memref<2560x128xi32, #tpu.memory_space<hbm>> -> memref<1x128xi32, #tpu.memory_space<hbm>>
    tpu.wait_dma2 semaphore(%arg18 : memref<!tpu.dma_semaphore, #tpu.memory_space<semaphore_mem>>) src(%dma_wait3A_42 : memref<1x128xi32, #tpu.memory_space<hbm>>) dst(%arg7 : memref<1x128xi32, #tpu.memory_space<vmem>>)
    %dma_start3A_43 = arith.constant 0 : i32
    %dma_start3A_44 = arith.constant 0 : i32
    %dma_start3A_45 = tpu.memref_slice %arg7[%dma_start3A_43, %dma_start3A_44] : memref<1x128xi32, #tpu.memory_space<vmem>> -> memref<1x128xi32, #tpu.memory_space<vmem>>
    %dma_start3A_46 = tpu.memref_squeeze %dma_start3A_45 : memref<1x128xi32, #tpu.memory_space<vmem>> -> memref<128xi32, #tpu.memory_space<vmem>>
    %dma_start3A_47 = arith.constant 0 : i32
    %dma_start3A_48 = arith.constant 0 : i32
    %dma_start3A_49 = tpu.memref_slice %arg2[%dma_start3A_47, %dma_start3A_48] : memref<10240x128xf32, #tpu.memory_space<hbm>> -> memref<10240x128xf32, #tpu.memory_space<hbm>>
    tpu.enqueue_indirect_dma source(%dma_start3A_49 : memref<10240x128xf32, #tpu.memory_space<hbm>>) target(%arg11 : memref<128x128xf32, #tpu.memory_space<vmem>>) offsets(%dma_start3A_46 : memref<128xi32, #tpu.memory_space<vmem>>) semaphore(%arg14 : memref<!tpu.dma_semaphore, #tpu.memory_space<semaphore_mem>>)
    %add3A_50 = arith.constant 1 : i32
    %add3A_51 = arith.addi %select_n3A_8, %add3A_50 : i32
    %dma_start3A_52 = arith.constant 0 : i32
    %dma_start3A_53 = tpu.memref_slice %arg3[%add3A_51, %dma_start3A_52] : memref<2560x128xi32, #tpu.memory_space<hbm>> -> memref<1x128xi32, #tpu.memory_space<hbm>>
    %dma_start3A_54 = arith.constant 0 : i32
    %dma_start3A_55 = tpu.memref_slice %arg3[%add3A_51, %dma_start3A_54] : memref<2560x128xi32, #tpu.memory_space<hbm>> -> memref<1x128xi32, #tpu.memory_space<hbm>>
    tpu.enqueue_dma source(%dma_start3A_55 : memref<1x128xi32, #tpu.memory_space<hbm>>) target(%arg8 : memref<1x128xi32, #tpu.memory_space<vmem>>) target_semaphore(%arg19 : memref<!tpu.dma_semaphore, #tpu.memory_space<semaphore_mem>>)
    %jit3A_56 = arith.constant 2 : i32
    %div3A = arith.divsi %select_n3A, %jit3A_56 : i32
    %sign3A = arith.constant 0 : i32
    %sign3A_57 = arith.cmpi sgt, %select_n3A, %sign3A : i32
    %sign3A_58 = arith.extui %sign3A_57 : i1 to i32
    %sign3A_59 = arith.constant 0 : i32
    %sign3A_60 = arith.cmpi slt, %select_n3A, %sign3A_59 : i32
    %sign3A_61 = arith.extui %sign3A_60 : i1 to i32
    %sign3A_62 = arith.subi %sign3A_58, %sign3A_61 : i32
    %sign3A_63 = arith.constant 0 : i32
    %sign3A_64 = arith.cmpi sgt, %jit3A_56, %sign3A_63 : i32
    %sign3A_65 = arith.extui %sign3A_64 : i1 to i32
    %sign3A_66 = arith.constant 0 : i32
    %sign3A_67 = arith.cmpi slt, %jit3A_56, %sign3A_66 : i32
    %sign3A_68 = arith.extui %sign3A_67 : i1 to i32
    %sign3A_69 = arith.subi %sign3A_65, %sign3A_68 : i32
    %ne3A = arith.cmpi ne, %sign3A_62, %sign3A_69 : i32
    %rem3A = arith.remsi %select_n3A, %jit3A_56 : i32
    %ne3A_70 = arith.constant 0 : i32
    %ne3A_71 = arith.cmpi ne, %rem3A, %ne3A_70 : i32
    %and3A = arith.andi %ne3A, %ne3A_71 : i1
    %sub3A = arith.constant 1 : i32
    %sub3A_72 = arith.subi %div3A, %sub3A : i32
    %select_n3A_73 = arith.select %and3A, %sub3A_72, %div3A : i32
    %sub3A_74 = arith.constant 1 : i32
    %sub3A_75 = arith.subi %select_n3A_73, %sub3A_74 : i32
    %while3A = arith.constant 0 : i32
    %while3A_76 = arith.constant 0 : i32
    %while3A_77 = arith.subi %sub3A_75, %while3A_76 : i32
    %while3A_78 = arith.addi %while3A_76, %while3A_77 : i32
    %while3A_79 = arith.constant 1 : i32
    %while3A_80 = arith.divsi %while3A_77, %while3A_79 : i32
    %while3A_81 = arith.muli %while3A_80, %while3A_79 : i32
    %while3A_82 = arith.addi %while3A_76, %while3A_81 : i32
    %while3A_83 = arith.constant 1 : i32
    scf.for %while3A_181 = %while3A_76 to %while3A_82 step %while3A_83  : i32 {
      %mul3A_182 = arith.constant 2 : i32
      %mul3A_183 = arith.muli %mul3A_182, %while3A_181 : i32
      %add3A_184 = arith.constant 1 : i32
      %add3A_185 = arith.addi %mul3A_183, %add3A_184 : i32
      %ge3A = arith.constant 1 : i32
      %ge3A_186 = arith.cmpi sge, %while3A_181, %ge3A : i32
      %convert_element_type3A = arith.extui %ge3A_186 : i1 to i32
      %cond3A = arith.constant 0 : i32
      %cond3A_187 = arith.cmpi ne, %convert_element_type3A, %cond3A : i32
      scf.if %cond3A_187 {
        %dma_wait3A_279 = arith.constant 0 : i32
        %dma_wait3A_280 = arith.constant 0 : i32
        %dma_wait3A_281 = tpu.memref_slice %arg10[%dma_wait3A_279, %dma_wait3A_280] : memref<1x128xi32, #tpu.memory_space<vmem>> -> memref<1x128xi32, #tpu.memory_space<vmem>>
        %dma_wait3A_282 = tpu.memref_squeeze %dma_wait3A_281 : memref<1x128xi32, #tpu.memory_space<vmem>> -> memref<128xi32, #tpu.memory_space<vmem>>
        %dma_wait3A_283 = arith.constant 0 : i32
        %dma_wait3A_284 = arith.constant 0 : i32
        %dma_wait3A_285 = tpu.memref_slice %arg13[%dma_wait3A_283, %dma_wait3A_284] : memref<10240x128xf32, #tpu.memory_space<vmem_shared>> -> memref<10240x128xf32, #tpu.memory_space<vmem_shared>>
        tpu.wait_indirect_dma semaphore(%arg17 : memref<!tpu.dma_semaphore, #tpu.memory_space<semaphore_mem>>) src(%arg12 : memref<128x128xf32, #tpu.memory_space<vmem>>) dst(%dma_wait3A_285 : memref<10240x128xf32, #tpu.memory_space<vmem_shared>>)
      } else {
      }
      %add3A_188 = arith.addi %select_n3A_8, %add3A_185 : i32
      %dma_start3A_189 = arith.constant 0 : i32
      %dma_start3A_190 = tpu.memref_slice %arg4[%add3A_188, %dma_start3A_189] : memref<2560x128xi32, #tpu.memory_space<hbm>> -> memref<1x128xi32, #tpu.memory_space<hbm>>
      %dma_start3A_191 = arith.constant 0 : i32
      %dma_start3A_192 = tpu.memref_slice %arg4[%add3A_188, %dma_start3A_191] : memref<2560x128xi32, #tpu.memory_space<hbm>> -> memref<1x128xi32, #tpu.memory_space<hbm>>
      tpu.enqueue_dma source(%dma_start3A_192 : memref<1x128xi32, #tpu.memory_space<hbm>>) target(%arg10 : memref<1x128xi32, #tpu.memory_space<vmem>>) target_semaphore(%arg21 : memref<!tpu.dma_semaphore, #tpu.memory_space<semaphore_mem>>)
      %dma_wait3A_193 = arith.constant 0 : i32
      %dma_wait3A_194 = tpu.memref_slice %arg3[%select_n3A_8, %dma_wait3A_193] : memref<2560x128xi32, #tpu.memory_space<hbm>> -> memref<1x128xi32, #tpu.memory_space<hbm>>
      %dma_wait3A_195 = arith.constant 0 : i32
      %dma_wait3A_196 = tpu.memref_slice %arg3[%select_n3A_8, %dma_wait3A_195] : memref<2560x128xi32, #tpu.memory_space<hbm>> -> memref<1x128xi32, #tpu.memory_space<hbm>>
      tpu.wait_dma2 semaphore(%arg19 : memref<!tpu.dma_semaphore, #tpu.memory_space<semaphore_mem>>) src(%dma_wait3A_196 : memref<1x128xi32, #tpu.memory_space<hbm>>) dst(%arg8 : memref<1x128xi32, #tpu.memory_space<vmem>>)
      %dma_start3A_197 = arith.constant 0 : i32
      %dma_start3A_198 = arith.constant 0 : i32
      %dma_start3A_199 = tpu.memref_slice %arg8[%dma_start3A_197, %dma_start3A_198] : memref<1x128xi32, #tpu.memory_space<vmem>> -> memref<1x128xi32, #tpu.memory_space<vmem>>
      %dma_start3A_200 = tpu.memref_squeeze %dma_start3A_199 : memref<1x128xi32, #tpu.memory_space<vmem>> -> memref<128xi32, #tpu.memory_space<vmem>>
      %dma_start3A_201 = arith.constant 0 : i32
      %dma_start3A_202 = arith.constant 0 : i32
      %dma_start3A_203 = tpu.memref_slice %arg2[%dma_start3A_201, %dma_start3A_202] : memref<10240x128xf32, #tpu.memory_space<hbm>> -> memref<10240x128xf32, #tpu.memory_space<hbm>>
      tpu.enqueue_indirect_dma source(%dma_start3A_203 : memref<10240x128xf32, #tpu.memory_space<hbm>>) target(%arg12 : memref<128x128xf32, #tpu.memory_space<vmem>>) offsets(%dma_start3A_200 : memref<128xi32, #tpu.memory_space<vmem>>) semaphore(%arg15 : memref<!tpu.dma_semaphore, #tpu.memory_space<semaphore_mem>>)
      %dma_wait3A_204 = arith.constant 0 : i32
      %dma_wait3A_205 = arith.constant 0 : i32
      %dma_wait3A_206 = tpu.memref_slice %arg7[%dma_wait3A_204, %dma_wait3A_205] : memref<1x128xi32, #tpu.memory_space<vmem>> -> memref<1x128xi32, #tpu.memory_space<vmem>>
      %dma_wait3A_207 = tpu.memref_squeeze %dma_wait3A_206 : memref<1x128xi32, #tpu.memory_space<vmem>> -> memref<128xi32, #tpu.memory_space<vmem>>
      %dma_wait3A_208 = arith.constant 0 : i32
      %dma_wait3A_209 = arith.constant 0 : i32
      %dma_wait3A_210 = tpu.memref_slice %arg2[%dma_wait3A_208, %dma_wait3A_209] : memref<10240x128xf32, #tpu.memory_space<hbm>> -> memref<10240x128xf32, #tpu.memory_space<hbm>>
      tpu.wait_indirect_dma semaphore(%arg14 : memref<!tpu.dma_semaphore, #tpu.memory_space<semaphore_mem>>) src(%dma_wait3A_210 : memref<10240x128xf32, #tpu.memory_space<hbm>>) dst(%arg11 : memref<128x128xf32, #tpu.memory_space<vmem>>)
      %add3A_211 = arith.constant 2 : i32
      %add3A_212 = arith.addi %mul3A_183, %add3A_211 : i32
      %add3A_213 = arith.addi %select_n3A_8, %add3A_212 : i32
      %dma_start3A_214 = arith.constant 0 : i32
      %dma_start3A_215 = tpu.memref_slice %arg3[%add3A_213, %dma_start3A_214] : memref<2560x128xi32, #tpu.memory_space<hbm>> -> memref<1x128xi32, #tpu.memory_space<hbm>>
      %dma_start3A_216 = arith.constant 0 : i32
      %dma_start3A_217 = tpu.memref_slice %arg3[%add3A_213, %dma_start3A_216] : memref<2560x128xi32, #tpu.memory_space<hbm>> -> memref<1x128xi32, #tpu.memory_space<hbm>>
      tpu.enqueue_dma source(%dma_start3A_217 : memref<1x128xi32, #tpu.memory_space<hbm>>) target(%arg7 : memref<1x128xi32, #tpu.memory_space<vmem>>) target_semaphore(%arg18 : memref<!tpu.dma_semaphore, #tpu.memory_space<semaphore_mem>>)
      %dma_wait3A_218 = arith.constant 0 : i32
      %dma_wait3A_219 = tpu.memref_slice %arg4[%select_n3A_8, %dma_wait3A_218] : memref<2560x128xi32, #tpu.memory_space<hbm>> -> memref<1x128xi32, #tpu.memory_space<hbm>>
      %dma_wait3A_220 = arith.constant 0 : i32
      %dma_wait3A_221 = tpu.memref_slice %arg4[%select_n3A_8, %dma_wait3A_220] : memref<2560x128xi32, #tpu.memory_space<hbm>> -> memref<1x128xi32, #tpu.memory_space<hbm>>
      tpu.wait_dma2 semaphore(%arg20 : memref<!tpu.dma_semaphore, #tpu.memory_space<semaphore_mem>>) src(%dma_wait3A_221 : memref<1x128xi32, #tpu.memory_space<hbm>>) dst(%arg9 : memref<1x128xi32, #tpu.memory_space<vmem>>)
      %dma_start3A_222 = arith.constant 0 : i32
      %dma_start3A_223 = arith.constant 0 : i32
      %dma_start3A_224 = tpu.memref_slice %arg9[%dma_start3A_222, %dma_start3A_223] : memref<1x128xi32, #tpu.memory_space<vmem>> -> memref<1x128xi32, #tpu.memory_space<vmem>>
      %dma_start3A_225 = tpu.memref_squeeze %dma_start3A_224 : memref<1x128xi32, #tpu.memory_space<vmem>> -> memref<128xi32, #tpu.memory_space<vmem>>
      %dma_start3A_226 = arith.constant 0 : i32
      %dma_start3A_227 = arith.constant 0 : i32
      %dma_start3A_228 = tpu.memref_slice %arg13[%dma_start3A_226, %dma_start3A_227] : memref<10240x128xf32, #tpu.memory_space<vmem_shared>> -> memref<10240x128xf32, #tpu.memory_space<vmem_shared>>
      tpu.enqueue_indirect_dma source(%arg11 : memref<128x128xf32, #tpu.memory_space<vmem>>) target(%dma_start3A_228 : memref<10240x128xf32, #tpu.memory_space<vmem_shared>>) offsets(%dma_start3A_225 : memref<128xi32, #tpu.memory_space<vmem>>) semaphore(%arg16 : memref<!tpu.dma_semaphore, #tpu.memory_space<semaphore_mem>>) {add = true}
      %dma_wait3A_229 = arith.constant 0 : i32
      %dma_wait3A_230 = arith.constant 0 : i32
      %dma_wait3A_231 = tpu.memref_slice %arg9[%dma_wait3A_229, %dma_wait3A_230] : memref<1x128xi32, #tpu.memory_space<vmem>> -> memref<1x128xi32, #tpu.memory_space<vmem>>
      %dma_wait3A_232 = tpu.memref_squeeze %dma_wait3A_231 : memref<1x128xi32, #tpu.memory_space<vmem>> -> memref<128xi32, #tpu.memory_space<vmem>>
      %dma_wait3A_233 = arith.constant 0 : i32
      %dma_wait3A_234 = arith.constant 0 : i32
      %dma_wait3A_235 = tpu.memref_slice %arg13[%dma_wait3A_233, %dma_wait3A_234] : memref<10240x128xf32, #tpu.memory_space<vmem_shared>> -> memref<10240x128xf32, #tpu.memory_space<vmem_shared>>
      tpu.wait_indirect_dma semaphore(%arg16 : memref<!tpu.dma_semaphore, #tpu.memory_space<semaphore_mem>>) src(%arg11 : memref<128x128xf32, #tpu.memory_space<vmem>>) dst(%dma_wait3A_235 : memref<10240x128xf32, #tpu.memory_space<vmem_shared>>)
      %add3A_236 = arith.constant 2 : i32
      %add3A_237 = arith.addi %mul3A_183, %add3A_236 : i32
      %add3A_238 = arith.addi %select_n3A_8, %add3A_237 : i32
      %dma_start3A_239 = arith.constant 0 : i32
      %dma_start3A_240 = tpu.memref_slice %arg4[%add3A_238, %dma_start3A_239] : memref<2560x128xi32, #tpu.memory_space<hbm>> -> memref<1x128xi32, #tpu.memory_space<hbm>>
      %dma_start3A_241 = arith.constant 0 : i32
      %dma_start3A_242 = tpu.memref_slice %arg4[%add3A_238, %dma_start3A_241] : memref<2560x128xi32, #tpu.memory_space<hbm>> -> memref<1x128xi32, #tpu.memory_space<hbm>>
      tpu.enqueue_dma source(%dma_start3A_242 : memref<1x128xi32, #tpu.memory_space<hbm>>) target(%arg9 : memref<1x128xi32, #tpu.memory_space<vmem>>) target_semaphore(%arg20 : memref<!tpu.dma_semaphore, #tpu.memory_space<semaphore_mem>>)
      %dma_wait3A_243 = arith.constant 0 : i32
      %dma_wait3A_244 = tpu.memref_slice %arg3[%select_n3A_8, %dma_wait3A_243] : memref<2560x128xi32, #tpu.memory_space<hbm>> -> memref<1x128xi32, #tpu.memory_space<hbm>>
      %dma_wait3A_245 = arith.constant 0 : i32
      %dma_wait3A_246 = tpu.memref_slice %arg3[%select_n3A_8, %dma_wait3A_245] : memref<2560x128xi32, #tpu.memory_space<hbm>> -> memref<1x128xi32, #tpu.memory_space<hbm>>
      tpu.wait_dma2 semaphore(%arg18 : memref<!tpu.dma_semaphore, #tpu.memory_space<semaphore_mem>>) src(%dma_wait3A_246 : memref<1x128xi32, #tpu.memory_space<hbm>>) dst(%arg7 : memref<1x128xi32, #tpu.memory_space<vmem>>)
      %dma_start3A_247 = arith.constant 0 : i32
      %dma_start3A_248 = arith.constant 0 : i32
      %dma_start3A_249 = tpu.memref_slice %arg7[%dma_start3A_247, %dma_start3A_248] : memref<1x128xi32, #tpu.memory_space<vmem>> -> memref<1x128xi32, #tpu.memory_space<vmem>>
      %dma_start3A_250 = tpu.memref_squeeze %dma_start3A_249 : memref<1x128xi32, #tpu.memory_space<vmem>> -> memref<128xi32, #tpu.memory_space<vmem>>
      %dma_start3A_251 = arith.constant 0 : i32
      %dma_start3A_252 = arith.constant 0 : i32
      %dma_start3A_253 = tpu.memref_slice %arg2[%dma_start3A_251, %dma_start3A_252] : memref<10240x128xf32, #tpu.memory_space<hbm>> -> memref<10240x128xf32, #tpu.memory_space<hbm>>
      tpu.enqueue_indirect_dma source(%dma_start3A_253 : memref<10240x128xf32, #tpu.memory_space<hbm>>) target(%arg11 : memref<128x128xf32, #tpu.memory_space<vmem>>) offsets(%dma_start3A_250 : memref<128xi32, #tpu.memory_space<vmem>>) semaphore(%arg14 : memref<!tpu.dma_semaphore, #tpu.memory_space<semaphore_mem>>)
      %dma_wait3A_254 = arith.constant 0 : i32
      %dma_wait3A_255 = arith.constant 0 : i32
      %dma_wait3A_256 = tpu.memref_slice %arg8[%dma_wait3A_254, %dma_wait3A_255] : memref<1x128xi32, #tpu.memory_space<vmem>> -> memref<1x128xi32, #tpu.memory_space<vmem>>
      %dma_wait3A_257 = tpu.memref_squeeze %dma_wait3A_256 : memref<1x128xi32, #tpu.memory_space<vmem>> -> memref<128xi32, #tpu.memory_space<vmem>>
      %dma_wait3A_258 = arith.constant 0 : i32
      %dma_wait3A_259 = arith.constant 0 : i32
      %dma_wait3A_260 = tpu.memref_slice %arg2[%dma_wait3A_258, %dma_wait3A_259] : memref<10240x128xf32, #tpu.memory_space<hbm>> -> memref<10240x128xf32, #tpu.memory_space<hbm>>
      tpu.wait_indirect_dma semaphore(%arg15 : memref<!tpu.dma_semaphore, #tpu.memory_space<semaphore_mem>>) src(%dma_wait3A_260 : memref<10240x128xf32, #tpu.memory_space<hbm>>) dst(%arg12 : memref<128x128xf32, #tpu.memory_space<vmem>>)
      %add3A_261 = arith.constant 2 : i32
      %add3A_262 = arith.addi %add3A_185, %add3A_261 : i32
      %add3A_263 = arith.addi %select_n3A_8, %add3A_262 : i32
      %dma_start3A_264 = arith.constant 0 : i32
      %dma_start3A_265 = tpu.memref_slice %arg3[%add3A_263, %dma_start3A_264] : memref<2560x128xi32, #tpu.memory_space<hbm>> -> memref<1x128xi32, #tpu.memory_space<hbm>>
      %dma_start3A_266 = arith.constant 0 : i32
      %dma_start3A_267 = tpu.memref_slice %arg3[%add3A_263, %dma_start3A_266] : memref<2560x128xi32, #tpu.memory_space<hbm>> -> memref<1x128xi32, #tpu.memory_space<hbm>>
      tpu.enqueue_dma source(%dma_start3A_267 : memref<1x128xi32, #tpu.memory_space<hbm>>) target(%arg8 : memref<1x128xi32, #tpu.memory_space<vmem>>) target_semaphore(%arg19 : memref<!tpu.dma_semaphore, #tpu.memory_space<semaphore_mem>>)
      %dma_wait3A_268 = arith.constant 0 : i32
      %dma_wait3A_269 = tpu.memref_slice %arg4[%select_n3A_8, %dma_wait3A_268] : memref<2560x128xi32, #tpu.memory_space<hbm>> -> memref<1x128xi32, #tpu.memory_space<hbm>>
      %dma_wait3A_270 = arith.constant 0 : i32
      %dma_wait3A_271 = tpu.memref_slice %arg4[%select_n3A_8, %dma_wait3A_270] : memref<2560x128xi32, #tpu.memory_space<hbm>> -> memref<1x128xi32, #tpu.memory_space<hbm>>
      tpu.wait_dma2 semaphore(%arg21 : memref<!tpu.dma_semaphore, #tpu.memory_space<semaphore_mem>>) src(%dma_wait3A_271 : memref<1x128xi32, #tpu.memory_space<hbm>>) dst(%arg10 : memref<1x128xi32, #tpu.memory_space<vmem>>)
      %dma_start3A_272 = arith.constant 0 : i32
      %dma_start3A_273 = arith.constant 0 : i32
      %dma_start3A_274 = tpu.memref_slice %arg10[%dma_start3A_272, %dma_start3A_273] : memref<1x128xi32, #tpu.memory_space<vmem>> -> memref<1x128xi32, #tpu.memory_space<vmem>>
      %dma_start3A_275 = tpu.memref_squeeze %dma_start3A_274 : memref<1x128xi32, #tpu.memory_space<vmem>> -> memref<128xi32, #tpu.memory_space<vmem>>
      %dma_start3A_276 = arith.constant 0 : i32
      %dma_start3A_277 = arith.constant 0 : i32
      %dma_start3A_278 = tpu.memref_slice %arg13[%dma_start3A_276, %dma_start3A_277] : memref<10240x128xf32, #tpu.memory_space<vmem_shared>> -> memref<10240x128xf32, #tpu.memory_space<vmem_shared>>
      tpu.enqueue_indirect_dma source(%arg12 : memref<128x128xf32, #tpu.memory_space<vmem>>) target(%dma_start3A_278 : memref<10240x128xf32, #tpu.memory_space<vmem_shared>>) offsets(%dma_start3A_275 : memref<128xi32, #tpu.memory_space<vmem>>) semaphore(%arg17 : memref<!tpu.dma_semaphore, #tpu.memory_space<semaphore_mem>>) {add = true}
    }
    %while3A_84 = arith.constant 1 : i32
    scf.for %while3A_181 = %while3A_82 to %while3A_78 step %while3A_84  : i32 {
      %mul3A_182 = arith.constant 2 : i32
      %mul3A_183 = arith.muli %mul3A_182, %while3A_181 : i32
      %add3A_184 = arith.constant 1 : i32
      %add3A_185 = arith.addi %mul3A_183, %add3A_184 : i32
      %ge3A = arith.constant 1 : i32
      %ge3A_186 = arith.cmpi sge, %while3A_181, %ge3A : i32
      %convert_element_type3A = arith.extui %ge3A_186 : i1 to i32
      %cond3A = arith.constant 0 : i32
      %cond3A_187 = arith.cmpi ne, %convert_element_type3A, %cond3A : i32
      scf.if %cond3A_187 {
        %dma_wait3A_279 = arith.constant 0 : i32
        %dma_wait3A_280 = arith.constant 0 : i32
        %dma_wait3A_281 = tpu.memref_slice %arg10[%dma_wait3A_279, %dma_wait3A_280] : memref<1x128xi32, #tpu.memory_space<vmem>> -> memref<1x128xi32, #tpu.memory_space<vmem>>
        %dma_wait3A_282 = tpu.memref_squeeze %dma_wait3A_281 : memref<1x128xi32, #tpu.memory_space<vmem>> -> memref<128xi32, #tpu.memory_space<vmem>>
        %dma_wait3A_283 = arith.constant 0 : i32
        %dma_wait3A_284 = arith.constant 0 : i32
        %dma_wait3A_285 = tpu.memref_slice %arg13[%dma_wait3A_283, %dma_wait3A_284] : memref<10240x128xf32, #tpu.memory_space<vmem_shared>> -> memref<10240x128xf32, #tpu.memory_space<vmem_shared>>
        tpu.wait_indirect_dma semaphore(%arg17 : memref<!tpu.dma_semaphore, #tpu.memory_space<semaphore_mem>>) src(%arg12 : memref<128x128xf32, #tpu.memory_space<vmem>>) dst(%dma_wait3A_285 : memref<10240x128xf32, #tpu.memory_space<vmem_shared>>)
      } else {
      }
      %add3A_188 = arith.addi %select_n3A_8, %add3A_185 : i32
      %dma_start3A_189 = arith.constant 0 : i32
      %dma_start3A_190 = tpu.memref_slice %arg4[%add3A_188, %dma_start3A_189] : memref<2560x128xi32, #tpu.memory_space<hbm>> -> memref<1x128xi32, #tpu.memory_space<hbm>>
      %dma_start3A_191 = arith.constant 0 : i32
      %dma_start3A_192 = tpu.memref_slice %arg4[%add3A_188, %dma_start3A_191] : memref<2560x128xi32, #tpu.memory_space<hbm>> -> memref<1x128xi32, #tpu.memory_space<hbm>>
      tpu.enqueue_dma source(%dma_start3A_192 : memref<1x128xi32, #tpu.memory_space<hbm>>) target(%arg10 : memref<1x128xi32, #tpu.memory_space<vmem>>) target_semaphore(%arg21 : memref<!tpu.dma_semaphore, #tpu.memory_space<semaphore_mem>>)
      %dma_wait3A_193 = arith.constant 0 : i32
      %dma_wait3A_194 = tpu.memref_slice %arg3[%select_n3A_8, %dma_wait3A_193] : memref<2560x128xi32, #tpu.memory_space<hbm>> -> memref<1x128xi32, #tpu.memory_space<hbm>>
      %dma_wait3A_195 = arith.constant 0 : i32
      %dma_wait3A_196 = tpu.memref_slice %arg3[%select_n3A_8, %dma_wait3A_195] : memref<2560x128xi32, #tpu.memory_space<hbm>> -> memref<1x128xi32, #tpu.memory_space<hbm>>
      tpu.wait_dma2 semaphore(%arg19 : memref<!tpu.dma_semaphore, #tpu.memory_space<semaphore_mem>>) src(%dma_wait3A_196 : memref<1x128xi32, #tpu.memory_space<hbm>>) dst(%arg8 : memref<1x128xi32, #tpu.memory_space<vmem>>)
      %dma_start3A_197 = arith.constant 0 : i32
      %dma_start3A_198 = arith.constant 0 : i32
      %dma_start3A_199 = tpu.memref_slice %arg8[%dma_start3A_197, %dma_start3A_198] : memref<1x128xi32, #tpu.memory_space<vmem>> -> memref<1x128xi32, #tpu.memory_space<vmem>>
      %dma_start3A_200 = tpu.memref_squeeze %dma_start3A_199 : memref<1x128xi32, #tpu.memory_space<vmem>> -> memref<128xi32, #tpu.memory_space<vmem>>
      %dma_start3A_201 = arith.constant 0 : i32
      %dma_start3A_202 = arith.constant 0 : i32
      %dma_start3A_203 = tpu.memref_slice %arg2[%dma_start3A_201, %dma_start3A_202] : memref<10240x128xf32, #tpu.memory_space<hbm>> -> memref<10240x128xf32, #tpu.memory_space<hbm>>
      tpu.enqueue_indirect_dma source(%dma_start3A_203 : memref<10240x128xf32, #tpu.memory_space<hbm>>) target(%arg12 : memref<128x128xf32, #tpu.memory_space<vmem>>) offsets(%dma_start3A_200 : memref<128xi32, #tpu.memory_space<vmem>>) semaphore(%arg15 : memref<!tpu.dma_semaphore, #tpu.memory_space<semaphore_mem>>)
      %dma_wait3A_204 = arith.constant 0 : i32
      %dma_wait3A_205 = arith.constant 0 : i32
      %dma_wait3A_206 = tpu.memref_slice %arg7[%dma_wait3A_204, %dma_wait3A_205] : memref<1x128xi32, #tpu.memory_space<vmem>> -> memref<1x128xi32, #tpu.memory_space<vmem>>
      %dma_wait3A_207 = tpu.memref_squeeze %dma_wait3A_206 : memref<1x128xi32, #tpu.memory_space<vmem>> -> memref<128xi32, #tpu.memory_space<vmem>>
      %dma_wait3A_208 = arith.constant 0 : i32
      %dma_wait3A_209 = arith.constant 0 : i32
      %dma_wait3A_210 = tpu.memref_slice %arg2[%dma_wait3A_208, %dma_wait3A_209] : memref<10240x128xf32, #tpu.memory_space<hbm>> -> memref<10240x128xf32, #tpu.memory_space<hbm>>
      tpu.wait_indirect_dma semaphore(%arg14 : memref<!tpu.dma_semaphore, #tpu.memory_space<semaphore_mem>>) src(%dma_wait3A_210 : memref<10240x128xf32, #tpu.memory_space<hbm>>) dst(%arg11 : memref<128x128xf32, #tpu.memory_space<vmem>>)
      %add3A_211 = arith.constant 2 : i32
      %add3A_212 = arith.addi %mul3A_183, %add3A_211 : i32
      %add3A_213 = arith.addi %select_n3A_8, %add3A_212 : i32
      %dma_start3A_214 = arith.constant 0 : i32
      %dma_start3A_215 = tpu.memref_slice %arg3[%add3A_213, %dma_start3A_214] : memref<2560x128xi32, #tpu.memory_space<hbm>> -> memref<1x128xi32, #tpu.memory_space<hbm>>
      %dma_start3A_216 = arith.constant 0 : i32
      %dma_start3A_217 = tpu.memref_slice %arg3[%add3A_213, %dma_start3A_216] : memref<2560x128xi32, #tpu.memory_space<hbm>> -> memref<1x128xi32, #tpu.memory_space<hbm>>
      tpu.enqueue_dma source(%dma_start3A_217 : memref<1x128xi32, #tpu.memory_space<hbm>>) target(%arg7 : memref<1x128xi32, #tpu.memory_space<vmem>>) target_semaphore(%arg18 : memref<!tpu.dma_semaphore, #tpu.memory_space<semaphore_mem>>)
      %dma_wait3A_218 = arith.constant 0 : i32
      %dma_wait3A_219 = tpu.memref_slice %arg4[%select_n3A_8, %dma_wait3A_218] : memref<2560x128xi32, #tpu.memory_space<hbm>> -> memref<1x128xi32, #tpu.memory_space<hbm>>
      %dma_wait3A_220 = arith.constant 0 : i32
      %dma_wait3A_221 = tpu.memref_slice %arg4[%select_n3A_8, %dma_wait3A_220] : memref<2560x128xi32, #tpu.memory_space<hbm>> -> memref<1x128xi32, #tpu.memory_space<hbm>>
      tpu.wait_dma2 semaphore(%arg20 : memref<!tpu.dma_semaphore, #tpu.memory_space<semaphore_mem>>) src(%dma_wait3A_221 : memref<1x128xi32, #tpu.memory_space<hbm>>) dst(%arg9 : memref<1x128xi32, #tpu.memory_space<vmem>>)
      %dma_start3A_222 = arith.constant 0 : i32
      %dma_start3A_223 = arith.constant 0 : i32
      %dma_start3A_224 = tpu.memref_slice %arg9[%dma_start3A_222, %dma_start3A_223] : memref<1x128xi32, #tpu.memory_space<vmem>> -> memref<1x128xi32, #tpu.memory_space<vmem>>
      %dma_start3A_225 = tpu.memref_squeeze %dma_start3A_224 : memref<1x128xi32, #tpu.memory_space<vmem>> -> memref<128xi32, #tpu.memory_space<vmem>>
      %dma_start3A_226 = arith.constant 0 : i32
      %dma_start3A_227 = arith.constant 0 : i32
      %dma_start3A_228 = tpu.memref_slice %arg13[%dma_start3A_226, %dma_start3A_227] : memref<10240x128xf32, #tpu.memory_space<vmem_shared>> -> memref<10240x128xf32, #tpu.memory_space<vmem_shared>>
      tpu.enqueue_indirect_dma source(%arg11 : memref<128x128xf32, #tpu.memory_space<vmem>>) target(%dma_start3A_228 : memref<10240x128xf32, #tpu.memory_space<vmem_shared>>) offsets(%dma_start3A_225 : memref<128xi32, #tpu.memory_space<vmem>>) semaphore(%arg16 : memref<!tpu.dma_semaphore, #tpu.memory_space<semaphore_mem>>) {add = true}
      %dma_wait3A_229 = arith.constant 0 : i32
      %dma_wait3A_230 = arith.constant 0 : i32
      %dma_wait3A_231 = tpu.memref_slice %arg9[%dma_wait3A_229, %dma_wait3A_230] : memref<1x128xi32, #tpu.memory_space<vmem>> -> memref<1x128xi32, #tpu.memory_space<vmem>>
      %dma_wait3A_232 = tpu.memref_squeeze %dma_wait3A_231 : memref<1x128xi32, #tpu.memory_space<vmem>> -> memref<128xi32, #tpu.memory_space<vmem>>
      %dma_wait3A_233 = arith.constant 0 : i32
      %dma_wait3A_234 = arith.constant 0 : i32
      %dma_wait3A_235 = tpu.memref_slice %arg13[%dma_wait3A_233, %dma_wait3A_234] : memref<10240x128xf32, #tpu.memory_space<vmem_shared>> -> memref<10240x128xf32, #tpu.memory_space<vmem_shared>>
      tpu.wait_indirect_dma semaphore(%arg16 : memref<!tpu.dma_semaphore, #tpu.memory_space<semaphore_mem>>) src(%arg11 : memref<128x128xf32, #tpu.memory_space<vmem>>) dst(%dma_wait3A_235 : memref<10240x128xf32, #tpu.memory_space<vmem_shared>>)
      %add3A_236 = arith.constant 2 : i32
      %add3A_237 = arith.addi %mul3A_183, %add3A_236 : i32
      %add3A_238 = arith.addi %select_n3A_8, %add3A_237 : i32
      %dma_start3A_239 = arith.constant 0 : i32
      %dma_start3A_240 = tpu.memref_slice %arg4[%add3A_238, %dma_start3A_239] : memref<2560x128xi32, #tpu.memory_space<hbm>> -> memref<1x128xi32, #tpu.memory_space<hbm>>
      %dma_start3A_241 = arith.constant 0 : i32
      %dma_start3A_242 = tpu.memref_slice %arg4[%add3A_238, %dma_start3A_241] : memref<2560x128xi32, #tpu.memory_space<hbm>> -> memref<1x128xi32, #tpu.memory_space<hbm>>
      tpu.enqueue_dma source(%dma_start3A_242 : memref<1x128xi32, #tpu.memory_space<hbm>>) target(%arg9 : memref<1x128xi32, #tpu.memory_space<vmem>>) target_semaphore(%arg20 : memref<!tpu.dma_semaphore, #tpu.memory_space<semaphore_mem>>)
      %dma_wait3A_243 = arith.constant 0 : i32
      %dma_wait3A_244 = tpu.memref_slice %arg3[%select_n3A_8, %dma_wait3A_243] : memref<2560x128xi32, #tpu.memory_space<hbm>> -> memref<1x128xi32, #tpu.memory_space<hbm>>
      %dma_wait3A_245 = arith.constant 0 : i32
      %dma_wait3A_246 = tpu.memref_slice %arg3[%select_n3A_8, %dma_wait3A_245] : memref<2560x128xi32, #tpu.memory_space<hbm>> -> memref<1x128xi32, #tpu.memory_space<hbm>>
      tpu.wait_dma2 semaphore(%arg18 : memref<!tpu.dma_semaphore, #tpu.memory_space<semaphore_mem>>) src(%dma_wait3A_246 : memref<1x128xi32, #tpu.memory_space<hbm>>) dst(%arg7 : memref<1x128xi32, #tpu.memory_space<vmem>>)
      %dma_start3A_247 = arith.constant 0 : i32
      %dma_start3A_248 = arith.constant 0 : i32
      %dma_start3A_249 = tpu.memref_slice %arg7[%dma_start3A_247, %dma_start3A_248] : memref<1x128xi32, #tpu.memory_space<vmem>> -> memref<1x128xi32, #tpu.memory_space<vmem>>
      %dma_start3A_250 = tpu.memref_squeeze %dma_start3A_249 : memref<1x128xi32, #tpu.memory_space<vmem>> -> memref<128xi32, #tpu.memory_space<vmem>>
      %dma_start3A_251 = arith.constant 0 : i32
      %dma_start3A_252 = arith.constant 0 : i32
      %dma_start3A_253 = tpu.memref_slice %arg2[%dma_start3A_251, %dma_start3A_252] : memref<10240x128xf32, #tpu.memory_space<hbm>> -> memref<10240x128xf32, #tpu.memory_space<hbm>>
      tpu.enqueue_indirect_dma source(%dma_start3A_253 : memref<10240x128xf32, #tpu.memory_space<hbm>>) target(%arg11 : memref<128x128xf32, #tpu.memory_space<vmem>>) offsets(%dma_start3A_250 : memref<128xi32, #tpu.memory_space<vmem>>) semaphore(%arg14 : memref<!tpu.dma_semaphore, #tpu.memory_space<semaphore_mem>>)
      %dma_wait3A_254 = arith.constant 0 : i32
      %dma_wait3A_255 = arith.constant 0 : i32
      %dma_wait3A_256 = tpu.memref_slice %arg8[%dma_wait3A_254, %dma_wait3A_255] : memref<1x128xi32, #tpu.memory_space<vmem>> -> memref<1x128xi32, #tpu.memory_space<vmem>>
      %dma_wait3A_257 = tpu.memref_squeeze %dma_wait3A_256 : memref<1x128xi32, #tpu.memory_space<vmem>> -> memref<128xi32, #tpu.memory_space<vmem>>
      %dma_wait3A_258 = arith.constant 0 : i32
      %dma_wait3A_259 = arith.constant 0 : i32
      %dma_wait3A_260 = tpu.memref_slice %arg2[%dma_wait3A_258, %dma_wait3A_259] : memref<10240x128xf32, #tpu.memory_space<hbm>> -> memref<10240x128xf32, #tpu.memory_space<hbm>>
      tpu.wait_indirect_dma semaphore(%arg15 : memref<!tpu.dma_semaphore, #tpu.memory_space<semaphore_mem>>) src(%dma_wait3A_260 : memref<10240x128xf32, #tpu.memory_space<hbm>>) dst(%arg12 : memref<128x128xf32, #tpu.memory_space<vmem>>)
      %add3A_261 = arith.constant 2 : i32
      %add3A_262 = arith.addi %add3A_185, %add3A_261 : i32
      %add3A_263 = arith.addi %select_n3A_8, %add3A_262 : i32
      %dma_start3A_264 = arith.constant 0 : i32
      %dma_start3A_265 = tpu.memref_slice %arg3[%add3A_263, %dma_start3A_264] : memref<2560x128xi32, #tpu.memory_space<hbm>> -> memref<1x128xi32, #tpu.memory_space<hbm>>
      %dma_start3A_266 = arith.constant 0 : i32
      %dma_start3A_267 = tpu.memref_slice %arg3[%add3A_263, %dma_start3A_266] : memref<2560x128xi32, #tpu.memory_space<hbm>> -> memref<1x128xi32, #tpu.memory_space<hbm>>
      tpu.enqueue_dma source(%dma_start3A_267 : memref<1x128xi32, #tpu.memory_space<hbm>>) target(%arg8 : memref<1x128xi32, #tpu.memory_space<vmem>>) target_semaphore(%arg19 : memref<!tpu.dma_semaphore, #tpu.memory_space<semaphore_mem>>)
      %dma_wait3A_268 = arith.constant 0 : i32
      %dma_wait3A_269 = tpu.memref_slice %arg4[%select_n3A_8, %dma_wait3A_268] : memref<2560x128xi32, #tpu.memory_space<hbm>> -> memref<1x128xi32, #tpu.memory_space<hbm>>
      %dma_wait3A_270 = arith.constant 0 : i32
      %dma_wait3A_271 = tpu.memref_slice %arg4[%select_n3A_8, %dma_wait3A_270] : memref<2560x128xi32, #tpu.memory_space<hbm>> -> memref<1x128xi32, #tpu.memory_space<hbm>>
      tpu.wait_dma2 semaphore(%arg21 : memref<!tpu.dma_semaphore, #tpu.memory_space<semaphore_mem>>) src(%dma_wait3A_271 : memref<1x128xi32, #tpu.memory_space<hbm>>) dst(%arg10 : memref<1x128xi32, #tpu.memory_space<vmem>>)
      %dma_start3A_272 = arith.constant 0 : i32
      %dma_start3A_273 = arith.constant 0 : i32
      %dma_start3A_274 = tpu.memref_slice %arg10[%dma_start3A_272, %dma_start3A_273] : memref<1x128xi32, #tpu.memory_space<vmem>> -> memref<1x128xi32, #tpu.memory_space<vmem>>
      %dma_start3A_275 = tpu.memref_squeeze %dma_start3A_274 : memref<1x128xi32, #tpu.memory_space<vmem>> -> memref<128xi32, #tpu.memory_space<vmem>>
      %dma_start3A_276 = arith.constant 0 : i32
      %dma_start3A_277 = arith.constant 0 : i32
      %dma_start3A_278 = tpu.memref_slice %arg13[%dma_start3A_276, %dma_start3A_277] : memref<10240x128xf32, #tpu.memory_space<vmem_shared>> -> memref<10240x128xf32, #tpu.memory_space<vmem_shared>>
      tpu.enqueue_indirect_dma source(%arg12 : memref<128x128xf32, #tpu.memory_space<vmem>>) target(%dma_start3A_278 : memref<10240x128xf32, #tpu.memory_space<vmem_shared>>) offsets(%dma_start3A_275 : memref<128xi32, #tpu.memory_space<vmem>>) semaphore(%arg17 : memref<!tpu.dma_semaphore, #tpu.memory_space<semaphore_mem>>) {add = true}
    }
    %dma_wait3A_85 = arith.constant 0 : i32
    %dma_wait3A_86 = arith.constant 0 : i32
    %dma_wait3A_87 = tpu.memref_slice %arg10[%dma_wait3A_85, %dma_wait3A_86] : memref<1x128xi32, #tpu.memory_space<vmem>> -> memref<1x128xi32, #tpu.memory_space<vmem>>
    %dma_wait3A_88 = tpu.memref_squeeze %dma_wait3A_87 : memref<1x128xi32, #tpu.memory_space<vmem>> -> memref<128xi32, #tpu.memory_space<vmem>>
    %dma_wait3A_89 = arith.constant 0 : i32
    %dma_wait3A_90 = arith.constant 0 : i32
    %dma_wait3A_91 = tpu.memref_slice %arg13[%dma_wait3A_89, %dma_wait3A_90] : memref<10240x128xf32, #tpu.memory_space<vmem_shared>> -> memref<10240x128xf32, #tpu.memory_space<vmem_shared>>
    tpu.wait_indirect_dma semaphore(%arg17 : memref<!tpu.dma_semaphore, #tpu.memory_space<semaphore_mem>>) src(%arg12 : memref<128x128xf32, #tpu.memory_space<vmem>>) dst(%dma_wait3A_91 : memref<10240x128xf32, #tpu.memory_space<vmem_shared>>)
    %sub3A_92 = arith.constant 1 : i32
    %sub3A_93 = arith.subi %select_n3A, %sub3A_92 : i32
    %add3A_94 = arith.addi %select_n3A_8, %sub3A_93 : i32
    %dma_start3A_95 = arith.constant 0 : i32
    %dma_start3A_96 = tpu.memref_slice %arg4[%add3A_94, %dma_start3A_95] : memref<2560x128xi32, #tpu.memory_space<hbm>> -> memref<1x128xi32, #tpu.memory_space<hbm>>
    %dma_start3A_97 = arith.constant 0 : i32
    %dma_start3A_98 = tpu.memref_slice %arg4[%add3A_94, %dma_start3A_97] : memref<2560x128xi32, #tpu.memory_space<hbm>> -> memref<1x128xi32, #tpu.memory_space<hbm>>
    tpu.enqueue_dma source(%dma_start3A_98 : memref<1x128xi32, #tpu.memory_space<hbm>>) target(%arg10 : memref<1x128xi32, #tpu.memory_space<vmem>>) target_semaphore(%arg21 : memref<!tpu.dma_semaphore, #tpu.memory_space<semaphore_mem>>)
    %dma_wait3A_99 = arith.constant 0 : i32
    %dma_wait3A_100 = tpu.memref_slice %arg3[%select_n3A_8, %dma_wait3A_99] : memref<2560x128xi32, #tpu.memory_space<hbm>> -> memref<1x128xi32, #tpu.memory_space<hbm>>
    %dma_wait3A_101 = arith.constant 0 : i32
    %dma_wait3A_102 = tpu.memref_slice %arg3[%select_n3A_8, %dma_wait3A_101] : memref<2560x128xi32, #tpu.memory_space<hbm>> -> memref<1x128xi32, #tpu.memory_space<hbm>>
    tpu.wait_dma2 semaphore(%arg19 : memref<!tpu.dma_semaphore, #tpu.memory_space<semaphore_mem>>) src(%dma_wait3A_102 : memref<1x128xi32, #tpu.memory_space<hbm>>) dst(%arg8 : memref<1x128xi32, #tpu.memory_space<vmem>>)
    %dma_start3A_103 = arith.constant 0 : i32
    %dma_start3A_104 = arith.constant 0 : i32
    %dma_start3A_105 = tpu.memref_slice %arg8[%dma_start3A_103, %dma_start3A_104] : memref<1x128xi32, #tpu.memory_space<vmem>> -> memref<1x128xi32, #tpu.memory_space<vmem>>
    %dma_start3A_106 = tpu.memref_squeeze %dma_start3A_105 : memref<1x128xi32, #tpu.memory_space<vmem>> -> memref<128xi32, #tpu.memory_space<vmem>>
    %dma_start3A_107 = arith.constant 0 : i32
    %dma_start3A_108 = arith.constant 0 : i32
    %dma_start3A_109 = tpu.memref_slice %arg2[%dma_start3A_107, %dma_start3A_108] : memref<10240x128xf32, #tpu.memory_space<hbm>> -> memref<10240x128xf32, #tpu.memory_space<hbm>>
    tpu.enqueue_indirect_dma source(%dma_start3A_109 : memref<10240x128xf32, #tpu.memory_space<hbm>>) target(%arg12 : memref<128x128xf32, #tpu.memory_space<vmem>>) offsets(%dma_start3A_106 : memref<128xi32, #tpu.memory_space<vmem>>) semaphore(%arg15 : memref<!tpu.dma_semaphore, #tpu.memory_space<semaphore_mem>>)
    %dma_wait3A_110 = arith.constant 0 : i32
    %dma_wait3A_111 = arith.constant 0 : i32
    %dma_wait3A_112 = tpu.memref_slice %arg7[%dma_wait3A_110, %dma_wait3A_111] : memref<1x128xi32, #tpu.memory_space<vmem>> -> memref<1x128xi32, #tpu.memory_space<vmem>>
    %dma_wait3A_113 = tpu.memref_squeeze %dma_wait3A_112 : memref<1x128xi32, #tpu.memory_space<vmem>> -> memref<128xi32, #tpu.memory_space<vmem>>
    %dma_wait3A_114 = arith.constant 0 : i32
    %dma_wait3A_115 = arith.constant 0 : i32
    %dma_wait3A_116 = tpu.memref_slice %arg2[%dma_wait3A_114, %dma_wait3A_115] : memref<10240x128xf32, #tpu.memory_space<hbm>> -> memref<10240x128xf32, #tpu.memory_space<hbm>>
    tpu.wait_indirect_dma semaphore(%arg14 : memref<!tpu.dma_semaphore, #tpu.memory_space<semaphore_mem>>) src(%dma_wait3A_116 : memref<10240x128xf32, #tpu.memory_space<hbm>>) dst(%arg11 : memref<128x128xf32, #tpu.memory_space<vmem>>)
    %dma_wait3A_117 = arith.constant 0 : i32
    %dma_wait3A_118 = tpu.memref_slice %arg4[%select_n3A_8, %dma_wait3A_117] : memref<2560x128xi32, #tpu.memory_space<hbm>> -> memref<1x128xi32, #tpu.memory_space<hbm>>
    %dma_wait3A_119 = arith.constant 0 : i32
    %dma_wait3A_120 = tpu.memref_slice %arg4[%select_n3A_8, %dma_wait3A_119] : memref<2560x128xi32, #tpu.memory_space<hbm>> -> memref<1x128xi32, #tpu.memory_space<hbm>>
    tpu.wait_dma2 semaphore(%arg20 : memref<!tpu.dma_semaphore, #tpu.memory_space<semaphore_mem>>) src(%dma_wait3A_120 : memref<1x128xi32, #tpu.memory_space<hbm>>) dst(%arg9 : memref<1x128xi32, #tpu.memory_space<vmem>>)
    %dma_start3A_121 = arith.constant 0 : i32
    %dma_start3A_122 = arith.constant 0 : i32
    %dma_start3A_123 = tpu.memref_slice %arg9[%dma_start3A_121, %dma_start3A_122] : memref<1x128xi32, #tpu.memory_space<vmem>> -> memref<1x128xi32, #tpu.memory_space<vmem>>
    %dma_start3A_124 = tpu.memref_squeeze %dma_start3A_123 : memref<1x128xi32, #tpu.memory_space<vmem>> -> memref<128xi32, #tpu.memory_space<vmem>>
    %dma_start3A_125 = arith.constant 0 : i32
    %dma_start3A_126 = arith.constant 0 : i32
    %dma_start3A_127 = tpu.memref_slice %arg13[%dma_start3A_125, %dma_start3A_126] : memref<10240x128xf32, #tpu.memory_space<vmem_shared>> -> memref<10240x128xf32, #tpu.memory_space<vmem_shared>>
    tpu.enqueue_indirect_dma source(%arg11 : memref<128x128xf32, #tpu.memory_space<vmem>>) target(%dma_start3A_127 : memref<10240x128xf32, #tpu.memory_space<vmem_shared>>) offsets(%dma_start3A_124 : memref<128xi32, #tpu.memory_space<vmem>>) semaphore(%arg16 : memref<!tpu.dma_semaphore, #tpu.memory_space<semaphore_mem>>) {add = true}
    %dma_wait3A_128 = arith.constant 0 : i32
    %dma_wait3A_129 = arith.constant 0 : i32
    %dma_wait3A_130 = tpu.memref_slice %arg9[%dma_wait3A_128, %dma_wait3A_129] : memref<1x128xi32, #tpu.memory_space<vmem>> -> memref<1x128xi32, #tpu.memory_space<vmem>>
    %dma_wait3A_131 = tpu.memref_squeeze %dma_wait3A_130 : memref<1x128xi32, #tpu.memory_space<vmem>> -> memref<128xi32, #tpu.memory_space<vmem>>
    %dma_wait3A_132 = arith.constant 0 : i32
    %dma_wait3A_133 = arith.constant 0 : i32
    %dma_wait3A_134 = tpu.memref_slice %arg13[%dma_wait3A_132, %dma_wait3A_133] : memref<10240x128xf32, #tpu.memory_space<vmem_shared>> -> memref<10240x128xf32, #tpu.memory_space<vmem_shared>>
    tpu.wait_indirect_dma semaphore(%arg16 : memref<!tpu.dma_semaphore, #tpu.memory_space<semaphore_mem>>) src(%arg11 : memref<128x128xf32, #tpu.memory_space<vmem>>) dst(%dma_wait3A_134 : memref<10240x128xf32, #tpu.memory_space<vmem_shared>>)
    %dma_wait3A_135 = arith.constant 0 : i32
    %dma_wait3A_136 = arith.constant 0 : i32
    %dma_wait3A_137 = tpu.memref_slice %arg8[%dma_wait3A_135, %dma_wait3A_136] : memref<1x128xi32, #tpu.memory_space<vmem>> -> memref<1x128xi32, #tpu.memory_space<vmem>>
    %dma_wait3A_138 = tpu.memref_squeeze %dma_wait3A_137 : memref<1x128xi32, #tpu.memory_space<vmem>> -> memref<128xi32, #tpu.memory_space<vmem>>
    %dma_wait3A_139 = arith.constant 0 : i32
    %dma_wait3A_140 = arith.constant 0 : i32
    %dma_wait3A_141 = tpu.memref_slice %arg2[%dma_wait3A_139, %dma_wait3A_140] : memref<10240x128xf32, #tpu.memory_space<hbm>> -> memref<10240x128xf32, #tpu.memory_space<hbm>>
    tpu.wait_indirect_dma semaphore(%arg15 : memref<!tpu.dma_semaphore, #tpu.memory_space<semaphore_mem>>) src(%dma_wait3A_141 : memref<10240x128xf32, #tpu.memory_space<hbm>>) dst(%arg12 : memref<128x128xf32, #tpu.memory_space<vmem>>)
    %dma_wait3A_142 = arith.constant 0 : i32
    %dma_wait3A_143 = tpu.memref_slice %arg4[%select_n3A_8, %dma_wait3A_142] : memref<2560x128xi32, #tpu.memory_space<hbm>> -> memref<1x128xi32, #tpu.memory_space<hbm>>
    %dma_wait3A_144 = arith.constant 0 : i32
    %dma_wait3A_145 = tpu.memref_slice %arg4[%select_n3A_8, %dma_wait3A_144] : memref<2560x128xi32, #tpu.memory_space<hbm>> -> memref<1x128xi32, #tpu.memory_space<hbm>>
    tpu.wait_dma2 semaphore(%arg21 : memref<!tpu.dma_semaphore, #tpu.memory_space<semaphore_mem>>) src(%dma_wait3A_145 : memref<1x128xi32, #tpu.memory_space<hbm>>) dst(%arg10 : memref<1x128xi32, #tpu.memory_space<vmem>>)
    %dma_start3A_146 = arith.constant 0 : i32
    %dma_start3A_147 = arith.constant 0 : i32
    %dma_start3A_148 = tpu.memref_slice %arg10[%dma_start3A_146, %dma_start3A_147] : memref<1x128xi32, #tpu.memory_space<vmem>> -> memref<1x128xi32, #tpu.memory_space<vmem>>
    %dma_start3A_149 = tpu.memref_squeeze %dma_start3A_148 : memref<1x128xi32, #tpu.memory_space<vmem>> -> memref<128xi32, #tpu.memory_space<vmem>>
    %dma_start3A_150 = arith.constant 0 : i32
    %dma_start3A_151 = arith.constant 0 : i32
    %dma_start3A_152 = tpu.memref_slice %arg13[%dma_start3A_150, %dma_start3A_151] : memref<10240x128xf32, #tpu.memory_space<vmem_shared>> -> memref<10240x128xf32, #tpu.memory_space<vmem_shared>>
    tpu.enqueue_indirect_dma source(%arg12 : memref<128x128xf32, #tpu.memory_space<vmem>>) target(%dma_start3A_152 : memref<10240x128xf32, #tpu.memory_space<vmem_shared>>) offsets(%dma_start3A_149 : memref<128xi32, #tpu.memory_space<vmem>>) semaphore(%arg17 : memref<!tpu.dma_semaphore, #tpu.memory_space<semaphore_mem>>) {add = true}
    %dma_wait3A_153 = arith.constant 0 : i32
    %dma_wait3A_154 = arith.constant 0 : i32
    %dma_wait3A_155 = tpu.memref_slice %arg10[%dma_wait3A_153, %dma_wait3A_154] : memref<1x128xi32, #tpu.memory_space<vmem>> -> memref<1x128xi32, #tpu.memory_space<vmem>>
    %dma_wait3A_156 = tpu.memref_squeeze %dma_wait3A_155 : memref<1x128xi32, #tpu.memory_space<vmem>> -> memref<128xi32, #tpu.memory_space<vmem>>
    %dma_wait3A_157 = arith.constant 0 : i32
    %dma_wait3A_158 = arith.constant 0 : i32
    %dma_wait3A_159 = tpu.memref_slice %arg13[%dma_wait3A_157, %dma_wait3A_158] : memref<10240x128xf32, #tpu.memory_space<vmem_shared>> -> memref<10240x128xf32, #tpu.memory_space<vmem_shared>>
    tpu.wait_indirect_dma semaphore(%arg17 : memref<!tpu.dma_semaphore, #tpu.memory_space<semaphore_mem>>) src(%arg12 : memref<128x128xf32, #tpu.memory_space<vmem>>) dst(%dma_wait3A_159 : memref<10240x128xf32, #tpu.memory_space<vmem_shared>>)
    %barrier3A_160 = arith.constant 0 : index
    tpu.barrier barrier_id(%barrier3A_160)
    %mul3A_161 = arith.constant 640 : i32
    %mul3A_162 = arith.muli %arg1, %mul3A_161 : i32
    %add3A_163 = arith.constant 0 : i32
    %add3A_164 = arith.addi %mul3A_162, %add3A_163 : i32
    "tpu.region"() ({
      %run_scoped3A = tpu.sem_alloc : memref<!tpu.dma_semaphore, #tpu.memory_space<semaphore_mem>>
      %dma_start3A_181 = arith.constant 0 : i32
      %dma_start3A_182 = tpu.memref_slice %arg13[%add3A_164, %dma_start3A_181] : memref<10240x128xf32, #tpu.memory_space<vmem_shared>> -> memref<128x128xf32, #tpu.memory_space<vmem_shared>>
      %dma_start3A_183 = arith.constant 0 : i32
      %dma_start3A_184 = tpu.memref_slice %arg13[%add3A_164, %dma_start3A_183] : memref<10240x128xf32, #tpu.memory_space<vmem_shared>> -> memref<128x128xf32, #tpu.memory_space<vmem_shared>>
      tpu.enqueue_dma source(%dma_start3A_184 : memref<128x128xf32, #tpu.memory_space<vmem_shared>>) target(%arg11 : memref<128x128xf32, #tpu.memory_space<vmem>>) target_semaphore(%run_scoped3A : memref<!tpu.dma_semaphore, #tpu.memory_space<semaphore_mem>>)
      %dma_wait3A_185 = arith.constant 0 : i32
      %dma_wait3A_186 = tpu.memref_slice %arg13[%add3A_164, %dma_wait3A_185] : memref<10240x128xf32, #tpu.memory_space<vmem_shared>> -> memref<128x128xf32, #tpu.memory_space<vmem_shared>>
      %dma_wait3A_187 = arith.constant 0 : i32
      %dma_wait3A_188 = tpu.memref_slice %arg13[%add3A_164, %dma_wait3A_187] : memref<10240x128xf32, #tpu.memory_space<vmem_shared>> -> memref<128x128xf32, #tpu.memory_space<vmem_shared>>
      tpu.wait_dma2 semaphore(%run_scoped3A : memref<!tpu.dma_semaphore, #tpu.memory_space<semaphore_mem>>) src(%dma_wait3A_188 : memref<128x128xf32, #tpu.memory_space<vmem_shared>>) dst(%arg11 : memref<128x128xf32, #tpu.memory_space<vmem>>)
      tpu.yield
    }) : () -> ()
    "tpu.region"() ({
      %run_scoped3A = tpu.sem_alloc : memref<!tpu.dma_semaphore, #tpu.memory_space<semaphore_mem>>
      %dma_start3A_181 = arith.constant 0 : i32
      %dma_start3A_182 = tpu.memref_slice %arg6[%arg0, %add3A_164, %dma_start3A_181] : memref<2x10240x128xf32, #tpu.memory_space<hbm>> -> memref<1x128x128xf32, #tpu.memory_space<hbm>>
      %dma_start3A_183 = tpu.memref_squeeze %dma_start3A_182 : memref<1x128x128xf32, #tpu.memory_space<hbm>> -> memref<128x128xf32, #tpu.memory_space<hbm>>
      %dma_start3A_184 = arith.constant 0 : i32
      %dma_start3A_185 = tpu.memref_slice %arg6[%arg0, %add3A_164, %dma_start3A_184] : memref<2x10240x128xf32, #tpu.memory_space<hbm>> -> memref<1x128x128xf32, #tpu.memory_space<hbm>>
      %dma_start3A_186 = tpu.memref_squeeze %dma_start3A_185 : memref<1x128x128xf32, #tpu.memory_space<hbm>> -> memref<128x128xf32, #tpu.memory_space<hbm>>
      tpu.enqueue_dma source(%arg11 : memref<128x128xf32, #tpu.memory_space<vmem>>) target(%dma_start3A_186 : memref<128x128xf32, #tpu.memory_space<hbm>>) target_semaphore(%run_scoped3A : memref<!tpu.dma_semaphore, #tpu.memory_space<semaphore_mem>>)
      %dma_wait3A_187 = arith.constant 0 : i32
      %dma_wait3A_188 = tpu.memref_slice %arg6[%arg0, %add3A_164, %dma_wait3A_187] : memref<2x10240x128xf32, #tpu.memory_space<hbm>> -> memref<1x128x128xf32, #tpu.memory_space<hbm>>
      %dma_wait3A_189 = tpu.memref_squeeze %dma_wait3A_188 : memref<1x128x128xf32, #tpu.memory_space<hbm>> -> memref<128x128xf32, #tpu.memory_space<hbm>>
      %dma_wait3A_190 = arith.constant 0 : i32
      %dma_wait3A_191 = tpu.memref_slice %arg6[%arg0, %add3A_164, %dma_wait3A_190] : memref<2x10240x128xf32, #tpu.memory_space<hbm>> -> memref<1x128x128xf32, #tpu.memory_space<hbm>>
      %dma_wait3A_192 = tpu.memref_squeeze %dma_wait3A_191 : memref<1x128x128xf32, #tpu.memory_space<hbm>> -> memref<128x128xf32, #tpu.memory_space<hbm>>
      tpu.wait_dma2 semaphore(%run_scoped3A : memref<!tpu.dma_semaphore, #tpu.memory_space<semaphore_mem>>) src(%arg11 : memref<128x128xf32, #tpu.memory_space<vmem>>) dst(%dma_wait3A_192 : memref<128x128xf32, #tpu.memory_space<hbm>>)
      tpu.yield
    }) : () -> ()
    %mul3A_165 = arith.constant 640 : i32
    %mul3A_166 = arith.muli %arg1, %mul3A_165 : i32
    %add3A_167 = arith.constant 128 : i32
    %add3A_168 = arith.addi %mul3A_166, %add3A_167 : i32
    "tpu.region"() ({
      %run_scoped3A = tpu.sem_alloc : memref<!tpu.dma_semaphore, #tpu.memory_space<semaphore_mem>>
      %dma_start3A_181 = arith.constant 0 : i32
      %dma_start3A_182 = tpu.memref_slice %arg13[%add3A_168, %dma_start3A_181] : memref<10240x128xf32, #tpu.memory_space<vmem_shared>> -> memref<128x128xf32, #tpu.memory_space<vmem_shared>>
      %dma_start3A_183 = arith.constant 0 : i32
      %dma_start3A_184 = tpu.memref_slice %arg13[%add3A_168, %dma_start3A_183] : memref<10240x128xf32, #tpu.memory_space<vmem_shared>> -> memref<128x128xf32, #tpu.memory_space<vmem_shared>>
      tpu.enqueue_dma source(%dma_start3A_184 : memref<128x128xf32, #tpu.memory_space<vmem_shared>>) target(%arg11 : memref<128x128xf32, #tpu.memory_space<vmem>>) target_semaphore(%run_scoped3A : memref<!tpu.dma_semaphore, #tpu.memory_space<semaphore_mem>>)
      %dma_wait3A_185 = arith.constant 0 : i32
      %dma_wait3A_186 = tpu.memref_slice %arg13[%add3A_168, %dma_wait3A_185] : memref<10240x128xf32, #tpu.memory_space<vmem_shared>> -> memref<128x128xf32, #tpu.memory_space<vmem_shared>>
      %dma_wait3A_187 = arith.constant 0 : i32
      %dma_wait3A_188 = tpu.memref_slice %arg13[%add3A_168, %dma_wait3A_187] : memref<10240x128xf32, #tpu.memory_space<vmem_shared>> -> memref<128x128xf32, #tpu.memory_space<vmem_shared>>
      tpu.wait_dma2 semaphore(%run_scoped3A : memref<!tpu.dma_semaphore, #tpu.memory_space<semaphore_mem>>) src(%dma_wait3A_188 : memref<128x128xf32, #tpu.memory_space<vmem_shared>>) dst(%arg11 : memref<128x128xf32, #tpu.memory_space<vmem>>)
      tpu.yield
    }) : () -> ()
    "tpu.region"() ({
      %run_scoped3A = tpu.sem_alloc : memref<!tpu.dma_semaphore, #tpu.memory_space<semaphore_mem>>
      %dma_start3A_181 = arith.constant 0 : i32
      %dma_start3A_182 = tpu.memref_slice %arg6[%arg0, %add3A_168, %dma_start3A_181] : memref<2x10240x128xf32, #tpu.memory_space<hbm>> -> memref<1x128x128xf32, #tpu.memory_space<hbm>>
      %dma_start3A_183 = tpu.memref_squeeze %dma_start3A_182 : memref<1x128x128xf32, #tpu.memory_space<hbm>> -> memref<128x128xf32, #tpu.memory_space<hbm>>
      %dma_start3A_184 = arith.constant 0 : i32
      %dma_start3A_185 = tpu.memref_slice %arg6[%arg0, %add3A_168, %dma_start3A_184] : memref<2x10240x128xf32, #tpu.memory_space<hbm>> -> memref<1x128x128xf32, #tpu.memory_space<hbm>>
      %dma_start3A_186 = tpu.memref_squeeze %dma_start3A_185 : memref<1x128x128xf32, #tpu.memory_space<hbm>> -> memref<128x128xf32, #tpu.memory_space<hbm>>
      tpu.enqueue_dma source(%arg11 : memref<128x128xf32, #tpu.memory_space<vmem>>) target(%dma_start3A_186 : memref<128x128xf32, #tpu.memory_space<hbm>>) target_semaphore(%run_scoped3A : memref<!tpu.dma_semaphore, #tpu.memory_space<semaphore_mem>>)
      %dma_wait3A_187 = arith.constant 0 : i32
      %dma_wait3A_188 = tpu.memref_slice %arg6[%arg0, %add3A_168, %dma_wait3A_187] : memref<2x10240x128xf32, #tpu.memory_space<hbm>> -> memref<1x128x128xf32, #tpu.memory_space<hbm>>
      %dma_wait3A_189 = tpu.memref_squeeze %dma_wait3A_188 : memref<1x128x128xf32, #tpu.memory_space<hbm>> -> memref<128x128xf32, #tpu.memory_space<hbm>>
      %dma_wait3A_190 = arith.constant 0 : i32
      %dma_wait3A_191 = tpu.memref_slice %arg6[%arg0, %add3A_168, %dma_wait3A_190] : memref<2x10240x128xf32, #tpu.memory_space<hbm>> -> memref<1x128x128xf32, #tpu.memory_space<hbm>>
      %dma_wait3A_192 = tpu.memref_squeeze %dma_wait3A_191 : memref<1x128x128xf32, #tpu.memory_space<hbm>> -> memref<128x128xf32, #tpu.memory_space<hbm>>
      tpu.wait_dma2 semaphore(%run_scoped3A : memref<!tpu.dma_semaphore, #tpu.memory_space<semaphore_mem>>) src(%arg11 : memref<128x128xf32, #tpu.memory_space<vmem>>) dst(%dma_wait3A_192 : memref<128x128xf32, #tpu.memory_space<hbm>>)
      tpu.yield
    }) : () -> ()
    %mul3A_169 = arith.constant 640 : i32
    %mul3A_170 = arith.muli %arg1, %mul3A_169 : i32
    %add3A_171 = arith.constant 256 : i32
    %add3A_172 = arith.addi %mul3A_170, %add3A_171 : i32
    "tpu.region"() ({
      %run_scoped3A = tpu.sem_alloc : memref<!tpu.dma_semaphore, #tpu.memory_space<semaphore_mem>>
      %dma_start3A_181 = arith.constant 0 : i32
      %dma_start3A_182 = tpu.memref_slice %arg13[%add3A_172, %dma_start3A_181] : memref<10240x128xf32, #tpu.memory_space<vmem_shared>> -> memref<128x128xf32, #tpu.memory_space<vmem_shared>>
      %dma_start3A_183 = arith.constant 0 : i32
      %dma_start3A_184 = tpu.memref_slice %arg13[%add3A_172, %dma_start3A_183] : memref<10240x128xf32, #tpu.memory_space<vmem_shared>> -> memref<128x128xf32, #tpu.memory_space<vmem_shared>>
      tpu.enqueue_dma source(%dma_start3A_184 : memref<128x128xf32, #tpu.memory_space<vmem_shared>>) target(%arg11 : memref<128x128xf32, #tpu.memory_space<vmem>>) target_semaphore(%run_scoped3A : memref<!tpu.dma_semaphore, #tpu.memory_space<semaphore_mem>>)
      %dma_wait3A_185 = arith.constant 0 : i32
      %dma_wait3A_186 = tpu.memref_slice %arg13[%add3A_172, %dma_wait3A_185] : memref<10240x128xf32, #tpu.memory_space<vmem_shared>> -> memref<128x128xf32, #tpu.memory_space<vmem_shared>>
      %dma_wait3A_187 = arith.constant 0 : i32
      %dma_wait3A_188 = tpu.memref_slice %arg13[%add3A_172, %dma_wait3A_187] : memref<10240x128xf32, #tpu.memory_space<vmem_shared>> -> memref<128x128xf32, #tpu.memory_space<vmem_shared>>
      tpu.wait_dma2 semaphore(%run_scoped3A : memref<!tpu.dma_semaphore, #tpu.memory_space<semaphore_mem>>) src(%dma_wait3A_188 : memref<128x128xf32, #tpu.memory_space<vmem_shared>>) dst(%arg11 : memref<128x128xf32, #tpu.memory_space<vmem>>)
      tpu.yield
    }) : () -> ()
    "tpu.region"() ({
      %run_scoped3A = tpu.sem_alloc : memref<!tpu.dma_semaphore, #tpu.memory_space<semaphore_mem>>
      %dma_start3A_181 = arith.constant 0 : i32
      %dma_start3A_182 = tpu.memref_slice %arg6[%arg0, %add3A_172, %dma_start3A_181] : memref<2x10240x128xf32, #tpu.memory_space<hbm>> -> memref<1x128x128xf32, #tpu.memory_space<hbm>>
      %dma_start3A_183 = tpu.memref_squeeze %dma_start3A_182 : memref<1x128x128xf32, #tpu.memory_space<hbm>> -> memref<128x128xf32, #tpu.memory_space<hbm>>
      %dma_start3A_184 = arith.constant 0 : i32
      %dma_start3A_185 = tpu.memref_slice %arg6[%arg0, %add3A_172, %dma_start3A_184] : memref<2x10240x128xf32, #tpu.memory_space<hbm>> -> memref<1x128x128xf32, #tpu.memory_space<hbm>>
      %dma_start3A_186 = tpu.memref_squeeze %dma_start3A_185 : memref<1x128x128xf32, #tpu.memory_space<hbm>> -> memref<128x128xf32, #tpu.memory_space<hbm>>
      tpu.enqueue_dma source(%arg11 : memref<128x128xf32, #tpu.memory_space<vmem>>) target(%dma_start3A_186 : memref<128x128xf32, #tpu.memory_space<hbm>>) target_semaphore(%run_scoped3A : memref<!tpu.dma_semaphore, #tpu.memory_space<semaphore_mem>>)
      %dma_wait3A_187 = arith.constant 0 : i32
      %dma_wait3A_188 = tpu.memref_slice %arg6[%arg0, %add3A_172, %dma_wait3A_187] : memref<2x10240x128xf32, #tpu.memory_space<hbm>> -> memref<1x128x128xf32, #tpu.memory_space<hbm>>
      %dma_wait3A_189 = tpu.memref_squeeze %dma_wait3A_188 : memref<1x128x128xf32, #tpu.memory_space<hbm>> -> memref<128x128xf32, #tpu.memory_space<hbm>>
      %dma_wait3A_190 = arith.constant 0 : i32
      %dma_wait3A_191 = tpu.memref_slice %arg6[%arg0, %add3A_172, %dma_wait3A_190] : memref<2x10240x128xf32, #tpu.memory_space<hbm>> -> memref<1x128x128xf32, #tpu.memory_space<hbm>>
      %dma_wait3A_192 = tpu.memref_squeeze %dma_wait3A_191 : memref<1x128x128xf32, #tpu.memory_space<hbm>> -> memref<128x128xf32, #tpu.memory_space<hbm>>
      tpu.wait_dma2 semaphore(%run_scoped3A : memref<!tpu.dma_semaphore, #tpu.memory_space<semaphore_mem>>) src(%arg11 : memref<128x128xf32, #tpu.memory_space<vmem>>) dst(%dma_wait3A_192 : memref<128x128xf32, #tpu.memory_space<hbm>>)
      tpu.yield
    }) : () -> ()
    %mul3A_173 = arith.constant 640 : i32
    %mul3A_174 = arith.muli %arg1, %mul3A_173 : i32
    %add3A_175 = arith.constant 384 : i32
    %add3A_176 = arith.addi %mul3A_174, %add3A_175 : i32
    "tpu.region"() ({
      %run_scoped3A = tpu.sem_alloc : memref<!tpu.dma_semaphore, #tpu.memory_space<semaphore_mem>>
      %dma_start3A_181 = arith.constant 0 : i32
      %dma_start3A_182 = tpu.memref_slice %arg13[%add3A_176, %dma_start3A_181] : memref<10240x128xf32, #tpu.memory_space<vmem_shared>> -> memref<128x128xf32, #tpu.memory_space<vmem_shared>>
      %dma_start3A_183 = arith.constant 0 : i32
      %dma_start3A_184 = tpu.memref_slice %arg13[%add3A_176, %dma_start3A_183] : memref<10240x128xf32, #tpu.memory_space<vmem_shared>> -> memref<128x128xf32, #tpu.memory_space<vmem_shared>>
      tpu.enqueue_dma source(%dma_start3A_184 : memref<128x128xf32, #tpu.memory_space<vmem_shared>>) target(%arg11 : memref<128x128xf32, #tpu.memory_space<vmem>>) target_semaphore(%run_scoped3A : memref<!tpu.dma_semaphore, #tpu.memory_space<semaphore_mem>>)
      %dma_wait3A_185 = arith.constant 0 : i32
      %dma_wait3A_186 = tpu.memref_slice %arg13[%add3A_176, %dma_wait3A_185] : memref<10240x128xf32, #tpu.memory_space<vmem_shared>> -> memref<128x128xf32, #tpu.memory_space<vmem_shared>>
      %dma_wait3A_187 = arith.constant 0 : i32
      %dma_wait3A_188 = tpu.memref_slice %arg13[%add3A_176, %dma_wait3A_187] : memref<10240x128xf32, #tpu.memory_space<vmem_shared>> -> memref<128x128xf32, #tpu.memory_space<vmem_shared>>
      tpu.wait_dma2 semaphore(%run_scoped3A : memref<!tpu.dma_semaphore, #tpu.memory_space<semaphore_mem>>) src(%dma_wait3A_188 : memref<128x128xf32, #tpu.memory_space<vmem_shared>>) dst(%arg11 : memref<128x128xf32, #tpu.memory_space<vmem>>)
      tpu.yield
    }) : () -> ()
    "tpu.region"() ({
      %run_scoped3A = tpu.sem_alloc : memref<!tpu.dma_semaphore, #tpu.memory_space<semaphore_mem>>
      %dma_start3A_181 = arith.constant 0 : i32
      %dma_start3A_182 = tpu.memref_slice %arg6[%arg0, %add3A_176, %dma_start3A_181] : memref<2x10240x128xf32, #tpu.memory_space<hbm>> -> memref<1x128x128xf32, #tpu.memory_space<hbm>>
      %dma_start3A_183 = tpu.memref_squeeze %dma_start3A_182 : memref<1x128x128xf32, #tpu.memory_space<hbm>> -> memref<128x128xf32, #tpu.memory_space<hbm>>
      %dma_start3A_184 = arith.constant 0 : i32
      %dma_start3A_185 = tpu.memref_slice %arg6[%arg0, %add3A_176, %dma_start3A_184] : memref<2x10240x128xf32, #tpu.memory_space<hbm>> -> memref<1x128x128xf32, #tpu.memory_space<hbm>>
      %dma_start3A_186 = tpu.memref_squeeze %dma_start3A_185 : memref<1x128x128xf32, #tpu.memory_space<hbm>> -> memref<128x128xf32, #tpu.memory_space<hbm>>
      tpu.enqueue_dma source(%arg11 : memref<128x128xf32, #tpu.memory_space<vmem>>) target(%dma_start3A_186 : memref<128x128xf32, #tpu.memory_space<hbm>>) target_semaphore(%run_scoped3A : memref<!tpu.dma_semaphore, #tpu.memory_space<semaphore_mem>>)
      %dma_wait3A_187 = arith.constant 0 : i32
      %dma_wait3A_188 = tpu.memref_slice %arg6[%arg0, %add3A_176, %dma_wait3A_187] : memref<2x10240x128xf32, #tpu.memory_space<hbm>> -> memref<1x128x128xf32, #tpu.memory_space<hbm>>
      %dma_wait3A_189 = tpu.memref_squeeze %dma_wait3A_188 : memref<1x128x128xf32, #tpu.memory_space<hbm>> -> memref<128x128xf32, #tpu.memory_space<hbm>>
      %dma_wait3A_190 = arith.constant 0 : i32
      %dma_wait3A_191 = tpu.memref_slice %arg6[%arg0, %add3A_176, %dma_wait3A_190] : memref<2x10240x128xf32, #tpu.memory_space<hbm>> -> memref<1x128x128xf32, #tpu.memory_space<hbm>>
      %dma_wait3A_192 = tpu.memref_squeeze %dma_wait3A_191 : memref<1x128x128xf32, #tpu.memory_space<hbm>> -> memref<128x128xf32, #tpu.memory_space<hbm>>
      tpu.wait_dma2 semaphore(%run_scoped3A : memref<!tpu.dma_semaphore, #tpu.memory_space<semaphore_mem>>) src(%arg11 : memref<128x128xf32, #tpu.memory_space<vmem>>) dst(%dma_wait3A_192 : memref<128x128xf32, #tpu.memory_space<hbm>>)
      tpu.yield
    }) : () -> ()
    %mul3A_177 = arith.constant 640 : i32
    %mul3A_178 = arith.muli %arg1, %mul3A_177 : i32
    %add3A_179 = arith.constant 512 : i32
    %add3A_180 = arith.addi %mul3A_178, %add3A_179 : i32
    "tpu.region"() ({
      %run_scoped3A = tpu.sem_alloc : memref<!tpu.dma_semaphore, #tpu.memory_space<semaphore_mem>>
      %dma_start3A_181 = arith.constant 0 : i32
      %dma_start3A_182 = tpu.memref_slice %arg13[%add3A_180, %dma_start3A_181] : memref<10240x128xf32, #tpu.memory_space<vmem_shared>> -> memref<128x128xf32, #tpu.memory_space<vmem_shared>>
      %dma_start3A_183 = arith.constant 0 : i32
      %dma_start3A_184 = tpu.memref_slice %arg13[%add3A_180, %dma_start3A_183] : memref<10240x128xf32, #tpu.memory_space<vmem_shared>> -> memref<128x128xf32, #tpu.memory_space<vmem_shared>>
      tpu.enqueue_dma source(%dma_start3A_184 : memref<128x128xf32, #tpu.memory_space<vmem_shared>>) target(%arg11 : memref<128x128xf32, #tpu.memory_space<vmem>>) target_semaphore(%run_scoped3A : memref<!tpu.dma_semaphore, #tpu.memory_space<semaphore_mem>>)
      %dma_wait3A_185 = arith.constant 0 : i32
      %dma_wait3A_186 = tpu.memref_slice %arg13[%add3A_180, %dma_wait3A_185] : memref<10240x128xf32, #tpu.memory_space<vmem_shared>> -> memref<128x128xf32, #tpu.memory_space<vmem_shared>>
      %dma_wait3A_187 = arith.constant 0 : i32
      %dma_wait3A_188 = tpu.memref_slice %arg13[%add3A_180, %dma_wait3A_187] : memref<10240x128xf32, #tpu.memory_space<vmem_shared>> -> memref<128x128xf32, #tpu.memory_space<vmem_shared>>
      tpu.wait_dma2 semaphore(%run_scoped3A : memref<!tpu.dma_semaphore, #tpu.memory_space<semaphore_mem>>) src(%dma_wait3A_188 : memref<128x128xf32, #tpu.memory_space<vmem_shared>>) dst(%arg11 : memref<128x128xf32, #tpu.memory_space<vmem>>)
      tpu.yield
    }) : () -> ()
    "tpu.region"() ({
      %run_scoped3A = tpu.sem_alloc : memref<!tpu.dma_semaphore, #tpu.memory_space<semaphore_mem>>
      %dma_start3A_181 = arith.constant 0 : i32
      %dma_start3A_182 = tpu.memref_slice %arg6[%arg0, %add3A_180, %dma_start3A_181] : memref<2x10240x128xf32, #tpu.memory_space<hbm>> -> memref<1x128x128xf32, #tpu.memory_space<hbm>>
      %dma_start3A_183 = tpu.memref_squeeze %dma_start3A_182 : memref<1x128x128xf32, #tpu.memory_space<hbm>> -> memref<128x128xf32, #tpu.memory_space<hbm>>
      %dma_start3A_184 = arith.constant 0 : i32
      %dma_start3A_185 = tpu.memref_slice %arg6[%arg0, %add3A_180, %dma_start3A_184] : memref<2x10240x128xf32, #tpu.memory_space<hbm>> -> memref<1x128x128xf32, #tpu.memory_space<hbm>>
      %dma_start3A_186 = tpu.memref_squeeze %dma_start3A_185 : memref<1x128x128xf32, #tpu.memory_space<hbm>> -> memref<128x128xf32, #tpu.memory_space<hbm>>
      tpu.enqueue_dma source(%arg11 : memref<128x128xf32, #tpu.memory_space<vmem>>) target(%dma_start3A_186 : memref<128x128xf32, #tpu.memory_space<hbm>>) target_semaphore(%run_scoped3A : memref<!tpu.dma_semaphore, #tpu.memory_space<semaphore_mem>>)
      %dma_wait3A_187 = arith.constant 0 : i32
      %dma_wait3A_188 = tpu.memref_slice %arg6[%arg0, %add3A_180, %dma_wait3A_187] : memref<2x10240x128xf32, #tpu.memory_space<hbm>> -> memref<1x128x128xf32, #tpu.memory_space<hbm>>
      %dma_wait3A_189 = tpu.memref_squeeze %dma_wait3A_188 : memref<1x128x128xf32, #tpu.memory_space<hbm>> -> memref<128x128xf32, #tpu.memory_space<hbm>>
      %dma_wait3A_190 = arith.constant 0 : i32
      %dma_wait3A_191 = tpu.memref_slice %arg6[%arg0, %add3A_180, %dma_wait3A_190] : memref<2x10240x128xf32, #tpu.memory_space<hbm>> -> memref<1x128x128xf32, #tpu.memory_space<hbm>>
      %dma_wait3A_192 = tpu.memref_squeeze %dma_wait3A_191 : memref<1x128x128xf32, #tpu.memory_space<hbm>> -> memref<128x128xf32, #tpu.memory_space<hbm>>
      tpu.wait_dma2 semaphore(%run_scoped3A : memref<!tpu.dma_semaphore, #tpu.memory_space<semaphore_mem>>) src(%arg11 : memref<128x128xf32, #tpu.memory_space<vmem>>) dst(%dma_wait3A_192 : memref<128x128xf32, #tpu.memory_space<hbm>>)
      tpu.yield
    }) : () -> ()
    return
  }
}

#map = affine_map<(d0, d1) -> (0, 0)>
#map1 = affine_map<(d0, d1) -> (0, 0, 0)>
module attributes {stable_mosaic.version = 14 : i64} {
  func.func @_scatter_body(%arg0: i32, %arg1: i32, %arg2: memref<10240x128xf32, #tpu.memory_space<hbm>>, %arg3: memref<2560x128xi32, #tpu.memory_space<hbm>>, %arg4: memref<2560x128xi32, #tpu.memory_space<hbm>>, %arg5: memref<128x128xf32, #tpu.memory_space<hbm>>, %arg6: memref<2x10240x128xf32, #tpu.memory_space<hbm>>, %arg7: memref<1x128xi32, #tpu.memory_space<vmem>>, %arg8: memref<1x128xi32, #tpu.memory_space<vmem>>, %arg9: memref<1x128xi32, #tpu.memory_space<vmem>>, %arg10: memref<1x128xi32, #tpu.memory_space<vmem>>, %arg11: memref<128x128xf32, #tpu.memory_space<vmem>>, %arg12: memref<128x128xf32, #tpu.memory_space<vmem>>, %arg13: memref<10240x128xf32, #tpu.memory_space<vmem_shared>>, %arg14: memref<!tpu.dma_semaphore, #tpu.memory_space<semaphore_mem>>, %arg15: memref<!tpu.dma_semaphore, #tpu.memory_space<semaphore_mem>>, %arg16: memref<!tpu.dma_semaphore, #tpu.memory_space<semaphore_mem>>, %arg17: memref<!tpu.dma_semaphore, #tpu.memory_space<semaphore_mem>>, %arg18: memref<!tpu.dma_semaphore, #tpu.memory_space<semaphore_mem>>, %arg19: memref<!tpu.dma_semaphore, #tpu.memory_space<semaphore_mem>>, %arg20: memref<!tpu.dma_semaphore, #tpu.memory_space<semaphore_mem>>, %arg21: memref<!tpu.dma_semaphore, #tpu.memory_space<semaphore_mem>>) attributes {dimension_semantics = [#tpu.dimension_semantics<core_parallel>, #tpu.dimension_semantics<subcore_parallel>], iteration_bounds = array<i64: 2, 16>, scalar_prefetch = 0 : i64, scratch_operands = 15 : i64, tpu.core_type = #tpu.core_type<sc_vector_subcore>, window_params = [{transform_indices = #map}, {transform_indices = #map}, {transform_indices = #map}, {transform_indices = #map}, {transform_indices = #map1}]} {
    %eq3A = arith.constant 0 : i32
    %eq3A_0 = arith.cmpi eq, %arg0, %eq3A : i32
    %jit3A = arith.constant 120 : i32
    %jit3A_1 = arith.constant 40 : i32
    %select_n3A = arith.select %eq3A_0, %jit3A, %jit3A_1 : i32
    %eq3A_2 = arith.constant 0 : i32
    %eq3A_3 = arith.cmpi eq, %arg0, %eq3A_2 : i32
    %mul3A = arith.constant 120 : i32
    %mul3A_4 = arith.muli %arg1, %mul3A : i32
    %mul3A_5 = arith.constant 40 : i32
    %mul3A_6 = arith.muli %arg1, %mul3A_5 : i32
    %add3A = arith.constant 1920 : i32
    %add3A_7 = arith.addi %add3A, %mul3A_6 : i32
    %select_n3A_8 = arith.select %eq3A_3, %mul3A_4, %add3A_7 : i32
    "tpu.region"() ({
      %run_scoped3A = tpu.sem_alloc : memref<!tpu.dma_semaphore, #tpu.memory_space<semaphore_mem>>
      tpu.enqueue_dma source(%arg5 : memref<128x128xf32, #tpu.memory_space<hbm>>) target(%arg11 : memref<128x128xf32, #tpu.memory_space<vmem>>) target_semaphore(%run_scoped3A : memref<!tpu.dma_semaphore, #tpu.memory_space<semaphore_mem>>)
      tpu.wait_dma2 semaphore(%run_scoped3A : memref<!tpu.dma_semaphore, #tpu.memory_space<semaphore_mem>>) src(%arg5 : memref<128x128xf32, #tpu.memory_space<hbm>>) dst(%arg11 : memref<128x128xf32, #tpu.memory_space<vmem>>)
      tpu.yield
    }) : () -> ()
    %mul3A_9 = arith.constant 640 : i32
    %mul3A_10 = arith.muli %arg1, %mul3A_9 : i32
    %add3A_11 = arith.constant 0 : i32
    %add3A_12 = arith.addi %mul3A_10, %add3A_11 : i32
    "tpu.region"() ({
      %run_scoped3A = tpu.sem_alloc : memref<!tpu.dma_semaphore, #tpu.memory_space<semaphore_mem>>
      %dma_start3A_181 = arith.constant 0 : i32
      %dma_start3A_182 = tpu.memref_slice %arg13[%add3A_12, %dma_start3A_181] : memref<10240x128xf32, #tpu.memory_space<vmem_shared>> -> memref<128x128xf32, #tpu.memory_space<vmem_shared>>
      %dma_start3A_183 = arith.constant 0 : i32
      %dma_start3A_184 = tpu.memref_slice %arg13[%add3A_12, %dma_start3A_183] : memref<10240x128xf32, #tpu.memory_space<vmem_shared>> -> memref<128x128xf32, #tpu.memory_space<vmem_shared>>
      tpu.enqueue_dma source(%arg11 : memref<128x128xf32, #tpu.memory_space<vmem>>) target(%dma_start3A_184 : memref<128x128xf32, #tpu.memory_space<vmem_shared>>) target_semaphore(%run_scoped3A : memref<!tpu.dma_semaphore, #tpu.memory_space<semaphore_mem>>)
      %dma_wait3A_185 = arith.constant 0 : i32
      %dma_wait3A_186 = tpu.memref_slice %arg13[%add3A_12, %dma_wait3A_185] : memref<10240x128xf32, #tpu.memory_space<vmem_shared>> -> memref<128x128xf32, #tpu.memory_space<vmem_shared>>
      %dma_wait3A_187 = arith.constant 0 : i32
      %dma_wait3A_188 = tpu.memref_slice %arg13[%add3A_12, %dma_wait3A_187] : memref<10240x128xf32, #tpu.memory_space<vmem_shared>> -> memref<128x128xf32, #tpu.memory_space<vmem_shared>>
      tpu.wait_dma2 semaphore(%run_scoped3A : memref<!tpu.dma_semaphore, #tpu.memory_space<semaphore_mem>>) src(%arg11 : memref<128x128xf32, #tpu.memory_space<vmem>>) dst(%dma_wait3A_188 : memref<128x128xf32, #tpu.memory_space<vmem_shared>>)
      tpu.yield
    }) : () -> ()
    %mul3A_13 = arith.constant 640 : i32
    %mul3A_14 = arith.muli %arg1, %mul3A_13 : i32
    %add3A_15 = arith.constant 128 : i32
    %add3A_16 = arith.addi %mul3A_14, %add3A_15 : i32
    "tpu.region"() ({
      %run_scoped3A = tpu.sem_alloc : memref<!tpu.dma_semaphore, #tpu.memory_space<semaphore_mem>>
      %dma_start3A_181 = arith.constant 0 : i32
      %dma_start3A_182 = tpu.memref_slice %arg13[%add3A_16, %dma_start3A_181] : memref<10240x128xf32, #tpu.memory_space<vmem_shared>> -> memref<128x128xf32, #tpu.memory_space<vmem_shared>>
      %dma_start3A_183 = arith.constant 0 : i32
      %dma_start3A_184 = tpu.memref_slice %arg13[%add3A_16, %dma_start3A_183] : memref<10240x128xf32, #tpu.memory_space<vmem_shared>> -> memref<128x128xf32, #tpu.memory_space<vmem_shared>>
      tpu.enqueue_dma source(%arg11 : memref<128x128xf32, #tpu.memory_space<vmem>>) target(%dma_start3A_184 : memref<128x128xf32, #tpu.memory_space<vmem_shared>>) target_semaphore(%run_scoped3A : memref<!tpu.dma_semaphore, #tpu.memory_space<semaphore_mem>>)
      %dma_wait3A_185 = arith.constant 0 : i32
      %dma_wait3A_186 = tpu.memref_slice %arg13[%add3A_16, %dma_wait3A_185] : memref<10240x128xf32, #tpu.memory_space<vmem_shared>> -> memref<128x128xf32, #tpu.memory_space<vmem_shared>>
      %dma_wait3A_187 = arith.constant 0 : i32
      %dma_wait3A_188 = tpu.memref_slice %arg13[%add3A_16, %dma_wait3A_187] : memref<10240x128xf32, #tpu.memory_space<vmem_shared>> -> memref<128x128xf32, #tpu.memory_space<vmem_shared>>
      tpu.wait_dma2 semaphore(%run_scoped3A : memref<!tpu.dma_semaphore, #tpu.memory_space<semaphore_mem>>) src(%arg11 : memref<128x128xf32, #tpu.memory_space<vmem>>) dst(%dma_wait3A_188 : memref<128x128xf32, #tpu.memory_space<vmem_shared>>)
      tpu.yield
    }) : () -> ()
    %mul3A_17 = arith.constant 640 : i32
    %mul3A_18 = arith.muli %arg1, %mul3A_17 : i32
    %add3A_19 = arith.constant 256 : i32
    %add3A_20 = arith.addi %mul3A_18, %add3A_19 : i32
    "tpu.region"() ({
      %run_scoped3A = tpu.sem_alloc : memref<!tpu.dma_semaphore, #tpu.memory_space<semaphore_mem>>
      %dma_start3A_181 = arith.constant 0 : i32
      %dma_start3A_182 = tpu.memref_slice %arg13[%add3A_20, %dma_start3A_181] : memref<10240x128xf32, #tpu.memory_space<vmem_shared>> -> memref<128x128xf32, #tpu.memory_space<vmem_shared>>
      %dma_start3A_183 = arith.constant 0 : i32
      %dma_start3A_184 = tpu.memref_slice %arg13[%add3A_20, %dma_start3A_183] : memref<10240x128xf32, #tpu.memory_space<vmem_shared>> -> memref<128x128xf32, #tpu.memory_space<vmem_shared>>
      tpu.enqueue_dma source(%arg11 : memref<128x128xf32, #tpu.memory_space<vmem>>) target(%dma_start3A_184 : memref<128x128xf32, #tpu.memory_space<vmem_shared>>) target_semaphore(%run_scoped3A : memref<!tpu.dma_semaphore, #tpu.memory_space<semaphore_mem>>)
      %dma_wait3A_185 = arith.constant 0 : i32
      %dma_wait3A_186 = tpu.memref_slice %arg13[%add3A_20, %dma_wait3A_185] : memref<10240x128xf32, #tpu.memory_space<vmem_shared>> -> memref<128x128xf32, #tpu.memory_space<vmem_shared>>
      %dma_wait3A_187 = arith.constant 0 : i32
      %dma_wait3A_188 = tpu.memref_slice %arg13[%add3A_20, %dma_wait3A_187] : memref<10240x128xf32, #tpu.memory_space<vmem_shared>> -> memref<128x128xf32, #tpu.memory_space<vmem_shared>>
      tpu.wait_dma2 semaphore(%run_scoped3A : memref<!tpu.dma_semaphore, #tpu.memory_space<semaphore_mem>>) src(%arg11 : memref<128x128xf32, #tpu.memory_space<vmem>>) dst(%dma_wait3A_188 : memref<128x128xf32, #tpu.memory_space<vmem_shared>>)
      tpu.yield
    }) : () -> ()
    %mul3A_21 = arith.constant 640 : i32
    %mul3A_22 = arith.muli %arg1, %mul3A_21 : i32
    %add3A_23 = arith.constant 384 : i32
    %add3A_24 = arith.addi %mul3A_22, %add3A_23 : i32
    "tpu.region"() ({
      %run_scoped3A = tpu.sem_alloc : memref<!tpu.dma_semaphore, #tpu.memory_space<semaphore_mem>>
      %dma_start3A_181 = arith.constant 0 : i32
      %dma_start3A_182 = tpu.memref_slice %arg13[%add3A_24, %dma_start3A_181] : memref<10240x128xf32, #tpu.memory_space<vmem_shared>> -> memref<128x128xf32, #tpu.memory_space<vmem_shared>>
      %dma_start3A_183 = arith.constant 0 : i32
      %dma_start3A_184 = tpu.memref_slice %arg13[%add3A_24, %dma_start3A_183] : memref<10240x128xf32, #tpu.memory_space<vmem_shared>> -> memref<128x128xf32, #tpu.memory_space<vmem_shared>>
      tpu.enqueue_dma source(%arg11 : memref<128x128xf32, #tpu.memory_space<vmem>>) target(%dma_start3A_184 : memref<128x128xf32, #tpu.memory_space<vmem_shared>>) target_semaphore(%run_scoped3A : memref<!tpu.dma_semaphore, #tpu.memory_space<semaphore_mem>>)
      %dma_wait3A_185 = arith.constant 0 : i32
      %dma_wait3A_186 = tpu.memref_slice %arg13[%add3A_24, %dma_wait3A_185] : memref<10240x128xf32, #tpu.memory_space<vmem_shared>> -> memref<128x128xf32, #tpu.memory_space<vmem_shared>>
      %dma_wait3A_187 = arith.constant 0 : i32
      %dma_wait3A_188 = tpu.memref_slice %arg13[%add3A_24, %dma_wait3A_187] : memref<10240x128xf32, #tpu.memory_space<vmem_shared>> -> memref<128x128xf32, #tpu.memory_space<vmem_shared>>
      tpu.wait_dma2 semaphore(%run_scoped3A : memref<!tpu.dma_semaphore, #tpu.memory_space<semaphore_mem>>) src(%arg11 : memref<128x128xf32, #tpu.memory_space<vmem>>) dst(%dma_wait3A_188 : memref<128x128xf32, #tpu.memory_space<vmem_shared>>)
      tpu.yield
    }) : () -> ()
    %mul3A_25 = arith.constant 640 : i32
    %mul3A_26 = arith.muli %arg1, %mul3A_25 : i32
    %add3A_27 = arith.constant 512 : i32
    %add3A_28 = arith.addi %mul3A_26, %add3A_27 : i32
    "tpu.region"() ({
      %run_scoped3A = tpu.sem_alloc : memref<!tpu.dma_semaphore, #tpu.memory_space<semaphore_mem>>
      %dma_start3A_181 = arith.constant 0 : i32
      %dma_start3A_182 = tpu.memref_slice %arg13[%add3A_28, %dma_start3A_181] : memref<10240x128xf32, #tpu.memory_space<vmem_shared>> -> memref<128x128xf32, #tpu.memory_space<vmem_shared>>
      %dma_start3A_183 = arith.constant 0 : i32
      %dma_start3A_184 = tpu.memref_slice %arg13[%add3A_28, %dma_start3A_183] : memref<10240x128xf32, #tpu.memory_space<vmem_shared>> -> memref<128x128xf32, #tpu.memory_space<vmem_shared>>
      tpu.enqueue_dma source(%arg11 : memref<128x128xf32, #tpu.memory_space<vmem>>) target(%dma_start3A_184 : memref<128x128xf32, #tpu.memory_space<vmem_shared>>) target_semaphore(%run_scoped3A : memref<!tpu.dma_semaphore, #tpu.memory_space<semaphore_mem>>)
      %dma_wait3A_185 = arith.constant 0 : i32
      %dma_wait3A_186 = tpu.memref_slice %arg13[%add3A_28, %dma_wait3A_185] : memref<10240x128xf32, #tpu.memory_space<vmem_shared>> -> memref<128x128xf32, #tpu.memory_space<vmem_shared>>
      %dma_wait3A_187 = arith.constant 0 : i32
      %dma_wait3A_188 = tpu.memref_slice %arg13[%add3A_28, %dma_wait3A_187] : memref<10240x128xf32, #tpu.memory_space<vmem_shared>> -> memref<128x128xf32, #tpu.memory_space<vmem_shared>>
      tpu.wait_dma2 semaphore(%run_scoped3A : memref<!tpu.dma_semaphore, #tpu.memory_space<semaphore_mem>>) src(%arg11 : memref<128x128xf32, #tpu.memory_space<vmem>>) dst(%dma_wait3A_188 : memref<128x128xf32, #tpu.memory_space<vmem_shared>>)
      tpu.yield
    }) : () -> ()
    %barrier3A = arith.constant 0 : index
    tpu.barrier barrier_id(%barrier3A)
    %add3A_29 = arith.constant 0 : i32
    %add3A_30 = arith.addi %select_n3A_8, %add3A_29 : i32
    %dma_start3A = arith.constant 0 : i32
    %dma_start3A_31 = tpu.memref_slice %arg3[%add3A_30, %dma_start3A] : memref<2560x128xi32, #tpu.memory_space<hbm>> -> memref<1x128xi32, #tpu.memory_space<hbm>>
    %dma_start3A_32 = arith.constant 0 : i32
    %dma_start3A_33 = tpu.memref_slice %arg3[%add3A_30, %dma_start3A_32] : memref<2560x128xi32, #tpu.memory_space<hbm>> -> memref<1x128xi32, #tpu.memory_space<hbm>>
    tpu.enqueue_dma source(%dma_start3A_33 : memref<1x128xi32, #tpu.memory_space<hbm>>) target(%arg7 : memref<1x128xi32, #tpu.memory_space<vmem>>) target_semaphore(%arg18 : memref<!tpu.dma_semaphore, #tpu.memory_space<semaphore_mem>>)
    %add3A_34 = arith.constant 0 : i32
    %add3A_35 = arith.addi %select_n3A_8, %add3A_34 : i32
    %dma_start3A_36 = arith.constant 0 : i32
    %dma_start3A_37 = tpu.memref_slice %arg4[%add3A_35, %dma_start3A_36] : memref<2560x128xi32, #tpu.memory_space<hbm>> -> memref<1x128xi32, #tpu.memory_space<hbm>>
    %dma_start3A_38 = arith.constant 0 : i32
    %dma_start3A_39 = tpu.memref_slice %arg4[%add3A_35, %dma_start3A_38] : memref<2560x128xi32, #tpu.memory_space<hbm>> -> memref<1x128xi32, #tpu.memory_space<hbm>>
    tpu.enqueue_dma source(%dma_start3A_39 : memref<1x128xi32, #tpu.memory_space<hbm>>) target(%arg9 : memref<1x128xi32, #tpu.memory_space<vmem>>) target_semaphore(%arg20 : memref<!tpu.dma_semaphore, #tpu.memory_space<semaphore_mem>>)
    %dma_wait3A = arith.constant 0 : i32
    %dma_wait3A_40 = tpu.memref_slice %arg3[%select_n3A_8, %dma_wait3A] : memref<2560x128xi32, #tpu.memory_space<hbm>> -> memref<1x128xi32, #tpu.memory_space<hbm>>
    %dma_wait3A_41 = arith.constant 0 : i32
    %dma_wait3A_42 = tpu.memref_slice %arg3[%select_n3A_8, %dma_wait3A_41] : memref<2560x128xi32, #tpu.memory_space<hbm>> -> memref<1x128xi32, #tpu.memory_space<hbm>>
    tpu.wait_dma2 semaphore(%arg18 : memref<!tpu.dma_semaphore, #tpu.memory_space<semaphore_mem>>) src(%dma_wait3A_42 : memref<1x128xi32, #tpu.memory_space<hbm>>) dst(%arg7 : memref<1x128xi32, #tpu.memory_space<vmem>>)
    %dma_start3A_43 = arith.constant 0 : i32
    %dma_start3A_44 = arith.constant 0 : i32
    %dma_start3A_45 = tpu.memref_slice %arg7[%dma_start3A_43, %dma_start3A_44] : memref<1x128xi32, #tpu.memory_space<vmem>> -> memref<1x128xi32, #tpu.memory_space<vmem>>
    %dma_start3A_46 = tpu.memref_squeeze %dma_start3A_45 : memref<1x128xi32, #tpu.memory_space<vmem>> -> memref<128xi32, #tpu.memory_space<vmem>>
    %dma_start3A_47 = arith.constant 0 : i32
    %dma_start3A_48 = arith.constant 0 : i32
    %dma_start3A_49 = tpu.memref_slice %arg2[%dma_start3A_47, %dma_start3A_48] : memref<10240x128xf32, #tpu.memory_space<hbm>> -> memref<10240x128xf32, #tpu.memory_space<hbm>>
    tpu.enqueue_indirect_dma source(%dma_start3A_49 : memref<10240x128xf32, #tpu.memory_space<hbm>>) target(%arg11 : memref<128x128xf32, #tpu.memory_space<vmem>>) offsets(%dma_start3A_46 : memref<128xi32, #tpu.memory_space<vmem>>) semaphore(%arg14 : memref<!tpu.dma_semaphore, #tpu.memory_space<semaphore_mem>>)
    %add3A_50 = arith.constant 1 : i32
    %add3A_51 = arith.addi %select_n3A_8, %add3A_50 : i32
    %dma_start3A_52 = arith.constant 0 : i32
    %dma_start3A_53 = tpu.memref_slice %arg3[%add3A_51, %dma_start3A_52] : memref<2560x128xi32, #tpu.memory_space<hbm>> -> memref<1x128xi32, #tpu.memory_space<hbm>>
    %dma_start3A_54 = arith.constant 0 : i32
    %dma_start3A_55 = tpu.memref_slice %arg3[%add3A_51, %dma_start3A_54] : memref<2560x128xi32, #tpu.memory_space<hbm>> -> memref<1x128xi32, #tpu.memory_space<hbm>>
    tpu.enqueue_dma source(%dma_start3A_55 : memref<1x128xi32, #tpu.memory_space<hbm>>) target(%arg8 : memref<1x128xi32, #tpu.memory_space<vmem>>) target_semaphore(%arg19 : memref<!tpu.dma_semaphore, #tpu.memory_space<semaphore_mem>>)
    %jit3A_56 = arith.constant 2 : i32
    %div3A = arith.divsi %select_n3A, %jit3A_56 : i32
    %sign3A = arith.constant 0 : i32
    %sign3A_57 = arith.cmpi sgt, %select_n3A, %sign3A : i32
    %sign3A_58 = arith.extui %sign3A_57 : i1 to i32
    %sign3A_59 = arith.constant 0 : i32
    %sign3A_60 = arith.cmpi slt, %select_n3A, %sign3A_59 : i32
    %sign3A_61 = arith.extui %sign3A_60 : i1 to i32
    %sign3A_62 = arith.subi %sign3A_58, %sign3A_61 : i32
    %sign3A_63 = arith.constant 0 : i32
    %sign3A_64 = arith.cmpi sgt, %jit3A_56, %sign3A_63 : i32
    %sign3A_65 = arith.extui %sign3A_64 : i1 to i32
    %sign3A_66 = arith.constant 0 : i32
    %sign3A_67 = arith.cmpi slt, %jit3A_56, %sign3A_66 : i32
    %sign3A_68 = arith.extui %sign3A_67 : i1 to i32
    %sign3A_69 = arith.subi %sign3A_65, %sign3A_68 : i32
    %ne3A = arith.cmpi ne, %sign3A_62, %sign3A_69 : i32
    %rem3A = arith.remsi %select_n3A, %jit3A_56 : i32
    %ne3A_70 = arith.constant 0 : i32
    %ne3A_71 = arith.cmpi ne, %rem3A, %ne3A_70 : i32
    %and3A = arith.andi %ne3A, %ne3A_71 : i1
    %sub3A = arith.constant 1 : i32
    %sub3A_72 = arith.subi %div3A, %sub3A : i32
    %select_n3A_73 = arith.select %and3A, %sub3A_72, %div3A : i32
    %sub3A_74 = arith.constant 1 : i32
    %sub3A_75 = arith.subi %select_n3A_73, %sub3A_74 : i32
    %while3A = arith.constant 0 : i32
    %while3A_76 = arith.constant 0 : i32
    %while3A_77 = arith.subi %sub3A_75, %while3A_76 : i32
    %while3A_78 = arith.addi %while3A_76, %while3A_77 : i32
    %while3A_79 = arith.constant 1 : i32
    %while3A_80 = arith.divsi %while3A_77, %while3A_79 : i32
    %while3A_81 = arith.muli %while3A_80, %while3A_79 : i32
    %while3A_82 = arith.addi %while3A_76, %while3A_81 : i32
    %while3A_83 = arith.constant 1 : i32
    scf.for %while3A_181 = %while3A_76 to %while3A_82 step %while3A_83  : i32 {
      %mul3A_182 = arith.constant 2 : i32
      %mul3A_183 = arith.muli %mul3A_182, %while3A_181 : i32
      %add3A_184 = arith.constant 1 : i32
      %add3A_185 = arith.addi %mul3A_183, %add3A_184 : i32
      %ge3A = arith.constant 1 : i32
      %ge3A_186 = arith.cmpi sge, %while3A_181, %ge3A : i32
      %convert_element_type3A = arith.extui %ge3A_186 : i1 to i32
      %cond3A = arith.constant 0 : i32
      %cond3A_187 = arith.cmpi ne, %convert_element_type3A, %cond3A : i32
      scf.if %cond3A_187 {
        %dma_wait3A_279 = arith.constant 0 : i32
        %dma_wait3A_280 = arith.constant 0 : i32
        %dma_wait3A_281 = tpu.memref_slice %arg10[%dma_wait3A_279, %dma_wait3A_280] : memref<1x128xi32, #tpu.memory_space<vmem>> -> memref<1x128xi32, #tpu.memory_space<vmem>>
        %dma_wait3A_282 = tpu.memref_squeeze %dma_wait3A_281 : memref<1x128xi32, #tpu.memory_space<vmem>> -> memref<128xi32, #tpu.memory_space<vmem>>
        %dma_wait3A_283 = arith.constant 0 : i32
        %dma_wait3A_284 = arith.constant 0 : i32
        %dma_wait3A_285 = tpu.memref_slice %arg13[%dma_wait3A_283, %dma_wait3A_284] : memref<10240x128xf32, #tpu.memory_space<vmem_shared>> -> memref<10240x128xf32, #tpu.memory_space<vmem_shared>>
        tpu.wait_indirect_dma semaphore(%arg17 : memref<!tpu.dma_semaphore, #tpu.memory_space<semaphore_mem>>) src(%arg12 : memref<128x128xf32, #tpu.memory_space<vmem>>) dst(%dma_wait3A_285 : memref<10240x128xf32, #tpu.memory_space<vmem_shared>>)
      } else {
      }
      %add3A_188 = arith.addi %select_n3A_8, %add3A_185 : i32
      %dma_start3A_189 = arith.constant 0 : i32
      %dma_start3A_190 = tpu.memref_slice %arg4[%add3A_188, %dma_start3A_189] : memref<2560x128xi32, #tpu.memory_space<hbm>> -> memref<1x128xi32, #tpu.memory_space<hbm>>
      %dma_start3A_191 = arith.constant 0 : i32
      %dma_start3A_192 = tpu.memref_slice %arg4[%add3A_188, %dma_start3A_191] : memref<2560x128xi32, #tpu.memory_space<hbm>> -> memref<1x128xi32, #tpu.memory_space<hbm>>
      tpu.enqueue_dma source(%dma_start3A_192 : memref<1x128xi32, #tpu.memory_space<hbm>>) target(%arg10 : memref<1x128xi32, #tpu.memory_space<vmem>>) target_semaphore(%arg21 : memref<!tpu.dma_semaphore, #tpu.memory_space<semaphore_mem>>)
      %dma_wait3A_193 = arith.constant 0 : i32
      %dma_wait3A_194 = tpu.memref_slice %arg3[%select_n3A_8, %dma_wait3A_193] : memref<2560x128xi32, #tpu.memory_space<hbm>> -> memref<1x128xi32, #tpu.memory_space<hbm>>
      %dma_wait3A_195 = arith.constant 0 : i32
      %dma_wait3A_196 = tpu.memref_slice %arg3[%select_n3A_8, %dma_wait3A_195] : memref<2560x128xi32, #tpu.memory_space<hbm>> -> memref<1x128xi32, #tpu.memory_space<hbm>>
      tpu.wait_dma2 semaphore(%arg19 : memref<!tpu.dma_semaphore, #tpu.memory_space<semaphore_mem>>) src(%dma_wait3A_196 : memref<1x128xi32, #tpu.memory_space<hbm>>) dst(%arg8 : memref<1x128xi32, #tpu.memory_space<vmem>>)
      %dma_start3A_197 = arith.constant 0 : i32
      %dma_start3A_198 = arith.constant 0 : i32
      %dma_start3A_199 = tpu.memref_slice %arg8[%dma_start3A_197, %dma_start3A_198] : memref<1x128xi32, #tpu.memory_space<vmem>> -> memref<1x128xi32, #tpu.memory_space<vmem>>
      %dma_start3A_200 = tpu.memref_squeeze %dma_start3A_199 : memref<1x128xi32, #tpu.memory_space<vmem>> -> memref<128xi32, #tpu.memory_space<vmem>>
      %dma_start3A_201 = arith.constant 0 : i32
      %dma_start3A_202 = arith.constant 0 : i32
      %dma_start3A_203 = tpu.memref_slice %arg2[%dma_start3A_201, %dma_start3A_202] : memref<10240x128xf32, #tpu.memory_space<hbm>> -> memref<10240x128xf32, #tpu.memory_space<hbm>>
      tpu.enqueue_indirect_dma source(%dma_start3A_203 : memref<10240x128xf32, #tpu.memory_space<hbm>>) target(%arg12 : memref<128x128xf32, #tpu.memory_space<vmem>>) offsets(%dma_start3A_200 : memref<128xi32, #tpu.memory_space<vmem>>) semaphore(%arg15 : memref<!tpu.dma_semaphore, #tpu.memory_space<semaphore_mem>>)
      %dma_wait3A_204 = arith.constant 0 : i32
      %dma_wait3A_205 = arith.constant 0 : i32
      %dma_wait3A_206 = tpu.memref_slice %arg7[%dma_wait3A_204, %dma_wait3A_205] : memref<1x128xi32, #tpu.memory_space<vmem>> -> memref<1x128xi32, #tpu.memory_space<vmem>>
      %dma_wait3A_207 = tpu.memref_squeeze %dma_wait3A_206 : memref<1x128xi32, #tpu.memory_space<vmem>> -> memref<128xi32, #tpu.memory_space<vmem>>
      %dma_wait3A_208 = arith.constant 0 : i32
      %dma_wait3A_209 = arith.constant 0 : i32
      %dma_wait3A_210 = tpu.memref_slice %arg2[%dma_wait3A_208, %dma_wait3A_209] : memref<10240x128xf32, #tpu.memory_space<hbm>> -> memref<10240x128xf32, #tpu.memory_space<hbm>>
      tpu.wait_indirect_dma semaphore(%arg14 : memref<!tpu.dma_semaphore, #tpu.memory_space<semaphore_mem>>) src(%dma_wait3A_210 : memref<10240x128xf32, #tpu.memory_space<hbm>>) dst(%arg11 : memref<128x128xf32, #tpu.memory_space<vmem>>)
      %add3A_211 = arith.constant 2 : i32
      %add3A_212 = arith.addi %mul3A_183, %add3A_211 : i32
      %add3A_213 = arith.addi %select_n3A_8, %add3A_212 : i32
      %dma_start3A_214 = arith.constant 0 : i32
      %dma_start3A_215 = tpu.memref_slice %arg3[%add3A_213, %dma_start3A_214] : memref<2560x128xi32, #tpu.memory_space<hbm>> -> memref<1x128xi32, #tpu.memory_space<hbm>>
      %dma_start3A_216 = arith.constant 0 : i32
      %dma_start3A_217 = tpu.memref_slice %arg3[%add3A_213, %dma_start3A_216] : memref<2560x128xi32, #tpu.memory_space<hbm>> -> memref<1x128xi32, #tpu.memory_space<hbm>>
      tpu.enqueue_dma source(%dma_start3A_217 : memref<1x128xi32, #tpu.memory_space<hbm>>) target(%arg7 : memref<1x128xi32, #tpu.memory_space<vmem>>) target_semaphore(%arg18 : memref<!tpu.dma_semaphore, #tpu.memory_space<semaphore_mem>>)
      %dma_wait3A_218 = arith.constant 0 : i32
      %dma_wait3A_219 = tpu.memref_slice %arg4[%select_n3A_8, %dma_wait3A_218] : memref<2560x128xi32, #tpu.memory_space<hbm>> -> memref<1x128xi32, #tpu.memory_space<hbm>>
      %dma_wait3A_220 = arith.constant 0 : i32
      %dma_wait3A_221 = tpu.memref_slice %arg4[%select_n3A_8, %dma_wait3A_220] : memref<2560x128xi32, #tpu.memory_space<hbm>> -> memref<1x128xi32, #tpu.memory_space<hbm>>
      tpu.wait_dma2 semaphore(%arg20 : memref<!tpu.dma_semaphore, #tpu.memory_space<semaphore_mem>>) src(%dma_wait3A_221 : memref<1x128xi32, #tpu.memory_space<hbm>>) dst(%arg9 : memref<1x128xi32, #tpu.memory_space<vmem>>)
      %dma_start3A_222 = arith.constant 0 : i32
      %dma_start3A_223 = arith.constant 0 : i32
      %dma_start3A_224 = tpu.memref_slice %arg9[%dma_start3A_222, %dma_start3A_223] : memref<1x128xi32, #tpu.memory_space<vmem>> -> memref<1x128xi32, #tpu.memory_space<vmem>>
      %dma_start3A_225 = tpu.memref_squeeze %dma_start3A_224 : memref<1x128xi32, #tpu.memory_space<vmem>> -> memref<128xi32, #tpu.memory_space<vmem>>
      %dma_start3A_226 = arith.constant 0 : i32
      %dma_start3A_227 = arith.constant 0 : i32
      %dma_start3A_228 = tpu.memref_slice %arg13[%dma_start3A_226, %dma_start3A_227] : memref<10240x128xf32, #tpu.memory_space<vmem_shared>> -> memref<10240x128xf32, #tpu.memory_space<vmem_shared>>
      tpu.enqueue_indirect_dma source(%arg11 : memref<128x128xf32, #tpu.memory_space<vmem>>) target(%dma_start3A_228 : memref<10240x128xf32, #tpu.memory_space<vmem_shared>>) offsets(%dma_start3A_225 : memref<128xi32, #tpu.memory_space<vmem>>) semaphore(%arg16 : memref<!tpu.dma_semaphore, #tpu.memory_space<semaphore_mem>>) {add = true}
      %dma_wait3A_229 = arith.constant 0 : i32
      %dma_wait3A_230 = arith.constant 0 : i32
      %dma_wait3A_231 = tpu.memref_slice %arg9[%dma_wait3A_229, %dma_wait3A_230] : memref<1x128xi32, #tpu.memory_space<vmem>> -> memref<1x128xi32, #tpu.memory_space<vmem>>
      %dma_wait3A_232 = tpu.memref_squeeze %dma_wait3A_231 : memref<1x128xi32, #tpu.memory_space<vmem>> -> memref<128xi32, #tpu.memory_space<vmem>>
      %dma_wait3A_233 = arith.constant 0 : i32
      %dma_wait3A_234 = arith.constant 0 : i32
      %dma_wait3A_235 = tpu.memref_slice %arg13[%dma_wait3A_233, %dma_wait3A_234] : memref<10240x128xf32, #tpu.memory_space<vmem_shared>> -> memref<10240x128xf32, #tpu.memory_space<vmem_shared>>
      tpu.wait_indirect_dma semaphore(%arg16 : memref<!tpu.dma_semaphore, #tpu.memory_space<semaphore_mem>>) src(%arg11 : memref<128x128xf32, #tpu.memory_space<vmem>>) dst(%dma_wait3A_235 : memref<10240x128xf32, #tpu.memory_space<vmem_shared>>)
      %add3A_236 = arith.constant 2 : i32
      %add3A_237 = arith.addi %mul3A_183, %add3A_236 : i32
      %add3A_238 = arith.addi %select_n3A_8, %add3A_237 : i32
      %dma_start3A_239 = arith.constant 0 : i32
      %dma_start3A_240 = tpu.memref_slice %arg4[%add3A_238, %dma_start3A_239] : memref<2560x128xi32, #tpu.memory_space<hbm>> -> memref<1x128xi32, #tpu.memory_space<hbm>>
      %dma_start3A_241 = arith.constant 0 : i32
      %dma_start3A_242 = tpu.memref_slice %arg4[%add3A_238, %dma_start3A_241] : memref<2560x128xi32, #tpu.memory_space<hbm>> -> memref<1x128xi32, #tpu.memory_space<hbm>>
      tpu.enqueue_dma source(%dma_start3A_242 : memref<1x128xi32, #tpu.memory_space<hbm>>) target(%arg9 : memref<1x128xi32, #tpu.memory_space<vmem>>) target_semaphore(%arg20 : memref<!tpu.dma_semaphore, #tpu.memory_space<semaphore_mem>>)
      %dma_wait3A_243 = arith.constant 0 : i32
      %dma_wait3A_244 = tpu.memref_slice %arg3[%select_n3A_8, %dma_wait3A_243] : memref<2560x128xi32, #tpu.memory_space<hbm>> -> memref<1x128xi32, #tpu.memory_space<hbm>>
      %dma_wait3A_245 = arith.constant 0 : i32
      %dma_wait3A_246 = tpu.memref_slice %arg3[%select_n3A_8, %dma_wait3A_245] : memref<2560x128xi32, #tpu.memory_space<hbm>> -> memref<1x128xi32, #tpu.memory_space<hbm>>
      tpu.wait_dma2 semaphore(%arg18 : memref<!tpu.dma_semaphore, #tpu.memory_space<semaphore_mem>>) src(%dma_wait3A_246 : memref<1x128xi32, #tpu.memory_space<hbm>>) dst(%arg7 : memref<1x128xi32, #tpu.memory_space<vmem>>)
      %dma_start3A_247 = arith.constant 0 : i32
      %dma_start3A_248 = arith.constant 0 : i32
      %dma_start3A_249 = tpu.memref_slice %arg7[%dma_start3A_247, %dma_start3A_248] : memref<1x128xi32, #tpu.memory_space<vmem>> -> memref<1x128xi32, #tpu.memory_space<vmem>>
      %dma_start3A_250 = tpu.memref_squeeze %dma_start3A_249 : memref<1x128xi32, #tpu.memory_space<vmem>> -> memref<128xi32, #tpu.memory_space<vmem>>
      %dma_start3A_251 = arith.constant 0 : i32
      %dma_start3A_252 = arith.constant 0 : i32
      %dma_start3A_253 = tpu.memref_slice %arg2[%dma_start3A_251, %dma_start3A_252] : memref<10240x128xf32, #tpu.memory_space<hbm>> -> memref<10240x128xf32, #tpu.memory_space<hbm>>
      tpu.enqueue_indirect_dma source(%dma_start3A_253 : memref<10240x128xf32, #tpu.memory_space<hbm>>) target(%arg11 : memref<128x128xf32, #tpu.memory_space<vmem>>) offsets(%dma_start3A_250 : memref<128xi32, #tpu.memory_space<vmem>>) semaphore(%arg14 : memref<!tpu.dma_semaphore, #tpu.memory_space<semaphore_mem>>)
      %dma_wait3A_254 = arith.constant 0 : i32
      %dma_wait3A_255 = arith.constant 0 : i32
      %dma_wait3A_256 = tpu.memref_slice %arg8[%dma_wait3A_254, %dma_wait3A_255] : memref<1x128xi32, #tpu.memory_space<vmem>> -> memref<1x128xi32, #tpu.memory_space<vmem>>
      %dma_wait3A_257 = tpu.memref_squeeze %dma_wait3A_256 : memref<1x128xi32, #tpu.memory_space<vmem>> -> memref<128xi32, #tpu.memory_space<vmem>>
      %dma_wait3A_258 = arith.constant 0 : i32
      %dma_wait3A_259 = arith.constant 0 : i32
      %dma_wait3A_260 = tpu.memref_slice %arg2[%dma_wait3A_258, %dma_wait3A_259] : memref<10240x128xf32, #tpu.memory_space<hbm>> -> memref<10240x128xf32, #tpu.memory_space<hbm>>
      tpu.wait_indirect_dma semaphore(%arg15 : memref<!tpu.dma_semaphore, #tpu.memory_space<semaphore_mem>>) src(%dma_wait3A_260 : memref<10240x128xf32, #tpu.memory_space<hbm>>) dst(%arg12 : memref<128x128xf32, #tpu.memory_space<vmem>>)
      %add3A_261 = arith.constant 2 : i32
      %add3A_262 = arith.addi %add3A_185, %add3A_261 : i32
      %add3A_263 = arith.addi %select_n3A_8, %add3A_262 : i32
      %dma_start3A_264 = arith.constant 0 : i32
      %dma_start3A_265 = tpu.memref_slice %arg3[%add3A_263, %dma_start3A_264] : memref<2560x128xi32, #tpu.memory_space<hbm>> -> memref<1x128xi32, #tpu.memory_space<hbm>>
      %dma_start3A_266 = arith.constant 0 : i32
      %dma_start3A_267 = tpu.memref_slice %arg3[%add3A_263, %dma_start3A_266] : memref<2560x128xi32, #tpu.memory_space<hbm>> -> memref<1x128xi32, #tpu.memory_space<hbm>>
      tpu.enqueue_dma source(%dma_start3A_267 : memref<1x128xi32, #tpu.memory_space<hbm>>) target(%arg8 : memref<1x128xi32, #tpu.memory_space<vmem>>) target_semaphore(%arg19 : memref<!tpu.dma_semaphore, #tpu.memory_space<semaphore_mem>>)
      %dma_wait3A_268 = arith.constant 0 : i32
      %dma_wait3A_269 = tpu.memref_slice %arg4[%select_n3A_8, %dma_wait3A_268] : memref<2560x128xi32, #tpu.memory_space<hbm>> -> memref<1x128xi32, #tpu.memory_space<hbm>>
      %dma_wait3A_270 = arith.constant 0 : i32
      %dma_wait3A_271 = tpu.memref_slice %arg4[%select_n3A_8, %dma_wait3A_270] : memref<2560x128xi32, #tpu.memory_space<hbm>> -> memref<1x128xi32, #tpu.memory_space<hbm>>
      tpu.wait_dma2 semaphore(%arg21 : memref<!tpu.dma_semaphore, #tpu.memory_space<semaphore_mem>>) src(%dma_wait3A_271 : memref<1x128xi32, #tpu.memory_space<hbm>>) dst(%arg10 : memref<1x128xi32, #tpu.memory_space<vmem>>)
      %dma_start3A_272 = arith.constant 0 : i32
      %dma_start3A_273 = arith.constant 0 : i32
      %dma_start3A_274 = tpu.memref_slice %arg10[%dma_start3A_272, %dma_start3A_273] : memref<1x128xi32, #tpu.memory_space<vmem>> -> memref<1x128xi32, #tpu.memory_space<vmem>>
      %dma_start3A_275 = tpu.memref_squeeze %dma_start3A_274 : memref<1x128xi32, #tpu.memory_space<vmem>> -> memref<128xi32, #tpu.memory_space<vmem>>
      %dma_start3A_276 = arith.constant 0 : i32
      %dma_start3A_277 = arith.constant 0 : i32
      %dma_start3A_278 = tpu.memref_slice %arg13[%dma_start3A_276, %dma_start3A_277] : memref<10240x128xf32, #tpu.memory_space<vmem_shared>> -> memref<10240x128xf32, #tpu.memory_space<vmem_shared>>
      tpu.enqueue_indirect_dma source(%arg12 : memref<128x128xf32, #tpu.memory_space<vmem>>) target(%dma_start3A_278 : memref<10240x128xf32, #tpu.memory_space<vmem_shared>>) offsets(%dma_start3A_275 : memref<128xi32, #tpu.memory_space<vmem>>) semaphore(%arg17 : memref<!tpu.dma_semaphore, #tpu.memory_space<semaphore_mem>>) {add = true}
    }
    %while3A_84 = arith.constant 1 : i32
    scf.for %while3A_181 = %while3A_82 to %while3A_78 step %while3A_84  : i32 {
      %mul3A_182 = arith.constant 2 : i32
      %mul3A_183 = arith.muli %mul3A_182, %while3A_181 : i32
      %add3A_184 = arith.constant 1 : i32
      %add3A_185 = arith.addi %mul3A_183, %add3A_184 : i32
      %ge3A = arith.constant 1 : i32
      %ge3A_186 = arith.cmpi sge, %while3A_181, %ge3A : i32
      %convert_element_type3A = arith.extui %ge3A_186 : i1 to i32
      %cond3A = arith.constant 0 : i32
      %cond3A_187 = arith.cmpi ne, %convert_element_type3A, %cond3A : i32
      scf.if %cond3A_187 {
        %dma_wait3A_279 = arith.constant 0 : i32
        %dma_wait3A_280 = arith.constant 0 : i32
        %dma_wait3A_281 = tpu.memref_slice %arg10[%dma_wait3A_279, %dma_wait3A_280] : memref<1x128xi32, #tpu.memory_space<vmem>> -> memref<1x128xi32, #tpu.memory_space<vmem>>
        %dma_wait3A_282 = tpu.memref_squeeze %dma_wait3A_281 : memref<1x128xi32, #tpu.memory_space<vmem>> -> memref<128xi32, #tpu.memory_space<vmem>>
        %dma_wait3A_283 = arith.constant 0 : i32
        %dma_wait3A_284 = arith.constant 0 : i32
        %dma_wait3A_285 = tpu.memref_slice %arg13[%dma_wait3A_283, %dma_wait3A_284] : memref<10240x128xf32, #tpu.memory_space<vmem_shared>> -> memref<10240x128xf32, #tpu.memory_space<vmem_shared>>
        tpu.wait_indirect_dma semaphore(%arg17 : memref<!tpu.dma_semaphore, #tpu.memory_space<semaphore_mem>>) src(%arg12 : memref<128x128xf32, #tpu.memory_space<vmem>>) dst(%dma_wait3A_285 : memref<10240x128xf32, #tpu.memory_space<vmem_shared>>)
      } else {
      }
      %add3A_188 = arith.addi %select_n3A_8, %add3A_185 : i32
      %dma_start3A_189 = arith.constant 0 : i32
      %dma_start3A_190 = tpu.memref_slice %arg4[%add3A_188, %dma_start3A_189] : memref<2560x128xi32, #tpu.memory_space<hbm>> -> memref<1x128xi32, #tpu.memory_space<hbm>>
      %dma_start3A_191 = arith.constant 0 : i32
      %dma_start3A_192 = tpu.memref_slice %arg4[%add3A_188, %dma_start3A_191] : memref<2560x128xi32, #tpu.memory_space<hbm>> -> memref<1x128xi32, #tpu.memory_space<hbm>>
      tpu.enqueue_dma source(%dma_start3A_192 : memref<1x128xi32, #tpu.memory_space<hbm>>) target(%arg10 : memref<1x128xi32, #tpu.memory_space<vmem>>) target_semaphore(%arg21 : memref<!tpu.dma_semaphore, #tpu.memory_space<semaphore_mem>>)
      %dma_wait3A_193 = arith.constant 0 : i32
      %dma_wait3A_194 = tpu.memref_slice %arg3[%select_n3A_8, %dma_wait3A_193] : memref<2560x128xi32, #tpu.memory_space<hbm>> -> memref<1x128xi32, #tpu.memory_space<hbm>>
      %dma_wait3A_195 = arith.constant 0 : i32
      %dma_wait3A_196 = tpu.memref_slice %arg3[%select_n3A_8, %dma_wait3A_195] : memref<2560x128xi32, #tpu.memory_space<hbm>> -> memref<1x128xi32, #tpu.memory_space<hbm>>
      tpu.wait_dma2 semaphore(%arg19 : memref<!tpu.dma_semaphore, #tpu.memory_space<semaphore_mem>>) src(%dma_wait3A_196 : memref<1x128xi32, #tpu.memory_space<hbm>>) dst(%arg8 : memref<1x128xi32, #tpu.memory_space<vmem>>)
      %dma_start3A_197 = arith.constant 0 : i32
      %dma_start3A_198 = arith.constant 0 : i32
      %dma_start3A_199 = tpu.memref_slice %arg8[%dma_start3A_197, %dma_start3A_198] : memref<1x128xi32, #tpu.memory_space<vmem>> -> memref<1x128xi32, #tpu.memory_space<vmem>>
      %dma_start3A_200 = tpu.memref_squeeze %dma_start3A_199 : memref<1x128xi32, #tpu.memory_space<vmem>> -> memref<128xi32, #tpu.memory_space<vmem>>
      %dma_start3A_201 = arith.constant 0 : i32
      %dma_start3A_202 = arith.constant 0 : i32
      %dma_start3A_203 = tpu.memref_slice %arg2[%dma_start3A_201, %dma_start3A_202] : memref<10240x128xf32, #tpu.memory_space<hbm>> -> memref<10240x128xf32, #tpu.memory_space<hbm>>
      tpu.enqueue_indirect_dma source(%dma_start3A_203 : memref<10240x128xf32, #tpu.memory_space<hbm>>) target(%arg12 : memref<128x128xf32, #tpu.memory_space<vmem>>) offsets(%dma_start3A_200 : memref<128xi32, #tpu.memory_space<vmem>>) semaphore(%arg15 : memref<!tpu.dma_semaphore, #tpu.memory_space<semaphore_mem>>)
      %dma_wait3A_204 = arith.constant 0 : i32
      %dma_wait3A_205 = arith.constant 0 : i32
      %dma_wait3A_206 = tpu.memref_slice %arg7[%dma_wait3A_204, %dma_wait3A_205] : memref<1x128xi32, #tpu.memory_space<vmem>> -> memref<1x128xi32, #tpu.memory_space<vmem>>
      %dma_wait3A_207 = tpu.memref_squeeze %dma_wait3A_206 : memref<1x128xi32, #tpu.memory_space<vmem>> -> memref<128xi32, #tpu.memory_space<vmem>>
      %dma_wait3A_208 = arith.constant 0 : i32
      %dma_wait3A_209 = arith.constant 0 : i32
      %dma_wait3A_210 = tpu.memref_slice %arg2[%dma_wait3A_208, %dma_wait3A_209] : memref<10240x128xf32, #tpu.memory_space<hbm>> -> memref<10240x128xf32, #tpu.memory_space<hbm>>
      tpu.wait_indirect_dma semaphore(%arg14 : memref<!tpu.dma_semaphore, #tpu.memory_space<semaphore_mem>>) src(%dma_wait3A_210 : memref<10240x128xf32, #tpu.memory_space<hbm>>) dst(%arg11 : memref<128x128xf32, #tpu.memory_space<vmem>>)
      %add3A_211 = arith.constant 2 : i32
      %add3A_212 = arith.addi %mul3A_183, %add3A_211 : i32
      %add3A_213 = arith.addi %select_n3A_8, %add3A_212 : i32
      %dma_start3A_214 = arith.constant 0 : i32
      %dma_start3A_215 = tpu.memref_slice %arg3[%add3A_213, %dma_start3A_214] : memref<2560x128xi32, #tpu.memory_space<hbm>> -> memref<1x128xi32, #tpu.memory_space<hbm>>
      %dma_start3A_216 = arith.constant 0 : i32
      %dma_start3A_217 = tpu.memref_slice %arg3[%add3A_213, %dma_start3A_216] : memref<2560x128xi32, #tpu.memory_space<hbm>> -> memref<1x128xi32, #tpu.memory_space<hbm>>
      tpu.enqueue_dma source(%dma_start3A_217 : memref<1x128xi32, #tpu.memory_space<hbm>>) target(%arg7 : memref<1x128xi32, #tpu.memory_space<vmem>>) target_semaphore(%arg18 : memref<!tpu.dma_semaphore, #tpu.memory_space<semaphore_mem>>)
      %dma_wait3A_218 = arith.constant 0 : i32
      %dma_wait3A_219 = tpu.memref_slice %arg4[%select_n3A_8, %dma_wait3A_218] : memref<2560x128xi32, #tpu.memory_space<hbm>> -> memref<1x128xi32, #tpu.memory_space<hbm>>
      %dma_wait3A_220 = arith.constant 0 : i32
      %dma_wait3A_221 = tpu.memref_slice %arg4[%select_n3A_8, %dma_wait3A_220] : memref<2560x128xi32, #tpu.memory_space<hbm>> -> memref<1x128xi32, #tpu.memory_space<hbm>>
      tpu.wait_dma2 semaphore(%arg20 : memref<!tpu.dma_semaphore, #tpu.memory_space<semaphore_mem>>) src(%dma_wait3A_221 : memref<1x128xi32, #tpu.memory_space<hbm>>) dst(%arg9 : memref<1x128xi32, #tpu.memory_space<vmem>>)
      %dma_start3A_222 = arith.constant 0 : i32
      %dma_start3A_223 = arith.constant 0 : i32
      %dma_start3A_224 = tpu.memref_slice %arg9[%dma_start3A_222, %dma_start3A_223] : memref<1x128xi32, #tpu.memory_space<vmem>> -> memref<1x128xi32, #tpu.memory_space<vmem>>
      %dma_start3A_225 = tpu.memref_squeeze %dma_start3A_224 : memref<1x128xi32, #tpu.memory_space<vmem>> -> memref<128xi32, #tpu.memory_space<vmem>>
      %dma_start3A_226 = arith.constant 0 : i32
      %dma_start3A_227 = arith.constant 0 : i32
      %dma_start3A_228 = tpu.memref_slice %arg13[%dma_start3A_226, %dma_start3A_227] : memref<10240x128xf32, #tpu.memory_space<vmem_shared>> -> memref<10240x128xf32, #tpu.memory_space<vmem_shared>>
      tpu.enqueue_indirect_dma source(%arg11 : memref<128x128xf32, #tpu.memory_space<vmem>>) target(%dma_start3A_228 : memref<10240x128xf32, #tpu.memory_space<vmem_shared>>) offsets(%dma_start3A_225 : memref<128xi32, #tpu.memory_space<vmem>>) semaphore(%arg16 : memref<!tpu.dma_semaphore, #tpu.memory_space<semaphore_mem>>) {add = true}
      %dma_wait3A_229 = arith.constant 0 : i32
      %dma_wait3A_230 = arith.constant 0 : i32
      %dma_wait3A_231 = tpu.memref_slice %arg9[%dma_wait3A_229, %dma_wait3A_230] : memref<1x128xi32, #tpu.memory_space<vmem>> -> memref<1x128xi32, #tpu.memory_space<vmem>>
      %dma_wait3A_232 = tpu.memref_squeeze %dma_wait3A_231 : memref<1x128xi32, #tpu.memory_space<vmem>> -> memref<128xi32, #tpu.memory_space<vmem>>
      %dma_wait3A_233 = arith.constant 0 : i32
      %dma_wait3A_234 = arith.constant 0 : i32
      %dma_wait3A_235 = tpu.memref_slice %arg13[%dma_wait3A_233, %dma_wait3A_234] : memref<10240x128xf32, #tpu.memory_space<vmem_shared>> -> memref<10240x128xf32, #tpu.memory_space<vmem_shared>>
      tpu.wait_indirect_dma semaphore(%arg16 : memref<!tpu.dma_semaphore, #tpu.memory_space<semaphore_mem>>) src(%arg11 : memref<128x128xf32, #tpu.memory_space<vmem>>) dst(%dma_wait3A_235 : memref<10240x128xf32, #tpu.memory_space<vmem_shared>>)
      %add3A_236 = arith.constant 2 : i32
      %add3A_237 = arith.addi %mul3A_183, %add3A_236 : i32
      %add3A_238 = arith.addi %select_n3A_8, %add3A_237 : i32
      %dma_start3A_239 = arith.constant 0 : i32
      %dma_start3A_240 = tpu.memref_slice %arg4[%add3A_238, %dma_start3A_239] : memref<2560x128xi32, #tpu.memory_space<hbm>> -> memref<1x128xi32, #tpu.memory_space<hbm>>
      %dma_start3A_241 = arith.constant 0 : i32
      %dma_start3A_242 = tpu.memref_slice %arg4[%add3A_238, %dma_start3A_241] : memref<2560x128xi32, #tpu.memory_space<hbm>> -> memref<1x128xi32, #tpu.memory_space<hbm>>
      tpu.enqueue_dma source(%dma_start3A_242 : memref<1x128xi32, #tpu.memory_space<hbm>>) target(%arg9 : memref<1x128xi32, #tpu.memory_space<vmem>>) target_semaphore(%arg20 : memref<!tpu.dma_semaphore, #tpu.memory_space<semaphore_mem>>)
      %dma_wait3A_243 = arith.constant 0 : i32
      %dma_wait3A_244 = tpu.memref_slice %arg3[%select_n3A_8, %dma_wait3A_243] : memref<2560x128xi32, #tpu.memory_space<hbm>> -> memref<1x128xi32, #tpu.memory_space<hbm>>
      %dma_wait3A_245 = arith.constant 0 : i32
      %dma_wait3A_246 = tpu.memref_slice %arg3[%select_n3A_8, %dma_wait3A_245] : memref<2560x128xi32, #tpu.memory_space<hbm>> -> memref<1x128xi32, #tpu.memory_space<hbm>>
      tpu.wait_dma2 semaphore(%arg18 : memref<!tpu.dma_semaphore, #tpu.memory_space<semaphore_mem>>) src(%dma_wait3A_246 : memref<1x128xi32, #tpu.memory_space<hbm>>) dst(%arg7 : memref<1x128xi32, #tpu.memory_space<vmem>>)
      %dma_start3A_247 = arith.constant 0 : i32
      %dma_start3A_248 = arith.constant 0 : i32
      %dma_start3A_249 = tpu.memref_slice %arg7[%dma_start3A_247, %dma_start3A_248] : memref<1x128xi32, #tpu.memory_space<vmem>> -> memref<1x128xi32, #tpu.memory_space<vmem>>
      %dma_start3A_250 = tpu.memref_squeeze %dma_start3A_249 : memref<1x128xi32, #tpu.memory_space<vmem>> -> memref<128xi32, #tpu.memory_space<vmem>>
      %dma_start3A_251 = arith.constant 0 : i32
      %dma_start3A_252 = arith.constant 0 : i32
      %dma_start3A_253 = tpu.memref_slice %arg2[%dma_start3A_251, %dma_start3A_252] : memref<10240x128xf32, #tpu.memory_space<hbm>> -> memref<10240x128xf32, #tpu.memory_space<hbm>>
      tpu.enqueue_indirect_dma source(%dma_start3A_253 : memref<10240x128xf32, #tpu.memory_space<hbm>>) target(%arg11 : memref<128x128xf32, #tpu.memory_space<vmem>>) offsets(%dma_start3A_250 : memref<128xi32, #tpu.memory_space<vmem>>) semaphore(%arg14 : memref<!tpu.dma_semaphore, #tpu.memory_space<semaphore_mem>>)
      %dma_wait3A_254 = arith.constant 0 : i32
      %dma_wait3A_255 = arith.constant 0 : i32
      %dma_wait3A_256 = tpu.memref_slice %arg8[%dma_wait3A_254, %dma_wait3A_255] : memref<1x128xi32, #tpu.memory_space<vmem>> -> memref<1x128xi32, #tpu.memory_space<vmem>>
      %dma_wait3A_257 = tpu.memref_squeeze %dma_wait3A_256 : memref<1x128xi32, #tpu.memory_space<vmem>> -> memref<128xi32, #tpu.memory_space<vmem>>
      %dma_wait3A_258 = arith.constant 0 : i32
      %dma_wait3A_259 = arith.constant 0 : i32
      %dma_wait3A_260 = tpu.memref_slice %arg2[%dma_wait3A_258, %dma_wait3A_259] : memref<10240x128xf32, #tpu.memory_space<hbm>> -> memref<10240x128xf32, #tpu.memory_space<hbm>>
      tpu.wait_indirect_dma semaphore(%arg15 : memref<!tpu.dma_semaphore, #tpu.memory_space<semaphore_mem>>) src(%dma_wait3A_260 : memref<10240x128xf32, #tpu.memory_space<hbm>>) dst(%arg12 : memref<128x128xf32, #tpu.memory_space<vmem>>)
      %add3A_261 = arith.constant 2 : i32
      %add3A_262 = arith.addi %add3A_185, %add3A_261 : i32
      %add3A_263 = arith.addi %select_n3A_8, %add3A_262 : i32
      %dma_start3A_264 = arith.constant 0 : i32
      %dma_start3A_265 = tpu.memref_slice %arg3[%add3A_263, %dma_start3A_264] : memref<2560x128xi32, #tpu.memory_space<hbm>> -> memref<1x128xi32, #tpu.memory_space<hbm>>
      %dma_start3A_266 = arith.constant 0 : i32
      %dma_start3A_267 = tpu.memref_slice %arg3[%add3A_263, %dma_start3A_266] : memref<2560x128xi32, #tpu.memory_space<hbm>> -> memref<1x128xi32, #tpu.memory_space<hbm>>
      tpu.enqueue_dma source(%dma_start3A_267 : memref<1x128xi32, #tpu.memory_space<hbm>>) target(%arg8 : memref<1x128xi32, #tpu.memory_space<vmem>>) target_semaphore(%arg19 : memref<!tpu.dma_semaphore, #tpu.memory_space<semaphore_mem>>)
      %dma_wait3A_268 = arith.constant 0 : i32
      %dma_wait3A_269 = tpu.memref_slice %arg4[%select_n3A_8, %dma_wait3A_268] : memref<2560x128xi32, #tpu.memory_space<hbm>> -> memref<1x128xi32, #tpu.memory_space<hbm>>
      %dma_wait3A_270 = arith.constant 0 : i32
      %dma_wait3A_271 = tpu.memref_slice %arg4[%select_n3A_8, %dma_wait3A_270] : memref<2560x128xi32, #tpu.memory_space<hbm>> -> memref<1x128xi32, #tpu.memory_space<hbm>>
      tpu.wait_dma2 semaphore(%arg21 : memref<!tpu.dma_semaphore, #tpu.memory_space<semaphore_mem>>) src(%dma_wait3A_271 : memref<1x128xi32, #tpu.memory_space<hbm>>) dst(%arg10 : memref<1x128xi32, #tpu.memory_space<vmem>>)
      %dma_start3A_272 = arith.constant 0 : i32
      %dma_start3A_273 = arith.constant 0 : i32
      %dma_start3A_274 = tpu.memref_slice %arg10[%dma_start3A_272, %dma_start3A_273] : memref<1x128xi32, #tpu.memory_space<vmem>> -> memref<1x128xi32, #tpu.memory_space<vmem>>
      %dma_start3A_275 = tpu.memref_squeeze %dma_start3A_274 : memref<1x128xi32, #tpu.memory_space<vmem>> -> memref<128xi32, #tpu.memory_space<vmem>>
      %dma_start3A_276 = arith.constant 0 : i32
      %dma_start3A_277 = arith.constant 0 : i32
      %dma_start3A_278 = tpu.memref_slice %arg13[%dma_start3A_276, %dma_start3A_277] : memref<10240x128xf32, #tpu.memory_space<vmem_shared>> -> memref<10240x128xf32, #tpu.memory_space<vmem_shared>>
      tpu.enqueue_indirect_dma source(%arg12 : memref<128x128xf32, #tpu.memory_space<vmem>>) target(%dma_start3A_278 : memref<10240x128xf32, #tpu.memory_space<vmem_shared>>) offsets(%dma_start3A_275 : memref<128xi32, #tpu.memory_space<vmem>>) semaphore(%arg17 : memref<!tpu.dma_semaphore, #tpu.memory_space<semaphore_mem>>) {add = true}
    }
    %dma_wait3A_85 = arith.constant 0 : i32
    %dma_wait3A_86 = arith.constant 0 : i32
    %dma_wait3A_87 = tpu.memref_slice %arg10[%dma_wait3A_85, %dma_wait3A_86] : memref<1x128xi32, #tpu.memory_space<vmem>> -> memref<1x128xi32, #tpu.memory_space<vmem>>
    %dma_wait3A_88 = tpu.memref_squeeze %dma_wait3A_87 : memref<1x128xi32, #tpu.memory_space<vmem>> -> memref<128xi32, #tpu.memory_space<vmem>>
    %dma_wait3A_89 = arith.constant 0 : i32
    %dma_wait3A_90 = arith.constant 0 : i32
    %dma_wait3A_91 = tpu.memref_slice %arg13[%dma_wait3A_89, %dma_wait3A_90] : memref<10240x128xf32, #tpu.memory_space<vmem_shared>> -> memref<10240x128xf32, #tpu.memory_space<vmem_shared>>
    tpu.wait_indirect_dma semaphore(%arg17 : memref<!tpu.dma_semaphore, #tpu.memory_space<semaphore_mem>>) src(%arg12 : memref<128x128xf32, #tpu.memory_space<vmem>>) dst(%dma_wait3A_91 : memref<10240x128xf32, #tpu.memory_space<vmem_shared>>)
    %sub3A_92 = arith.constant 1 : i32
    %sub3A_93 = arith.subi %select_n3A, %sub3A_92 : i32
    %add3A_94 = arith.addi %select_n3A_8, %sub3A_93 : i32
    %dma_start3A_95 = arith.constant 0 : i32
    %dma_start3A_96 = tpu.memref_slice %arg4[%add3A_94, %dma_start3A_95] : memref<2560x128xi32, #tpu.memory_space<hbm>> -> memref<1x128xi32, #tpu.memory_space<hbm>>
    %dma_start3A_97 = arith.constant 0 : i32
    %dma_start3A_98 = tpu.memref_slice %arg4[%add3A_94, %dma_start3A_97] : memref<2560x128xi32, #tpu.memory_space<hbm>> -> memref<1x128xi32, #tpu.memory_space<hbm>>
    tpu.enqueue_dma source(%dma_start3A_98 : memref<1x128xi32, #tpu.memory_space<hbm>>) target(%arg10 : memref<1x128xi32, #tpu.memory_space<vmem>>) target_semaphore(%arg21 : memref<!tpu.dma_semaphore, #tpu.memory_space<semaphore_mem>>)
    %dma_wait3A_99 = arith.constant 0 : i32
    %dma_wait3A_100 = tpu.memref_slice %arg3[%select_n3A_8, %dma_wait3A_99] : memref<2560x128xi32, #tpu.memory_space<hbm>> -> memref<1x128xi32, #tpu.memory_space<hbm>>
    %dma_wait3A_101 = arith.constant 0 : i32
    %dma_wait3A_102 = tpu.memref_slice %arg3[%select_n3A_8, %dma_wait3A_101] : memref<2560x128xi32, #tpu.memory_space<hbm>> -> memref<1x128xi32, #tpu.memory_space<hbm>>
    tpu.wait_dma2 semaphore(%arg19 : memref<!tpu.dma_semaphore, #tpu.memory_space<semaphore_mem>>) src(%dma_wait3A_102 : memref<1x128xi32, #tpu.memory_space<hbm>>) dst(%arg8 : memref<1x128xi32, #tpu.memory_space<vmem>>)
    %dma_start3A_103 = arith.constant 0 : i32
    %dma_start3A_104 = arith.constant 0 : i32
    %dma_start3A_105 = tpu.memref_slice %arg8[%dma_start3A_103, %dma_start3A_104] : memref<1x128xi32, #tpu.memory_space<vmem>> -> memref<1x128xi32, #tpu.memory_space<vmem>>
    %dma_start3A_106 = tpu.memref_squeeze %dma_start3A_105 : memref<1x128xi32, #tpu.memory_space<vmem>> -> memref<128xi32, #tpu.memory_space<vmem>>
    %dma_start3A_107 = arith.constant 0 : i32
    %dma_start3A_108 = arith.constant 0 : i32
    %dma_start3A_109 = tpu.memref_slice %arg2[%dma_start3A_107, %dma_start3A_108] : memref<10240x128xf32, #tpu.memory_space<hbm>> -> memref<10240x128xf32, #tpu.memory_space<hbm>>
    tpu.enqueue_indirect_dma source(%dma_start3A_109 : memref<10240x128xf32, #tpu.memory_space<hbm>>) target(%arg12 : memref<128x128xf32, #tpu.memory_space<vmem>>) offsets(%dma_start3A_106 : memref<128xi32, #tpu.memory_space<vmem>>) semaphore(%arg15 : memref<!tpu.dma_semaphore, #tpu.memory_space<semaphore_mem>>)
    %dma_wait3A_110 = arith.constant 0 : i32
    %dma_wait3A_111 = arith.constant 0 : i32
    %dma_wait3A_112 = tpu.memref_slice %arg7[%dma_wait3A_110, %dma_wait3A_111] : memref<1x128xi32, #tpu.memory_space<vmem>> -> memref<1x128xi32, #tpu.memory_space<vmem>>
    %dma_wait3A_113 = tpu.memref_squeeze %dma_wait3A_112 : memref<1x128xi32, #tpu.memory_space<vmem>> -> memref<128xi32, #tpu.memory_space<vmem>>
    %dma_wait3A_114 = arith.constant 0 : i32
    %dma_wait3A_115 = arith.constant 0 : i32
    %dma_wait3A_116 = tpu.memref_slice %arg2[%dma_wait3A_114, %dma_wait3A_115] : memref<10240x128xf32, #tpu.memory_space<hbm>> -> memref<10240x128xf32, #tpu.memory_space<hbm>>
    tpu.wait_indirect_dma semaphore(%arg14 : memref<!tpu.dma_semaphore, #tpu.memory_space<semaphore_mem>>) src(%dma_wait3A_116 : memref<10240x128xf32, #tpu.memory_space<hbm>>) dst(%arg11 : memref<128x128xf32, #tpu.memory_space<vmem>>)
    %dma_wait3A_117 = arith.constant 0 : i32
    %dma_wait3A_118 = tpu.memref_slice %arg4[%select_n3A_8, %dma_wait3A_117] : memref<2560x128xi32, #tpu.memory_space<hbm>> -> memref<1x128xi32, #tpu.memory_space<hbm>>
    %dma_wait3A_119 = arith.constant 0 : i32
    %dma_wait3A_120 = tpu.memref_slice %arg4[%select_n3A_8, %dma_wait3A_119] : memref<2560x128xi32, #tpu.memory_space<hbm>> -> memref<1x128xi32, #tpu.memory_space<hbm>>
    tpu.wait_dma2 semaphore(%arg20 : memref<!tpu.dma_semaphore, #tpu.memory_space<semaphore_mem>>) src(%dma_wait3A_120 : memref<1x128xi32, #tpu.memory_space<hbm>>) dst(%arg9 : memref<1x128xi32, #tpu.memory_space<vmem>>)
    %dma_start3A_121 = arith.constant 0 : i32
    %dma_start3A_122 = arith.constant 0 : i32
    %dma_start3A_123 = tpu.memref_slice %arg9[%dma_start3A_121, %dma_start3A_122] : memref<1x128xi32, #tpu.memory_space<vmem>> -> memref<1x128xi32, #tpu.memory_space<vmem>>
    %dma_start3A_124 = tpu.memref_squeeze %dma_start3A_123 : memref<1x128xi32, #tpu.memory_space<vmem>> -> memref<128xi32, #tpu.memory_space<vmem>>
    %dma_start3A_125 = arith.constant 0 : i32
    %dma_start3A_126 = arith.constant 0 : i32
    %dma_start3A_127 = tpu.memref_slice %arg13[%dma_start3A_125, %dma_start3A_126] : memref<10240x128xf32, #tpu.memory_space<vmem_shared>> -> memref<10240x128xf32, #tpu.memory_space<vmem_shared>>
    tpu.enqueue_indirect_dma source(%arg11 : memref<128x128xf32, #tpu.memory_space<vmem>>) target(%dma_start3A_127 : memref<10240x128xf32, #tpu.memory_space<vmem_shared>>) offsets(%dma_start3A_124 : memref<128xi32, #tpu.memory_space<vmem>>) semaphore(%arg16 : memref<!tpu.dma_semaphore, #tpu.memory_space<semaphore_mem>>) {add = true}
    %dma_wait3A_128 = arith.constant 0 : i32
    %dma_wait3A_129 = arith.constant 0 : i32
    %dma_wait3A_130 = tpu.memref_slice %arg9[%dma_wait3A_128, %dma_wait3A_129] : memref<1x128xi32, #tpu.memory_space<vmem>> -> memref<1x128xi32, #tpu.memory_space<vmem>>
    %dma_wait3A_131 = tpu.memref_squeeze %dma_wait3A_130 : memref<1x128xi32, #tpu.memory_space<vmem>> -> memref<128xi32, #tpu.memory_space<vmem>>
    %dma_wait3A_132 = arith.constant 0 : i32
    %dma_wait3A_133 = arith.constant 0 : i32
    %dma_wait3A_134 = tpu.memref_slice %arg13[%dma_wait3A_132, %dma_wait3A_133] : memref<10240x128xf32, #tpu.memory_space<vmem_shared>> -> memref<10240x128xf32, #tpu.memory_space<vmem_shared>>
    tpu.wait_indirect_dma semaphore(%arg16 : memref<!tpu.dma_semaphore, #tpu.memory_space<semaphore_mem>>) src(%arg11 : memref<128x128xf32, #tpu.memory_space<vmem>>) dst(%dma_wait3A_134 : memref<10240x128xf32, #tpu.memory_space<vmem_shared>>)
    %dma_wait3A_135 = arith.constant 0 : i32
    %dma_wait3A_136 = arith.constant 0 : i32
    %dma_wait3A_137 = tpu.memref_slice %arg8[%dma_wait3A_135, %dma_wait3A_136] : memref<1x128xi32, #tpu.memory_space<vmem>> -> memref<1x128xi32, #tpu.memory_space<vmem>>
    %dma_wait3A_138 = tpu.memref_squeeze %dma_wait3A_137 : memref<1x128xi32, #tpu.memory_space<vmem>> -> memref<128xi32, #tpu.memory_space<vmem>>
    %dma_wait3A_139 = arith.constant 0 : i32
    %dma_wait3A_140 = arith.constant 0 : i32
    %dma_wait3A_141 = tpu.memref_slice %arg2[%dma_wait3A_139, %dma_wait3A_140] : memref<10240x128xf32, #tpu.memory_space<hbm>> -> memref<10240x128xf32, #tpu.memory_space<hbm>>
    tpu.wait_indirect_dma semaphore(%arg15 : memref<!tpu.dma_semaphore, #tpu.memory_space<semaphore_mem>>) src(%dma_wait3A_141 : memref<10240x128xf32, #tpu.memory_space<hbm>>) dst(%arg12 : memref<128x128xf32, #tpu.memory_space<vmem>>)
    %dma_wait3A_142 = arith.constant 0 : i32
    %dma_wait3A_143 = tpu.memref_slice %arg4[%select_n3A_8, %dma_wait3A_142] : memref<2560x128xi32, #tpu.memory_space<hbm>> -> memref<1x128xi32, #tpu.memory_space<hbm>>
    %dma_wait3A_144 = arith.constant 0 : i32
    %dma_wait3A_145 = tpu.memref_slice %arg4[%select_n3A_8, %dma_wait3A_144] : memref<2560x128xi32, #tpu.memory_space<hbm>> -> memref<1x128xi32, #tpu.memory_space<hbm>>
    tpu.wait_dma2 semaphore(%arg21 : memref<!tpu.dma_semaphore, #tpu.memory_space<semaphore_mem>>) src(%dma_wait3A_145 : memref<1x128xi32, #tpu.memory_space<hbm>>) dst(%arg10 : memref<1x128xi32, #tpu.memory_space<vmem>>)
    %dma_start3A_146 = arith.constant 0 : i32
    %dma_start3A_147 = arith.constant 0 : i32
    %dma_start3A_148 = tpu.memref_slice %arg10[%dma_start3A_146, %dma_start3A_147] : memref<1x128xi32, #tpu.memory_space<vmem>> -> memref<1x128xi32, #tpu.memory_space<vmem>>
    %dma_start3A_149 = tpu.memref_squeeze %dma_start3A_148 : memref<1x128xi32, #tpu.memory_space<vmem>> -> memref<128xi32, #tpu.memory_space<vmem>>
    %dma_start3A_150 = arith.constant 0 : i32
    %dma_start3A_151 = arith.constant 0 : i32
    %dma_start3A_152 = tpu.memref_slice %arg13[%dma_start3A_150, %dma_start3A_151] : memref<10240x128xf32, #tpu.memory_space<vmem_shared>> -> memref<10240x128xf32, #tpu.memory_space<vmem_shared>>
    tpu.enqueue_indirect_dma source(%arg12 : memref<128x128xf32, #tpu.memory_space<vmem>>) target(%dma_start3A_152 : memref<10240x128xf32, #tpu.memory_space<vmem_shared>>) offsets(%dma_start3A_149 : memref<128xi32, #tpu.memory_space<vmem>>) semaphore(%arg17 : memref<!tpu.dma_semaphore, #tpu.memory_space<semaphore_mem>>) {add = true}
    %dma_wait3A_153 = arith.constant 0 : i32
    %dma_wait3A_154 = arith.constant 0 : i32
    %dma_wait3A_155 = tpu.memref_slice %arg10[%dma_wait3A_153, %dma_wait3A_154] : memref<1x128xi32, #tpu.memory_space<vmem>> -> memref<1x128xi32, #tpu.memory_space<vmem>>
    %dma_wait3A_156 = tpu.memref_squeeze %dma_wait3A_155 : memref<1x128xi32, #tpu.memory_space<vmem>> -> memref<128xi32, #tpu.memory_space<vmem>>
    %dma_wait3A_157 = arith.constant 0 : i32
    %dma_wait3A_158 = arith.constant 0 : i32
    %dma_wait3A_159 = tpu.memref_slice %arg13[%dma_wait3A_157, %dma_wait3A_158] : memref<10240x128xf32, #tpu.memory_space<vmem_shared>> -> memref<10240x128xf32, #tpu.memory_space<vmem_shared>>
    tpu.wait_indirect_dma semaphore(%arg17 : memref<!tpu.dma_semaphore, #tpu.memory_space<semaphore_mem>>) src(%arg12 : memref<128x128xf32, #tpu.memory_space<vmem>>) dst(%dma_wait3A_159 : memref<10240x128xf32, #tpu.memory_space<vmem_shared>>)
    %barrier3A_160 = arith.constant 0 : index
    tpu.barrier barrier_id(%barrier3A_160)
    %mul3A_161 = arith.constant 640 : i32
    %mul3A_162 = arith.muli %arg1, %mul3A_161 : i32
    %add3A_163 = arith.constant 0 : i32
    %add3A_164 = arith.addi %mul3A_162, %add3A_163 : i32
    "tpu.region"() ({
      %run_scoped3A = tpu.sem_alloc : memref<!tpu.dma_semaphore, #tpu.memory_space<semaphore_mem>>
      %dma_start3A_181 = arith.constant 0 : i32
      %dma_start3A_182 = tpu.memref_slice %arg13[%add3A_164, %dma_start3A_181] : memref<10240x128xf32, #tpu.memory_space<vmem_shared>> -> memref<128x128xf32, #tpu.memory_space<vmem_shared>>
      %dma_start3A_183 = arith.constant 0 : i32
      %dma_start3A_184 = tpu.memref_slice %arg13[%add3A_164, %dma_start3A_183] : memref<10240x128xf32, #tpu.memory_space<vmem_shared>> -> memref<128x128xf32, #tpu.memory_space<vmem_shared>>
      tpu.enqueue_dma source(%dma_start3A_184 : memref<128x128xf32, #tpu.memory_space<vmem_shared>>) target(%arg11 : memref<128x128xf32, #tpu.memory_space<vmem>>) target_semaphore(%run_scoped3A : memref<!tpu.dma_semaphore, #tpu.memory_space<semaphore_mem>>)
      %dma_wait3A_185 = arith.constant 0 : i32
      %dma_wait3A_186 = tpu.memref_slice %arg13[%add3A_164, %dma_wait3A_185] : memref<10240x128xf32, #tpu.memory_space<vmem_shared>> -> memref<128x128xf32, #tpu.memory_space<vmem_shared>>
      %dma_wait3A_187 = arith.constant 0 : i32
      %dma_wait3A_188 = tpu.memref_slice %arg13[%add3A_164, %dma_wait3A_187] : memref<10240x128xf32, #tpu.memory_space<vmem_shared>> -> memref<128x128xf32, #tpu.memory_space<vmem_shared>>
      tpu.wait_dma2 semaphore(%run_scoped3A : memref<!tpu.dma_semaphore, #tpu.memory_space<semaphore_mem>>) src(%dma_wait3A_188 : memref<128x128xf32, #tpu.memory_space<vmem_shared>>) dst(%arg11 : memref<128x128xf32, #tpu.memory_space<vmem>>)
      tpu.yield
    }) : () -> ()
    "tpu.region"() ({
      %run_scoped3A = tpu.sem_alloc : memref<!tpu.dma_semaphore, #tpu.memory_space<semaphore_mem>>
      %dma_start3A_181 = arith.constant 0 : i32
      %dma_start3A_182 = tpu.memref_slice %arg6[%arg0, %add3A_164, %dma_start3A_181] : memref<2x10240x128xf32, #tpu.memory_space<hbm>> -> memref<1x128x128xf32, #tpu.memory_space<hbm>>
      %dma_start3A_183 = tpu.memref_squeeze %dma_start3A_182 : memref<1x128x128xf32, #tpu.memory_space<hbm>> -> memref<128x128xf32, #tpu.memory_space<hbm>>
      %dma_start3A_184 = arith.constant 0 : i32
      %dma_start3A_185 = tpu.memref_slice %arg6[%arg0, %add3A_164, %dma_start3A_184] : memref<2x10240x128xf32, #tpu.memory_space<hbm>> -> memref<1x128x128xf32, #tpu.memory_space<hbm>>
      %dma_start3A_186 = tpu.memref_squeeze %dma_start3A_185 : memref<1x128x128xf32, #tpu.memory_space<hbm>> -> memref<128x128xf32, #tpu.memory_space<hbm>>
      tpu.enqueue_dma source(%arg11 : memref<128x128xf32, #tpu.memory_space<vmem>>) target(%dma_start3A_186 : memref<128x128xf32, #tpu.memory_space<hbm>>) target_semaphore(%run_scoped3A : memref<!tpu.dma_semaphore, #tpu.memory_space<semaphore_mem>>)
      %dma_wait3A_187 = arith.constant 0 : i32
      %dma_wait3A_188 = tpu.memref_slice %arg6[%arg0, %add3A_164, %dma_wait3A_187] : memref<2x10240x128xf32, #tpu.memory_space<hbm>> -> memref<1x128x128xf32, #tpu.memory_space<hbm>>
      %dma_wait3A_189 = tpu.memref_squeeze %dma_wait3A_188 : memref<1x128x128xf32, #tpu.memory_space<hbm>> -> memref<128x128xf32, #tpu.memory_space<hbm>>
      %dma_wait3A_190 = arith.constant 0 : i32
      %dma_wait3A_191 = tpu.memref_slice %arg6[%arg0, %add3A_164, %dma_wait3A_190] : memref<2x10240x128xf32, #tpu.memory_space<hbm>> -> memref<1x128x128xf32, #tpu.memory_space<hbm>>
      %dma_wait3A_192 = tpu.memref_squeeze %dma_wait3A_191 : memref<1x128x128xf32, #tpu.memory_space<hbm>> -> memref<128x128xf32, #tpu.memory_space<hbm>>
      tpu.wait_dma2 semaphore(%run_scoped3A : memref<!tpu.dma_semaphore, #tpu.memory_space<semaphore_mem>>) src(%arg11 : memref<128x128xf32, #tpu.memory_space<vmem>>) dst(%dma_wait3A_192 : memref<128x128xf32, #tpu.memory_space<hbm>>)
      tpu.yield
    }) : () -> ()
    %mul3A_165 = arith.constant 640 : i32
    %mul3A_166 = arith.muli %arg1, %mul3A_165 : i32
    %add3A_167 = arith.constant 128 : i32
    %add3A_168 = arith.addi %mul3A_166, %add3A_167 : i32
    "tpu.region"() ({
      %run_scoped3A = tpu.sem_alloc : memref<!tpu.dma_semaphore, #tpu.memory_space<semaphore_mem>>
      %dma_start3A_181 = arith.constant 0 : i32
      %dma_start3A_182 = tpu.memref_slice %arg13[%add3A_168, %dma_start3A_181] : memref<10240x128xf32, #tpu.memory_space<vmem_shared>> -> memref<128x128xf32, #tpu.memory_space<vmem_shared>>
      %dma_start3A_183 = arith.constant 0 : i32
      %dma_start3A_184 = tpu.memref_slice %arg13[%add3A_168, %dma_start3A_183] : memref<10240x128xf32, #tpu.memory_space<vmem_shared>> -> memref<128x128xf32, #tpu.memory_space<vmem_shared>>
      tpu.enqueue_dma source(%dma_start3A_184 : memref<128x128xf32, #tpu.memory_space<vmem_shared>>) target(%arg11 : memref<128x128xf32, #tpu.memory_space<vmem>>) target_semaphore(%run_scoped3A : memref<!tpu.dma_semaphore, #tpu.memory_space<semaphore_mem>>)
      %dma_wait3A_185 = arith.constant 0 : i32
      %dma_wait3A_186 = tpu.memref_slice %arg13[%add3A_168, %dma_wait3A_185] : memref<10240x128xf32, #tpu.memory_space<vmem_shared>> -> memref<128x128xf32, #tpu.memory_space<vmem_shared>>
      %dma_wait3A_187 = arith.constant 0 : i32
      %dma_wait3A_188 = tpu.memref_slice %arg13[%add3A_168, %dma_wait3A_187] : memref<10240x128xf32, #tpu.memory_space<vmem_shared>> -> memref<128x128xf32, #tpu.memory_space<vmem_shared>>
      tpu.wait_dma2 semaphore(%run_scoped3A : memref<!tpu.dma_semaphore, #tpu.memory_space<semaphore_mem>>) src(%dma_wait3A_188 : memref<128x128xf32, #tpu.memory_space<vmem_shared>>) dst(%arg11 : memref<128x128xf32, #tpu.memory_space<vmem>>)
      tpu.yield
    }) : () -> ()
    "tpu.region"() ({
      %run_scoped3A = tpu.sem_alloc : memref<!tpu.dma_semaphore, #tpu.memory_space<semaphore_mem>>
      %dma_start3A_181 = arith.constant 0 : i32
      %dma_start3A_182 = tpu.memref_slice %arg6[%arg0, %add3A_168, %dma_start3A_181] : memref<2x10240x128xf32, #tpu.memory_space<hbm>> -> memref<1x128x128xf32, #tpu.memory_space<hbm>>
      %dma_start3A_183 = tpu.memref_squeeze %dma_start3A_182 : memref<1x128x128xf32, #tpu.memory_space<hbm>> -> memref<128x128xf32, #tpu.memory_space<hbm>>
      %dma_start3A_184 = arith.constant 0 : i32
      %dma_start3A_185 = tpu.memref_slice %arg6[%arg0, %add3A_168, %dma_start3A_184] : memref<2x10240x128xf32, #tpu.memory_space<hbm>> -> memref<1x128x128xf32, #tpu.memory_space<hbm>>
      %dma_start3A_186 = tpu.memref_squeeze %dma_start3A_185 : memref<1x128x128xf32, #tpu.memory_space<hbm>> -> memref<128x128xf32, #tpu.memory_space<hbm>>
      tpu.enqueue_dma source(%arg11 : memref<128x128xf32, #tpu.memory_space<vmem>>) target(%dma_start3A_186 : memref<128x128xf32, #tpu.memory_space<hbm>>) target_semaphore(%run_scoped3A : memref<!tpu.dma_semaphore, #tpu.memory_space<semaphore_mem>>)
      %dma_wait3A_187 = arith.constant 0 : i32
      %dma_wait3A_188 = tpu.memref_slice %arg6[%arg0, %add3A_168, %dma_wait3A_187] : memref<2x10240x128xf32, #tpu.memory_space<hbm>> -> memref<1x128x128xf32, #tpu.memory_space<hbm>>
      %dma_wait3A_189 = tpu.memref_squeeze %dma_wait3A_188 : memref<1x128x128xf32, #tpu.memory_space<hbm>> -> memref<128x128xf32, #tpu.memory_space<hbm>>
      %dma_wait3A_190 = arith.constant 0 : i32
      %dma_wait3A_191 = tpu.memref_slice %arg6[%arg0, %add3A_168, %dma_wait3A_190] : memref<2x10240x128xf32, #tpu.memory_space<hbm>> -> memref<1x128x128xf32, #tpu.memory_space<hbm>>
      %dma_wait3A_192 = tpu.memref_squeeze %dma_wait3A_191 : memref<1x128x128xf32, #tpu.memory_space<hbm>> -> memref<128x128xf32, #tpu.memory_space<hbm>>
      tpu.wait_dma2 semaphore(%run_scoped3A : memref<!tpu.dma_semaphore, #tpu.memory_space<semaphore_mem>>) src(%arg11 : memref<128x128xf32, #tpu.memory_space<vmem>>) dst(%dma_wait3A_192 : memref<128x128xf32, #tpu.memory_space<hbm>>)
      tpu.yield
    }) : () -> ()
    %mul3A_169 = arith.constant 640 : i32
    %mul3A_170 = arith.muli %arg1, %mul3A_169 : i32
    %add3A_171 = arith.constant 256 : i32
    %add3A_172 = arith.addi %mul3A_170, %add3A_171 : i32
    "tpu.region"() ({
      %run_scoped3A = tpu.sem_alloc : memref<!tpu.dma_semaphore, #tpu.memory_space<semaphore_mem>>
      %dma_start3A_181 = arith.constant 0 : i32
      %dma_start3A_182 = tpu.memref_slice %arg13[%add3A_172, %dma_start3A_181] : memref<10240x128xf32, #tpu.memory_space<vmem_shared>> -> memref<128x128xf32, #tpu.memory_space<vmem_shared>>
      %dma_start3A_183 = arith.constant 0 : i32
      %dma_start3A_184 = tpu.memref_slice %arg13[%add3A_172, %dma_start3A_183] : memref<10240x128xf32, #tpu.memory_space<vmem_shared>> -> memref<128x128xf32, #tpu.memory_space<vmem_shared>>
      tpu.enqueue_dma source(%dma_start3A_184 : memref<128x128xf32, #tpu.memory_space<vmem_shared>>) target(%arg11 : memref<128x128xf32, #tpu.memory_space<vmem>>) target_semaphore(%run_scoped3A : memref<!tpu.dma_semaphore, #tpu.memory_space<semaphore_mem>>)
      %dma_wait3A_185 = arith.constant 0 : i32
      %dma_wait3A_186 = tpu.memref_slice %arg13[%add3A_172, %dma_wait3A_185] : memref<10240x128xf32, #tpu.memory_space<vmem_shared>> -> memref<128x128xf32, #tpu.memory_space<vmem_shared>>
      %dma_wait3A_187 = arith.constant 0 : i32
      %dma_wait3A_188 = tpu.memref_slice %arg13[%add3A_172, %dma_wait3A_187] : memref<10240x128xf32, #tpu.memory_space<vmem_shared>> -> memref<128x128xf32, #tpu.memory_space<vmem_shared>>
      tpu.wait_dma2 semaphore(%run_scoped3A : memref<!tpu.dma_semaphore, #tpu.memory_space<semaphore_mem>>) src(%dma_wait3A_188 : memref<128x128xf32, #tpu.memory_space<vmem_shared>>) dst(%arg11 : memref<128x128xf32, #tpu.memory_space<vmem>>)
      tpu.yield
    }) : () -> ()
    "tpu.region"() ({
      %run_scoped3A = tpu.sem_alloc : memref<!tpu.dma_semaphore, #tpu.memory_space<semaphore_mem>>
      %dma_start3A_181 = arith.constant 0 : i32
      %dma_start3A_182 = tpu.memref_slice %arg6[%arg0, %add3A_172, %dma_start3A_181] : memref<2x10240x128xf32, #tpu.memory_space<hbm>> -> memref<1x128x128xf32, #tpu.memory_space<hbm>>
      %dma_start3A_183 = tpu.memref_squeeze %dma_start3A_182 : memref<1x128x128xf32, #tpu.memory_space<hbm>> -> memref<128x128xf32, #tpu.memory_space<hbm>>
      %dma_start3A_184 = arith.constant 0 : i32
      %dma_start3A_185 = tpu.memref_slice %arg6[%arg0, %add3A_172, %dma_start3A_184] : memref<2x10240x128xf32, #tpu.memory_space<hbm>> -> memref<1x128x128xf32, #tpu.memory_space<hbm>>
      %dma_start3A_186 = tpu.memref_squeeze %dma_start3A_185 : memref<1x128x128xf32, #tpu.memory_space<hbm>> -> memref<128x128xf32, #tpu.memory_space<hbm>>
      tpu.enqueue_dma source(%arg11 : memref<128x128xf32, #tpu.memory_space<vmem>>) target(%dma_start3A_186 : memref<128x128xf32, #tpu.memory_space<hbm>>) target_semaphore(%run_scoped3A : memref<!tpu.dma_semaphore, #tpu.memory_space<semaphore_mem>>)
      %dma_wait3A_187 = arith.constant 0 : i32
      %dma_wait3A_188 = tpu.memref_slice %arg6[%arg0, %add3A_172, %dma_wait3A_187] : memref<2x10240x128xf32, #tpu.memory_space<hbm>> -> memref<1x128x128xf32, #tpu.memory_space<hbm>>
      %dma_wait3A_189 = tpu.memref_squeeze %dma_wait3A_188 : memref<1x128x128xf32, #tpu.memory_space<hbm>> -> memref<128x128xf32, #tpu.memory_space<hbm>>
      %dma_wait3A_190 = arith.constant 0 : i32
      %dma_wait3A_191 = tpu.memref_slice %arg6[%arg0, %add3A_172, %dma_wait3A_190] : memref<2x10240x128xf32, #tpu.memory_space<hbm>> -> memref<1x128x128xf32, #tpu.memory_space<hbm>>
      %dma_wait3A_192 = tpu.memref_squeeze %dma_wait3A_191 : memref<1x128x128xf32, #tpu.memory_space<hbm>> -> memref<128x128xf32, #tpu.memory_space<hbm>>
      tpu.wait_dma2 semaphore(%run_scoped3A : memref<!tpu.dma_semaphore, #tpu.memory_space<semaphore_mem>>) src(%arg11 : memref<128x128xf32, #tpu.memory_space<vmem>>) dst(%dma_wait3A_192 : memref<128x128xf32, #tpu.memory_space<hbm>>)
      tpu.yield
    }) : () -> ()
    %mul3A_173 = arith.constant 640 : i32
    %mul3A_174 = arith.muli %arg1, %mul3A_173 : i32
    %add3A_175 = arith.constant 384 : i32
    %add3A_176 = arith.addi %mul3A_174, %add3A_175 : i32
    "tpu.region"() ({
      %run_scoped3A = tpu.sem_alloc : memref<!tpu.dma_semaphore, #tpu.memory_space<semaphore_mem>>
      %dma_start3A_181 = arith.constant 0 : i32
      %dma_start3A_182 = tpu.memref_slice %arg13[%add3A_176, %dma_start3A_181] : memref<10240x128xf32, #tpu.memory_space<vmem_shared>> -> memref<128x128xf32, #tpu.memory_space<vmem_shared>>
      %dma_start3A_183 = arith.constant 0 : i32
      %dma_start3A_184 = tpu.memref_slice %arg13[%add3A_176, %dma_start3A_183] : memref<10240x128xf32, #tpu.memory_space<vmem_shared>> -> memref<128x128xf32, #tpu.memory_space<vmem_shared>>
      tpu.enqueue_dma source(%dma_start3A_184 : memref<128x128xf32, #tpu.memory_space<vmem_shared>>) target(%arg11 : memref<128x128xf32, #tpu.memory_space<vmem>>) target_semaphore(%run_scoped3A : memref<!tpu.dma_semaphore, #tpu.memory_space<semaphore_mem>>)
      %dma_wait3A_185 = arith.constant 0 : i32
      %dma_wait3A_186 = tpu.memref_slice %arg13[%add3A_176, %dma_wait3A_185] : memref<10240x128xf32, #tpu.memory_space<vmem_shared>> -> memref<128x128xf32, #tpu.memory_space<vmem_shared>>
      %dma_wait3A_187 = arith.constant 0 : i32
      %dma_wait3A_188 = tpu.memref_slice %arg13[%add3A_176, %dma_wait3A_187] : memref<10240x128xf32, #tpu.memory_space<vmem_shared>> -> memref<128x128xf32, #tpu.memory_space<vmem_shared>>
      tpu.wait_dma2 semaphore(%run_scoped3A : memref<!tpu.dma_semaphore, #tpu.memory_space<semaphore_mem>>) src(%dma_wait3A_188 : memref<128x128xf32, #tpu.memory_space<vmem_shared>>) dst(%arg11 : memref<128x128xf32, #tpu.memory_space<vmem>>)
      tpu.yield
    }) : () -> ()
    "tpu.region"() ({
      %run_scoped3A = tpu.sem_alloc : memref<!tpu.dma_semaphore, #tpu.memory_space<semaphore_mem>>
      %dma_start3A_181 = arith.constant 0 : i32
      %dma_start3A_182 = tpu.memref_slice %arg6[%arg0, %add3A_176, %dma_start3A_181] : memref<2x10240x128xf32, #tpu.memory_space<hbm>> -> memref<1x128x128xf32, #tpu.memory_space<hbm>>
      %dma_start3A_183 = tpu.memref_squeeze %dma_start3A_182 : memref<1x128x128xf32, #tpu.memory_space<hbm>> -> memref<128x128xf32, #tpu.memory_space<hbm>>
      %dma_start3A_184 = arith.constant 0 : i32
      %dma_start3A_185 = tpu.memref_slice %arg6[%arg0, %add3A_176, %dma_start3A_184] : memref<2x10240x128xf32, #tpu.memory_space<hbm>> -> memref<1x128x128xf32, #tpu.memory_space<hbm>>
      %dma_start3A_186 = tpu.memref_squeeze %dma_start3A_185 : memref<1x128x128xf32, #tpu.memory_space<hbm>> -> memref<128x128xf32, #tpu.memory_space<hbm>>
      tpu.enqueue_dma source(%arg11 : memref<128x128xf32, #tpu.memory_space<vmem>>) target(%dma_start3A_186 : memref<128x128xf32, #tpu.memory_space<hbm>>) target_semaphore(%run_scoped3A : memref<!tpu.dma_semaphore, #tpu.memory_space<semaphore_mem>>)
      %dma_wait3A_187 = arith.constant 0 : i32
      %dma_wait3A_188 = tpu.memref_slice %arg6[%arg0, %add3A_176, %dma_wait3A_187] : memref<2x10240x128xf32, #tpu.memory_space<hbm>> -> memref<1x128x128xf32, #tpu.memory_space<hbm>>
      %dma_wait3A_189 = tpu.memref_squeeze %dma_wait3A_188 : memref<1x128x128xf32, #tpu.memory_space<hbm>> -> memref<128x128xf32, #tpu.memory_space<hbm>>
      %dma_wait3A_190 = arith.constant 0 : i32
      %dma_wait3A_191 = tpu.memref_slice %arg6[%arg0, %add3A_176, %dma_wait3A_190] : memref<2x10240x128xf32, #tpu.memory_space<hbm>> -> memref<1x128x128xf32, #tpu.memory_space<hbm>>
      %dma_wait3A_192 = tpu.memref_squeeze %dma_wait3A_191 : memref<1x128x128xf32, #tpu.memory_space<hbm>> -> memref<128x128xf32, #tpu.memory_space<hbm>>
      tpu.wait_dma2 semaphore(%run_scoped3A : memref<!tpu.dma_semaphore, #tpu.memory_space<semaphore_mem>>) src(%arg11 : memref<128x128xf32, #tpu.memory_space<vmem>>) dst(%dma_wait3A_192 : memref<128x128xf32, #tpu.memory_space<hbm>>)
      tpu.yield
    }) : () -> ()
    %mul3A_177 = arith.constant 640 : i32
    %mul3A_178 = arith.muli %arg1, %mul3A_177 : i32
    %add3A_179 = arith.constant 512 : i32
    %add3A_180 = arith.addi %mul3A_178, %add3A_179 : i32
    "tpu.region"() ({
      %run_scoped3A = tpu.sem_alloc : memref<!tpu.dma_semaphore, #tpu.memory_space<semaphore_mem>>
      %dma_start3A_181 = arith.constant 0 : i32
      %dma_start3A_182 = tpu.memref_slice %arg13[%add3A_180, %dma_start3A_181] : memref<10240x128xf32, #tpu.memory_space<vmem_shared>> -> memref<128x128xf32, #tpu.memory_space<vmem_shared>>
      %dma_start3A_183 = arith.constant 0 : i32
      %dma_start3A_184 = tpu.memref_slice %arg13[%add3A_180, %dma_start3A_183] : memref<10240x128xf32, #tpu.memory_space<vmem_shared>> -> memref<128x128xf32, #tpu.memory_space<vmem_shared>>
      tpu.enqueue_dma source(%dma_start3A_184 : memref<128x128xf32, #tpu.memory_space<vmem_shared>>) target(%arg11 : memref<128x128xf32, #tpu.memory_space<vmem>>) target_semaphore(%run_scoped3A : memref<!tpu.dma_semaphore, #tpu.memory_space<semaphore_mem>>)
      %dma_wait3A_185 = arith.constant 0 : i32
      %dma_wait3A_186 = tpu.memref_slice %arg13[%add3A_180, %dma_wait3A_185] : memref<10240x128xf32, #tpu.memory_space<vmem_shared>> -> memref<128x128xf32, #tpu.memory_space<vmem_shared>>
      %dma_wait3A_187 = arith.constant 0 : i32
      %dma_wait3A_188 = tpu.memref_slice %arg13[%add3A_180, %dma_wait3A_187] : memref<10240x128xf32, #tpu.memory_space<vmem_shared>> -> memref<128x128xf32, #tpu.memory_space<vmem_shared>>
      tpu.wait_dma2 semaphore(%run_scoped3A : memref<!tpu.dma_semaphore, #tpu.memory_space<semaphore_mem>>) src(%dma_wait3A_188 : memref<128x128xf32, #tpu.memory_space<vmem_shared>>) dst(%arg11 : memref<128x128xf32, #tpu.memory_space<vmem>>)
      tpu.yield
    }) : () -> ()
    "tpu.region"() ({
      %run_scoped3A = tpu.sem_alloc : memref<!tpu.dma_semaphore, #tpu.memory_space<semaphore_mem>>
      %dma_start3A_181 = arith.constant 0 : i32
      %dma_start3A_182 = tpu.memref_slice %arg6[%arg0, %add3A_180, %dma_start3A_181] : memref<2x10240x128xf32, #tpu.memory_space<hbm>> -> memref<1x128x128xf32, #tpu.memory_space<hbm>>
      %dma_start3A_183 = tpu.memref_squeeze %dma_start3A_182 : memref<1x128x128xf32, #tpu.memory_space<hbm>> -> memref<128x128xf32, #tpu.memory_space<hbm>>
      %dma_start3A_184 = arith.constant 0 : i32
      %dma_start3A_185 = tpu.memref_slice %arg6[%arg0, %add3A_180, %dma_start3A_184] : memref<2x10240x128xf32, #tpu.memory_space<hbm>> -> memref<1x128x128xf32, #tpu.memory_space<hbm>>
      %dma_start3A_186 = tpu.memref_squeeze %dma_start3A_185 : memref<1x128x128xf32, #tpu.memory_space<hbm>> -> memref<128x128xf32, #tpu.memory_space<hbm>>
      tpu.enqueue_dma source(%arg11 : memref<128x128xf32, #tpu.memory_space<vmem>>) target(%dma_start3A_186 : memref<128x128xf32, #tpu.memory_space<hbm>>) target_semaphore(%run_scoped3A : memref<!tpu.dma_semaphore, #tpu.memory_space<semaphore_mem>>)
      %dma_wait3A_187 = arith.constant 0 : i32
      %dma_wait3A_188 = tpu.memref_slice %arg6[%arg0, %add3A_180, %dma_wait3A_187] : memref<2x10240x128xf32, #tpu.memory_space<hbm>> -> memref<1x128x128xf32, #tpu.memory_space<hbm>>
      %dma_wait3A_189 = tpu.memref_squeeze %dma_wait3A_188 : memref<1x128x128xf32, #tpu.memory_space<hbm>> -> memref<128x128xf32, #tpu.memory_space<hbm>>
      %dma_wait3A_190 = arith.constant 0 : i32
      %dma_wait3A_191 = tpu.memref_slice %arg6[%arg0, %add3A_180, %dma_wait3A_190] : memref<2x10240x128xf32, #tpu.memory_space<hbm>> -> memref<1x128x128xf32, #tpu.memory_space<hbm>>
      %dma_wait3A_192 = tpu.memref_squeeze %dma_wait3A_191 : memref<1x128x128xf32, #tpu.memory_space<hbm>> -> memref<128x128xf32, #tpu.memory_space<hbm>>
      tpu.wait_dma2 semaphore(%run_scoped3A : memref<!tpu.dma_semaphore, #tpu.memory_space<semaphore_mem>>) src(%arg11 : memref<128x128xf32, #tpu.memory_space<vmem>>) dst(%dma_wait3A_192 : memref<128x128xf32, #tpu.memory_space<hbm>>)
      tpu.yield
    }) : () -> ()
    return
  }
}

#map = affine_map<(d0, d1) -> (0, 0)>
#map1 = affine_map<(d0, d1) -> (0, 0, 0)>
module attributes {stable_mosaic.version = 14 : i64} {
  func.func @_scatter_body(%arg0: i32, %arg1: i32, %arg2: memref<10240x128xf32, #tpu.memory_space<hbm>>, %arg3: memref<2560x128xi32, #tpu.memory_space<hbm>>, %arg4: memref<2560x128xi32, #tpu.memory_space<hbm>>, %arg5: memref<128x128xf32, #tpu.memory_space<hbm>>, %arg6: memref<2x10240x128xf32, #tpu.memory_space<hbm>>, %arg7: memref<1x128xi32, #tpu.memory_space<vmem>>, %arg8: memref<1x128xi32, #tpu.memory_space<vmem>>, %arg9: memref<1x128xi32, #tpu.memory_space<vmem>>, %arg10: memref<1x128xi32, #tpu.memory_space<vmem>>, %arg11: memref<128x128xf32, #tpu.memory_space<vmem>>, %arg12: memref<128x128xf32, #tpu.memory_space<vmem>>, %arg13: memref<10240x128xf32, #tpu.memory_space<vmem_shared>>, %arg14: memref<!tpu.dma_semaphore, #tpu.memory_space<semaphore_mem>>, %arg15: memref<!tpu.dma_semaphore, #tpu.memory_space<semaphore_mem>>, %arg16: memref<!tpu.dma_semaphore, #tpu.memory_space<semaphore_mem>>, %arg17: memref<!tpu.dma_semaphore, #tpu.memory_space<semaphore_mem>>, %arg18: memref<!tpu.dma_semaphore, #tpu.memory_space<semaphore_mem>>, %arg19: memref<!tpu.dma_semaphore, #tpu.memory_space<semaphore_mem>>, %arg20: memref<!tpu.dma_semaphore, #tpu.memory_space<semaphore_mem>>, %arg21: memref<!tpu.dma_semaphore, #tpu.memory_space<semaphore_mem>>) attributes {dimension_semantics = [#tpu.dimension_semantics<core_parallel>, #tpu.dimension_semantics<subcore_parallel>], iteration_bounds = array<i64: 2, 16>, scalar_prefetch = 0 : i64, scratch_operands = 15 : i64, tpu.core_type = #tpu.core_type<sc_vector_subcore>, window_params = [{transform_indices = #map}, {transform_indices = #map}, {transform_indices = #map}, {transform_indices = #map}, {transform_indices = #map1}]} {
    %eq3A = arith.constant 0 : i32
    %eq3A_0 = arith.cmpi eq, %arg0, %eq3A : i32
    %jit3A = arith.constant 120 : i32
    %jit3A_1 = arith.constant 40 : i32
    %select_n3A = arith.select %eq3A_0, %jit3A, %jit3A_1 : i32
    %eq3A_2 = arith.constant 0 : i32
    %eq3A_3 = arith.cmpi eq, %arg0, %eq3A_2 : i32
    %mul3A = arith.constant 120 : i32
    %mul3A_4 = arith.muli %arg1, %mul3A : i32
    %mul3A_5 = arith.constant 40 : i32
    %mul3A_6 = arith.muli %arg1, %mul3A_5 : i32
    %add3A = arith.constant 1920 : i32
    %add3A_7 = arith.addi %add3A, %mul3A_6 : i32
    %select_n3A_8 = arith.select %eq3A_3, %mul3A_4, %add3A_7 : i32
    "tpu.region"() ({
      %run_scoped3A = tpu.sem_alloc : memref<!tpu.dma_semaphore, #tpu.memory_space<semaphore_mem>>
      tpu.enqueue_dma source(%arg5 : memref<128x128xf32, #tpu.memory_space<hbm>>) target(%arg11 : memref<128x128xf32, #tpu.memory_space<vmem>>) target_semaphore(%run_scoped3A : memref<!tpu.dma_semaphore, #tpu.memory_space<semaphore_mem>>)
      tpu.wait_dma2 semaphore(%run_scoped3A : memref<!tpu.dma_semaphore, #tpu.memory_space<semaphore_mem>>) src(%arg5 : memref<128x128xf32, #tpu.memory_space<hbm>>) dst(%arg11 : memref<128x128xf32, #tpu.memory_space<vmem>>)
      tpu.yield
    }) : () -> ()
    %mul3A_9 = arith.constant 640 : i32
    %mul3A_10 = arith.muli %arg1, %mul3A_9 : i32
    %add3A_11 = arith.constant 0 : i32
    %add3A_12 = arith.addi %mul3A_10, %add3A_11 : i32
    "tpu.region"() ({
      %run_scoped3A = tpu.sem_alloc : memref<!tpu.dma_semaphore, #tpu.memory_space<semaphore_mem>>
      %dma_start3A_181 = arith.constant 0 : i32
      %dma_start3A_182 = tpu.memref_slice %arg13[%add3A_12, %dma_start3A_181] : memref<10240x128xf32, #tpu.memory_space<vmem_shared>> -> memref<128x128xf32, #tpu.memory_space<vmem_shared>>
      %dma_start3A_183 = arith.constant 0 : i32
      %dma_start3A_184 = tpu.memref_slice %arg13[%add3A_12, %dma_start3A_183] : memref<10240x128xf32, #tpu.memory_space<vmem_shared>> -> memref<128x128xf32, #tpu.memory_space<vmem_shared>>
      tpu.enqueue_dma source(%arg11 : memref<128x128xf32, #tpu.memory_space<vmem>>) target(%dma_start3A_184 : memref<128x128xf32, #tpu.memory_space<vmem_shared>>) target_semaphore(%run_scoped3A : memref<!tpu.dma_semaphore, #tpu.memory_space<semaphore_mem>>)
      %dma_wait3A_185 = arith.constant 0 : i32
      %dma_wait3A_186 = tpu.memref_slice %arg13[%add3A_12, %dma_wait3A_185] : memref<10240x128xf32, #tpu.memory_space<vmem_shared>> -> memref<128x128xf32, #tpu.memory_space<vmem_shared>>
      %dma_wait3A_187 = arith.constant 0 : i32
      %dma_wait3A_188 = tpu.memref_slice %arg13[%add3A_12, %dma_wait3A_187] : memref<10240x128xf32, #tpu.memory_space<vmem_shared>> -> memref<128x128xf32, #tpu.memory_space<vmem_shared>>
      tpu.wait_dma2 semaphore(%run_scoped3A : memref<!tpu.dma_semaphore, #tpu.memory_space<semaphore_mem>>) src(%arg11 : memref<128x128xf32, #tpu.memory_space<vmem>>) dst(%dma_wait3A_188 : memref<128x128xf32, #tpu.memory_space<vmem_shared>>)
      tpu.yield
    }) : () -> ()
    %mul3A_13 = arith.constant 640 : i32
    %mul3A_14 = arith.muli %arg1, %mul3A_13 : i32
    %add3A_15 = arith.constant 128 : i32
    %add3A_16 = arith.addi %mul3A_14, %add3A_15 : i32
    "tpu.region"() ({
      %run_scoped3A = tpu.sem_alloc : memref<!tpu.dma_semaphore, #tpu.memory_space<semaphore_mem>>
      %dma_start3A_181 = arith.constant 0 : i32
      %dma_start3A_182 = tpu.memref_slice %arg13[%add3A_16, %dma_start3A_181] : memref<10240x128xf32, #tpu.memory_space<vmem_shared>> -> memref<128x128xf32, #tpu.memory_space<vmem_shared>>
      %dma_start3A_183 = arith.constant 0 : i32
      %dma_start3A_184 = tpu.memref_slice %arg13[%add3A_16, %dma_start3A_183] : memref<10240x128xf32, #tpu.memory_space<vmem_shared>> -> memref<128x128xf32, #tpu.memory_space<vmem_shared>>
      tpu.enqueue_dma source(%arg11 : memref<128x128xf32, #tpu.memory_space<vmem>>) target(%dma_start3A_184 : memref<128x128xf32, #tpu.memory_space<vmem_shared>>) target_semaphore(%run_scoped3A : memref<!tpu.dma_semaphore, #tpu.memory_space<semaphore_mem>>)
      %dma_wait3A_185 = arith.constant 0 : i32
      %dma_wait3A_186 = tpu.memref_slice %arg13[%add3A_16, %dma_wait3A_185] : memref<10240x128xf32, #tpu.memory_space<vmem_shared>> -> memref<128x128xf32, #tpu.memory_space<vmem_shared>>
      %dma_wait3A_187 = arith.constant 0 : i32
      %dma_wait3A_188 = tpu.memref_slice %arg13[%add3A_16, %dma_wait3A_187] : memref<10240x128xf32, #tpu.memory_space<vmem_shared>> -> memref<128x128xf32, #tpu.memory_space<vmem_shared>>
      tpu.wait_dma2 semaphore(%run_scoped3A : memref<!tpu.dma_semaphore, #tpu.memory_space<semaphore_mem>>) src(%arg11 : memref<128x128xf32, #tpu.memory_space<vmem>>) dst(%dma_wait3A_188 : memref<128x128xf32, #tpu.memory_space<vmem_shared>>)
      tpu.yield
    }) : () -> ()
    %mul3A_17 = arith.constant 640 : i32
    %mul3A_18 = arith.muli %arg1, %mul3A_17 : i32
    %add3A_19 = arith.constant 256 : i32
    %add3A_20 = arith.addi %mul3A_18, %add3A_19 : i32
    "tpu.region"() ({
      %run_scoped3A = tpu.sem_alloc : memref<!tpu.dma_semaphore, #tpu.memory_space<semaphore_mem>>
      %dma_start3A_181 = arith.constant 0 : i32
      %dma_start3A_182 = tpu.memref_slice %arg13[%add3A_20, %dma_start3A_181] : memref<10240x128xf32, #tpu.memory_space<vmem_shared>> -> memref<128x128xf32, #tpu.memory_space<vmem_shared>>
      %dma_start3A_183 = arith.constant 0 : i32
      %dma_start3A_184 = tpu.memref_slice %arg13[%add3A_20, %dma_start3A_183] : memref<10240x128xf32, #tpu.memory_space<vmem_shared>> -> memref<128x128xf32, #tpu.memory_space<vmem_shared>>
      tpu.enqueue_dma source(%arg11 : memref<128x128xf32, #tpu.memory_space<vmem>>) target(%dma_start3A_184 : memref<128x128xf32, #tpu.memory_space<vmem_shared>>) target_semaphore(%run_scoped3A : memref<!tpu.dma_semaphore, #tpu.memory_space<semaphore_mem>>)
      %dma_wait3A_185 = arith.constant 0 : i32
      %dma_wait3A_186 = tpu.memref_slice %arg13[%add3A_20, %dma_wait3A_185] : memref<10240x128xf32, #tpu.memory_space<vmem_shared>> -> memref<128x128xf32, #tpu.memory_space<vmem_shared>>
      %dma_wait3A_187 = arith.constant 0 : i32
      %dma_wait3A_188 = tpu.memref_slice %arg13[%add3A_20, %dma_wait3A_187] : memref<10240x128xf32, #tpu.memory_space<vmem_shared>> -> memref<128x128xf32, #tpu.memory_space<vmem_shared>>
      tpu.wait_dma2 semaphore(%run_scoped3A : memref<!tpu.dma_semaphore, #tpu.memory_space<semaphore_mem>>) src(%arg11 : memref<128x128xf32, #tpu.memory_space<vmem>>) dst(%dma_wait3A_188 : memref<128x128xf32, #tpu.memory_space<vmem_shared>>)
      tpu.yield
    }) : () -> ()
    %mul3A_21 = arith.constant 640 : i32
    %mul3A_22 = arith.muli %arg1, %mul3A_21 : i32
    %add3A_23 = arith.constant 384 : i32
    %add3A_24 = arith.addi %mul3A_22, %add3A_23 : i32
    "tpu.region"() ({
      %run_scoped3A = tpu.sem_alloc : memref<!tpu.dma_semaphore, #tpu.memory_space<semaphore_mem>>
      %dma_start3A_181 = arith.constant 0 : i32
      %dma_start3A_182 = tpu.memref_slice %arg13[%add3A_24, %dma_start3A_181] : memref<10240x128xf32, #tpu.memory_space<vmem_shared>> -> memref<128x128xf32, #tpu.memory_space<vmem_shared>>
      %dma_start3A_183 = arith.constant 0 : i32
      %dma_start3A_184 = tpu.memref_slice %arg13[%add3A_24, %dma_start3A_183] : memref<10240x128xf32, #tpu.memory_space<vmem_shared>> -> memref<128x128xf32, #tpu.memory_space<vmem_shared>>
      tpu.enqueue_dma source(%arg11 : memref<128x128xf32, #tpu.memory_space<vmem>>) target(%dma_start3A_184 : memref<128x128xf32, #tpu.memory_space<vmem_shared>>) target_semaphore(%run_scoped3A : memref<!tpu.dma_semaphore, #tpu.memory_space<semaphore_mem>>)
      %dma_wait3A_185 = arith.constant 0 : i32
      %dma_wait3A_186 = tpu.memref_slice %arg13[%add3A_24, %dma_wait3A_185] : memref<10240x128xf32, #tpu.memory_space<vmem_shared>> -> memref<128x128xf32, #tpu.memory_space<vmem_shared>>
      %dma_wait3A_187 = arith.constant 0 : i32
      %dma_wait3A_188 = tpu.memref_slice %arg13[%add3A_24, %dma_wait3A_187] : memref<10240x128xf32, #tpu.memory_space<vmem_shared>> -> memref<128x128xf32, #tpu.memory_space<vmem_shared>>
      tpu.wait_dma2 semaphore(%run_scoped3A : memref<!tpu.dma_semaphore, #tpu.memory_space<semaphore_mem>>) src(%arg11 : memref<128x128xf32, #tpu.memory_space<vmem>>) dst(%dma_wait3A_188 : memref<128x128xf32, #tpu.memory_space<vmem_shared>>)
      tpu.yield
    }) : () -> ()
    %mul3A_25 = arith.constant 640 : i32
    %mul3A_26 = arith.muli %arg1, %mul3A_25 : i32
    %add3A_27 = arith.constant 512 : i32
    %add3A_28 = arith.addi %mul3A_26, %add3A_27 : i32
    "tpu.region"() ({
      %run_scoped3A = tpu.sem_alloc : memref<!tpu.dma_semaphore, #tpu.memory_space<semaphore_mem>>
      %dma_start3A_181 = arith.constant 0 : i32
      %dma_start3A_182 = tpu.memref_slice %arg13[%add3A_28, %dma_start3A_181] : memref<10240x128xf32, #tpu.memory_space<vmem_shared>> -> memref<128x128xf32, #tpu.memory_space<vmem_shared>>
      %dma_start3A_183 = arith.constant 0 : i32
      %dma_start3A_184 = tpu.memref_slice %arg13[%add3A_28, %dma_start3A_183] : memref<10240x128xf32, #tpu.memory_space<vmem_shared>> -> memref<128x128xf32, #tpu.memory_space<vmem_shared>>
      tpu.enqueue_dma source(%arg11 : memref<128x128xf32, #tpu.memory_space<vmem>>) target(%dma_start3A_184 : memref<128x128xf32, #tpu.memory_space<vmem_shared>>) target_semaphore(%run_scoped3A : memref<!tpu.dma_semaphore, #tpu.memory_space<semaphore_mem>>)
      %dma_wait3A_185 = arith.constant 0 : i32
      %dma_wait3A_186 = tpu.memref_slice %arg13[%add3A_28, %dma_wait3A_185] : memref<10240x128xf32, #tpu.memory_space<vmem_shared>> -> memref<128x128xf32, #tpu.memory_space<vmem_shared>>
      %dma_wait3A_187 = arith.constant 0 : i32
      %dma_wait3A_188 = tpu.memref_slice %arg13[%add3A_28, %dma_wait3A_187] : memref<10240x128xf32, #tpu.memory_space<vmem_shared>> -> memref<128x128xf32, #tpu.memory_space<vmem_shared>>
      tpu.wait_dma2 semaphore(%run_scoped3A : memref<!tpu.dma_semaphore, #tpu.memory_space<semaphore_mem>>) src(%arg11 : memref<128x128xf32, #tpu.memory_space<vmem>>) dst(%dma_wait3A_188 : memref<128x128xf32, #tpu.memory_space<vmem_shared>>)
      tpu.yield
    }) : () -> ()
    %barrier3A = arith.constant 0 : index
    tpu.barrier barrier_id(%barrier3A)
    %add3A_29 = arith.constant 0 : i32
    %add3A_30 = arith.addi %select_n3A_8, %add3A_29 : i32
    %dma_start3A = arith.constant 0 : i32
    %dma_start3A_31 = tpu.memref_slice %arg3[%add3A_30, %dma_start3A] : memref<2560x128xi32, #tpu.memory_space<hbm>> -> memref<1x128xi32, #tpu.memory_space<hbm>>
    %dma_start3A_32 = arith.constant 0 : i32
    %dma_start3A_33 = tpu.memref_slice %arg3[%add3A_30, %dma_start3A_32] : memref<2560x128xi32, #tpu.memory_space<hbm>> -> memref<1x128xi32, #tpu.memory_space<hbm>>
    tpu.enqueue_dma source(%dma_start3A_33 : memref<1x128xi32, #tpu.memory_space<hbm>>) target(%arg7 : memref<1x128xi32, #tpu.memory_space<vmem>>) target_semaphore(%arg18 : memref<!tpu.dma_semaphore, #tpu.memory_space<semaphore_mem>>)
    %add3A_34 = arith.constant 0 : i32
    %add3A_35 = arith.addi %select_n3A_8, %add3A_34 : i32
    %dma_start3A_36 = arith.constant 0 : i32
    %dma_start3A_37 = tpu.memref_slice %arg4[%add3A_35, %dma_start3A_36] : memref<2560x128xi32, #tpu.memory_space<hbm>> -> memref<1x128xi32, #tpu.memory_space<hbm>>
    %dma_start3A_38 = arith.constant 0 : i32
    %dma_start3A_39 = tpu.memref_slice %arg4[%add3A_35, %dma_start3A_38] : memref<2560x128xi32, #tpu.memory_space<hbm>> -> memref<1x128xi32, #tpu.memory_space<hbm>>
    tpu.enqueue_dma source(%dma_start3A_39 : memref<1x128xi32, #tpu.memory_space<hbm>>) target(%arg9 : memref<1x128xi32, #tpu.memory_space<vmem>>) target_semaphore(%arg20 : memref<!tpu.dma_semaphore, #tpu.memory_space<semaphore_mem>>)
    %dma_wait3A = arith.constant 0 : i32
    %dma_wait3A_40 = tpu.memref_slice %arg3[%select_n3A_8, %dma_wait3A] : memref<2560x128xi32, #tpu.memory_space<hbm>> -> memref<1x128xi32, #tpu.memory_space<hbm>>
    %dma_wait3A_41 = arith.constant 0 : i32
    %dma_wait3A_42 = tpu.memref_slice %arg3[%select_n3A_8, %dma_wait3A_41] : memref<2560x128xi32, #tpu.memory_space<hbm>> -> memref<1x128xi32, #tpu.memory_space<hbm>>
    tpu.wait_dma2 semaphore(%arg18 : memref<!tpu.dma_semaphore, #tpu.memory_space<semaphore_mem>>) src(%dma_wait3A_42 : memref<1x128xi32, #tpu.memory_space<hbm>>) dst(%arg7 : memref<1x128xi32, #tpu.memory_space<vmem>>)
    %dma_start3A_43 = arith.constant 0 : i32
    %dma_start3A_44 = arith.constant 0 : i32
    %dma_start3A_45 = tpu.memref_slice %arg7[%dma_start3A_43, %dma_start3A_44] : memref<1x128xi32, #tpu.memory_space<vmem>> -> memref<1x128xi32, #tpu.memory_space<vmem>>
    %dma_start3A_46 = tpu.memref_squeeze %dma_start3A_45 : memref<1x128xi32, #tpu.memory_space<vmem>> -> memref<128xi32, #tpu.memory_space<vmem>>
    %dma_start3A_47 = arith.constant 0 : i32
    %dma_start3A_48 = arith.constant 0 : i32
    %dma_start3A_49 = tpu.memref_slice %arg2[%dma_start3A_47, %dma_start3A_48] : memref<10240x128xf32, #tpu.memory_space<hbm>> -> memref<10240x128xf32, #tpu.memory_space<hbm>>
    tpu.enqueue_indirect_dma source(%dma_start3A_49 : memref<10240x128xf32, #tpu.memory_space<hbm>>) target(%arg11 : memref<128x128xf32, #tpu.memory_space<vmem>>) offsets(%dma_start3A_46 : memref<128xi32, #tpu.memory_space<vmem>>) semaphore(%arg14 : memref<!tpu.dma_semaphore, #tpu.memory_space<semaphore_mem>>)
    %add3A_50 = arith.constant 1 : i32
    %add3A_51 = arith.addi %select_n3A_8, %add3A_50 : i32
    %dma_start3A_52 = arith.constant 0 : i32
    %dma_start3A_53 = tpu.memref_slice %arg3[%add3A_51, %dma_start3A_52] : memref<2560x128xi32, #tpu.memory_space<hbm>> -> memref<1x128xi32, #tpu.memory_space<hbm>>
    %dma_start3A_54 = arith.constant 0 : i32
    %dma_start3A_55 = tpu.memref_slice %arg3[%add3A_51, %dma_start3A_54] : memref<2560x128xi32, #tpu.memory_space<hbm>> -> memref<1x128xi32, #tpu.memory_space<hbm>>
    tpu.enqueue_dma source(%dma_start3A_55 : memref<1x128xi32, #tpu.memory_space<hbm>>) target(%arg8 : memref<1x128xi32, #tpu.memory_space<vmem>>) target_semaphore(%arg19 : memref<!tpu.dma_semaphore, #tpu.memory_space<semaphore_mem>>)
    %jit3A_56 = arith.constant 2 : i32
    %div3A = arith.divsi %select_n3A, %jit3A_56 : i32
    %sign3A = arith.constant 0 : i32
    %sign3A_57 = arith.cmpi sgt, %select_n3A, %sign3A : i32
    %sign3A_58 = arith.extui %sign3A_57 : i1 to i32
    %sign3A_59 = arith.constant 0 : i32
    %sign3A_60 = arith.cmpi slt, %select_n3A, %sign3A_59 : i32
    %sign3A_61 = arith.extui %sign3A_60 : i1 to i32
    %sign3A_62 = arith.subi %sign3A_58, %sign3A_61 : i32
    %sign3A_63 = arith.constant 0 : i32
    %sign3A_64 = arith.cmpi sgt, %jit3A_56, %sign3A_63 : i32
    %sign3A_65 = arith.extui %sign3A_64 : i1 to i32
    %sign3A_66 = arith.constant 0 : i32
    %sign3A_67 = arith.cmpi slt, %jit3A_56, %sign3A_66 : i32
    %sign3A_68 = arith.extui %sign3A_67 : i1 to i32
    %sign3A_69 = arith.subi %sign3A_65, %sign3A_68 : i32
    %ne3A = arith.cmpi ne, %sign3A_62, %sign3A_69 : i32
    %rem3A = arith.remsi %select_n3A, %jit3A_56 : i32
    %ne3A_70 = arith.constant 0 : i32
    %ne3A_71 = arith.cmpi ne, %rem3A, %ne3A_70 : i32
    %and3A = arith.andi %ne3A, %ne3A_71 : i1
    %sub3A = arith.constant 1 : i32
    %sub3A_72 = arith.subi %div3A, %sub3A : i32
    %select_n3A_73 = arith.select %and3A, %sub3A_72, %div3A : i32
    %sub3A_74 = arith.constant 1 : i32
    %sub3A_75 = arith.subi %select_n3A_73, %sub3A_74 : i32
    %while3A = arith.constant 0 : i32
    %while3A_76 = arith.constant 0 : i32
    %while3A_77 = arith.subi %sub3A_75, %while3A_76 : i32
    %while3A_78 = arith.addi %while3A_76, %while3A_77 : i32
    %while3A_79 = arith.constant 1 : i32
    %while3A_80 = arith.divsi %while3A_77, %while3A_79 : i32
    %while3A_81 = arith.muli %while3A_80, %while3A_79 : i32
    %while3A_82 = arith.addi %while3A_76, %while3A_81 : i32
    %while3A_83 = arith.constant 1 : i32
    scf.for %while3A_181 = %while3A_76 to %while3A_82 step %while3A_83  : i32 {
      %mul3A_182 = arith.constant 2 : i32
      %mul3A_183 = arith.muli %mul3A_182, %while3A_181 : i32
      %add3A_184 = arith.constant 1 : i32
      %add3A_185 = arith.addi %mul3A_183, %add3A_184 : i32
      %ge3A = arith.constant 1 : i32
      %ge3A_186 = arith.cmpi sge, %while3A_181, %ge3A : i32
      %convert_element_type3A = arith.extui %ge3A_186 : i1 to i32
      %cond3A = arith.constant 0 : i32
      %cond3A_187 = arith.cmpi ne, %convert_element_type3A, %cond3A : i32
      scf.if %cond3A_187 {
        %dma_wait3A_279 = arith.constant 0 : i32
        %dma_wait3A_280 = arith.constant 0 : i32
        %dma_wait3A_281 = tpu.memref_slice %arg10[%dma_wait3A_279, %dma_wait3A_280] : memref<1x128xi32, #tpu.memory_space<vmem>> -> memref<1x128xi32, #tpu.memory_space<vmem>>
        %dma_wait3A_282 = tpu.memref_squeeze %dma_wait3A_281 : memref<1x128xi32, #tpu.memory_space<vmem>> -> memref<128xi32, #tpu.memory_space<vmem>>
        %dma_wait3A_283 = arith.constant 0 : i32
        %dma_wait3A_284 = arith.constant 0 : i32
        %dma_wait3A_285 = tpu.memref_slice %arg13[%dma_wait3A_283, %dma_wait3A_284] : memref<10240x128xf32, #tpu.memory_space<vmem_shared>> -> memref<10240x128xf32, #tpu.memory_space<vmem_shared>>
        tpu.wait_indirect_dma semaphore(%arg17 : memref<!tpu.dma_semaphore, #tpu.memory_space<semaphore_mem>>) src(%arg12 : memref<128x128xf32, #tpu.memory_space<vmem>>) dst(%dma_wait3A_285 : memref<10240x128xf32, #tpu.memory_space<vmem_shared>>)
      } else {
      }
      %add3A_188 = arith.addi %select_n3A_8, %add3A_185 : i32
      %dma_start3A_189 = arith.constant 0 : i32
      %dma_start3A_190 = tpu.memref_slice %arg4[%add3A_188, %dma_start3A_189] : memref<2560x128xi32, #tpu.memory_space<hbm>> -> memref<1x128xi32, #tpu.memory_space<hbm>>
      %dma_start3A_191 = arith.constant 0 : i32
      %dma_start3A_192 = tpu.memref_slice %arg4[%add3A_188, %dma_start3A_191] : memref<2560x128xi32, #tpu.memory_space<hbm>> -> memref<1x128xi32, #tpu.memory_space<hbm>>
      tpu.enqueue_dma source(%dma_start3A_192 : memref<1x128xi32, #tpu.memory_space<hbm>>) target(%arg10 : memref<1x128xi32, #tpu.memory_space<vmem>>) target_semaphore(%arg21 : memref<!tpu.dma_semaphore, #tpu.memory_space<semaphore_mem>>)
      %dma_wait3A_193 = arith.constant 0 : i32
      %dma_wait3A_194 = tpu.memref_slice %arg3[%select_n3A_8, %dma_wait3A_193] : memref<2560x128xi32, #tpu.memory_space<hbm>> -> memref<1x128xi32, #tpu.memory_space<hbm>>
      %dma_wait3A_195 = arith.constant 0 : i32
      %dma_wait3A_196 = tpu.memref_slice %arg3[%select_n3A_8, %dma_wait3A_195] : memref<2560x128xi32, #tpu.memory_space<hbm>> -> memref<1x128xi32, #tpu.memory_space<hbm>>
      tpu.wait_dma2 semaphore(%arg19 : memref<!tpu.dma_semaphore, #tpu.memory_space<semaphore_mem>>) src(%dma_wait3A_196 : memref<1x128xi32, #tpu.memory_space<hbm>>) dst(%arg8 : memref<1x128xi32, #tpu.memory_space<vmem>>)
      %dma_start3A_197 = arith.constant 0 : i32
      %dma_start3A_198 = arith.constant 0 : i32
      %dma_start3A_199 = tpu.memref_slice %arg8[%dma_start3A_197, %dma_start3A_198] : memref<1x128xi32, #tpu.memory_space<vmem>> -> memref<1x128xi32, #tpu.memory_space<vmem>>
      %dma_start3A_200 = tpu.memref_squeeze %dma_start3A_199 : memref<1x128xi32, #tpu.memory_space<vmem>> -> memref<128xi32, #tpu.memory_space<vmem>>
      %dma_start3A_201 = arith.constant 0 : i32
      %dma_start3A_202 = arith.constant 0 : i32
      %dma_start3A_203 = tpu.memref_slice %arg2[%dma_start3A_201, %dma_start3A_202] : memref<10240x128xf32, #tpu.memory_space<hbm>> -> memref<10240x128xf32, #tpu.memory_space<hbm>>
      tpu.enqueue_indirect_dma source(%dma_start3A_203 : memref<10240x128xf32, #tpu.memory_space<hbm>>) target(%arg12 : memref<128x128xf32, #tpu.memory_space<vmem>>) offsets(%dma_start3A_200 : memref<128xi32, #tpu.memory_space<vmem>>) semaphore(%arg15 : memref<!tpu.dma_semaphore, #tpu.memory_space<semaphore_mem>>)
      %dma_wait3A_204 = arith.constant 0 : i32
      %dma_wait3A_205 = arith.constant 0 : i32
      %dma_wait3A_206 = tpu.memref_slice %arg7[%dma_wait3A_204, %dma_wait3A_205] : memref<1x128xi32, #tpu.memory_space<vmem>> -> memref<1x128xi32, #tpu.memory_space<vmem>>
      %dma_wait3A_207 = tpu.memref_squeeze %dma_wait3A_206 : memref<1x128xi32, #tpu.memory_space<vmem>> -> memref<128xi32, #tpu.memory_space<vmem>>
      %dma_wait3A_208 = arith.constant 0 : i32
      %dma_wait3A_209 = arith.constant 0 : i32
      %dma_wait3A_210 = tpu.memref_slice %arg2[%dma_wait3A_208, %dma_wait3A_209] : memref<10240x128xf32, #tpu.memory_space<hbm>> -> memref<10240x128xf32, #tpu.memory_space<hbm>>
      tpu.wait_indirect_dma semaphore(%arg14 : memref<!tpu.dma_semaphore, #tpu.memory_space<semaphore_mem>>) src(%dma_wait3A_210 : memref<10240x128xf32, #tpu.memory_space<hbm>>) dst(%arg11 : memref<128x128xf32, #tpu.memory_space<vmem>>)
      %add3A_211 = arith.constant 2 : i32
      %add3A_212 = arith.addi %mul3A_183, %add3A_211 : i32
      %add3A_213 = arith.addi %select_n3A_8, %add3A_212 : i32
      %dma_start3A_214 = arith.constant 0 : i32
      %dma_start3A_215 = tpu.memref_slice %arg3[%add3A_213, %dma_start3A_214] : memref<2560x128xi32, #tpu.memory_space<hbm>> -> memref<1x128xi32, #tpu.memory_space<hbm>>
      %dma_start3A_216 = arith.constant 0 : i32
      %dma_start3A_217 = tpu.memref_slice %arg3[%add3A_213, %dma_start3A_216] : memref<2560x128xi32, #tpu.memory_space<hbm>> -> memref<1x128xi32, #tpu.memory_space<hbm>>
      tpu.enqueue_dma source(%dma_start3A_217 : memref<1x128xi32, #tpu.memory_space<hbm>>) target(%arg7 : memref<1x128xi32, #tpu.memory_space<vmem>>) target_semaphore(%arg18 : memref<!tpu.dma_semaphore, #tpu.memory_space<semaphore_mem>>)
      %dma_wait3A_218 = arith.constant 0 : i32
      %dma_wait3A_219 = tpu.memref_slice %arg4[%select_n3A_8, %dma_wait3A_218] : memref<2560x128xi32, #tpu.memory_space<hbm>> -> memref<1x128xi32, #tpu.memory_space<hbm>>
      %dma_wait3A_220 = arith.constant 0 : i32
      %dma_wait3A_221 = tpu.memref_slice %arg4[%select_n3A_8, %dma_wait3A_220] : memref<2560x128xi32, #tpu.memory_space<hbm>> -> memref<1x128xi32, #tpu.memory_space<hbm>>
      tpu.wait_dma2 semaphore(%arg20 : memref<!tpu.dma_semaphore, #tpu.memory_space<semaphore_mem>>) src(%dma_wait3A_221 : memref<1x128xi32, #tpu.memory_space<hbm>>) dst(%arg9 : memref<1x128xi32, #tpu.memory_space<vmem>>)
      %dma_start3A_222 = arith.constant 0 : i32
      %dma_start3A_223 = arith.constant 0 : i32
      %dma_start3A_224 = tpu.memref_slice %arg9[%dma_start3A_222, %dma_start3A_223] : memref<1x128xi32, #tpu.memory_space<vmem>> -> memref<1x128xi32, #tpu.memory_space<vmem>>
      %dma_start3A_225 = tpu.memref_squeeze %dma_start3A_224 : memref<1x128xi32, #tpu.memory_space<vmem>> -> memref<128xi32, #tpu.memory_space<vmem>>
      %dma_start3A_226 = arith.constant 0 : i32
      %dma_start3A_227 = arith.constant 0 : i32
      %dma_start3A_228 = tpu.memref_slice %arg13[%dma_start3A_226, %dma_start3A_227] : memref<10240x128xf32, #tpu.memory_space<vmem_shared>> -> memref<10240x128xf32, #tpu.memory_space<vmem_shared>>
      tpu.enqueue_indirect_dma source(%arg11 : memref<128x128xf32, #tpu.memory_space<vmem>>) target(%dma_start3A_228 : memref<10240x128xf32, #tpu.memory_space<vmem_shared>>) offsets(%dma_start3A_225 : memref<128xi32, #tpu.memory_space<vmem>>) semaphore(%arg16 : memref<!tpu.dma_semaphore, #tpu.memory_space<semaphore_mem>>) {add = true}
      %dma_wait3A_229 = arith.constant 0 : i32
      %dma_wait3A_230 = arith.constant 0 : i32
      %dma_wait3A_231 = tpu.memref_slice %arg9[%dma_wait3A_229, %dma_wait3A_230] : memref<1x128xi32, #tpu.memory_space<vmem>> -> memref<1x128xi32, #tpu.memory_space<vmem>>
      %dma_wait3A_232 = tpu.memref_squeeze %dma_wait3A_231 : memref<1x128xi32, #tpu.memory_space<vmem>> -> memref<128xi32, #tpu.memory_space<vmem>>
      %dma_wait3A_233 = arith.constant 0 : i32
      %dma_wait3A_234 = arith.constant 0 : i32
      %dma_wait3A_235 = tpu.memref_slice %arg13[%dma_wait3A_233, %dma_wait3A_234] : memref<10240x128xf32, #tpu.memory_space<vmem_shared>> -> memref<10240x128xf32, #tpu.memory_space<vmem_shared>>
      tpu.wait_indirect_dma semaphore(%arg16 : memref<!tpu.dma_semaphore, #tpu.memory_space<semaphore_mem>>) src(%arg11 : memref<128x128xf32, #tpu.memory_space<vmem>>) dst(%dma_wait3A_235 : memref<10240x128xf32, #tpu.memory_space<vmem_shared>>)
      %add3A_236 = arith.constant 2 : i32
      %add3A_237 = arith.addi %mul3A_183, %add3A_236 : i32
      %add3A_238 = arith.addi %select_n3A_8, %add3A_237 : i32
      %dma_start3A_239 = arith.constant 0 : i32
      %dma_start3A_240 = tpu.memref_slice %arg4[%add3A_238, %dma_start3A_239] : memref<2560x128xi32, #tpu.memory_space<hbm>> -> memref<1x128xi32, #tpu.memory_space<hbm>>
      %dma_start3A_241 = arith.constant 0 : i32
      %dma_start3A_242 = tpu.memref_slice %arg4[%add3A_238, %dma_start3A_241] : memref<2560x128xi32, #tpu.memory_space<hbm>> -> memref<1x128xi32, #tpu.memory_space<hbm>>
      tpu.enqueue_dma source(%dma_start3A_242 : memref<1x128xi32, #tpu.memory_space<hbm>>) target(%arg9 : memref<1x128xi32, #tpu.memory_space<vmem>>) target_semaphore(%arg20 : memref<!tpu.dma_semaphore, #tpu.memory_space<semaphore_mem>>)
      %dma_wait3A_243 = arith.constant 0 : i32
      %dma_wait3A_244 = tpu.memref_slice %arg3[%select_n3A_8, %dma_wait3A_243] : memref<2560x128xi32, #tpu.memory_space<hbm>> -> memref<1x128xi32, #tpu.memory_space<hbm>>
      %dma_wait3A_245 = arith.constant 0 : i32
      %dma_wait3A_246 = tpu.memref_slice %arg3[%select_n3A_8, %dma_wait3A_245] : memref<2560x128xi32, #tpu.memory_space<hbm>> -> memref<1x128xi32, #tpu.memory_space<hbm>>
      tpu.wait_dma2 semaphore(%arg18 : memref<!tpu.dma_semaphore, #tpu.memory_space<semaphore_mem>>) src(%dma_wait3A_246 : memref<1x128xi32, #tpu.memory_space<hbm>>) dst(%arg7 : memref<1x128xi32, #tpu.memory_space<vmem>>)
      %dma_start3A_247 = arith.constant 0 : i32
      %dma_start3A_248 = arith.constant 0 : i32
      %dma_start3A_249 = tpu.memref_slice %arg7[%dma_start3A_247, %dma_start3A_248] : memref<1x128xi32, #tpu.memory_space<vmem>> -> memref<1x128xi32, #tpu.memory_space<vmem>>
      %dma_start3A_250 = tpu.memref_squeeze %dma_start3A_249 : memref<1x128xi32, #tpu.memory_space<vmem>> -> memref<128xi32, #tpu.memory_space<vmem>>
      %dma_start3A_251 = arith.constant 0 : i32
      %dma_start3A_252 = arith.constant 0 : i32
      %dma_start3A_253 = tpu.memref_slice %arg2[%dma_start3A_251, %dma_start3A_252] : memref<10240x128xf32, #tpu.memory_space<hbm>> -> memref<10240x128xf32, #tpu.memory_space<hbm>>
      tpu.enqueue_indirect_dma source(%dma_start3A_253 : memref<10240x128xf32, #tpu.memory_space<hbm>>) target(%arg11 : memref<128x128xf32, #tpu.memory_space<vmem>>) offsets(%dma_start3A_250 : memref<128xi32, #tpu.memory_space<vmem>>) semaphore(%arg14 : memref<!tpu.dma_semaphore, #tpu.memory_space<semaphore_mem>>)
      %dma_wait3A_254 = arith.constant 0 : i32
      %dma_wait3A_255 = arith.constant 0 : i32
      %dma_wait3A_256 = tpu.memref_slice %arg8[%dma_wait3A_254, %dma_wait3A_255] : memref<1x128xi32, #tpu.memory_space<vmem>> -> memref<1x128xi32, #tpu.memory_space<vmem>>
      %dma_wait3A_257 = tpu.memref_squeeze %dma_wait3A_256 : memref<1x128xi32, #tpu.memory_space<vmem>> -> memref<128xi32, #tpu.memory_space<vmem>>
      %dma_wait3A_258 = arith.constant 0 : i32
      %dma_wait3A_259 = arith.constant 0 : i32
      %dma_wait3A_260 = tpu.memref_slice %arg2[%dma_wait3A_258, %dma_wait3A_259] : memref<10240x128xf32, #tpu.memory_space<hbm>> -> memref<10240x128xf32, #tpu.memory_space<hbm>>
      tpu.wait_indirect_dma semaphore(%arg15 : memref<!tpu.dma_semaphore, #tpu.memory_space<semaphore_mem>>) src(%dma_wait3A_260 : memref<10240x128xf32, #tpu.memory_space<hbm>>) dst(%arg12 : memref<128x128xf32, #tpu.memory_space<vmem>>)
      %add3A_261 = arith.constant 2 : i32
      %add3A_262 = arith.addi %add3A_185, %add3A_261 : i32
      %add3A_263 = arith.addi %select_n3A_8, %add3A_262 : i32
      %dma_start3A_264 = arith.constant 0 : i32
      %dma_start3A_265 = tpu.memref_slice %arg3[%add3A_263, %dma_start3A_264] : memref<2560x128xi32, #tpu.memory_space<hbm>> -> memref<1x128xi32, #tpu.memory_space<hbm>>
      %dma_start3A_266 = arith.constant 0 : i32
      %dma_start3A_267 = tpu.memref_slice %arg3[%add3A_263, %dma_start3A_266] : memref<2560x128xi32, #tpu.memory_space<hbm>> -> memref<1x128xi32, #tpu.memory_space<hbm>>
      tpu.enqueue_dma source(%dma_start3A_267 : memref<1x128xi32, #tpu.memory_space<hbm>>) target(%arg8 : memref<1x128xi32, #tpu.memory_space<vmem>>) target_semaphore(%arg19 : memref<!tpu.dma_semaphore, #tpu.memory_space<semaphore_mem>>)
      %dma_wait3A_268 = arith.constant 0 : i32
      %dma_wait3A_269 = tpu.memref_slice %arg4[%select_n3A_8, %dma_wait3A_268] : memref<2560x128xi32, #tpu.memory_space<hbm>> -> memref<1x128xi32, #tpu.memory_space<hbm>>
      %dma_wait3A_270 = arith.constant 0 : i32
      %dma_wait3A_271 = tpu.memref_slice %arg4[%select_n3A_8, %dma_wait3A_270] : memref<2560x128xi32, #tpu.memory_space<hbm>> -> memref<1x128xi32, #tpu.memory_space<hbm>>
      tpu.wait_dma2 semaphore(%arg21 : memref<!tpu.dma_semaphore, #tpu.memory_space<semaphore_mem>>) src(%dma_wait3A_271 : memref<1x128xi32, #tpu.memory_space<hbm>>) dst(%arg10 : memref<1x128xi32, #tpu.memory_space<vmem>>)
      %dma_start3A_272 = arith.constant 0 : i32
      %dma_start3A_273 = arith.constant 0 : i32
      %dma_start3A_274 = tpu.memref_slice %arg10[%dma_start3A_272, %dma_start3A_273] : memref<1x128xi32, #tpu.memory_space<vmem>> -> memref<1x128xi32, #tpu.memory_space<vmem>>
      %dma_start3A_275 = tpu.memref_squeeze %dma_start3A_274 : memref<1x128xi32, #tpu.memory_space<vmem>> -> memref<128xi32, #tpu.memory_space<vmem>>
      %dma_start3A_276 = arith.constant 0 : i32
      %dma_start3A_277 = arith.constant 0 : i32
      %dma_start3A_278 = tpu.memref_slice %arg13[%dma_start3A_276, %dma_start3A_277] : memref<10240x128xf32, #tpu.memory_space<vmem_shared>> -> memref<10240x128xf32, #tpu.memory_space<vmem_shared>>
      tpu.enqueue_indirect_dma source(%arg12 : memref<128x128xf32, #tpu.memory_space<vmem>>) target(%dma_start3A_278 : memref<10240x128xf32, #tpu.memory_space<vmem_shared>>) offsets(%dma_start3A_275 : memref<128xi32, #tpu.memory_space<vmem>>) semaphore(%arg17 : memref<!tpu.dma_semaphore, #tpu.memory_space<semaphore_mem>>) {add = true}
    }
    %while3A_84 = arith.constant 1 : i32
    scf.for %while3A_181 = %while3A_82 to %while3A_78 step %while3A_84  : i32 {
      %mul3A_182 = arith.constant 2 : i32
      %mul3A_183 = arith.muli %mul3A_182, %while3A_181 : i32
      %add3A_184 = arith.constant 1 : i32
      %add3A_185 = arith.addi %mul3A_183, %add3A_184 : i32
      %ge3A = arith.constant 1 : i32
      %ge3A_186 = arith.cmpi sge, %while3A_181, %ge3A : i32
      %convert_element_type3A = arith.extui %ge3A_186 : i1 to i32
      %cond3A = arith.constant 0 : i32
      %cond3A_187 = arith.cmpi ne, %convert_element_type3A, %cond3A : i32
      scf.if %cond3A_187 {
        %dma_wait3A_279 = arith.constant 0 : i32
        %dma_wait3A_280 = arith.constant 0 : i32
        %dma_wait3A_281 = tpu.memref_slice %arg10[%dma_wait3A_279, %dma_wait3A_280] : memref<1x128xi32, #tpu.memory_space<vmem>> -> memref<1x128xi32, #tpu.memory_space<vmem>>
        %dma_wait3A_282 = tpu.memref_squeeze %dma_wait3A_281 : memref<1x128xi32, #tpu.memory_space<vmem>> -> memref<128xi32, #tpu.memory_space<vmem>>
        %dma_wait3A_283 = arith.constant 0 : i32
        %dma_wait3A_284 = arith.constant 0 : i32
        %dma_wait3A_285 = tpu.memref_slice %arg13[%dma_wait3A_283, %dma_wait3A_284] : memref<10240x128xf32, #tpu.memory_space<vmem_shared>> -> memref<10240x128xf32, #tpu.memory_space<vmem_shared>>
        tpu.wait_indirect_dma semaphore(%arg17 : memref<!tpu.dma_semaphore, #tpu.memory_space<semaphore_mem>>) src(%arg12 : memref<128x128xf32, #tpu.memory_space<vmem>>) dst(%dma_wait3A_285 : memref<10240x128xf32, #tpu.memory_space<vmem_shared>>)
      } else {
      }
      %add3A_188 = arith.addi %select_n3A_8, %add3A_185 : i32
      %dma_start3A_189 = arith.constant 0 : i32
      %dma_start3A_190 = tpu.memref_slice %arg4[%add3A_188, %dma_start3A_189] : memref<2560x128xi32, #tpu.memory_space<hbm>> -> memref<1x128xi32, #tpu.memory_space<hbm>>
      %dma_start3A_191 = arith.constant 0 : i32
      %dma_start3A_192 = tpu.memref_slice %arg4[%add3A_188, %dma_start3A_191] : memref<2560x128xi32, #tpu.memory_space<hbm>> -> memref<1x128xi32, #tpu.memory_space<hbm>>
      tpu.enqueue_dma source(%dma_start3A_192 : memref<1x128xi32, #tpu.memory_space<hbm>>) target(%arg10 : memref<1x128xi32, #tpu.memory_space<vmem>>) target_semaphore(%arg21 : memref<!tpu.dma_semaphore, #tpu.memory_space<semaphore_mem>>)
      %dma_wait3A_193 = arith.constant 0 : i32
      %dma_wait3A_194 = tpu.memref_slice %arg3[%select_n3A_8, %dma_wait3A_193] : memref<2560x128xi32, #tpu.memory_space<hbm>> -> memref<1x128xi32, #tpu.memory_space<hbm>>
      %dma_wait3A_195 = arith.constant 0 : i32
      %dma_wait3A_196 = tpu.memref_slice %arg3[%select_n3A_8, %dma_wait3A_195] : memref<2560x128xi32, #tpu.memory_space<hbm>> -> memref<1x128xi32, #tpu.memory_space<hbm>>
      tpu.wait_dma2 semaphore(%arg19 : memref<!tpu.dma_semaphore, #tpu.memory_space<semaphore_mem>>) src(%dma_wait3A_196 : memref<1x128xi32, #tpu.memory_space<hbm>>) dst(%arg8 : memref<1x128xi32, #tpu.memory_space<vmem>>)
      %dma_start3A_197 = arith.constant 0 : i32
      %dma_start3A_198 = arith.constant 0 : i32
      %dma_start3A_199 = tpu.memref_slice %arg8[%dma_start3A_197, %dma_start3A_198] : memref<1x128xi32, #tpu.memory_space<vmem>> -> memref<1x128xi32, #tpu.memory_space<vmem>>
      %dma_start3A_200 = tpu.memref_squeeze %dma_start3A_199 : memref<1x128xi32, #tpu.memory_space<vmem>> -> memref<128xi32, #tpu.memory_space<vmem>>
      %dma_start3A_201 = arith.constant 0 : i32
      %dma_start3A_202 = arith.constant 0 : i32
      %dma_start3A_203 = tpu.memref_slice %arg2[%dma_start3A_201, %dma_start3A_202] : memref<10240x128xf32, #tpu.memory_space<hbm>> -> memref<10240x128xf32, #tpu.memory_space<hbm>>
      tpu.enqueue_indirect_dma source(%dma_start3A_203 : memref<10240x128xf32, #tpu.memory_space<hbm>>) target(%arg12 : memref<128x128xf32, #tpu.memory_space<vmem>>) offsets(%dma_start3A_200 : memref<128xi32, #tpu.memory_space<vmem>>) semaphore(%arg15 : memref<!tpu.dma_semaphore, #tpu.memory_space<semaphore_mem>>)
      %dma_wait3A_204 = arith.constant 0 : i32
      %dma_wait3A_205 = arith.constant 0 : i32
      %dma_wait3A_206 = tpu.memref_slice %arg7[%dma_wait3A_204, %dma_wait3A_205] : memref<1x128xi32, #tpu.memory_space<vmem>> -> memref<1x128xi32, #tpu.memory_space<vmem>>
      %dma_wait3A_207 = tpu.memref_squeeze %dma_wait3A_206 : memref<1x128xi32, #tpu.memory_space<vmem>> -> memref<128xi32, #tpu.memory_space<vmem>>
      %dma_wait3A_208 = arith.constant 0 : i32
      %dma_wait3A_209 = arith.constant 0 : i32
      %dma_wait3A_210 = tpu.memref_slice %arg2[%dma_wait3A_208, %dma_wait3A_209] : memref<10240x128xf32, #tpu.memory_space<hbm>> -> memref<10240x128xf32, #tpu.memory_space<hbm>>
      tpu.wait_indirect_dma semaphore(%arg14 : memref<!tpu.dma_semaphore, #tpu.memory_space<semaphore_mem>>) src(%dma_wait3A_210 : memref<10240x128xf32, #tpu.memory_space<hbm>>) dst(%arg11 : memref<128x128xf32, #tpu.memory_space<vmem>>)
      %add3A_211 = arith.constant 2 : i32
      %add3A_212 = arith.addi %mul3A_183, %add3A_211 : i32
      %add3A_213 = arith.addi %select_n3A_8, %add3A_212 : i32
      %dma_start3A_214 = arith.constant 0 : i32
      %dma_start3A_215 = tpu.memref_slice %arg3[%add3A_213, %dma_start3A_214] : memref<2560x128xi32, #tpu.memory_space<hbm>> -> memref<1x128xi32, #tpu.memory_space<hbm>>
      %dma_start3A_216 = arith.constant 0 : i32
      %dma_start3A_217 = tpu.memref_slice %arg3[%add3A_213, %dma_start3A_216] : memref<2560x128xi32, #tpu.memory_space<hbm>> -> memref<1x128xi32, #tpu.memory_space<hbm>>
      tpu.enqueue_dma source(%dma_start3A_217 : memref<1x128xi32, #tpu.memory_space<hbm>>) target(%arg7 : memref<1x128xi32, #tpu.memory_space<vmem>>) target_semaphore(%arg18 : memref<!tpu.dma_semaphore, #tpu.memory_space<semaphore_mem>>)
      %dma_wait3A_218 = arith.constant 0 : i32
      %dma_wait3A_219 = tpu.memref_slice %arg4[%select_n3A_8, %dma_wait3A_218] : memref<2560x128xi32, #tpu.memory_space<hbm>> -> memref<1x128xi32, #tpu.memory_space<hbm>>
      %dma_wait3A_220 = arith.constant 0 : i32
      %dma_wait3A_221 = tpu.memref_slice %arg4[%select_n3A_8, %dma_wait3A_220] : memref<2560x128xi32, #tpu.memory_space<hbm>> -> memref<1x128xi32, #tpu.memory_space<hbm>>
      tpu.wait_dma2 semaphore(%arg20 : memref<!tpu.dma_semaphore, #tpu.memory_space<semaphore_mem>>) src(%dma_wait3A_221 : memref<1x128xi32, #tpu.memory_space<hbm>>) dst(%arg9 : memref<1x128xi32, #tpu.memory_space<vmem>>)
      %dma_start3A_222 = arith.constant 0 : i32
      %dma_start3A_223 = arith.constant 0 : i32
      %dma_start3A_224 = tpu.memref_slice %arg9[%dma_start3A_222, %dma_start3A_223] : memref<1x128xi32, #tpu.memory_space<vmem>> -> memref<1x128xi32, #tpu.memory_space<vmem>>
      %dma_start3A_225 = tpu.memref_squeeze %dma_start3A_224 : memref<1x128xi32, #tpu.memory_space<vmem>> -> memref<128xi32, #tpu.memory_space<vmem>>
      %dma_start3A_226 = arith.constant 0 : i32
      %dma_start3A_227 = arith.constant 0 : i32
      %dma_start3A_228 = tpu.memref_slice %arg13[%dma_start3A_226, %dma_start3A_227] : memref<10240x128xf32, #tpu.memory_space<vmem_shared>> -> memref<10240x128xf32, #tpu.memory_space<vmem_shared>>
      tpu.enqueue_indirect_dma source(%arg11 : memref<128x128xf32, #tpu.memory_space<vmem>>) target(%dma_start3A_228 : memref<10240x128xf32, #tpu.memory_space<vmem_shared>>) offsets(%dma_start3A_225 : memref<128xi32, #tpu.memory_space<vmem>>) semaphore(%arg16 : memref<!tpu.dma_semaphore, #tpu.memory_space<semaphore_mem>>) {add = true}
      %dma_wait3A_229 = arith.constant 0 : i32
      %dma_wait3A_230 = arith.constant 0 : i32
      %dma_wait3A_231 = tpu.memref_slice %arg9[%dma_wait3A_229, %dma_wait3A_230] : memref<1x128xi32, #tpu.memory_space<vmem>> -> memref<1x128xi32, #tpu.memory_space<vmem>>
      %dma_wait3A_232 = tpu.memref_squeeze %dma_wait3A_231 : memref<1x128xi32, #tpu.memory_space<vmem>> -> memref<128xi32, #tpu.memory_space<vmem>>
      %dma_wait3A_233 = arith.constant 0 : i32
      %dma_wait3A_234 = arith.constant 0 : i32
      %dma_wait3A_235 = tpu.memref_slice %arg13[%dma_wait3A_233, %dma_wait3A_234] : memref<10240x128xf32, #tpu.memory_space<vmem_shared>> -> memref<10240x128xf32, #tpu.memory_space<vmem_shared>>
      tpu.wait_indirect_dma semaphore(%arg16 : memref<!tpu.dma_semaphore, #tpu.memory_space<semaphore_mem>>) src(%arg11 : memref<128x128xf32, #tpu.memory_space<vmem>>) dst(%dma_wait3A_235 : memref<10240x128xf32, #tpu.memory_space<vmem_shared>>)
      %add3A_236 = arith.constant 2 : i32
      %add3A_237 = arith.addi %mul3A_183, %add3A_236 : i32
      %add3A_238 = arith.addi %select_n3A_8, %add3A_237 : i32
      %dma_start3A_239 = arith.constant 0 : i32
      %dma_start3A_240 = tpu.memref_slice %arg4[%add3A_238, %dma_start3A_239] : memref<2560x128xi32, #tpu.memory_space<hbm>> -> memref<1x128xi32, #tpu.memory_space<hbm>>
      %dma_start3A_241 = arith.constant 0 : i32
      %dma_start3A_242 = tpu.memref_slice %arg4[%add3A_238, %dma_start3A_241] : memref<2560x128xi32, #tpu.memory_space<hbm>> -> memref<1x128xi32, #tpu.memory_space<hbm>>
      tpu.enqueue_dma source(%dma_start3A_242 : memref<1x128xi32, #tpu.memory_space<hbm>>) target(%arg9 : memref<1x128xi32, #tpu.memory_space<vmem>>) target_semaphore(%arg20 : memref<!tpu.dma_semaphore, #tpu.memory_space<semaphore_mem>>)
      %dma_wait3A_243 = arith.constant 0 : i32
      %dma_wait3A_244 = tpu.memref_slice %arg3[%select_n3A_8, %dma_wait3A_243] : memref<2560x128xi32, #tpu.memory_space<hbm>> -> memref<1x128xi32, #tpu.memory_space<hbm>>
      %dma_wait3A_245 = arith.constant 0 : i32
      %dma_wait3A_246 = tpu.memref_slice %arg3[%select_n3A_8, %dma_wait3A_245] : memref<2560x128xi32, #tpu.memory_space<hbm>> -> memref<1x128xi32, #tpu.memory_space<hbm>>
      tpu.wait_dma2 semaphore(%arg18 : memref<!tpu.dma_semaphore, #tpu.memory_space<semaphore_mem>>) src(%dma_wait3A_246 : memref<1x128xi32, #tpu.memory_space<hbm>>) dst(%arg7 : memref<1x128xi32, #tpu.memory_space<vmem>>)
      %dma_start3A_247 = arith.constant 0 : i32
      %dma_start3A_248 = arith.constant 0 : i32
      %dma_start3A_249 = tpu.memref_slice %arg7[%dma_start3A_247, %dma_start3A_248] : memref<1x128xi32, #tpu.memory_space<vmem>> -> memref<1x128xi32, #tpu.memory_space<vmem>>
      %dma_start3A_250 = tpu.memref_squeeze %dma_start3A_249 : memref<1x128xi32, #tpu.memory_space<vmem>> -> memref<128xi32, #tpu.memory_space<vmem>>
      %dma_start3A_251 = arith.constant 0 : i32
      %dma_start3A_252 = arith.constant 0 : i32
      %dma_start3A_253 = tpu.memref_slice %arg2[%dma_start3A_251, %dma_start3A_252] : memref<10240x128xf32, #tpu.memory_space<hbm>> -> memref<10240x128xf32, #tpu.memory_space<hbm>>
      tpu.enqueue_indirect_dma source(%dma_start3A_253 : memref<10240x128xf32, #tpu.memory_space<hbm>>) target(%arg11 : memref<128x128xf32, #tpu.memory_space<vmem>>) offsets(%dma_start3A_250 : memref<128xi32, #tpu.memory_space<vmem>>) semaphore(%arg14 : memref<!tpu.dma_semaphore, #tpu.memory_space<semaphore_mem>>)
      %dma_wait3A_254 = arith.constant 0 : i32
      %dma_wait3A_255 = arith.constant 0 : i32
      %dma_wait3A_256 = tpu.memref_slice %arg8[%dma_wait3A_254, %dma_wait3A_255] : memref<1x128xi32, #tpu.memory_space<vmem>> -> memref<1x128xi32, #tpu.memory_space<vmem>>
      %dma_wait3A_257 = tpu.memref_squeeze %dma_wait3A_256 : memref<1x128xi32, #tpu.memory_space<vmem>> -> memref<128xi32, #tpu.memory_space<vmem>>
      %dma_wait3A_258 = arith.constant 0 : i32
      %dma_wait3A_259 = arith.constant 0 : i32
      %dma_wait3A_260 = tpu.memref_slice %arg2[%dma_wait3A_258, %dma_wait3A_259] : memref<10240x128xf32, #tpu.memory_space<hbm>> -> memref<10240x128xf32, #tpu.memory_space<hbm>>
      tpu.wait_indirect_dma semaphore(%arg15 : memref<!tpu.dma_semaphore, #tpu.memory_space<semaphore_mem>>) src(%dma_wait3A_260 : memref<10240x128xf32, #tpu.memory_space<hbm>>) dst(%arg12 : memref<128x128xf32, #tpu.memory_space<vmem>>)
      %add3A_261 = arith.constant 2 : i32
      %add3A_262 = arith.addi %add3A_185, %add3A_261 : i32
      %add3A_263 = arith.addi %select_n3A_8, %add3A_262 : i32
      %dma_start3A_264 = arith.constant 0 : i32
      %dma_start3A_265 = tpu.memref_slice %arg3[%add3A_263, %dma_start3A_264] : memref<2560x128xi32, #tpu.memory_space<hbm>> -> memref<1x128xi32, #tpu.memory_space<hbm>>
      %dma_start3A_266 = arith.constant 0 : i32
      %dma_start3A_267 = tpu.memref_slice %arg3[%add3A_263, %dma_start3A_266] : memref<2560x128xi32, #tpu.memory_space<hbm>> -> memref<1x128xi32, #tpu.memory_space<hbm>>
      tpu.enqueue_dma source(%dma_start3A_267 : memref<1x128xi32, #tpu.memory_space<hbm>>) target(%arg8 : memref<1x128xi32, #tpu.memory_space<vmem>>) target_semaphore(%arg19 : memref<!tpu.dma_semaphore, #tpu.memory_space<semaphore_mem>>)
      %dma_wait3A_268 = arith.constant 0 : i32
      %dma_wait3A_269 = tpu.memref_slice %arg4[%select_n3A_8, %dma_wait3A_268] : memref<2560x128xi32, #tpu.memory_space<hbm>> -> memref<1x128xi32, #tpu.memory_space<hbm>>
      %dma_wait3A_270 = arith.constant 0 : i32
      %dma_wait3A_271 = tpu.memref_slice %arg4[%select_n3A_8, %dma_wait3A_270] : memref<2560x128xi32, #tpu.memory_space<hbm>> -> memref<1x128xi32, #tpu.memory_space<hbm>>
      tpu.wait_dma2 semaphore(%arg21 : memref<!tpu.dma_semaphore, #tpu.memory_space<semaphore_mem>>) src(%dma_wait3A_271 : memref<1x128xi32, #tpu.memory_space<hbm>>) dst(%arg10 : memref<1x128xi32, #tpu.memory_space<vmem>>)
      %dma_start3A_272 = arith.constant 0 : i32
      %dma_start3A_273 = arith.constant 0 : i32
      %dma_start3A_274 = tpu.memref_slice %arg10[%dma_start3A_272, %dma_start3A_273] : memref<1x128xi32, #tpu.memory_space<vmem>> -> memref<1x128xi32, #tpu.memory_space<vmem>>
      %dma_start3A_275 = tpu.memref_squeeze %dma_start3A_274 : memref<1x128xi32, #tpu.memory_space<vmem>> -> memref<128xi32, #tpu.memory_space<vmem>>
      %dma_start3A_276 = arith.constant 0 : i32
      %dma_start3A_277 = arith.constant 0 : i32
      %dma_start3A_278 = tpu.memref_slice %arg13[%dma_start3A_276, %dma_start3A_277] : memref<10240x128xf32, #tpu.memory_space<vmem_shared>> -> memref<10240x128xf32, #tpu.memory_space<vmem_shared>>
      tpu.enqueue_indirect_dma source(%arg12 : memref<128x128xf32, #tpu.memory_space<vmem>>) target(%dma_start3A_278 : memref<10240x128xf32, #tpu.memory_space<vmem_shared>>) offsets(%dma_start3A_275 : memref<128xi32, #tpu.memory_space<vmem>>) semaphore(%arg17 : memref<!tpu.dma_semaphore, #tpu.memory_space<semaphore_mem>>) {add = true}
    }
    %dma_wait3A_85 = arith.constant 0 : i32
    %dma_wait3A_86 = arith.constant 0 : i32
    %dma_wait3A_87 = tpu.memref_slice %arg10[%dma_wait3A_85, %dma_wait3A_86] : memref<1x128xi32, #tpu.memory_space<vmem>> -> memref<1x128xi32, #tpu.memory_space<vmem>>
    %dma_wait3A_88 = tpu.memref_squeeze %dma_wait3A_87 : memref<1x128xi32, #tpu.memory_space<vmem>> -> memref<128xi32, #tpu.memory_space<vmem>>
    %dma_wait3A_89 = arith.constant 0 : i32
    %dma_wait3A_90 = arith.constant 0 : i32
    %dma_wait3A_91 = tpu.memref_slice %arg13[%dma_wait3A_89, %dma_wait3A_90] : memref<10240x128xf32, #tpu.memory_space<vmem_shared>> -> memref<10240x128xf32, #tpu.memory_space<vmem_shared>>
    tpu.wait_indirect_dma semaphore(%arg17 : memref<!tpu.dma_semaphore, #tpu.memory_space<semaphore_mem>>) src(%arg12 : memref<128x128xf32, #tpu.memory_space<vmem>>) dst(%dma_wait3A_91 : memref<10240x128xf32, #tpu.memory_space<vmem_shared>>)
    %sub3A_92 = arith.constant 1 : i32
    %sub3A_93 = arith.subi %select_n3A, %sub3A_92 : i32
    %add3A_94 = arith.addi %select_n3A_8, %sub3A_93 : i32
    %dma_start3A_95 = arith.constant 0 : i32
    %dma_start3A_96 = tpu.memref_slice %arg4[%add3A_94, %dma_start3A_95] : memref<2560x128xi32, #tpu.memory_space<hbm>> -> memref<1x128xi32, #tpu.memory_space<hbm>>
    %dma_start3A_97 = arith.constant 0 : i32
    %dma_start3A_98 = tpu.memref_slice %arg4[%add3A_94, %dma_start3A_97] : memref<2560x128xi32, #tpu.memory_space<hbm>> -> memref<1x128xi32, #tpu.memory_space<hbm>>
    tpu.enqueue_dma source(%dma_start3A_98 : memref<1x128xi32, #tpu.memory_space<hbm>>) target(%arg10 : memref<1x128xi32, #tpu.memory_space<vmem>>) target_semaphore(%arg21 : memref<!tpu.dma_semaphore, #tpu.memory_space<semaphore_mem>>)
    %dma_wait3A_99 = arith.constant 0 : i32
    %dma_wait3A_100 = tpu.memref_slice %arg3[%select_n3A_8, %dma_wait3A_99] : memref<2560x128xi32, #tpu.memory_space<hbm>> -> memref<1x128xi32, #tpu.memory_space<hbm>>
    %dma_wait3A_101 = arith.constant 0 : i32
    %dma_wait3A_102 = tpu.memref_slice %arg3[%select_n3A_8, %dma_wait3A_101] : memref<2560x128xi32, #tpu.memory_space<hbm>> -> memref<1x128xi32, #tpu.memory_space<hbm>>
    tpu.wait_dma2 semaphore(%arg19 : memref<!tpu.dma_semaphore, #tpu.memory_space<semaphore_mem>>) src(%dma_wait3A_102 : memref<1x128xi32, #tpu.memory_space<hbm>>) dst(%arg8 : memref<1x128xi32, #tpu.memory_space<vmem>>)
    %dma_start3A_103 = arith.constant 0 : i32
    %dma_start3A_104 = arith.constant 0 : i32
    %dma_start3A_105 = tpu.memref_slice %arg8[%dma_start3A_103, %dma_start3A_104] : memref<1x128xi32, #tpu.memory_space<vmem>> -> memref<1x128xi32, #tpu.memory_space<vmem>>
    %dma_start3A_106 = tpu.memref_squeeze %dma_start3A_105 : memref<1x128xi32, #tpu.memory_space<vmem>> -> memref<128xi32, #tpu.memory_space<vmem>>
    %dma_start3A_107 = arith.constant 0 : i32
    %dma_start3A_108 = arith.constant 0 : i32
    %dma_start3A_109 = tpu.memref_slice %arg2[%dma_start3A_107, %dma_start3A_108] : memref<10240x128xf32, #tpu.memory_space<hbm>> -> memref<10240x128xf32, #tpu.memory_space<hbm>>
    tpu.enqueue_indirect_dma source(%dma_start3A_109 : memref<10240x128xf32, #tpu.memory_space<hbm>>) target(%arg12 : memref<128x128xf32, #tpu.memory_space<vmem>>) offsets(%dma_start3A_106 : memref<128xi32, #tpu.memory_space<vmem>>) semaphore(%arg15 : memref<!tpu.dma_semaphore, #tpu.memory_space<semaphore_mem>>)
    %dma_wait3A_110 = arith.constant 0 : i32
    %dma_wait3A_111 = arith.constant 0 : i32
    %dma_wait3A_112 = tpu.memref_slice %arg7[%dma_wait3A_110, %dma_wait3A_111] : memref<1x128xi32, #tpu.memory_space<vmem>> -> memref<1x128xi32, #tpu.memory_space<vmem>>
    %dma_wait3A_113 = tpu.memref_squeeze %dma_wait3A_112 : memref<1x128xi32, #tpu.memory_space<vmem>> -> memref<128xi32, #tpu.memory_space<vmem>>
    %dma_wait3A_114 = arith.constant 0 : i32
    %dma_wait3A_115 = arith.constant 0 : i32
    %dma_wait3A_116 = tpu.memref_slice %arg2[%dma_wait3A_114, %dma_wait3A_115] : memref<10240x128xf32, #tpu.memory_space<hbm>> -> memref<10240x128xf32, #tpu.memory_space<hbm>>
    tpu.wait_indirect_dma semaphore(%arg14 : memref<!tpu.dma_semaphore, #tpu.memory_space<semaphore_mem>>) src(%dma_wait3A_116 : memref<10240x128xf32, #tpu.memory_space<hbm>>) dst(%arg11 : memref<128x128xf32, #tpu.memory_space<vmem>>)
    %dma_wait3A_117 = arith.constant 0 : i32
    %dma_wait3A_118 = tpu.memref_slice %arg4[%select_n3A_8, %dma_wait3A_117] : memref<2560x128xi32, #tpu.memory_space<hbm>> -> memref<1x128xi32, #tpu.memory_space<hbm>>
    %dma_wait3A_119 = arith.constant 0 : i32
    %dma_wait3A_120 = tpu.memref_slice %arg4[%select_n3A_8, %dma_wait3A_119] : memref<2560x128xi32, #tpu.memory_space<hbm>> -> memref<1x128xi32, #tpu.memory_space<hbm>>
    tpu.wait_dma2 semaphore(%arg20 : memref<!tpu.dma_semaphore, #tpu.memory_space<semaphore_mem>>) src(%dma_wait3A_120 : memref<1x128xi32, #tpu.memory_space<hbm>>) dst(%arg9 : memref<1x128xi32, #tpu.memory_space<vmem>>)
    %dma_start3A_121 = arith.constant 0 : i32
    %dma_start3A_122 = arith.constant 0 : i32
    %dma_start3A_123 = tpu.memref_slice %arg9[%dma_start3A_121, %dma_start3A_122] : memref<1x128xi32, #tpu.memory_space<vmem>> -> memref<1x128xi32, #tpu.memory_space<vmem>>
    %dma_start3A_124 = tpu.memref_squeeze %dma_start3A_123 : memref<1x128xi32, #tpu.memory_space<vmem>> -> memref<128xi32, #tpu.memory_space<vmem>>
    %dma_start3A_125 = arith.constant 0 : i32
    %dma_start3A_126 = arith.constant 0 : i32
    %dma_start3A_127 = tpu.memref_slice %arg13[%dma_start3A_125, %dma_start3A_126] : memref<10240x128xf32, #tpu.memory_space<vmem_shared>> -> memref<10240x128xf32, #tpu.memory_space<vmem_shared>>
    tpu.enqueue_indirect_dma source(%arg11 : memref<128x128xf32, #tpu.memory_space<vmem>>) target(%dma_start3A_127 : memref<10240x128xf32, #tpu.memory_space<vmem_shared>>) offsets(%dma_start3A_124 : memref<128xi32, #tpu.memory_space<vmem>>) semaphore(%arg16 : memref<!tpu.dma_semaphore, #tpu.memory_space<semaphore_mem>>) {add = true}
    %dma_wait3A_128 = arith.constant 0 : i32
    %dma_wait3A_129 = arith.constant 0 : i32
    %dma_wait3A_130 = tpu.memref_slice %arg9[%dma_wait3A_128, %dma_wait3A_129] : memref<1x128xi32, #tpu.memory_space<vmem>> -> memref<1x128xi32, #tpu.memory_space<vmem>>
    %dma_wait3A_131 = tpu.memref_squeeze %dma_wait3A_130 : memref<1x128xi32, #tpu.memory_space<vmem>> -> memref<128xi32, #tpu.memory_space<vmem>>
    %dma_wait3A_132 = arith.constant 0 : i32
    %dma_wait3A_133 = arith.constant 0 : i32
    %dma_wait3A_134 = tpu.memref_slice %arg13[%dma_wait3A_132, %dma_wait3A_133] : memref<10240x128xf32, #tpu.memory_space<vmem_shared>> -> memref<10240x128xf32, #tpu.memory_space<vmem_shared>>
    tpu.wait_indirect_dma semaphore(%arg16 : memref<!tpu.dma_semaphore, #tpu.memory_space<semaphore_mem>>) src(%arg11 : memref<128x128xf32, #tpu.memory_space<vmem>>) dst(%dma_wait3A_134 : memref<10240x128xf32, #tpu.memory_space<vmem_shared>>)
    %dma_wait3A_135 = arith.constant 0 : i32
    %dma_wait3A_136 = arith.constant 0 : i32
    %dma_wait3A_137 = tpu.memref_slice %arg8[%dma_wait3A_135, %dma_wait3A_136] : memref<1x128xi32, #tpu.memory_space<vmem>> -> memref<1x128xi32, #tpu.memory_space<vmem>>
    %dma_wait3A_138 = tpu.memref_squeeze %dma_wait3A_137 : memref<1x128xi32, #tpu.memory_space<vmem>> -> memref<128xi32, #tpu.memory_space<vmem>>
    %dma_wait3A_139 = arith.constant 0 : i32
    %dma_wait3A_140 = arith.constant 0 : i32
    %dma_wait3A_141 = tpu.memref_slice %arg2[%dma_wait3A_139, %dma_wait3A_140] : memref<10240x128xf32, #tpu.memory_space<hbm>> -> memref<10240x128xf32, #tpu.memory_space<hbm>>
    tpu.wait_indirect_dma semaphore(%arg15 : memref<!tpu.dma_semaphore, #tpu.memory_space<semaphore_mem>>) src(%dma_wait3A_141 : memref<10240x128xf32, #tpu.memory_space<hbm>>) dst(%arg12 : memref<128x128xf32, #tpu.memory_space<vmem>>)
    %dma_wait3A_142 = arith.constant 0 : i32
    %dma_wait3A_143 = tpu.memref_slice %arg4[%select_n3A_8, %dma_wait3A_142] : memref<2560x128xi32, #tpu.memory_space<hbm>> -> memref<1x128xi32, #tpu.memory_space<hbm>>
    %dma_wait3A_144 = arith.constant 0 : i32
    %dma_wait3A_145 = tpu.memref_slice %arg4[%select_n3A_8, %dma_wait3A_144] : memref<2560x128xi32, #tpu.memory_space<hbm>> -> memref<1x128xi32, #tpu.memory_space<hbm>>
    tpu.wait_dma2 semaphore(%arg21 : memref<!tpu.dma_semaphore, #tpu.memory_space<semaphore_mem>>) src(%dma_wait3A_145 : memref<1x128xi32, #tpu.memory_space<hbm>>) dst(%arg10 : memref<1x128xi32, #tpu.memory_space<vmem>>)
    %dma_start3A_146 = arith.constant 0 : i32
    %dma_start3A_147 = arith.constant 0 : i32
    %dma_start3A_148 = tpu.memref_slice %arg10[%dma_start3A_146, %dma_start3A_147] : memref<1x128xi32, #tpu.memory_space<vmem>> -> memref<1x128xi32, #tpu.memory_space<vmem>>
    %dma_start3A_149 = tpu.memref_squeeze %dma_start3A_148 : memref<1x128xi32, #tpu.memory_space<vmem>> -> memref<128xi32, #tpu.memory_space<vmem>>
    %dma_start3A_150 = arith.constant 0 : i32
    %dma_start3A_151 = arith.constant 0 : i32
    %dma_start3A_152 = tpu.memref_slice %arg13[%dma_start3A_150, %dma_start3A_151] : memref<10240x128xf32, #tpu.memory_space<vmem_shared>> -> memref<10240x128xf32, #tpu.memory_space<vmem_shared>>
    tpu.enqueue_indirect_dma source(%arg12 : memref<128x128xf32, #tpu.memory_space<vmem>>) target(%dma_start3A_152 : memref<10240x128xf32, #tpu.memory_space<vmem_shared>>) offsets(%dma_start3A_149 : memref<128xi32, #tpu.memory_space<vmem>>) semaphore(%arg17 : memref<!tpu.dma_semaphore, #tpu.memory_space<semaphore_mem>>) {add = true}
    %dma_wait3A_153 = arith.constant 0 : i32
    %dma_wait3A_154 = arith.constant 0 : i32
    %dma_wait3A_155 = tpu.memref_slice %arg10[%dma_wait3A_153, %dma_wait3A_154] : memref<1x128xi32, #tpu.memory_space<vmem>> -> memref<1x128xi32, #tpu.memory_space<vmem>>
    %dma_wait3A_156 = tpu.memref_squeeze %dma_wait3A_155 : memref<1x128xi32, #tpu.memory_space<vmem>> -> memref<128xi32, #tpu.memory_space<vmem>>
    %dma_wait3A_157 = arith.constant 0 : i32
    %dma_wait3A_158 = arith.constant 0 : i32
    %dma_wait3A_159 = tpu.memref_slice %arg13[%dma_wait3A_157, %dma_wait3A_158] : memref<10240x128xf32, #tpu.memory_space<vmem_shared>> -> memref<10240x128xf32, #tpu.memory_space<vmem_shared>>
    tpu.wait_indirect_dma semaphore(%arg17 : memref<!tpu.dma_semaphore, #tpu.memory_space<semaphore_mem>>) src(%arg12 : memref<128x128xf32, #tpu.memory_space<vmem>>) dst(%dma_wait3A_159 : memref<10240x128xf32, #tpu.memory_space<vmem_shared>>)
    %barrier3A_160 = arith.constant 0 : index
    tpu.barrier barrier_id(%barrier3A_160)
    %mul3A_161 = arith.constant 640 : i32
    %mul3A_162 = arith.muli %arg1, %mul3A_161 : i32
    %add3A_163 = arith.constant 0 : i32
    %add3A_164 = arith.addi %mul3A_162, %add3A_163 : i32
    "tpu.region"() ({
      %run_scoped3A = tpu.sem_alloc : memref<!tpu.dma_semaphore, #tpu.memory_space<semaphore_mem>>
      %dma_start3A_181 = arith.constant 0 : i32
      %dma_start3A_182 = tpu.memref_slice %arg13[%add3A_164, %dma_start3A_181] : memref<10240x128xf32, #tpu.memory_space<vmem_shared>> -> memref<128x128xf32, #tpu.memory_space<vmem_shared>>
      %dma_start3A_183 = arith.constant 0 : i32
      %dma_start3A_184 = tpu.memref_slice %arg13[%add3A_164, %dma_start3A_183] : memref<10240x128xf32, #tpu.memory_space<vmem_shared>> -> memref<128x128xf32, #tpu.memory_space<vmem_shared>>
      tpu.enqueue_dma source(%dma_start3A_184 : memref<128x128xf32, #tpu.memory_space<vmem_shared>>) target(%arg11 : memref<128x128xf32, #tpu.memory_space<vmem>>) target_semaphore(%run_scoped3A : memref<!tpu.dma_semaphore, #tpu.memory_space<semaphore_mem>>)
      %dma_wait3A_185 = arith.constant 0 : i32
      %dma_wait3A_186 = tpu.memref_slice %arg13[%add3A_164, %dma_wait3A_185] : memref<10240x128xf32, #tpu.memory_space<vmem_shared>> -> memref<128x128xf32, #tpu.memory_space<vmem_shared>>
      %dma_wait3A_187 = arith.constant 0 : i32
      %dma_wait3A_188 = tpu.memref_slice %arg13[%add3A_164, %dma_wait3A_187] : memref<10240x128xf32, #tpu.memory_space<vmem_shared>> -> memref<128x128xf32, #tpu.memory_space<vmem_shared>>
      tpu.wait_dma2 semaphore(%run_scoped3A : memref<!tpu.dma_semaphore, #tpu.memory_space<semaphore_mem>>) src(%dma_wait3A_188 : memref<128x128xf32, #tpu.memory_space<vmem_shared>>) dst(%arg11 : memref<128x128xf32, #tpu.memory_space<vmem>>)
      tpu.yield
    }) : () -> ()
    "tpu.region"() ({
      %run_scoped3A = tpu.sem_alloc : memref<!tpu.dma_semaphore, #tpu.memory_space<semaphore_mem>>
      %dma_start3A_181 = arith.constant 0 : i32
      %dma_start3A_182 = tpu.memref_slice %arg6[%arg0, %add3A_164, %dma_start3A_181] : memref<2x10240x128xf32, #tpu.memory_space<hbm>> -> memref<1x128x128xf32, #tpu.memory_space<hbm>>
      %dma_start3A_183 = tpu.memref_squeeze %dma_start3A_182 : memref<1x128x128xf32, #tpu.memory_space<hbm>> -> memref<128x128xf32, #tpu.memory_space<hbm>>
      %dma_start3A_184 = arith.constant 0 : i32
      %dma_start3A_185 = tpu.memref_slice %arg6[%arg0, %add3A_164, %dma_start3A_184] : memref<2x10240x128xf32, #tpu.memory_space<hbm>> -> memref<1x128x128xf32, #tpu.memory_space<hbm>>
      %dma_start3A_186 = tpu.memref_squeeze %dma_start3A_185 : memref<1x128x128xf32, #tpu.memory_space<hbm>> -> memref<128x128xf32, #tpu.memory_space<hbm>>
      tpu.enqueue_dma source(%arg11 : memref<128x128xf32, #tpu.memory_space<vmem>>) target(%dma_start3A_186 : memref<128x128xf32, #tpu.memory_space<hbm>>) target_semaphore(%run_scoped3A : memref<!tpu.dma_semaphore, #tpu.memory_space<semaphore_mem>>)
      %dma_wait3A_187 = arith.constant 0 : i32
      %dma_wait3A_188 = tpu.memref_slice %arg6[%arg0, %add3A_164, %dma_wait3A_187] : memref<2x10240x128xf32, #tpu.memory_space<hbm>> -> memref<1x128x128xf32, #tpu.memory_space<hbm>>
      %dma_wait3A_189 = tpu.memref_squeeze %dma_wait3A_188 : memref<1x128x128xf32, #tpu.memory_space<hbm>> -> memref<128x128xf32, #tpu.memory_space<hbm>>
      %dma_wait3A_190 = arith.constant 0 : i32
      %dma_wait3A_191 = tpu.memref_slice %arg6[%arg0, %add3A_164, %dma_wait3A_190] : memref<2x10240x128xf32, #tpu.memory_space<hbm>> -> memref<1x128x128xf32, #tpu.memory_space<hbm>>
      %dma_wait3A_192 = tpu.memref_squeeze %dma_wait3A_191 : memref<1x128x128xf32, #tpu.memory_space<hbm>> -> memref<128x128xf32, #tpu.memory_space<hbm>>
      tpu.wait_dma2 semaphore(%run_scoped3A : memref<!tpu.dma_semaphore, #tpu.memory_space<semaphore_mem>>) src(%arg11 : memref<128x128xf32, #tpu.memory_space<vmem>>) dst(%dma_wait3A_192 : memref<128x128xf32, #tpu.memory_space<hbm>>)
      tpu.yield
    }) : () -> ()
    %mul3A_165 = arith.constant 640 : i32
    %mul3A_166 = arith.muli %arg1, %mul3A_165 : i32
    %add3A_167 = arith.constant 128 : i32
    %add3A_168 = arith.addi %mul3A_166, %add3A_167 : i32
    "tpu.region"() ({
      %run_scoped3A = tpu.sem_alloc : memref<!tpu.dma_semaphore, #tpu.memory_space<semaphore_mem>>
      %dma_start3A_181 = arith.constant 0 : i32
      %dma_start3A_182 = tpu.memref_slice %arg13[%add3A_168, %dma_start3A_181] : memref<10240x128xf32, #tpu.memory_space<vmem_shared>> -> memref<128x128xf32, #tpu.memory_space<vmem_shared>>
      %dma_start3A_183 = arith.constant 0 : i32
      %dma_start3A_184 = tpu.memref_slice %arg13[%add3A_168, %dma_start3A_183] : memref<10240x128xf32, #tpu.memory_space<vmem_shared>> -> memref<128x128xf32, #tpu.memory_space<vmem_shared>>
      tpu.enqueue_dma source(%dma_start3A_184 : memref<128x128xf32, #tpu.memory_space<vmem_shared>>) target(%arg11 : memref<128x128xf32, #tpu.memory_space<vmem>>) target_semaphore(%run_scoped3A : memref<!tpu.dma_semaphore, #tpu.memory_space<semaphore_mem>>)
      %dma_wait3A_185 = arith.constant 0 : i32
      %dma_wait3A_186 = tpu.memref_slice %arg13[%add3A_168, %dma_wait3A_185] : memref<10240x128xf32, #tpu.memory_space<vmem_shared>> -> memref<128x128xf32, #tpu.memory_space<vmem_shared>>
      %dma_wait3A_187 = arith.constant 0 : i32
      %dma_wait3A_188 = tpu.memref_slice %arg13[%add3A_168, %dma_wait3A_187] : memref<10240x128xf32, #tpu.memory_space<vmem_shared>> -> memref<128x128xf32, #tpu.memory_space<vmem_shared>>
      tpu.wait_dma2 semaphore(%run_scoped3A : memref<!tpu.dma_semaphore, #tpu.memory_space<semaphore_mem>>) src(%dma_wait3A_188 : memref<128x128xf32, #tpu.memory_space<vmem_shared>>) dst(%arg11 : memref<128x128xf32, #tpu.memory_space<vmem>>)
      tpu.yield
    }) : () -> ()
    "tpu.region"() ({
      %run_scoped3A = tpu.sem_alloc : memref<!tpu.dma_semaphore, #tpu.memory_space<semaphore_mem>>
      %dma_start3A_181 = arith.constant 0 : i32
      %dma_start3A_182 = tpu.memref_slice %arg6[%arg0, %add3A_168, %dma_start3A_181] : memref<2x10240x128xf32, #tpu.memory_space<hbm>> -> memref<1x128x128xf32, #tpu.memory_space<hbm>>
      %dma_start3A_183 = tpu.memref_squeeze %dma_start3A_182 : memref<1x128x128xf32, #tpu.memory_space<hbm>> -> memref<128x128xf32, #tpu.memory_space<hbm>>
      %dma_start3A_184 = arith.constant 0 : i32
      %dma_start3A_185 = tpu.memref_slice %arg6[%arg0, %add3A_168, %dma_start3A_184] : memref<2x10240x128xf32, #tpu.memory_space<hbm>> -> memref<1x128x128xf32, #tpu.memory_space<hbm>>
      %dma_start3A_186 = tpu.memref_squeeze %dma_start3A_185 : memref<1x128x128xf32, #tpu.memory_space<hbm>> -> memref<128x128xf32, #tpu.memory_space<hbm>>
      tpu.enqueue_dma source(%arg11 : memref<128x128xf32, #tpu.memory_space<vmem>>) target(%dma_start3A_186 : memref<128x128xf32, #tpu.memory_space<hbm>>) target_semaphore(%run_scoped3A : memref<!tpu.dma_semaphore, #tpu.memory_space<semaphore_mem>>)
      %dma_wait3A_187 = arith.constant 0 : i32
      %dma_wait3A_188 = tpu.memref_slice %arg6[%arg0, %add3A_168, %dma_wait3A_187] : memref<2x10240x128xf32, #tpu.memory_space<hbm>> -> memref<1x128x128xf32, #tpu.memory_space<hbm>>
      %dma_wait3A_189 = tpu.memref_squeeze %dma_wait3A_188 : memref<1x128x128xf32, #tpu.memory_space<hbm>> -> memref<128x128xf32, #tpu.memory_space<hbm>>
      %dma_wait3A_190 = arith.constant 0 : i32
      %dma_wait3A_191 = tpu.memref_slice %arg6[%arg0, %add3A_168, %dma_wait3A_190] : memref<2x10240x128xf32, #tpu.memory_space<hbm>> -> memref<1x128x128xf32, #tpu.memory_space<hbm>>
      %dma_wait3A_192 = tpu.memref_squeeze %dma_wait3A_191 : memref<1x128x128xf32, #tpu.memory_space<hbm>> -> memref<128x128xf32, #tpu.memory_space<hbm>>
      tpu.wait_dma2 semaphore(%run_scoped3A : memref<!tpu.dma_semaphore, #tpu.memory_space<semaphore_mem>>) src(%arg11 : memref<128x128xf32, #tpu.memory_space<vmem>>) dst(%dma_wait3A_192 : memref<128x128xf32, #tpu.memory_space<hbm>>)
      tpu.yield
    }) : () -> ()
    %mul3A_169 = arith.constant 640 : i32
    %mul3A_170 = arith.muli %arg1, %mul3A_169 : i32
    %add3A_171 = arith.constant 256 : i32
    %add3A_172 = arith.addi %mul3A_170, %add3A_171 : i32
    "tpu.region"() ({
      %run_scoped3A = tpu.sem_alloc : memref<!tpu.dma_semaphore, #tpu.memory_space<semaphore_mem>>
      %dma_start3A_181 = arith.constant 0 : i32
      %dma_start3A_182 = tpu.memref_slice %arg13[%add3A_172, %dma_start3A_181] : memref<10240x128xf32, #tpu.memory_space<vmem_shared>> -> memref<128x128xf32, #tpu.memory_space<vmem_shared>>
      %dma_start3A_183 = arith.constant 0 : i32
      %dma_start3A_184 = tpu.memref_slice %arg13[%add3A_172, %dma_start3A_183] : memref<10240x128xf32, #tpu.memory_space<vmem_shared>> -> memref<128x128xf32, #tpu.memory_space<vmem_shared>>
      tpu.enqueue_dma source(%dma_start3A_184 : memref<128x128xf32, #tpu.memory_space<vmem_shared>>) target(%arg11 : memref<128x128xf32, #tpu.memory_space<vmem>>) target_semaphore(%run_scoped3A : memref<!tpu.dma_semaphore, #tpu.memory_space<semaphore_mem>>)
      %dma_wait3A_185 = arith.constant 0 : i32
      %dma_wait3A_186 = tpu.memref_slice %arg13[%add3A_172, %dma_wait3A_185] : memref<10240x128xf32, #tpu.memory_space<vmem_shared>> -> memref<128x128xf32, #tpu.memory_space<vmem_shared>>
      %dma_wait3A_187 = arith.constant 0 : i32
      %dma_wait3A_188 = tpu.memref_slice %arg13[%add3A_172, %dma_wait3A_187] : memref<10240x128xf32, #tpu.memory_space<vmem_shared>> -> memref<128x128xf32, #tpu.memory_space<vmem_shared>>
      tpu.wait_dma2 semaphore(%run_scoped3A : memref<!tpu.dma_semaphore, #tpu.memory_space<semaphore_mem>>) src(%dma_wait3A_188 : memref<128x128xf32, #tpu.memory_space<vmem_shared>>) dst(%arg11 : memref<128x128xf32, #tpu.memory_space<vmem>>)
      tpu.yield
    }) : () -> ()
    "tpu.region"() ({
      %run_scoped3A = tpu.sem_alloc : memref<!tpu.dma_semaphore, #tpu.memory_space<semaphore_mem>>
      %dma_start3A_181 = arith.constant 0 : i32
      %dma_start3A_182 = tpu.memref_slice %arg6[%arg0, %add3A_172, %dma_start3A_181] : memref<2x10240x128xf32, #tpu.memory_space<hbm>> -> memref<1x128x128xf32, #tpu.memory_space<hbm>>
      %dma_start3A_183 = tpu.memref_squeeze %dma_start3A_182 : memref<1x128x128xf32, #tpu.memory_space<hbm>> -> memref<128x128xf32, #tpu.memory_space<hbm>>
      %dma_start3A_184 = arith.constant 0 : i32
      %dma_start3A_185 = tpu.memref_slice %arg6[%arg0, %add3A_172, %dma_start3A_184] : memref<2x10240x128xf32, #tpu.memory_space<hbm>> -> memref<1x128x128xf32, #tpu.memory_space<hbm>>
      %dma_start3A_186 = tpu.memref_squeeze %dma_start3A_185 : memref<1x128x128xf32, #tpu.memory_space<hbm>> -> memref<128x128xf32, #tpu.memory_space<hbm>>
      tpu.enqueue_dma source(%arg11 : memref<128x128xf32, #tpu.memory_space<vmem>>) target(%dma_start3A_186 : memref<128x128xf32, #tpu.memory_space<hbm>>) target_semaphore(%run_scoped3A : memref<!tpu.dma_semaphore, #tpu.memory_space<semaphore_mem>>)
      %dma_wait3A_187 = arith.constant 0 : i32
      %dma_wait3A_188 = tpu.memref_slice %arg6[%arg0, %add3A_172, %dma_wait3A_187] : memref<2x10240x128xf32, #tpu.memory_space<hbm>> -> memref<1x128x128xf32, #tpu.memory_space<hbm>>
      %dma_wait3A_189 = tpu.memref_squeeze %dma_wait3A_188 : memref<1x128x128xf32, #tpu.memory_space<hbm>> -> memref<128x128xf32, #tpu.memory_space<hbm>>
      %dma_wait3A_190 = arith.constant 0 : i32
      %dma_wait3A_191 = tpu.memref_slice %arg6[%arg0, %add3A_172, %dma_wait3A_190] : memref<2x10240x128xf32, #tpu.memory_space<hbm>> -> memref<1x128x128xf32, #tpu.memory_space<hbm>>
      %dma_wait3A_192 = tpu.memref_squeeze %dma_wait3A_191 : memref<1x128x128xf32, #tpu.memory_space<hbm>> -> memref<128x128xf32, #tpu.memory_space<hbm>>
      tpu.wait_dma2 semaphore(%run_scoped3A : memref<!tpu.dma_semaphore, #tpu.memory_space<semaphore_mem>>) src(%arg11 : memref<128x128xf32, #tpu.memory_space<vmem>>) dst(%dma_wait3A_192 : memref<128x128xf32, #tpu.memory_space<hbm>>)
      tpu.yield
    }) : () -> ()
    %mul3A_173 = arith.constant 640 : i32
    %mul3A_174 = arith.muli %arg1, %mul3A_173 : i32
    %add3A_175 = arith.constant 384 : i32
    %add3A_176 = arith.addi %mul3A_174, %add3A_175 : i32
    "tpu.region"() ({
      %run_scoped3A = tpu.sem_alloc : memref<!tpu.dma_semaphore, #tpu.memory_space<semaphore_mem>>
      %dma_start3A_181 = arith.constant 0 : i32
      %dma_start3A_182 = tpu.memref_slice %arg13[%add3A_176, %dma_start3A_181] : memref<10240x128xf32, #tpu.memory_space<vmem_shared>> -> memref<128x128xf32, #tpu.memory_space<vmem_shared>>
      %dma_start3A_183 = arith.constant 0 : i32
      %dma_start3A_184 = tpu.memref_slice %arg13[%add3A_176, %dma_start3A_183] : memref<10240x128xf32, #tpu.memory_space<vmem_shared>> -> memref<128x128xf32, #tpu.memory_space<vmem_shared>>
      tpu.enqueue_dma source(%dma_start3A_184 : memref<128x128xf32, #tpu.memory_space<vmem_shared>>) target(%arg11 : memref<128x128xf32, #tpu.memory_space<vmem>>) target_semaphore(%run_scoped3A : memref<!tpu.dma_semaphore, #tpu.memory_space<semaphore_mem>>)
      %dma_wait3A_185 = arith.constant 0 : i32
      %dma_wait3A_186 = tpu.memref_slice %arg13[%add3A_176, %dma_wait3A_185] : memref<10240x128xf32, #tpu.memory_space<vmem_shared>> -> memref<128x128xf32, #tpu.memory_space<vmem_shared>>
      %dma_wait3A_187 = arith.constant 0 : i32
      %dma_wait3A_188 = tpu.memref_slice %arg13[%add3A_176, %dma_wait3A_187] : memref<10240x128xf32, #tpu.memory_space<vmem_shared>> -> memref<128x128xf32, #tpu.memory_space<vmem_shared>>
      tpu.wait_dma2 semaphore(%run_scoped3A : memref<!tpu.dma_semaphore, #tpu.memory_space<semaphore_mem>>) src(%dma_wait3A_188 : memref<128x128xf32, #tpu.memory_space<vmem_shared>>) dst(%arg11 : memref<128x128xf32, #tpu.memory_space<vmem>>)
      tpu.yield
    }) : () -> ()
    "tpu.region"() ({
      %run_scoped3A = tpu.sem_alloc : memref<!tpu.dma_semaphore, #tpu.memory_space<semaphore_mem>>
      %dma_start3A_181 = arith.constant 0 : i32
      %dma_start3A_182 = tpu.memref_slice %arg6[%arg0, %add3A_176, %dma_start3A_181] : memref<2x10240x128xf32, #tpu.memory_space<hbm>> -> memref<1x128x128xf32, #tpu.memory_space<hbm>>
      %dma_start3A_183 = tpu.memref_squeeze %dma_start3A_182 : memref<1x128x128xf32, #tpu.memory_space<hbm>> -> memref<128x128xf32, #tpu.memory_space<hbm>>
      %dma_start3A_184 = arith.constant 0 : i32
      %dma_start3A_185 = tpu.memref_slice %arg6[%arg0, %add3A_176, %dma_start3A_184] : memref<2x10240x128xf32, #tpu.memory_space<hbm>> -> memref<1x128x128xf32, #tpu.memory_space<hbm>>
      %dma_start3A_186 = tpu.memref_squeeze %dma_start3A_185 : memref<1x128x128xf32, #tpu.memory_space<hbm>> -> memref<128x128xf32, #tpu.memory_space<hbm>>
      tpu.enqueue_dma source(%arg11 : memref<128x128xf32, #tpu.memory_space<vmem>>) target(%dma_start3A_186 : memref<128x128xf32, #tpu.memory_space<hbm>>) target_semaphore(%run_scoped3A : memref<!tpu.dma_semaphore, #tpu.memory_space<semaphore_mem>>)
      %dma_wait3A_187 = arith.constant 0 : i32
      %dma_wait3A_188 = tpu.memref_slice %arg6[%arg0, %add3A_176, %dma_wait3A_187] : memref<2x10240x128xf32, #tpu.memory_space<hbm>> -> memref<1x128x128xf32, #tpu.memory_space<hbm>>
      %dma_wait3A_189 = tpu.memref_squeeze %dma_wait3A_188 : memref<1x128x128xf32, #tpu.memory_space<hbm>> -> memref<128x128xf32, #tpu.memory_space<hbm>>
      %dma_wait3A_190 = arith.constant 0 : i32
      %dma_wait3A_191 = tpu.memref_slice %arg6[%arg0, %add3A_176, %dma_wait3A_190] : memref<2x10240x128xf32, #tpu.memory_space<hbm>> -> memref<1x128x128xf32, #tpu.memory_space<hbm>>
      %dma_wait3A_192 = tpu.memref_squeeze %dma_wait3A_191 : memref<1x128x128xf32, #tpu.memory_space<hbm>> -> memref<128x128xf32, #tpu.memory_space<hbm>>
      tpu.wait_dma2 semaphore(%run_scoped3A : memref<!tpu.dma_semaphore, #tpu.memory_space<semaphore_mem>>) src(%arg11 : memref<128x128xf32, #tpu.memory_space<vmem>>) dst(%dma_wait3A_192 : memref<128x128xf32, #tpu.memory_space<hbm>>)
      tpu.yield
    }) : () -> ()
    %mul3A_177 = arith.constant 640 : i32
    %mul3A_178 = arith.muli %arg1, %mul3A_177 : i32
    %add3A_179 = arith.constant 512 : i32
    %add3A_180 = arith.addi %mul3A_178, %add3A_179 : i32
    "tpu.region"() ({
      %run_scoped3A = tpu.sem_alloc : memref<!tpu.dma_semaphore, #tpu.memory_space<semaphore_mem>>
      %dma_start3A_181 = arith.constant 0 : i32
      %dma_start3A_182 = tpu.memref_slice %arg13[%add3A_180, %dma_start3A_181] : memref<10240x128xf32, #tpu.memory_space<vmem_shared>> -> memref<128x128xf32, #tpu.memory_space<vmem_shared>>
      %dma_start3A_183 = arith.constant 0 : i32
      %dma_start3A_184 = tpu.memref_slice %arg13[%add3A_180, %dma_start3A_183] : memref<10240x128xf32, #tpu.memory_space<vmem_shared>> -> memref<128x128xf32, #tpu.memory_space<vmem_shared>>
      tpu.enqueue_dma source(%dma_start3A_184 : memref<128x128xf32, #tpu.memory_space<vmem_shared>>) target(%arg11 : memref<128x128xf32, #tpu.memory_space<vmem>>) target_semaphore(%run_scoped3A : memref<!tpu.dma_semaphore, #tpu.memory_space<semaphore_mem>>)
      %dma_wait3A_185 = arith.constant 0 : i32
      %dma_wait3A_186 = tpu.memref_slice %arg13[%add3A_180, %dma_wait3A_185] : memref<10240x128xf32, #tpu.memory_space<vmem_shared>> -> memref<128x128xf32, #tpu.memory_space<vmem_shared>>
      %dma_wait3A_187 = arith.constant 0 : i32
      %dma_wait3A_188 = tpu.memref_slice %arg13[%add3A_180, %dma_wait3A_187] : memref<10240x128xf32, #tpu.memory_space<vmem_shared>> -> memref<128x128xf32, #tpu.memory_space<vmem_shared>>
      tpu.wait_dma2 semaphore(%run_scoped3A : memref<!tpu.dma_semaphore, #tpu.memory_space<semaphore_mem>>) src(%dma_wait3A_188 : memref<128x128xf32, #tpu.memory_space<vmem_shared>>) dst(%arg11 : memref<128x128xf32, #tpu.memory_space<vmem>>)
      tpu.yield
    }) : () -> ()
    "tpu.region"() ({
      %run_scoped3A = tpu.sem_alloc : memref<!tpu.dma_semaphore, #tpu.memory_space<semaphore_mem>>
      %dma_start3A_181 = arith.constant 0 : i32
      %dma_start3A_182 = tpu.memref_slice %arg6[%arg0, %add3A_180, %dma_start3A_181] : memref<2x10240x128xf32, #tpu.memory_space<hbm>> -> memref<1x128x128xf32, #tpu.memory_space<hbm>>
      %dma_start3A_183 = tpu.memref_squeeze %dma_start3A_182 : memref<1x128x128xf32, #tpu.memory_space<hbm>> -> memref<128x128xf32, #tpu.memory_space<hbm>>
      %dma_start3A_184 = arith.constant 0 : i32
      %dma_start3A_185 = tpu.memref_slice %arg6[%arg0, %add3A_180, %dma_start3A_184] : memref<2x10240x128xf32, #tpu.memory_space<hbm>> -> memref<1x128x128xf32, #tpu.memory_space<hbm>>
      %dma_start3A_186 = tpu.memref_squeeze %dma_start3A_185 : memref<1x128x128xf32, #tpu.memory_space<hbm>> -> memref<128x128xf32, #tpu.memory_space<hbm>>
      tpu.enqueue_dma source(%arg11 : memref<128x128xf32, #tpu.memory_space<vmem>>) target(%dma_start3A_186 : memref<128x128xf32, #tpu.memory_space<hbm>>) target_semaphore(%run_scoped3A : memref<!tpu.dma_semaphore, #tpu.memory_space<semaphore_mem>>)
      %dma_wait3A_187 = arith.constant 0 : i32
      %dma_wait3A_188 = tpu.memref_slice %arg6[%arg0, %add3A_180, %dma_wait3A_187] : memref<2x10240x128xf32, #tpu.memory_space<hbm>> -> memref<1x128x128xf32, #tpu.memory_space<hbm>>
      %dma_wait3A_189 = tpu.memref_squeeze %dma_wait3A_188 : memref<1x128x128xf32, #tpu.memory_space<hbm>> -> memref<128x128xf32, #tpu.memory_space<hbm>>
      %dma_wait3A_190 = arith.constant 0 : i32
      %dma_wait3A_191 = tpu.memref_slice %arg6[%arg0, %add3A_180, %dma_wait3A_190] : memref<2x10240x128xf32, #tpu.memory_space<hbm>> -> memref<1x128x128xf32, #tpu.memory_space<hbm>>
      %dma_wait3A_192 = tpu.memref_squeeze %dma_wait3A_191 : memref<1x128x128xf32, #tpu.memory_space<hbm>> -> memref<128x128xf32, #tpu.memory_space<hbm>>
      tpu.wait_dma2 semaphore(%run_scoped3A : memref<!tpu.dma_semaphore, #tpu.memory_space<semaphore_mem>>) src(%arg11 : memref<128x128xf32, #tpu.memory_space<vmem>>) dst(%dma_wait3A_192 : memref<128x128xf32, #tpu.memory_space<hbm>>)
      tpu.yield
    }) : () -> ()
    return
  }
}

module attributes {stable_mosaic.version = 14 : i64} {
  func.func @_node_mlp_body(%arg0: i32, %arg1: memref<1024x128xf32, #tpu.memory_space<vmem>>, %arg2: memref<128x128xf32, #tpu.memory_space<vmem>>, %arg3: memref<1x128xf32, #tpu.memory_space<vmem>>, %arg4: memref<128x128xf32, #tpu.memory_space<vmem>>, %arg5: memref<1x128xf32, #tpu.memory_space<vmem>>, %arg6: memref<1024x128xf32, #tpu.memory_space<vmem>>) attributes {dimension_semantics = [#tpu.dimension_semantics<arbitrary>], iteration_bounds = array<i64: 10>, scalar_prefetch = 0 : i64, scratch_operands = 0 : i64, tpu.core_type = #tpu.core_type<tc>, window_params = [{transform_indices = @transform_0, window_bounds = array<i64: 1024, 128>}, {pipeline_mode = #tpu.pipeline_mode<synchronous>, transform_indices = @transform_1, window_bounds = array<i64: 128, 128>}, {pipeline_mode = #tpu.pipeline_mode<synchronous>, transform_indices = @transform_2, window_bounds = array<i64: 1, 128>}, {pipeline_mode = #tpu.pipeline_mode<synchronous>, transform_indices = @transform_3, window_bounds = array<i64: 128, 128>}, {pipeline_mode = #tpu.pipeline_mode<synchronous>, transform_indices = @transform_4, window_bounds = array<i64: 1, 128>}, {transform_indices = @transform_5, window_bounds = array<i64: 1024, 128>}]} {
    %get3A = arith.constant 0 : index
    %get3A_0 = arith.constant 0 : index
    %get3A_1 = vector.load %arg1[%get3A, %get3A_0] : memref<1024x128xf32, #tpu.memory_space<vmem>>, vector<1024x128xf32>
    %get3A_2 = arith.constant 0 : index
    %get3A_3 = arith.constant 0 : index
    %get3A_4 = vector.load %arg2[%get3A_2, %get3A_3] : memref<128x128xf32, #tpu.memory_space<vmem>>, vector<128x128xf32>
    %dot_general3A = arith.constant dense<0.000000e+00> : vector<1024x128xf32>
    %dot_general3A_5 = tpu.matmul %get3A_1, %get3A_4, %dot_general3A {dimension_numbers = #tpu.dot_dimension_numbers<[1], [0], [0], [1], [0, 0, 1, 1], [], []>, transpose_lhs_hint = false} : vector<1024x128xf32>, vector<128x128xf32>, vector<1024x128xf32> -> vector<1024x128xf32>
    %get3A_6 = arith.constant 0 : index
    %get3A_7 = arith.constant 0 : index
    %get3A_8 = vector.load %arg3[%get3A_6, %get3A_7] : memref<1x128xf32, #tpu.memory_space<vmem>>, vector<1x128xf32>
    %add3A = vector.broadcast %get3A_8 : vector<1x128xf32> to vector<1024x128xf32>
    %add3A_9 = arith.addf %dot_general3A_5, %add3A : vector<1024x128xf32>
    %max3A = arith.constant 0.000000e+00 : f32
    %max3A_10 = vector.broadcast %max3A : f32 to vector<1024x128xf32>
    %max3A_11 = arith.maximumf %add3A_9, %max3A_10 : vector<1024x128xf32>
    %get3A_12 = arith.constant 0 : index
    %get3A_13 = arith.constant 0 : index
    %get3A_14 = vector.load %arg4[%get3A_12, %get3A_13] : memref<128x128xf32, #tpu.memory_space<vmem>>, vector<128x128xf32>
    %dot_general3A_15 = arith.constant dense<0.000000e+00> : vector<1024x128xf32>
    %dot_general3A_16 = tpu.matmul %max3A_11, %get3A_14, %dot_general3A_15 {dimension_numbers = #tpu.dot_dimension_numbers<[1], [0], [0], [1], [0, 0, 1, 1], [], []>, transpose_lhs_hint = false} : vector<1024x128xf32>, vector<128x128xf32>, vector<1024x128xf32> -> vector<1024x128xf32>
    %get3A_17 = arith.constant 0 : index
    %get3A_18 = arith.constant 0 : index
    %get3A_19 = vector.load %arg5[%get3A_17, %get3A_18] : memref<1x128xf32, #tpu.memory_space<vmem>>, vector<1x128xf32>
    %add3A_20 = vector.broadcast %get3A_19 : vector<1x128xf32> to vector<1024x128xf32>
    %add3A_21 = arith.addf %dot_general3A_16, %add3A_20 : vector<1024x128xf32>
    %max3A_22 = arith.constant 0.000000e+00 : f32
    %max3A_23 = vector.broadcast %max3A_22 : f32 to vector<1024x128xf32>
    %max3A_24 = arith.maximumf %add3A_21, %max3A_23 : vector<1024x128xf32>
    %swap3A = arith.constant 0 : index
    %swap3A_25 = arith.constant 0 : index
    %swap3A_26 = vector.load %arg6[%swap3A, %swap3A_25] : memref<1024x128xf32, #tpu.memory_space<vmem>>, vector<1024x128xf32>
    tpu.vector_store %arg6[%swap3A, %swap3A_25], %max3A_24 {strides = array<i32>} : memref<1024x128xf32, #tpu.memory_space<vmem>>, vector<1024x128xf32>,
    return
  }
  func.func @transform_0(%arg0: i32) -> (i32, i32) {
    %c0_i32 = arith.constant 0 : i32
    %c0_i32_0 = arith.constant 0 : i32
    return %arg0, %c0_i32 : i32, i32
  }
  func.func @transform_1(%arg0: i32) -> (i32, i32) {
    %c0_i32 = arith.constant 0 : i32
    %c0_i32_0 = arith.constant 0 : i32
    %c0_i32_1 = arith.constant 0 : i32
    return %c0_i32, %c0_i32_0 : i32, i32
  }
  func.func @transform_2(%arg0: i32) -> (i32, i32) {
    %c0_i32 = arith.constant 0 : i32
    %c0_i32_0 = arith.constant 0 : i32
    %c0_i32_1 = arith.constant 0 : i32
    return %c0_i32, %c0_i32_0 : i32, i32
  }
  func.func @transform_3(%arg0: i32) -> (i32, i32) {
    %c0_i32 = arith.constant 0 : i32
    %c0_i32_0 = arith.constant 0 : i32
    %c0_i32_1 = arith.constant 0 : i32
    return %c0_i32, %c0_i32_0 : i32, i32
  }
  func.func @transform_4(%arg0: i32) -> (i32, i32) {
    %c0_i32 = arith.constant 0 : i32
    %c0_i32_0 = arith.constant 0 : i32
    %c0_i32_1 = arith.constant 0 : i32
    return %c0_i32, %c0_i32_0 : i32, i32
  }
  func.func @transform_5(%arg0: i32) -> (i32, i32) {
    %c0_i32 = arith.constant 0 : i32
    %c0_i32_0 = arith.constant 0 : i32
    return %arg0, %c0_i32 : i32, i32
  }
}

module attributes {stable_mosaic.version = 14 : i64} {
  func.func @_l1_body(%arg0: i32, %arg1: memref<1024x128xf32, #tpu.memory_space<vmem>>, %arg2: memref<128x128xf32, #tpu.memory_space<vmem>>, %arg3: memref<2x1024x128xf32, #tpu.memory_space<vmem>>, %arg4: memref<1024x128xf32, #tpu.memory_space<vmem>>, %arg5: memref<1024x128xf32, #tpu.memory_space<vmem>>) attributes {dimension_semantics = [#tpu.dimension_semantics<arbitrary>], iteration_bounds = array<i64: 10>, scalar_prefetch = 0 : i64, scratch_operands = 0 : i64, tpu.core_type = #tpu.core_type<tc>, window_params = [{transform_indices = @transform_0, window_bounds = array<i64: 1024, 128>}, {pipeline_mode = #tpu.pipeline_mode<synchronous>, transform_indices = @transform_1, window_bounds = array<i64: 128, 128>}, {transform_indices = @transform_2, window_bounds = array<i64: 2, 1024, 128>}, {transform_indices = @transform_3, window_bounds = array<i64: 1024, 128>}, {transform_indices = @transform_4, window_bounds = array<i64: 1024, 128>}]} {
    %get3A = arith.constant 0 : index
    %get3A_0 = arith.constant 0 : index
    %get3A_1 = arith.constant 0 : index
    %get3A_2 = vector.load %arg3[%get3A, %get3A_0, %get3A_1] : memref<2x1024x128xf32, #tpu.memory_space<vmem>>, vector<1x1024x1xf32>
    %get3A_3 = vector.shape_cast %get3A_2 : vector<1x1024x1xf32> to vector<1024x1xf32>
    %get3A_4 = arith.constant 1 : index
    %get3A_5 = arith.constant 0 : index
    %get3A_6 = arith.constant 0 : index
    %get3A_7 = vector.load %arg3[%get3A_4, %get3A_5, %get3A_6] : memref<2x1024x128xf32, #tpu.memory_space<vmem>>, vector<1x1024x1xf32>
    %get3A_8 = vector.shape_cast %get3A_7 : vector<1x1024x1xf32> to vector<1024x1xf32>
    %add3A = arith.addf %get3A_3, %get3A_8 : vector<1024x1xf32>
    %add3A_9 = arith.constant 1.000000e+00 : f32
    %add3A_10 = vector.broadcast %add3A_9 : f32 to vector<1024x1xf32>
    %add3A_11 = arith.addf %add3A, %add3A_10 : vector<1024x1xf32>
    %rsqrt3A = math.rsqrt %add3A_11 : vector<1024x1xf32>
    %broadcast_in_dim3A = vector.shape_cast %rsqrt3A : vector<1024x1xf32> to vector<1024x1xf32>
    %broadcast_in_dim3A_12 = vector.broadcast %broadcast_in_dim3A : vector<1024x1xf32> to vector<1024x128xf32>
    %swap3A = arith.constant 0 : index
    %swap3A_13 = arith.constant 0 : index
    %swap3A_14 = vector.load %arg5[%swap3A, %swap3A_13] : memref<1024x128xf32, #tpu.memory_space<vmem>>, vector<1024x128xf32>
    tpu.vector_store %arg5[%swap3A, %swap3A_13], %broadcast_in_dim3A_12 {strides = array<i32>} : memref<1024x128xf32, #tpu.memory_space<vmem>>, vector<1024x128xf32>,
    %get3A_15 = arith.constant 0 : index
    %get3A_16 = arith.constant 0 : index
    %get3A_17 = vector.load %arg1[%get3A_15, %get3A_16] : memref<1024x128xf32, #tpu.memory_space<vmem>>, vector<1024x128xf32>
    %get3A_18 = arith.constant 0 : index
    %get3A_19 = arith.constant 0 : index
    %get3A_20 = vector.load %arg2[%get3A_18, %get3A_19] : memref<128x128xf32, #tpu.memory_space<vmem>>, vector<128x128xf32>
    %dot_general3A = arith.constant dense<0.000000e+00> : vector<1024x128xf32>
    %dot_general3A_21 = tpu.matmul %get3A_17, %get3A_20, %dot_general3A {dimension_numbers = #tpu.dot_dimension_numbers<[1], [0], [0], [1], [0, 0, 1, 1], [], []>, transpose_lhs_hint = false} : vector<1024x128xf32>, vector<128x128xf32>, vector<1024x128xf32> -> vector<1024x128xf32>
    %mul3A = arith.mulf %broadcast_in_dim3A_12, %dot_general3A_21 : vector<1024x128xf32>
    %swap3A_22 = arith.constant 0 : index
    %swap3A_23 = arith.constant 0 : index
    %swap3A_24 = vector.load %arg4[%swap3A_22, %swap3A_23] : memref<1024x128xf32, #tpu.memory_space<vmem>>, vector<1024x128xf32>
    tpu.vector_store %arg4[%swap3A_22, %swap3A_23], %mul3A {strides = array<i32>} : memref<1024x128xf32, #tpu.memory_space<vmem>>, vector<1024x128xf32>,
    return
  }
  func.func @transform_0(%arg0: i32) -> (i32, i32) {
    %c0_i32 = arith.constant 0 : i32
    %c0_i32_0 = arith.constant 0 : i32
    return %arg0, %c0_i32 : i32, i32
  }
  func.func @transform_1(%arg0: i32) -> (i32, i32) {
    %c0_i32 = arith.constant 0 : i32
    %c0_i32_0 = arith.constant 0 : i32
    %c0_i32_1 = arith.constant 0 : i32
    return %c0_i32, %c0_i32_0 : i32, i32
  }
  func.func @transform_2(%arg0: i32) -> (i32, i32, i32) {
    %c0_i32 = arith.constant 0 : i32
    %c0_i32_0 = arith.constant 0 : i32
    %c0_i32_1 = arith.constant 0 : i32
    return %c0_i32, %arg0, %c0_i32_0 : i32, i32, i32
  }
  func.func @transform_3(%arg0: i32) -> (i32, i32) {
    %c0_i32 = arith.constant 0 : i32
    %c0_i32_0 = arith.constant 0 : i32
    return %arg0, %c0_i32 : i32, i32
  }
  func.func @transform_4(%arg0: i32) -> (i32, i32) {
    %c0_i32 = arith.constant 0 : i32
    %c0_i32_0 = arith.constant 0 : i32
    return %arg0, %c0_i32 : i32, i32
  }
}

module attributes {stable_mosaic.version = 14 : i64} {
  func.func @_mid_body(%arg0: i32, %arg1: memref<2x1024x128xf32, #tpu.memory_space<vmem>>, %arg2: memref<1024x128xf32, #tpu.memory_space<vmem>>, %arg3: memref<1024x128xf32, #tpu.memory_space<vmem>>, %arg4: memref<1x128xf32, #tpu.memory_space<vmem>>, %arg5: memref<128x128xf32, #tpu.memory_space<vmem>>, %arg6: memref<1024x128xf32, #tpu.memory_space<vmem>>) attributes {dimension_semantics = [#tpu.dimension_semantics<arbitrary>], iteration_bounds = array<i64: 10>, scalar_prefetch = 0 : i64, scratch_operands = 0 : i64, tpu.core_type = #tpu.core_type<tc>, window_params = [{transform_indices = @transform_0, window_bounds = array<i64: 2, 1024, 128>}, {transform_indices = @transform_1, window_bounds = array<i64: 1024, 128>}, {transform_indices = @transform_2, window_bounds = array<i64: 1024, 128>}, {pipeline_mode = #tpu.pipeline_mode<synchronous>, transform_indices = @transform_3, window_bounds = array<i64: 1, 128>}, {pipeline_mode = #tpu.pipeline_mode<synchronous>, transform_indices = @transform_4, window_bounds = array<i64: 128, 128>}, {transform_indices = @transform_5, window_bounds = array<i64: 1024, 128>}]} {
    %get3A = arith.constant 0 : index
    %get3A_0 = arith.constant 0 : index
    %get3A_1 = vector.load %arg3[%get3A, %get3A_0] : memref<1024x128xf32, #tpu.memory_space<vmem>>, vector<1024x128xf32>
    %get3A_2 = arith.constant 0 : index
    %get3A_3 = arith.constant 0 : index
    %get3A_4 = arith.constant 0 : index
    %get3A_5 = vector.load %arg1[%get3A_2, %get3A_3, %get3A_4] : memref<2x1024x128xf32, #tpu.memory_space<vmem>>, vector<1x1024x128xf32>
    %get3A_6 = vector.shape_cast %get3A_5 : vector<1x1024x128xf32> to vector<1024x128xf32>
    %get3A_7 = arith.constant 1 : index
    %get3A_8 = arith.constant 0 : index
    %get3A_9 = arith.constant 0 : index
    %get3A_10 = vector.load %arg1[%get3A_7, %get3A_8, %get3A_9] : memref<2x1024x128xf32, #tpu.memory_space<vmem>>, vector<1x1024x128xf32>
    %get3A_11 = vector.shape_cast %get3A_10 : vector<1x1024x128xf32> to vector<1024x128xf32>
    %add3A = arith.addf %get3A_6, %get3A_11 : vector<1024x128xf32>
    %get3A_12 = arith.constant 0 : index
    %get3A_13 = arith.constant 0 : index
    %get3A_14 = vector.load %arg2[%get3A_12, %get3A_13] : memref<1024x128xf32, #tpu.memory_space<vmem>>, vector<1024x128xf32>
    %add3A_15 = arith.addf %add3A, %get3A_14 : vector<1024x128xf32>
    %mul3A = arith.mulf %get3A_1, %add3A_15 : vector<1024x128xf32>
    %get3A_16 = arith.constant 0 : index
    %get3A_17 = arith.constant 0 : index
    %get3A_18 = vector.load %arg4[%get3A_16, %get3A_17] : memref<1x128xf32, #tpu.memory_space<vmem>>, vector<1x128xf32>
    %add3A_19 = vector.broadcast %get3A_18 : vector<1x128xf32> to vector<1024x128xf32>
    %add3A_20 = arith.addf %mul3A, %add3A_19 : vector<1024x128xf32>
    %max3A = arith.constant 0.000000e+00 : f32
    %max3A_21 = vector.broadcast %max3A : f32 to vector<1024x128xf32>
    %max3A_22 = arith.maximumf %add3A_20, %max3A_21 : vector<1024x128xf32>
    %get3A_23 = arith.constant 0 : index
    %get3A_24 = arith.constant 0 : index
    %get3A_25 = vector.load %arg5[%get3A_23, %get3A_24] : memref<128x128xf32, #tpu.memory_space<vmem>>, vector<128x128xf32>
    %dot_general3A = arith.constant dense<0.000000e+00> : vector<1024x128xf32>
    %dot_general3A_26 = tpu.matmul %max3A_22, %get3A_25, %dot_general3A {dimension_numbers = #tpu.dot_dimension_numbers<[1], [0], [0], [1], [0, 0, 1, 1], [], []>, transpose_lhs_hint = false} : vector<1024x128xf32>, vector<128x128xf32>, vector<1024x128xf32> -> vector<1024x128xf32>
    %mul3A_27 = arith.mulf %get3A_1, %dot_general3A_26 : vector<1024x128xf32>
    %swap3A = arith.constant 0 : index
    %swap3A_28 = arith.constant 0 : index
    %swap3A_29 = vector.load %arg6[%swap3A, %swap3A_28] : memref<1024x128xf32, #tpu.memory_space<vmem>>, vector<1024x128xf32>
    tpu.vector_store %arg6[%swap3A, %swap3A_28], %mul3A_27 {strides = array<i32>} : memref<1024x128xf32, #tpu.memory_space<vmem>>, vector<1024x128xf32>,
    return
  }
  func.func @transform_0(%arg0: i32) -> (i32, i32, i32) {
    %c0_i32 = arith.constant 0 : i32
    %c0_i32_0 = arith.constant 0 : i32
    %c0_i32_1 = arith.constant 0 : i32
    return %c0_i32, %arg0, %c0_i32_0 : i32, i32, i32
  }
  func.func @transform_1(%arg0: i32) -> (i32, i32) {
    %c0_i32 = arith.constant 0 : i32
    %c0_i32_0 = arith.constant 0 : i32
    return %arg0, %c0_i32 : i32, i32
  }
  func.func @transform_2(%arg0: i32) -> (i32, i32) {
    %c0_i32 = arith.constant 0 : i32
    %c0_i32_0 = arith.constant 0 : i32
    return %arg0, %c0_i32 : i32, i32
  }
  func.func @transform_3(%arg0: i32) -> (i32, i32) {
    %c0_i32 = arith.constant 0 : i32
    %c0_i32_0 = arith.constant 0 : i32
    %c0_i32_1 = arith.constant 0 : i32
    return %c0_i32, %c0_i32_0 : i32, i32
  }
  func.func @transform_4(%arg0: i32) -> (i32, i32) {
    %c0_i32 = arith.constant 0 : i32
    %c0_i32_0 = arith.constant 0 : i32
    %c0_i32_1 = arith.constant 0 : i32
    return %c0_i32, %c0_i32_0 : i32, i32
  }
  func.func @transform_5(%arg0: i32) -> (i32, i32) {
    %c0_i32 = arith.constant 0 : i32
    %c0_i32_0 = arith.constant 0 : i32
    return %arg0, %c0_i32 : i32, i32
  }
}

module attributes {stable_mosaic.version = 14 : i64} {
  func.func @_node_mlp_body(%arg0: i32, %arg1: memref<2000x16xf32, #tpu.memory_space<vmem>>, %arg2: memref<16x128xf32, #tpu.memory_space<vmem>>, %arg3: memref<1x128xf32, #tpu.memory_space<vmem>>, %arg4: memref<128x128xf32, #tpu.memory_space<vmem>>, %arg5: memref<1x128xf32, #tpu.memory_space<vmem>>, %arg6: memref<2000x128xf32, #tpu.memory_space<vmem>>) attributes {dimension_semantics = [#tpu.dimension_semantics<arbitrary>], iteration_bounds = array<i64: 160>, scalar_prefetch = 0 : i64, scratch_operands = 0 : i64, tpu.core_type = #tpu.core_type<tc>, window_params = [{transform_indices = @transform_0, window_bounds = array<i64: 2000, 16>}, {pipeline_mode = #tpu.pipeline_mode<synchronous>, transform_indices = @transform_1, window_bounds = array<i64: 16, 128>}, {pipeline_mode = #tpu.pipeline_mode<synchronous>, transform_indices = @transform_2, window_bounds = array<i64: 1, 128>}, {pipeline_mode = #tpu.pipeline_mode<synchronous>, transform_indices = @transform_3, window_bounds = array<i64: 128, 128>}, {pipeline_mode = #tpu.pipeline_mode<synchronous>, transform_indices = @transform_4, window_bounds = array<i64: 1, 128>}, {transform_indices = @transform_5, window_bounds = array<i64: 2000, 128>}]} {
    %get3A = arith.constant 0 : index
    %get3A_0 = arith.constant 0 : index
    %get3A_1 = vector.load %arg1[%get3A, %get3A_0] : memref<2000x16xf32, #tpu.memory_space<vmem>>, vector<2000x16xf32>
    %get3A_2 = arith.constant 0 : index
    %get3A_3 = arith.constant 0 : index
    %get3A_4 = vector.load %arg2[%get3A_2, %get3A_3] : memref<16x128xf32, #tpu.memory_space<vmem>>, vector<16x128xf32>
    %dot_general3A = arith.constant dense<0.000000e+00> : vector<2000x128xf32>
    %dot_general3A_5 = tpu.matmul %get3A_1, %get3A_4, %dot_general3A {dimension_numbers = #tpu.dot_dimension_numbers<[1], [0], [0], [1], [0, 0, 1, 1], [], []>, transpose_lhs_hint = false} : vector<2000x16xf32>, vector<16x128xf32>, vector<2000x128xf32> -> vector<2000x128xf32>
    %get3A_6 = arith.constant 0 : index
    %get3A_7 = arith.constant 0 : index
    %get3A_8 = vector.load %arg3[%get3A_6, %get3A_7] : memref<1x128xf32, #tpu.memory_space<vmem>>, vector<1x128xf32>
    %add3A = vector.broadcast %get3A_8 : vector<1x128xf32> to vector<2000x128xf32>
    %add3A_9 = arith.addf %dot_general3A_5, %add3A : vector<2000x128xf32>
    %max3A = arith.constant 0.000000e+00 : f32
    %max3A_10 = vector.broadcast %max3A : f32 to vector<2000x128xf32>
    %max3A_11 = arith.maximumf %add3A_9, %max3A_10 : vector<2000x128xf32>
    %get3A_12 = arith.constant 0 : index
    %get3A_13 = arith.constant 0 : index
    %get3A_14 = vector.load %arg4[%get3A_12, %get3A_13] : memref<128x128xf32, #tpu.memory_space<vmem>>, vector<128x128xf32>
    %dot_general3A_15 = arith.constant dense<0.000000e+00> : vector<2000x128xf32>
    %dot_general3A_16 = tpu.matmul %max3A_11, %get3A_14, %dot_general3A_15 {dimension_numbers = #tpu.dot_dimension_numbers<[1], [0], [0], [1], [0, 0, 1, 1], [], []>, transpose_lhs_hint = false} : vector<2000x128xf32>, vector<128x128xf32>, vector<2000x128xf32> -> vector<2000x128xf32>
    %get3A_17 = arith.constant 0 : index
    %get3A_18 = arith.constant 0 : index
    %get3A_19 = vector.load %arg5[%get3A_17, %get3A_18] : memref<1x128xf32, #tpu.memory_space<vmem>>, vector<1x128xf32>
    %add3A_20 = vector.broadcast %get3A_19 : vector<1x128xf32> to vector<2000x128xf32>
    %add3A_21 = arith.addf %dot_general3A_16, %add3A_20 : vector<2000x128xf32>
    %max3A_22 = arith.constant 0.000000e+00 : f32
    %max3A_23 = vector.broadcast %max3A_22 : f32 to vector<2000x128xf32>
    %max3A_24 = arith.maximumf %add3A_21, %max3A_23 : vector<2000x128xf32>
    %swap3A = arith.constant 0 : index
    %swap3A_25 = arith.constant 0 : index
    %swap3A_26 = vector.load %arg6[%swap3A, %swap3A_25] : memref<2000x128xf32, #tpu.memory_space<vmem>>, vector<2000x128xf32>
    tpu.vector_store %arg6[%swap3A, %swap3A_25], %max3A_24 {strides = array<i32>} : memref<2000x128xf32, #tpu.memory_space<vmem>>, vector<2000x128xf32>,
    return
  }
  func.func @transform_0(%arg0: i32) -> (i32, i32) {
    %c0_i32 = arith.constant 0 : i32
    %c0_i32_0 = arith.constant 0 : i32
    return %arg0, %c0_i32 : i32, i32
  }
  func.func @transform_1(%arg0: i32) -> (i32, i32) {
    %c0_i32 = arith.constant 0 : i32
    %c0_i32_0 = arith.constant 0 : i32
    %c0_i32_1 = arith.constant 0 : i32
    return %c0_i32, %c0_i32_0 : i32, i32
  }
  func.func @transform_2(%arg0: i32) -> (i32, i32) {
    %c0_i32 = arith.constant 0 : i32
    %c0_i32_0 = arith.constant 0 : i32
    %c0_i32_1 = arith.constant 0 : i32
    return %c0_i32, %c0_i32_0 : i32, i32
  }
  func.func @transform_3(%arg0: i32) -> (i32, i32) {
    %c0_i32 = arith.constant 0 : i32
    %c0_i32_0 = arith.constant 0 : i32
    %c0_i32_1 = arith.constant 0 : i32
    return %c0_i32, %c0_i32_0 : i32, i32
  }
  func.func @transform_4(%arg0: i32) -> (i32, i32) {
    %c0_i32 = arith.constant 0 : i32
    %c0_i32_0 = arith.constant 0 : i32
    %c0_i32_1 = arith.constant 0 : i32
    return %c0_i32, %c0_i32_0 : i32, i32
  }
  func.func @transform_5(%arg0: i32) -> (i32, i32) {
    %c0_i32 = arith.constant 0 : i32
    %c0_i32_0 = arith.constant 0 : i32
    return %arg0, %c0_i32 : i32, i32
  }
}

module attributes {stable_mosaic.version = 14 : i64} {
  func.func @_fin_body(%arg0: i32, %arg1: memref<2x1024x128xf32, #tpu.memory_space<vmem>>, %arg2: memref<1024x128xf32, #tpu.memory_space<vmem>>, %arg3: memref<1024x128xf32, #tpu.memory_space<vmem>>, %arg4: memref<1x128xf32, #tpu.memory_space<vmem>>, %arg5: memref<1024x128xf32, #tpu.memory_space<vmem>>) attributes {dimension_semantics = [#tpu.dimension_semantics<arbitrary>], iteration_bounds = array<i64: 10>, scalar_prefetch = 0 : i64, scratch_operands = 0 : i64, tpu.core_type = #tpu.core_type<tc>, window_params = [{transform_indices = @transform_0, window_bounds = array<i64: 2, 1024, 128>}, {transform_indices = @transform_1, window_bounds = array<i64: 1024, 128>}, {transform_indices = @transform_2, window_bounds = array<i64: 1024, 128>}, {pipeline_mode = #tpu.pipeline_mode<synchronous>, transform_indices = @transform_3, window_bounds = array<i64: 1, 128>}, {transform_indices = @transform_4, window_bounds = array<i64: 1024, 128>}]} {
    %get3A = arith.constant 0 : index
    %get3A_0 = arith.constant 0 : index
    %get3A_1 = vector.load %arg3[%get3A, %get3A_0] : memref<1024x128xf32, #tpu.memory_space<vmem>>, vector<1024x128xf32>
    %get3A_2 = arith.constant 0 : index
    %get3A_3 = arith.constant 0 : index
    %get3A_4 = arith.constant 0 : index
    %get3A_5 = vector.load %arg1[%get3A_2, %get3A_3, %get3A_4] : memref<2x1024x128xf32, #tpu.memory_space<vmem>>, vector<1x1024x128xf32>
    %get3A_6 = vector.shape_cast %get3A_5 : vector<1x1024x128xf32> to vector<1024x128xf32>
    %get3A_7 = arith.constant 1 : index
    %get3A_8 = arith.constant 0 : index
    %get3A_9 = arith.constant 0 : index
    %get3A_10 = vector.load %arg1[%get3A_7, %get3A_8, %get3A_9] : memref<2x1024x128xf32, #tpu.memory_space<vmem>>, vector<1x1024x128xf32>
    %get3A_11 = vector.shape_cast %get3A_10 : vector<1x1024x128xf32> to vector<1024x128xf32>
    %add3A = arith.addf %get3A_6, %get3A_11 : vector<1024x128xf32>
    %get3A_12 = arith.constant 0 : index
    %get3A_13 = arith.constant 0 : index
    %get3A_14 = vector.load %arg2[%get3A_12, %get3A_13] : memref<1024x128xf32, #tpu.memory_space<vmem>>, vector<1024x128xf32>
    %add3A_15 = arith.addf %add3A, %get3A_14 : vector<1024x128xf32>
    %mul3A = arith.mulf %get3A_1, %add3A_15 : vector<1024x128xf32>
    %get3A_16 = arith.constant 0 : index
    %get3A_17 = arith.constant 0 : index
    %get3A_18 = vector.load %arg4[%get3A_16, %get3A_17] : memref<1x128xf32, #tpu.memory_space<vmem>>, vector<1x128xf32>
    %add3A_19 = vector.broadcast %get3A_18 : vector<1x128xf32> to vector<1024x128xf32>
    %add3A_20 = arith.addf %mul3A, %add3A_19 : vector<1024x128xf32>
    %swap3A = arith.constant 0 : index
    %swap3A_21 = arith.constant 0 : index
    %swap3A_22 = vector.load %arg5[%swap3A, %swap3A_21] : memref<1024x128xf32, #tpu.memory_space<vmem>>, vector<1024x128xf32>
    tpu.vector_store %arg5[%swap3A, %swap3A_21], %add3A_20 {strides = array<i32>} : memref<1024x128xf32, #tpu.memory_space<vmem>>, vector<1024x128xf32>,
    return
  }
  func.func @transform_0(%arg0: i32) -> (i32, i32, i32) {
    %c0_i32 = arith.constant 0 : i32
    %c0_i32_0 = arith.constant 0 : i32
    %c0_i32_1 = arith.constant 0 : i32
    return %c0_i32, %arg0, %c0_i32_0 : i32, i32, i32
  }
  func.func @transform_1(%arg0: i32) -> (i32, i32) {
    %c0_i32 = arith.constant 0 : i32
    %c0_i32_0 = arith.constant 0 : i32
    return %arg0, %c0_i32 : i32, i32
  }
  func.func @transform_2(%arg0: i32) -> (i32, i32) {
    %c0_i32 = arith.constant 0 : i32
    %c0_i32_0 = arith.constant 0 : i32
    return %arg0, %c0_i32 : i32, i32
  }
  func.func @transform_3(%arg0: i32) -> (i32, i32) {
    %c0_i32 = arith.constant 0 : i32
    %c0_i32_0 = arith.constant 0 : i32
    %c0_i32_1 = arith.constant 0 : i32
    return %c0_i32, %c0_i32_0 : i32, i32
  }
  func.func @transform_4(%arg0: i32) -> (i32, i32) {
    %c0_i32 = arith.constant 0 : i32
    %c0_i32_0 = arith.constant 0 : i32
    return %arg0, %c0_i32 : i32, i32
  }
}

</mosaic_0001>

<sc_bundles>
// kernel: kernel.12.cloned.1.call-start
scs
__scs_entry_jumppad:
0x0: {  	(pc) =	sbr.rel $0x88, $3  }
0x1: {  	(tag) =	ssettag $0x0;
	lr =	simm.s32 $0x1  }
0x2: {  	[smem:$0x3F90] =	sst lr;
	_ =	strace $0xD0000000  }
0x3: {  	_ = 	snop  }
0x4: {  	_ = 	snop  }
0x5: {  	_ = 	snop  }
0x6: {  	_ = 	snop  }
0x7: {  	_ = 	snop  }
__scs_overlays_trampoline_lowered:
0x8: {  	[smem:$0x3F9F] =	sst s0  }
0x9: {  	[smem:$0x3FA0] =	sst s1  }
0xa: {  	[smem:$0x3FA1] =	sst s2  }
0xb: {  	[smem:$0x3FA2] =	sst s3  }
0xc: {  	[smem:$0x3FA3] =	sst s4  }
0xd: {  	[smem:$0x3FA4] =	sst s5  }
0xe: {  	[smem:$0x3FA5] =	sst s6  }
0xf: {  	[smem:$0x3FA6] =	sst s7  }
0x10: {  	[smem:$0x3FA7] =	sst s8  }
0x11: {  	[smem:$0x3FA8] =	sst s9;
	s0 =	simm.s32 @!p0 $0x0  }
0x12: {  	s1 =	sld [smem:$0x3F8E];
	s0 =	simm.s32 @p0 $0x1  }
0x13: {  	[smem:$0x3FA9] =	sst s0;
	s0 =	simm.s32 @!p1 $0x0  }
0x14: {  	s2 =	sld [smem:$0x3F8D];
	s0 =	simm.s32 @p1 $0x1  }
0x15: {  	[smem:$0x3FAA] =	sst s0;
	s0 =	simm.s32 @!p2 $0x0  }
0x16: {  	s3 =	sld [smem:$0x3FDB];
	s0 =	simm.s32 @p2 $0x1  }
0x17: {  	s4 =	simm.s32 $0x1BF5;
	[smem:$0x3FAC] =	sst s0  }
0x18: {  	s0 =	sld [smem:$0x3F8F];
	_ =	swait.ge [sflag:s4], $0x0  }
0x19: {  	s7 =	sld [smem:$0x3F90]  }
0x1a: {  	s8 =	sadd.s32 $0xFFFFE003, lr  }
0x1b: {  	s9 =	sadd.s32 $0xFFFFFEF7, lr;
	s5 =	simm.s32 $0xFFFFFFFF;
	p2 =	slt.u32 s8, $0xFFFFF086  }
0x1c: {  	p1 =	slt.u32 s9, $0xF7A;
	s5 =	simm.s32 @!p2 $0x0  }
0x1d: {  	s5 =	simm.s32 @p1 $0x1;
	p0 =	seq.s32 s7, s2  }
0x1e: {  	s7 =	smul.u32 @!p0 $0xF7A, s2;
	p2 =	seq.s32 @!p0 s5, $0x0  }
0x1f: {  	s9 =	smul.u32 $0xF7A, s1;
	s8 =	simm.s32 @!p0 $0x1BF5;
	p2 =	por !p2, p0  }
0x20: {  	[sflag:s8] =	ssyncset.s32 @!p0 $0xFFFFF086;
	s6 =	sadd.s32 @!p0 s3, s7;
	s7 =	simm.s32 @!p0 $0x108  }
0x21: {  	s3 =	sadd.s32 s3, s9;
	s6 =	sadd.s32 @!p0 $0x88, s6;
	s7 =	simm.s32 @p2 $0x1082  }
0x22: {  	[simem:s7], [sflag:s8] =	dma.local @!p0 [hbm:s6], $0xF7A  }
0x23: {  	s9 =	sor.u32 $0xD0000000, s2;
	s6 =	simm.s32 $0x108;
	_ =	swait.ge @!p0 [sflag:s8], $0x0  }
0x24: {  	s3 =	sadd.s32 $0x88, s3;
	s6 =	simm.s32 @!p1 $0x1082;
	[sflag:s4] =	ssyncset.s32 $0xFFFFF086  }
0x25: {  	[simem:s6], [sflag:s4] =	dma.local [hbm:s3], $0xF7A  }
0x26: {  	[smem:$0x3F90] =	sst s1;
	(tag) =	ssettag s2;
	_ =	strace s9  }
0x27: {  	s1 =	sld [smem:$0x3FA0]  }
0x28: {  	s2 =	sld [smem:$0x3FA1]  }
0x29: {  	s4 =	sld [smem:$0x3FA3]  }
0x2a: {  	p0 =	seq.s32 s5, $0x0;
	s5 =	sld [smem:$0x3FA4]  }
0x2b: {  	s6 =	sld [smem:$0x3FA5]  }
0x2c: {  	s7 =	sld [smem:$0x3FA6]  }
0x2d: {  	s3 =	simm.s32 $0x108;
	s8 =	sld [smem:$0x3FA7]  }
0x2e: {  	s3 =	simm.s32 @!p0 $0x1082;
	s9 =	sld [smem:$0x3FA8]  }
0x2f: {  	lr =	sadd.s32 s0, s3;
	s0 =	sld [smem:$0x3F9F]  }
0x30: {  	s3 =	sld [smem:$0x3FA2]  }
0x31: {  	[smem:$0x3FAB] =	sst s10  }
0x32: {  	s10 =	sld [smem:$0x3FA9];
	_ =	sdelay $0x3  }
0x33: {  	p0 =	seq.s32 s10, $0x1;
	s10 =	sld [smem:$0x3FAB];
	_ =	sdelay $0x3  }
0x34: {  	[smem:$0x3FAB] =	sst s10  }
0x35: {  	s10 =	sld [smem:$0x3FAA];
	_ =	sdelay $0x3  }
0x36: {  	p1 =	seq.s32 s10, $0x1;
	s10 =	sld [smem:$0x3FAB];
	_ =	sdelay $0x3  }
0x37: {  	[smem:$0x3FAB] =	sst s10  }
0x38: {  	s10 =	sld [smem:$0x3FAC]  }
0x39: {  	_ = 	snop;
	(pc) =	sbr.ind lr, $3  }
0x3a: {  	_ = 	snop  }
0x3b: {  	_ = 	snop  }
0x3c: {  	p2 =	seq.s32 s10, $0x1;
	s10 =	sld [smem:$0x3FAB]  }
0x3d: {  	_ =	shalt  }
0x3e: {  	_ =	shalt  }
0x3f: {  	_ =	shalt  }
0x40: {  	_ =	shalt  }
0x41: {  	_ =	shalt  }
0x42: {  	_ =	shalt  }
0x43: {  	_ =	shalt  }
0x44: {  	_ =	shalt  }
0x45: {  	_ =	shalt  }
0x46: {  	_ =	shalt  }
0x47: {  	_ =	shalt  }
0x48: {  	_ =	shalt  }
0x49: {  	_ =	shalt  }
0x4a: {  	_ =	shalt  }
0x4b: {  	_ =	shalt  }
0x4c: {  	_ =	shalt  }
0x4d: {  	_ =	shalt  }
0x4e: {  	_ =	shalt  }
0x4f: {  	_ =	shalt  }
0x50: {  	_ =	shalt  }
0x51: {  	_ =	shalt  }
0x52: {  	_ =	shalt  }
0x53: {  	_ =	shalt  }
0x54: {  	_ =	shalt  }
0x55: {  	_ =	shalt  }
0x56: {  	_ =	shalt  }
0x57: {  	_ =	shalt  }
0x58: {  	_ =	shalt  }
0x59: {  	_ =	shalt  }
0x5a: {  	_ =	shalt  }
0x5b: {  	_ =	shalt  }
0x5c: {  	_ =	shalt  }
0x5d: {  	_ =	shalt  }
0x5e: {  	_ =	shalt  }
0x5f: {  	_ =	shalt  }
0x60: {  	_ =	shalt  }
0x61: {  	_ =	shalt  }
0x62: {  	_ =	shalt  }
0x63: {  	_ =	shalt  }
0x64: {  	_ =	shalt  }
0x65: {  	_ =	shalt  }
0x66: {  	_ =	shalt  }
0x67: {  	_ =	shalt  }
0x68: {  	_ =	shalt  }
0x69: {  	_ =	shalt  }
0x6a: {  	_ =	shalt  }
0x6b: {  	_ =	shalt  }
0x6c: {  	_ =	shalt  }
0x6d: {  	_ =	shalt  }
0x6e: {  	_ =	shalt  }
0x6f: {  	_ =	shalt  }
0x70: {  	_ =	shalt  }
0x71: {  	_ =	shalt  }
0x72: {  	_ =	shalt  }
0x73: {  	_ =	shalt  }
0x74: {  	_ =	shalt  }
0x75: {  	_ =	shalt  }
0x76: {  	_ =	shalt  }
0x77: {  	_ =	shalt  }
0x78: {  	_ =	shalt  }
0x79: {  	_ =	shalt  }
0x7a: {  	_ =	shalt  }
0x7b: {  	_ =	shalt  }
0x7c: {  	_ =	shalt  }
0x7d: {  	_ =	shalt  }
0x7e: {  	_ =	shalt  }
0x7f: {  	_ =	shalt  }
0x80: {  	_ =	shalt  }
0x81: {  	_ =	shalt  }
0x82: {  	_ =	shalt  }
0x83: {  	_ =	shalt  }
0x84: {  	_ =	shalt  }
0x85: {  	_ =	shalt  }
0x86: {  	_ =	shalt  }
0x87: {  	_ =	shalt  }
.Lfunc_end0:
.L_simem_size_0:
called_computation_lowered:
.L_overlay_start_0:
0x88: {  	s2 =	sld [smem:$0x3FD9]  }
0x89: {  	s3 =	sld [smem:$0x3FFE];
	_ =	sdelay $0x1  }
0x8a: {  	s1 =	srdreg.scid  }
0x8b: {  	s0 =	sand.u32 $0x1, s1  }
0x8c: {  	s14 =	sshll.u32 s0, $0xA;
	s2 =	sadd.s32 s3, s2  }
0x8d: {  	s2 =	sadd.s32 s2, s14  }
0x8e: {  	[smem:$0x3FB7] =	sst s2  }
0x8f: {  	_ = 	snop  }
0x90: {  	s2 =	sld [smem:$0x3FD0];
	_ =	sdelay $0x2  }
0x91: {  	s15 =	simm.s32 $0xA;
	s4 =	simm.s32 $0x10  }
0x92: {  	[smem:s4], [sflag:s15] =	dma.local [hbm:s2], $0x1  }
0x93: {  	_ =	swait.eq [sflag:s15], $0x1  }
0x94: {  	[sflag:s15] =	ssyncset.done $0x0  }
0x95: {  	[sflag:s15] =	ssyncadd.s32 $0xFFFFFFFF  }
0x96: {  	s16 =	sld [smem:$0x11];
	(tm) =	ssettm $0x1  }
0x97: {  	s17 =	sld [smem:$0x3FFB];
	_ =	sdelay $0x3  }
0x98: {  	_ =	strace s17  }
0x99: {  	s3 =	sld [smem:$0x3FFC];
	_ =	sdelay $0x3  }
0x9a: {  	_ =	strace s3  }
0x9b: {  	s3 =	sld [smem:$0x3FFD];
	_ =	sdelay $0x3  }
0x9c: {  	_ =	strace s3  }
0x9d: {  	_ =	strace $0x8FFFFFFF  }
0x9e: {  	s18 =	sld [smem:$0x3FDB];
	_ =	sdelay $0x1  }
0x9f: {  	s19 =	simm.s32 $_scs_section_size  }
0xa0: {  	s5 =	simm.s32 $_size__tile_overlayer_lowered;
	s6 =	simm.s32 $_tile_overlayer_lowered  }
0xa1: {  	s22 =	simm.s32 $0x1BFF;
	s21 =	sshll.u32 s6, $0x1;
	s3 =	sadd.s32 s19, s18  }
0xa2: {  	s7 =	simm.s32 $0x0;
	s20 =	sshll.u32 s5, $0x1;
	s5 =	sadd.s32 s21, s3  }
0xa3: {  	[timem:s7], [sflag:s22] =	dma.local [hbm:s5], s20  }
0xa4: {  	_ =	swait.ge [sflag:s22], s20  }
0xa5: {  	s4 =	ssub.s32 $0x0, s20;
	[sflag:s22] =	ssyncset.done $0x0  }
0xa6: {  	[sflag:s22] =	ssyncadd.s32 s4;
	_ =	sdelay $0x1  }
0xa7: {  	s23 =	simm.s32 $0x1B8B  }
0xa8: {  	_ =	swait.ge [sflag:s23], $0x1  }
0xa9: {  	[sflag:s23] =	ssyncset.done $0x0  }
0xaa: {  	s25 =	simm.s32 $0x1B8E;
	s24 =	sld [smem:$0x3FFE];
	[sflag:s23] =	ssyncadd.s32 $0xFFFFFFFF  }
0xab: {  	s26 =	simm.s32 $execute0_lowered;
	[smem:$0x3FD2] =	sst s25  }
0xac: {  	s5 =	sshll.u32 s26, $0x1;
	_ =	strace $0x80000046;
	[dreg:$0x1] =	wrdreg $0xFFFFFFFF  }
0xad: {  	s28 =	simm.s32 $_size_execute0_lowered;
	s3 =	sadd.s32 s3, s5;
	[dreg:$0x0] =	wrdreg $0x0  }
0xae: {  	s5 =	sshll.u32 s28, $0x1;
	[dreg:$0x2] =	wrdreg s3  }
0xaf: {  	[dreg:$0x3] =	wrdreg s5  }
0xb0: {  	[dreg:$0x4] =	wrdreg $0xC0  }
0xb1: {  	_ =	task [dreg:s7], $0x5FFFF  }
0xb2: {  	[dreg:$0x1] =	wrdreg $0xFFFFFFFF  }
0xb3: {  	[dreg:$0x0] =	wrdreg $0x60  }
0xb4: {  	[dreg:$0x2] =	wrdreg s24  }
0xb5: {  	[dreg:$0x3] =	wrdreg s16  }
0xb6: {  	[dreg:$0x4] =	wrdreg $0x68000  }
0xb7: {  	[dreg:$0x5] =	wrdreg $0x9  }
0xb8: {  	_ =	task.clear_ibuf [dreg:s7], $0x6FFFF;
	_ =	strace $0x90000046  }
0xb9: {  	s29 =	simm.s32 $0x9;
	_ =	strace $0x80000048  }
0xba: {  	_ =	swait.ge [sflag:s29], $0x1  }
0xbb: {  	[sflag:s29] =	ssyncadd.s32 $0xFFFFFFFF  }
0xbc: {  	_ =	strace $0x90000048  }
0xbd: {  	_ =	sfence  }
0xbe: {  	s30 =	sld [smem:$0x0];
	_ =	sdelay $0x2  }
0xbf: {  	s31 =	sshll.u32 s1, $0xD;
	s1 =	sshrl.u32 s1, $0x2  }
0xc0: {  	s3 =	sand.u32 $0x4000, s31;
	s1 =	sadd.s32 s1, s30  }
0xc1: {  	s0 =	sor.u32 s3, s0;
	s1 =	sshll.u32 s1, $0x11  }
0xc2: {  	s0 =	sor.u32 s1, s0  }
0xc3: {  	s0 =	sadd.s32 $0x8F2B, s0  }
0xc4: {  	[sflag:s0] =	ssyncadd.remote.s32 $0x1  }
0xc5: {  	_ =	sfence.sel $0xFFFF  }
0xc6: {  	[dreg:$0x0] =	wrdreg $0xFFFFFFFF;
	(pc) =	sbr.abs _section_cstart, $3  }
0xc7: {  	[dreg:$0x1] =	wrdreg $0xFFFFFFFF  }
0xc8: {  	_ =	task.clear_ibuf [dreg:s7], $0x2FFFF;
	_ =	strace $0x9FFFFFFF  }
0xc9: {  	(tm) =	ssettm $0x7FFFFFFF  }
tec
execute0_lowered:
.L_overlay_start_1:
0x0: {  	(tag) =	ssettag $0x1  }
0x1: {  	s5 =	rddreg [dreg:$0x0]  }
0x2: {  	s0 =	srdreg.scid;
	s16 =	rddreg [dreg:$0x1]  }
0x3: {  	s2 =	rddreg [dreg:$0x2];
	s1 =	stileid.u32;
	s3 =	simm.s32 $0x0  }
0x4: {  	s21 =	simm.s32 $0x1;
	s7 =	sand.u32 $0x1, s0;
	s0 =	rddreg [dreg:$0x3]  }
0x5: {  	s22 =	simm.s32 $0x0;
	[smem:$0x7FF] =	sst s3;
	s8 =	smul.u32 $0x50000, s1  }
0x6: {  	s10 =	smul.u32 $0x14000, s1;
	s4 =	sshll.u32 s7, $0x4;
	_ =	strace $0x80000047  }
0x7: {  	s31 =	ssub.s32 $0x2, s7;
	s18 =	smul.u32 $0x140000, s7;
	s4 =	sor.u32 s1, s4  }
0x8: {  	s9 =	sshrl.u32 s31, $0x1;
	s8 =	sshrl.u32 s8, $0x2;
	s12 =	sadd.s32 $0x4000, s10  }
0x9: {  	s14 =	sadd.s32 $0x8000, s10;
	s15 =	sadd.s32 $0xC000, s10;
	s19 =	sadd.s32 $0x10000, s10  }
0xa: {  	s6 =	smul.u32 $0x500, s4;
	s4 =	sadd.s32 $0x10800, s5;
	s17 =	ssub.s32 s31, s9  }
0xb: {  	s7 =	sadd.s32 s12, s2;
	s9 =	sadd.s32 s15, s2;
	s13 =	sadd.s32 s10, s18  }
0xc: {  	s12 =	sadd.s32 s18, s12;
	s10 =	sadd.s32 s19, s2;
	s15 =	sadd.s32 s18, s15  }
0xd: {  	s13 =	sshrl.u32 s13, $0x3;
	s20 =	sshrl.u32 s12, $0x3;
	s15 =	sshrl.u32 s15, $0x3  }
0xe: {  	s17 =	smax.u32 s17, $0x1;
	s11 =	sadd.s32 s6, s5;
	s5 =	sadd.s32 $0x10000, s5  }
0xf: {  	s6 =	sadd.s32 s8, s2;
	s8 =	sadd.s32 s14, s2;
	s12 =	sadd.s32 s16, s13  }
0x10: {  	s13 =	sadd.s32 s16, s20;
	s14 =	sadd.s32 s18, s14;
	s18 =	sadd.s32 s18, s19  }
0x11: {  	s15 =	sadd.s32 s16, s15;
	s19 =	simm.s32 $0x2;
	s20 =	simm.s32 $0x80  }
0x12: {  	s11 =	sadd.s32 $0x6000, s11;
	s14 =	sshrl.u32 s14, $0x3;
	s18 =	sshrl.u32 s18, $0x3  }
0x13: {  	s14 =	sadd.s32 s16, s14;
	s16 =	sadd.s32 s16, s18;
	s18 =	simm.s32 $0x2800  }
.LBB2_1:
0x14: {  	[tilespmem:s18], [sflag:$0x2] =	stream.linear.gather [hbm4b:s5+s3], $0x4000, $0x38;
	[tilespmem:$0x1A800] =	vst v63  }
0x15: {  	_ =	swait.ge [sflag:s19], $0x4000  }
0x16: {  	[sflag:s19] =	ssyncset.done $0x0  }
0x17: {  	[sflag:s19] =	ssyncadd.s32 $0xFFFFC000  }
0x18: {  	[spmem:s6] =	stream.linear.scatter [tilespmem:s18], [sflag:$0x2], $0x4000, $0x38;
	[tilespmem:$0x1A800] =	vst v63  }
0x19: {  	_ =	swait.ge [sflag:s19], $0x4000  }
0x1a: {  	[sflag:s19] =	ssyncset.done $0x0  }
0x1b: {  	[sflag:s19] =	ssyncadd.s32 $0xFFFFC000  }
0x1c: {  	[spmem:s7] =	stream.linear.scatter [tilespmem:s18], [sflag:$0x2], $0x4000, $0x38;
	[tilespmem:$0x1A800] =	vst v63  }
0x1d: {  	_ =	swait.ge [sflag:s19], $0x4000  }
0x1e: {  	[sflag:s19] =	ssyncset.done $0x0  }
0x1f: {  	[sflag:s19] =	ssyncadd.s32 $0xFFFFC000  }
0x20: {  	[spmem:s8] =	stream.linear.scatter [tilespmem:s18], [sflag:$0x2], $0x4000, $0x38;
	[tilespmem:$0x1A800] =	vst v63  }
0x21: {  	_ =	swait.ge [sflag:s19], $0x4000  }
0x22: {  	[sflag:s19] =	ssyncset.done $0x0  }
0x23: {  	[sflag:s19] =	ssyncadd.s32 $0xFFFFC000  }
0x24: {  	[spmem:s9] =	stream.linear.scatter [tilespmem:s18], [sflag:$0x2], $0x4000, $0x38;
	[tilespmem:$0x1A800] =	vst v63  }
0x25: {  	_ =	swait.ge [sflag:s19], $0x4000  }
0x26: {  	[sflag:s19] =	ssyncset.done $0x0  }
0x27: {  	[sflag:s19] =	ssyncadd.s32 $0xFFFFC000  }
0x28: {  	[spmem:s10] =	stream.linear.scatter [tilespmem:s18], [sflag:$0x2], $0x4000, $0x38;
	[tilespmem:$0x1A800] =	vst v63  }
0x29: {  	_ =	swait.ge [sflag:s19], $0x4000  }
0x2a: {  	[sflag:s19] =	ssyncset.done $0x0  }
0x2b: {  	[sflag:s19] =	ssyncadd.s32 $0xFFFFC000  }
0x2c: {  	[tilespmem:s3], [sflag:$0x2] =	stream.linear.gather [hbm4b:s11+s3], $0x2800, $0x38;
	[tilespmem:$0x1A800] =	vst v63  }
0x2d: {  	_ =	swait.ge [sflag:s19], $0x2800  }
0x2e: {  	[sflag:s19] =	ssyncset.done $0x0  }
0x2f: {  	[sflag:s19] =	ssyncadd.s32 $0xFFFFD800  }
0x30: {  	[tilespmem:s18], [sflag:$0x2] =	stream.linear.gather [hbm4b:s4+s3], $0x4000, $0x38;
	[tilespmem:$0x1A800] =	vst v63  }
0x31: {  	_ =	swait.ge [sflag:s19], $0x4000  }
0x32: {  	[sflag:s19] =	ssyncset.done $0x0  }
0x33: {  	[sflag:s19] =	ssyncadd.s32 $0xFFFFC000  }
0x34: {  	[bflag:$0x0] =	sbarrier.arrive $0xFFFF  }
0x35: {  	[spmem:s2] =	stream.indirect.scatter.add.f32 [tilespmem:s18], [sflag:$0x1], $0x80, s3, s20, $0xb8;
	[tilespmem:$0x1A800] =	vst v63  }
0x36: {  	s23 =	simm.s32 $0x80  }
0x37: {  	[spmem:s2] =	stream.indirect.scatter.add.f32 [tilespmem:s18], [sflag:$0x1], $0x80, s23, s20, $0xb8;
	[tilespmem:$0x1A800] =	vst v63  }
0x38: {  	_ =	swait.ge [sflag:s21], $0x4000  }
0x39: {  	s23 =	simm.s32 $0x400;
	[sflag:s21] =	ssyncset.done $0x0  }
.LBB2_2:
0x3a: {  	s24 =	sshra.s32 s23, $0x2;
	[sflag:s21] =	ssyncadd.s32 $0xFFFFC000;
	p0 =	sne.s32 s23, $0x9E00  }
0x3b: {  	[spmem:s2] =	stream.indirect.scatter.add.f32 [tilespmem:s18], [sflag:$0x1], $0x80, s24, s20, $0xb8;
	[tilespmem:$0x1A800] =	vst v63  }
.Ltmp0:
0x3c: {  	_ = 	snop;
	(pc) =	sbr.rel @p0 .LBB2_2-.Ltmp0, $4  }
0x3d: {  	_ = 	snop  }
0x3e: {  	s23 =	sadd.s32 $0x200, s23  }
0x3f: {  	_ =	swait.ge [sflag:s21], $0x4000  }
0x40: {  	[sflag:s21] =	ssyncset.done $0x0  }
0x41: {  	[sflag:s21] =	ssyncadd.s32 $0xFFFFC000  }
0x42: {  	_ =	swait.ge [sflag:s21], $0x4000  }
0x43: {  	[sflag:s21] =	ssyncset.done $0x0  }
0x44: {  	[sflag:s21] =	ssyncadd.s32 $0xFFFFC000  }
0x45: {  	[bflag:$0x0] =	sbarrier.arrive $0xFFFF  }
0x46: {  	[tilespmem:s18], [sflag:$0x2] =	stream.linear.gather [spmem:s6], $0x4000, $0x38;
	[tilespmem:$0x1A800] =	vst v63  }
0x47: {  	_ =	swait.ge [sflag:s19], $0x4000  }
0x48: {  	[sflag:s19] =	ssyncset.done $0x0  }
0x49: {  	[sflag:s19] =	ssyncadd.s32 $0xFFFFC000  }
0x4a: {  	[hbm4b:s12+s3] =	stream.linear.scatter [tilespmem:s18], [sflag:$0x2], $0x4000, $0x38;
	[tilespmem:$0x1A800] =	vst v63  }
0x4b: {  	_ =	swait.ge [sflag:s19], $0x4000  }
0x4c: {  	[sflag:s19] =	ssyncset.done $0x0  }
0x4d: {  	[sflag:s19] =	ssyncadd.s32 $0xFFFFC000  }
0x4e: {  	[tilespmem:s18], [sflag:$0x2] =	stream.linear.gather [spmem:s7], $0x4000, $0x38;
	[tilespmem:$0x1A800] =	vst v63  }
0x4f: {  	_ =	swait.ge [sflag:s19], $0x4000  }
0x50: {  	[sflag:s19] =	ssyncset.done $0x0  }
0x51: {  	[sflag:s19] =	ssyncadd.s32 $0xFFFFC000  }
0x52: {  	[hbm4b:s13+s3] =	stream.linear.scatter [tilespmem:s18], [sflag:$0x2], $0x4000, $0x38;
	[tilespmem:$0x1A800] =	vst v63  }
0x53: {  	_ =	swait.ge [sflag:s19], $0x4000  }
0x54: {  	[sflag:s19] =	ssyncset.done $0x0  }
0x55: {  	[sflag:s19] =	ssyncadd.s32 $0xFFFFC000  }
0x56: {  	[tilespmem:s18], [sflag:$0x2] =	stream.linear.gather [spmem:s8], $0x4000, $0x38;
	[tilespmem:$0x1A800] =	vst v63  }
0x57: {  	_ =	swait.ge [sflag:s19], $0x4000  }
0x58: {  	[sflag:s19] =	ssyncset.done $0x0  }
0x59: {  	[sflag:s19] =	ssyncadd.s32 $0xFFFFC000  }
0x5a: {  	[hbm4b:s14+s3] =	stream.linear.scatter [tilespmem:s18], [sflag:$0x2], $0x4000, $0x38;
	[tilespmem:$0x1A800] =	vst v63  }
0x5b: {  	_ =	swait.ge [sflag:s19], $0x4000  }
0x5c: {  	[sflag:s19] =	ssyncset.done $0x0  }
0x5d: {  	[sflag:s19] =	ssyncadd.s32 $0xFFFFC000  }
0x5e: {  	[tilespmem:s18], [sflag:$0x2] =	stream.linear.gather [spmem:s9], $0x4000, $0x38;
	[tilespmem:$0x1A800] =	vst v63  }
0x5f: {  	_ =	swait.ge [sflag:s19], $0x4000  }
0x60: {  	[sflag:s19] =	ssyncset.done $0x0  }
0x61: {  	[sflag:s19] =	ssyncadd.s32 $0xFFFFC000  }
0x62: {  	[hbm4b:s15+s3] =	stream.linear.scatter [tilespmem:s18], [sflag:$0x2], $0x4000, $0x38;
	[tilespmem:$0x1A800] =	vst v63  }
0x63: {  	_ =	swait.ge [sflag:s19], $0x4000  }
0x64: {  	[sflag:s19] =	ssyncset.done $0x0  }
0x65: {  	[sflag:s19] =	ssyncadd.s32 $0xFFFFC000  }
0x66: {  	[tilespmem:s18], [sflag:$0x2] =	stream.linear.gather [spmem:s10], $0x4000, $0x38;
	[tilespmem:$0x1A800] =	vst v63  }
0x67: {  	s22 =	sadd.s32 $0x1, s22;
	_ =	swait.ge [sflag:s19], $0x4000  }
0x68: {  	p0 =	sne.s32 s22, s17;
	[sflag:s19] =	ssyncset.done $0x0  }
.Ltmp1:
0x69: {  	[sflag:s19] =	ssyncadd.s32 $0xFFFFC000;
	(pc) =	sbr.rel @p0 .LBB2_1-.Ltmp1, $4  }
0x6a: {  	[hbm4b:s16+s3] =	stream.linear.scatter [tilespmem:s18], [sflag:$0x2], $0x4000, $0x38;
	[tilespmem:$0x1A800] =	vst v63  }
0x6b: {  	_ =	swait.ge [sflag:s19], $0x4000  }
0x6c: {  	[sflag:s19] =	ssyncset.done $0x0  }
0x6d: {  	[sflag:s19] =	ssyncadd.s32 $0xFFFFC000  }
0x6e: {  	_ =	sfence.sel $0x180000  }
0x6f: {  	[bflag:$0x0] =	sbarrier.arrive $0xFFFF  }
0x70: {  	p0 =	sne.s32 s1, $0x0;
	_ =	strace $0x90000047  }
0x71: {  	s0 =	sadd.s32 @!p0 $0x100000, s0;
	[bflag:$0x2] =	sbarrier.arrive $0xFFFF  }
0x72: {  	[sflag:s0] =	ssyncadd.tile.s32 @!p0 $0x1;
	_ =	shalt  }
.Lfunc_end2:
_tile_overlayer_lowered:
.L_overlay_start_2:
0x73: {  	(tag) =	ssettag $0x2  }
0x74: {  	s0 =	rddreg [dreg:$0x0];
	s2 =	stileid.u32  }
0x75: {  	s1 =	rddreg [dreg:$0x1];
	p0 =	sne.s32 s2, $0x0  }
0x76: {  	s3 =	rddreg [dreg:$0x2];
	[bflag:$0x3] =	sbarrier.arrive $0xFFFF;
	s2 =	simm.s32 @!p0 $0x1C02  }
0x77: {  	[timem:s3], [sflag:s2] =	dma.local @!p0 [hbm:s0], s1  }
0x78: {  	s0 =	simm.s32 @!p0 $0x2  }
0x79: {  	_ =	swait.ge @!p0 [sflag:s0], s1  }
0x7a: {  	s1 =	ssub.s32 @!p0 $0x0, s1;
	[sflag:s0] =	ssyncset.done @!p0 $0x0  }
0x7b: {  	[sflag:s0] =	ssyncadd.s32 @!p0 s1  }
0x7c: {  	[bflag:$0x3] =	sbarrier.arrive $0xFFFF  }
0x7d: {  	_ =	shalt  }

// kernel: kernel.15.cloned.1.call-start
scs
__scs_entry_jumppad:
0x0: {  	(pc) =	sbr.rel $0x88, $3  }
0x1: {  	(tag) =	ssettag $0x0;
	lr =	simm.s32 $0x1  }
0x2: {  	[smem:$0x3F90] =	sst lr;
	_ =	strace $0xD0000000  }
0x3: {  	_ = 	snop  }
0x4: {  	_ = 	snop  }
0x5: {  	_ = 	snop  }
0x6: {  	_ = 	snop  }
0x7: {  	_ = 	snop  }
__scs_overlays_trampoline_lowered:
0x8: {  	[smem:$0x3F9F] =	sst s0  }
0x9: {  	[smem:$0x3FA0] =	sst s1  }
0xa: {  	[smem:$0x3FA1] =	sst s2  }
0xb: {  	[smem:$0x3FA2] =	sst s3  }
0xc: {  	[smem:$0x3FA3] =	sst s4  }
0xd: {  	[smem:$0x3FA4] =	sst s5  }
0xe: {  	[smem:$0x3FA5] =	sst s6  }
0xf: {  	[smem:$0x3FA6] =	sst s7  }
0x10: {  	[smem:$0x3FA7] =	sst s8  }
0x11: {  	[smem:$0x3FA8] =	sst s9;
	s0 =	simm.s32 @!p0 $0x0  }
0x12: {  	s1 =	sld [smem:$0x3F8E];
	s0 =	simm.s32 @p0 $0x1  }
0x13: {  	[smem:$0x3FA9] =	sst s0;
	s0 =	simm.s32 @!p1 $0x0  }
0x14: {  	s2 =	sld [smem:$0x3F8D];
	s0 =	simm.s32 @p1 $0x1  }
0x15: {  	[smem:$0x3FAA] =	sst s0;
	s0 =	simm.s32 @!p2 $0x0  }
0x16: {  	s3 =	sld [smem:$0x3FDB];
	s0 =	simm.s32 @p2 $0x1  }
0x17: {  	s4 =	simm.s32 $0x1BF5;
	[smem:$0x3FAC] =	sst s0  }
0x18: {  	s0 =	sld [smem:$0x3F8F];
	_ =	swait.ge [sflag:s4], $0x0  }
0x19: {  	s7 =	sld [smem:$0x3F90]  }
0x1a: {  	s8 =	sadd.s32 $0xFFFFE003, lr  }
0x1b: {  	s9 =	sadd.s32 $0xFFFFFEF7, lr;
	s5 =	simm.s32 $0xFFFFFFFF;
	p2 =	slt.u32 s8, $0xFFFFF086  }
0x1c: {  	p1 =	slt.u32 s9, $0xF7A;
	s5 =	simm.s32 @!p2 $0x0  }
0x1d: {  	s5 =	simm.s32 @p1 $0x1;
	p0 =	seq.s32 s7, s2  }
0x1e: {  	s7 =	smul.u32 @!p0 $0xF7A, s2;
	p2 =	seq.s32 @!p0 s5, $0x0  }
0x1f: {  	s9 =	smul.u32 $0xF7A, s1;
	s8 =	simm.s32 @!p0 $0x1BF5;
	p2 =	por !p2, p0  }
0x20: {  	[sflag:s8] =	ssyncset.s32 @!p0 $0xFFFFF086;
	s6 =	sadd.s32 @!p0 s3, s7;
	s7 =	simm.s32 @!p0 $0x108  }
0x21: {  	s3 =	sadd.s32 s3, s9;
	s6 =	sadd.s32 @!p0 $0x88, s6;
	s7 =	simm.s32 @p2 $0x1082  }
0x22: {  	[simem:s7], [sflag:s8] =	dma.local @!p0 [hbm:s6], $0xF7A  }
0x23: {  	s9 =	sor.u32 $0xD0000000, s2;
	s6 =	simm.s32 $0x108;
	_ =	swait.ge @!p0 [sflag:s8], $0x0  }
0x24: {  	s3 =	sadd.s32 $0x88, s3;
	s6 =	simm.s32 @!p1 $0x1082;
	[sflag:s4] =	ssyncset.s32 $0xFFFFF086  }
0x25: {  	[simem:s6], [sflag:s4] =	dma.local [hbm:s3], $0xF7A  }
0x26: {  	[smem:$0x3F90] =	sst s1;
	(tag) =	ssettag s2;
	_ =	strace s9  }
0x27: {  	s1 =	sld [smem:$0x3FA0]  }
0x28: {  	s2 =	sld [smem:$0x3FA1]  }
0x29: {  	s4 =	sld [smem:$0x3FA3]  }
0x2a: {  	p0 =	seq.s32 s5, $0x0;
	s5 =	sld [smem:$0x3FA4]  }
0x2b: {  	s6 =	sld [smem:$0x3FA5]  }
0x2c: {  	s7 =	sld [smem:$0x3FA6]  }
0x2d: {  	s3 =	simm.s32 $0x108;
	s8 =	sld [smem:$0x3FA7]  }
0x2e: {  	s3 =	simm.s32 @!p0 $0x1082;
	s9 =	sld [smem:$0x3FA8]  }
0x2f: {  	lr =	sadd.s32 s0, s3;
	s0 =	sld [smem:$0x3F9F]  }
0x30: {  	s3 =	sld [smem:$0x3FA2]  }
0x31: {  	[smem:$0x3FAB] =	sst s10  }
0x32: {  	s10 =	sld [smem:$0x3FA9];
	_ =	sdelay $0x3  }
0x33: {  	p0 =	seq.s32 s10, $0x1;
	s10 =	sld [smem:$0x3FAB];
	_ =	sdelay $0x3  }
0x34: {  	[smem:$0x3FAB] =	sst s10  }
0x35: {  	s10 =	sld [smem:$0x3FAA];
	_ =	sdelay $0x3  }
0x36: {  	p1 =	seq.s32 s10, $0x1;
	s10 =	sld [smem:$0x3FAB];
	_ =	sdelay $0x3  }
0x37: {  	[smem:$0x3FAB] =	sst s10  }
0x38: {  	s10 =	sld [smem:$0x3FAC]  }
0x39: {  	_ = 	snop;
	(pc) =	sbr.ind lr, $3  }
0x3a: {  	_ = 	snop  }
0x3b: {  	_ = 	snop  }
0x3c: {  	p2 =	seq.s32 s10, $0x1;
	s10 =	sld [smem:$0x3FAB]  }
0x3d: {  	_ =	shalt  }
0x3e: {  	_ =	shalt  }
0x3f: {  	_ =	shalt  }
0x40: {  	_ =	shalt  }
0x41: {  	_ =	shalt  }
0x42: {  	_ =	shalt  }
0x43: {  	_ =	shalt  }
0x44: {  	_ =	shalt  }
0x45: {  	_ =	shalt  }
0x46: {  	_ =	shalt  }
0x47: {  	_ =	shalt  }
0x48: {  	_ =	shalt  }
0x49: {  	_ =	shalt  }
0x4a: {  	_ =	shalt  }
0x4b: {  	_ =	shalt  }
0x4c: {  	_ =	shalt  }
0x4d: {  	_ =	shalt  }
0x4e: {  	_ =	shalt  }
0x4f: {  	_ =	shalt  }
0x50: {  	_ =	shalt  }
0x51: {  	_ =	shalt  }
0x52: {  	_ =	shalt  }
0x53: {  	_ =	shalt  }
0x54: {  	_ =	shalt  }
0x55: {  	_ =	shalt  }
0x56: {  	_ =	shalt  }
0x57: {  	_ =	shalt  }
0x58: {  	_ =	shalt  }
0x59: {  	_ =	shalt  }
0x5a: {  	_ =	shalt  }
0x5b: {  	_ =	shalt  }
0x5c: {  	_ =	shalt  }
0x5d: {  	_ =	shalt  }
0x5e: {  	_ =	shalt  }
0x5f: {  	_ =	shalt  }
0x60: {  	_ =	shalt  }
0x61: {  	_ =	shalt  }
0x62: {  	_ =	shalt  }
0x63: {  	_ =	shalt  }
0x64: {  	_ =	shalt  }
0x65: {  	_ =	shalt  }
0x66: {  	_ =	shalt  }
0x67: {  	_ =	shalt  }
0x68: {  	_ =	shalt  }
0x69: {  	_ =	shalt  }
0x6a: {  	_ =	shalt  }
0x6b: {  	_ =	shalt  }
0x6c: {  	_ =	shalt  }
0x6d: {  	_ =	shalt  }
0x6e: {  	_ =	shalt  }
0x6f: {  	_ =	shalt  }
0x70: {  	_ =	shalt  }
0x71: {  	_ =	shalt  }
0x72: {  	_ =	shalt  }
0x73: {  	_ =	shalt  }
0x74: {  	_ =	shalt  }
0x75: {  	_ =	shalt  }
0x76: {  	_ =	shalt  }
0x77: {  	_ =	shalt  }
0x78: {  	_ =	shalt  }
0x79: {  	_ =	shalt  }
0x7a: {  	_ =	shalt  }
0x7b: {  	_ =	shalt  }
0x7c: {  	_ =	shalt  }
0x7d: {  	_ =	shalt  }
0x7e: {  	_ =	shalt  }
0x7f: {  	_ =	shalt  }
0x80: {  	_ =	shalt  }
0x81: {  	_ =	shalt  }
0x82: {  	_ =	shalt  }
0x83: {  	_ =	shalt  }
0x84: {  	_ =	shalt  }
0x85: {  	_ =	shalt  }
0x86: {  	_ =	shalt  }
0x87: {  	_ =	shalt  }
.Lfunc_end0:
.L_simem_size_0:
called_computation.1_lowered:
.L_overlay_start_0:
0x88: {  	s2 =	sld [smem:$0x3FD9]  }
0x89: {  	s3 =	sld [smem:$0x3FFE];
	_ =	sdelay $0x1  }
0x8a: {  	s1 =	srdreg.scid  }
0x8b: {  	s0 =	sand.u32 $0x1, s1  }
0x8c: {  	s14 =	sshll.u32 s0, $0xA;
	s2 =	sadd.s32 s3, s2  }
0x8d: {  	s2 =	sadd.s32 s2, s14  }
0x8e: {  	[smem:$0x3FB7] =	sst s2  }
0x8f: {  	_ = 	snop  }
0x90: {  	s2 =	sld [smem:$0x3FD0];
	_ =	sdelay $0x2  }
0x91: {  	s15 =	simm.s32 $0xA;
	s4 =	simm.s32 $0x10  }
0x92: {  	[smem:s4], [sflag:s15] =	dma.local [hbm:s2], $0x1  }
0x93: {  	_ =	swait.eq [sflag:s15], $0x1  }
0x94: {  	[sflag:s15] =	ssyncset.done $0x0  }
0x95: {  	s16 =	sld [smem:$0x10];
	[sflag:s15] =	ssyncadd.s32 $0xFFFFFFFF  }
0x96: {  	s17 =	sld [smem:$0x11];
	(tm) =	ssettm $0x1  }
0x97: {  	s18 =	sld [smem:$0x3FFB];
	_ =	sdelay $0x3  }
0x98: {  	_ =	strace s18  }
0x99: {  	s4 =	sld [smem:$0x3FFC];
	_ =	sdelay $0x3  }
0x9a: {  	_ =	strace s4  }
0x9b: {  	s4 =	sld [smem:$0x3FFD];
	_ =	sdelay $0x3  }
0x9c: {  	_ =	strace s4  }
0x9d: {  	_ =	strace $0x8FFFFFFF  }
0x9e: {  	s19 =	sld [smem:$0x3FDB];
	_ =	sdelay $0x1  }
0x9f: {  	s5 =	simm.s32 $_scs_section_size  }
0xa0: {  	s6 =	simm.s32 $_size__tile_overlayer_lowered;
	s7 =	simm.s32 $_tile_overlayer_lowered  }
0xa1: {  	s22 =	simm.s32 $0x1BFF;
	s21 =	sshll.u32 s7, $0x1;
	s4 =	sadd.s32 s5, s19  }
0xa2: {  	s8 =	simm.s32 $0x0;
	s20 =	sshll.u32 s6, $0x1;
	s6 =	sadd.s32 s21, s4  }
0xa3: {  	[timem:s8], [sflag:s22] =	dma.local [hbm:s6], s20  }
0xa4: {  	_ =	swait.ge [sflag:s22], s20  }
0xa5: {  	s5 =	ssub.s32 $0x0, s20;
	[sflag:s22] =	ssyncset.done $0x0  }
0xa6: {  	[sflag:s22] =	ssyncadd.s32 s5;
	_ =	sdelay $0x1  }
0xa7: {  	s23 =	simm.s32 $0x1B8B  }
0xa8: {  	_ =	swait.ge [sflag:s23], $0x1  }
0xa9: {  	[sflag:s23] =	ssyncset.done $0x0  }
0xaa: {  	s25 =	simm.s32 $0x1B8E;
	s24 =	sld [smem:$0x3FFE];
	[sflag:s23] =	ssyncadd.s32 $0xFFFFFFFF  }
0xab: {  	s26 =	simm.s32 $execute0_lowered;
	[smem:$0x3FD2] =	sst s25  }
0xac: {  	s6 =	sshll.u32 s26, $0x1;
	_ =	strace $0x80000049;
	[dreg:$0x1] =	wrdreg $0xFFFFFFFF  }
0xad: {  	s28 =	simm.s32 $_size_execute0_lowered;
	s4 =	sadd.s32 s4, s6;
	[dreg:$0x0] =	wrdreg $0x0  }
0xae: {  	s6 =	sshll.u32 s28, $0x1;
	[dreg:$0x2] =	wrdreg s4  }
0xaf: {  	[dreg:$0x3] =	wrdreg s6  }
0xb0: {  	[dreg:$0x4] =	wrdreg $0xC0  }
0xb1: {  	_ =	task [dreg:s8], $0x5FFFF  }
0xb2: {  	[dreg:$0x1] =	wrdreg $0xFFFFFFFF  }
0xb3: {  	[dreg:$0x0] =	wrdreg $0x60  }
0xb4: {  	[dreg:$0x2] =	wrdreg s24  }
0xb5: {  	[dreg:$0x3] =	wrdreg s16  }
0xb6: {  	[dreg:$0x4] =	wrdreg s17  }
0xb7: {  	[dreg:$0x5] =	wrdreg $0x82000  }
0xb8: {  	[dreg:$0x6] =	wrdreg $0x9  }
0xb9: {  	_ =	task.clear_ibuf [dreg:s8], $0x7FFFF;
	_ =	strace $0x90000049  }
0xba: {  	s29 =	simm.s32 $0x9;
	_ =	strace $0x8000004B  }
0xbb: {  	_ =	swait.ge [sflag:s29], $0x1  }
0xbc: {  	[sflag:s29] =	ssyncadd.s32 $0xFFFFFFFF  }
0xbd: {  	_ =	strace $0x9000004B  }
0xbe: {  	_ =	sfence  }
0xbf: {  	s30 =	sld [smem:$0x0];
	_ =	sdelay $0x2  }
0xc0: {  	s31 =	sshll.u32 s1, $0xD;
	s1 =	sshrl.u32 s1, $0x2  }
0xc1: {  	s3 =	sand.u32 $0x4000, s31;
	s1 =	sadd.s32 s1, s30  }
0xc2: {  	s0 =	sor.u32 s3, s0;
	s1 =	sshll.u32 s1, $0x11  }
0xc3: {  	s0 =	sor.u32 s1, s0  }
0xc4: {  	s0 =	sadd.s32 $0x8F2B, s0  }
0xc5: {  	[sflag:s0] =	ssyncadd.remote.s32 $0x1  }
0xc6: {  	_ =	sfence.sel $0xFFFF  }
0xc7: {  	[dreg:$0x0] =	wrdreg $0xFFFFFFFF;
	(pc) =	sbr.abs _section_cstart, $3  }
0xc8: {  	[dreg:$0x1] =	wrdreg $0xFFFFFFFF  }
0xc9: {  	_ =	task.clear_ibuf [dreg:s8], $0x2FFFF;
	_ =	strace $0x9FFFFFFF  }
0xca: {  	(tm) =	ssettm $0x7FFFFFFF  }
0xcb: {  	_ =	shalt  }
tec
execute0_lowered:
.L_overlay_start_1:
0x0: {  	(tag) =	ssettag $0x1  }
0x1: {  	s0 =	rddreg [dreg:$0x0]  }
0x2: {  	s1 =	rddreg [dreg:$0x1]  }
0x3: {  	s4 =	rddreg [dreg:$0x2]  }
0x4: {  	s2 =	rddreg [dreg:$0x3];
	s3 =	simm.s32 $0x0;
	s6 =	srdreg.scid  }
0x5: {  	s11 =	stileid.u32;
	s13 =	simm.s32 $0x78;
	s28 =	simm.s32 $0x80  }
0x6: {  	s29 =	simm.s32 $0x180;
	s30 =	simm.s32 $0x6;
	s9 =	smul.u32 $0x78, s11  }
0x7: {  	s31 =	simm.s32 $0x4200;
	[smem:$0x7FF] =	sst s3;
	s10 =	smul.u32 $0x28, s11  }
0x8: {  	s5 =	sadd.s32 $0x10800, s0;
	s7 =	sand.u32 $0x1, s6;
	s25 =	smul.u32 $0x50000, s11  }
0x9: {  	s6 =	sadd.s32 $0x6000, s0;
	s0 =	sadd.s32 $0x10000, s0;
	s15 =	smul.u32 $0x14000, s11  }
0xa: {  	_ =	strace $0x8000004A;
	s8 =	ssub.s32 $0x2, s7;
	[dreg:$0x7] =	wrdreg s0  }
0xb: {  	p0 =	seq.s32 s7, $0x0;
	s7 =	smul.u32 $0x140000, s7;
	s24 =	sshrl.u32 s8, $0x1  }
0xc: {  	s14 =	sadd.s32 $0x780, s10;
	s13 =	simm.s32 @!p0 $0x28;
	s16 =	sadd.s32 $0x4000, s15  }
0xd: {  	s17 =	sadd.s32 $0x8000, s15;
	s18 =	sadd.s32 $0xC000, s15;
	s19 =	sadd.s32 $0x10000, s15  }
0xe: {  	s0 =	ssub.s32 s8, s24;
	s14 =	smov.u32 @p0 s9;
	s8 =	sshrl.u32 s25, $0x2  }
0xf: {  	s9 =	sadd.s32 s16, s2;
	s10 =	sadd.s32 s17, s2;
	s11 =	sadd.s32 s18, s2  }
0x10: {  	s12 =	sadd.s32 s19, s2;
	s15 =	sadd.s32 s15, s7;
	s16 =	sadd.s32 s7, s16  }
0x11: {  	s17 =	sadd.s32 s7, s17;
	s21 =	sadd.s32 s7, s18;
	s7 =	sadd.s32 s7, s19  }
0x12: {  	s8 =	sadd.s32 s8, s2;
	s20 =	sshll.u32 s14, $0x4;
	s26 =	sadd.s32 s14, s13  }
0x13: {  	s15 =	sshrl.u32 s15, $0x3;
	s16 =	sshrl.u32 s16, $0x3;
	s23 =	sshrl.u32 s17, $0x3  }
0x14: {  	s24 =	sshrl.u32 s21, $0x3;
	s22 =	sadd.s32 s1, s20;
	s20 =	sadd.s32 s6, s20  }
0x15: {  	s13 =	sshll.u32 s13, $0x7;
	s7 =	sshrl.u32 s7, $0x3;
	[dreg:$0x9] =	wrdreg s20  }
0x16: {  	s15 =	sadd.s32 s4, s15;
	s25 =	sadd.s32 s4, s24;
	[dreg:$0x8] =	wrdreg s22  }
0x17: {  	s13 =	sadd.s32 $0xFFFFFF00, s13;
	s24 =	simm.s32 $0x9;
	[dreg:$0xc] =	wrdreg s15  }
0x18: {  	s19 =	sadd.s32 $0x10, s22;
	s20 =	sshll.u32 s26, $0x4;
	[dreg:$0xf] =	wrdreg s25  }
0x19: {  	s22 =	sadd.s32 s4, s16;
	s15 =	sadd.s32 s4, s23;
	[dreg:$0x5] =	wrdreg s13  }
0x1a: {  	s26 =	sshll.u32 s14, $0x7;
	s4 =	sadd.s32 s4, s7;
	[dreg:$0xa] =	wrdreg s19  }
0x1b: {  	s23 =	simm.s32 $0x200;
	s25 =	simm.s32 $0x100;
	[dreg:$0xd] =	wrdreg s22  }
0x1c: {  	s7 =	simm.s32 $0x3;
	s14 =	simm.s32 $0x2;
	[dreg:$0xe] =	wrdreg s15  }
0x1d: {  	s13 =	simm.s32 $0x8;
	s16 =	simm.s32 $0x0;
	[dreg:$0x10] =	wrdreg s4  }
0x1e: {  	s18 =	sadd.s32 s6, s20;
	s22 =	smax.u32 s0, $0x1;
	[dreg:$0x6] =	wrdreg s26  }
0x1f: {  	s26 =	simm.s32 $0x5;
	s0 =	simm.s32 $0x1;
	s18 =	sadd.s32 $0xFFFFFFF0, s18  }
0x20: {  	s4 =	simm.s32 $0x7;
	s15 =	simm.s32 $0x4;
	[dreg:$0xb] =	wrdreg s18  }
.LBB2_1:
0x21: {  	s17 =	rddreg [dreg:$0x7]  }
0x22: {  	[tilespmem:s23], [sflag:$0x9] =	stream.linear.gather [hbm4b:s17+s3], $0x4000, $0x38;
	[tilespmem:$0x1C200] =	vst v63  }
0x23: {  	_ =	swait.ge [sflag:s24], $0x4000  }
0x24: {  	[sflag:s24] =	ssyncset.done $0x0  }
0x25: {  	[sflag:s24] =	ssyncadd.s32 $0xFFFFC000  }
0x26: {  	[spmem:s8] =	stream.linear.scatter [tilespmem:s23], [sflag:$0x9], $0x4000, $0x38;
	[tilespmem:$0x1C200] =	vst v63  }
0x27: {  	_ =	swait.ge [sflag:s24], $0x4000  }
0x28: {  	[sflag:s24] =	ssyncset.done $0x0  }
0x29: {  	[sflag:s24] =	ssyncadd.s32 $0xFFFFC000  }
0x2a: {  	[spmem:s9] =	stream.linear.scatter [tilespmem:s23], [sflag:$0x9], $0x4000, $0x38;
	[tilespmem:$0x1C200] =	vst v63  }
0x2b: {  	_ =	swait.ge [sflag:s24], $0x4000  }
0x2c: {  	[sflag:s24] =	ssyncset.done $0x0  }
0x2d: {  	[sflag:s24] =	ssyncadd.s32 $0xFFFFC000  }
0x2e: {  	[spmem:s10] =	stream.linear.scatter [tilespmem:s23], [sflag:$0x9], $0x4000, $0x38;
	[tilespmem:$0x1C200] =	vst v63  }
0x2f: {  	_ =	swait.ge [sflag:s24], $0x4000  }
0x30: {  	[sflag:s24] =	ssyncset.done $0x0  }
0x31: {  	[sflag:s24] =	ssyncadd.s32 $0xFFFFC000  }
0x32: {  	[spmem:s11] =	stream.linear.scatter [tilespmem:s23], [sflag:$0x9], $0x4000, $0x38;
	[tilespmem:$0x1C200] =	vst v63  }
0x33: {  	_ =	swait.ge [sflag:s24], $0x4000  }
0x34: {  	[sflag:s24] =	ssyncset.done $0x0  }
0x35: {  	[sflag:s24] =	ssyncadd.s32 $0xFFFFC000  }
0x36: {  	[spmem:s12] =	stream.linear.scatter [tilespmem:s23], [sflag:$0x9], $0x4000, $0x38;
	[tilespmem:$0x1C200] =	vst v63  }
0x37: {  	_ =	swait.ge [sflag:s24], $0x4000  }
0x38: {  	[sflag:s24] =	ssyncset.done $0x0  }
0x39: {  	[sflag:s24] =	ssyncadd.s32 $0xFFFFC000  }
0x3a: {  	[bflag:$0x0] =	sbarrier.arrive $0xFFFF  }
0x3b: {  	s19 =	rddreg [dreg:$0x8]  }
0x3c: {  	[tilespmem:s3], [sflag:$0x5] =	stream.linear.gather [hbm4b:s19+s3], $0x80, $0x38;
	[tilespmem:$0x1C200] =	vst v63  }
0x3d: {  	s20 =	rddreg [dreg:$0x9]  }
0x3e: {  	[tilespmem:s25], [sflag:$0x7] =	stream.linear.gather [hbm4b:s20+s3], $0x80, $0x38;
	[tilespmem:$0x1C200] =	vst v63  }
0x3f: {  	_ =	swait.ge [sflag:s26], $0x80  }
0x40: {  	[sflag:s26] =	ssyncset.done $0x0  }
0x41: {  	[sflag:s26] =	ssyncadd.s32 $0xFFFFFF80  }
0x42: {  	[tilespmem:s23], [sflag:$0x1] =	stream.indirect.gather [hbm4b:s5+s28], $0x80, s3, s28, $0xb8;
	[tilespmem:$0x1C200] =	vst v63  }
0x43: {  	s17 =	simm.s32 $0x0;
	s21 =	rddreg [dreg:$0xa]  }
0x44: {  	[tilespmem:s28], [sflag:$0x6] =	stream.linear.gather [hbm4b:s21+s3], $0x80, $0x38;
	[tilespmem:$0x1C200] =	vst v63  }
.LBB2_2:
0x45: {  	p0 =	seq.s32 s17, $0x0  }
0x46: {  	s18 =	simm.s32 @!p0 $0x4  }
0x47: {  	_ =	swait.ge @!p0 [sflag:s18], $0x4000  }
0x48: {  	s19 =	rddreg [dreg:$0x6]  }
0x49: {  	s19 =	sadd.s32 s17, s19  }
0x4a: {  	s21 =	sand.u32 $0x300, s17;
	s20 =	sand.u32 $0xFFFFFC00, s19  }
0x4b: {  	s20 =	sor.u32 s20, s21  }
0x4c: {  	s20 =	sor.u32 $0x80, s20  }
0x4d: {  	[sflag:s18] =	ssyncset.done @!p0 $0x0;
	s20 =	sshrl.u32 s20, $0x3  }
0x4e: {  	[sflag:s18] =	ssyncadd.s32 @!p0 $0xFFFFC000;
	s20 =	sadd.s32 s6, s20  }
0x4f: {  	[tilespmem:s29], [sflag:$0x8] =	stream.linear.gather [hbm4b:s20+s3], $0x80, $0x38;
	[tilespmem:$0x1C200] =	vst v63  }
0x50: {  	_ =	swait.ge [sflag:s30], $0x80  }
0x51: {  	s21 =	sadd.s32 $0x100, s19;
	s20 =	sadd.s32 $0x100, s17;
	[sflag:s30] =	ssyncset.done $0x0  }
0x52: {  	s18 =	sand.u32 $0xFFFFFC00, s21;
	s21 =	sand.u32 $0x300, s20;
	[sflag:s30] =	ssyncadd.s32 $0xFFFFFF80  }
0x53: {  	[tilespmem:s31], [sflag:$0x2] =	stream.indirect.gather [hbm4b:s5+s28], $0x80, s28, s28, $0xb8;
	[tilespmem:$0x1C200] =	vst v63  }
0x54: {  	s18 =	sor.u32 s21, s18;
	_ =	swait.ge [sflag:s0], $0x4000  }
0x55: {  	s18 =	sshrl.u32 s18, $0x3;
	[sflag:s0] =	ssyncset.done $0x0  }
0x56: {  	s21 =	sadd.s32 s1, s18;
	[sflag:s0] =	ssyncadd.s32 $0xFFFFC000  }
0x57: {  	[tilespmem:s3], [sflag:$0x5] =	stream.linear.gather [hbm4b:s21+s3], $0x80, $0x38;
	[tilespmem:$0x1C200] =	vst v63  }
0x58: {  	_ =	swait.ge [sflag:s4], $0x80  }
0x59: {  	[sflag:s4] =	ssyncset.done $0x0  }
0x5a: {  	[sflag:s4] =	ssyncadd.s32 $0xFFFFFF80  }
0x5b: {  	[spmem:s2] =	stream.indirect.scatter.add.f32 [tilespmem:s23], [sflag:$0x3], $0x80, s25, s28, $0xb8;
	[tilespmem:$0x1C200] =	vst v63  }
0x5c: {  	_ =	swait.ge [sflag:s7], $0x4000  }
0x5d: {  	[sflag:s7] =	ssyncset.done $0x0  }
0x5e: {  	s18 =	sadd.s32 s6, s18;
	[sflag:s7] =	ssyncadd.s32 $0xFFFFC000  }
0x5f: {  	[tilespmem:s25], [sflag:$0x7] =	stream.linear.gather [hbm4b:s18+s3], $0x80, $0x38;
	[tilespmem:$0x1C200] =	vst v63  }
0x60: {  	_ =	swait.ge [sflag:s26], $0x80  }
0x61: {  	s21 =	sadd.s32 $0x180, s19;
	s19 =	sadd.s32 $0x180, s17;
	[sflag:s26] =	ssyncset.done $0x0  }
0x62: {  	s17 =	sand.u32 $0x380, s19;
	s18 =	sand.u32 $0xFFFFFC00, s21;
	[sflag:s26] =	ssyncadd.s32 $0xFFFFFF80  }
0x63: {  	[tilespmem:s23], [sflag:$0x1] =	stream.indirect.gather [hbm4b:s5+s28], $0x80, s3, s28, $0xb8;
	[tilespmem:$0x1C200] =	vst v63  }
0x64: {  	s17 =	sor.u32 s17, s18;
	_ =	swait.ge [sflag:s14], $0x4000  }
0x65: {  	s17 =	sshrl.u32 s17, $0x3;
	[sflag:s14] =	ssyncset.done $0x0  }
0x66: {  	s17 =	sadd.s32 s1, s17;
	[sflag:s14] =	ssyncadd.s32 $0xFFFFC000  }
0x67: {  	[tilespmem:s28], [sflag:$0x6] =	stream.linear.gather [hbm4b:s17+s3], $0x80, $0x38;
	[tilespmem:$0x1C200] =	vst v63  }
0x68: {  	_ =	swait.ge [sflag:s13], $0x80  }
0x69: {  	s21 =	rddreg [dreg:$0x5]  }
0x6a: {  	p0 =	sne.s32 s21, s20  }
.Ltmp0:
0x6b: {  	_ = 	snop;
	(pc) =	sbr.rel @p0 .LBB2_2-.Ltmp0, $4  }
0x6c: {  	_ = 	snop  }
0x6d: {  	[sflag:s13] =	ssyncset.done $0x0  }
0x6e: {  	s17 =	smov.u32 s20;
	[sflag:s13] =	ssyncadd.s32 $0xFFFFFF80  }
0x6f: {  	[spmem:s2] =	stream.indirect.scatter.add.f32 [tilespmem:s31], [sflag:$0x4], $0x80, s29, s28, $0xb8;
	[tilespmem:$0x1C200] =	vst v63  }
0x70: {  	_ =	swait.ge [sflag:s15], $0x4000  }
0x71: {  	[sflag:s15] =	ssyncset.done $0x0  }
0x72: {  	s17 =	rddreg [dreg:$0xb];
	[sflag:s15] =	ssyncadd.s32 $0xFFFFC000  }
0x73: {  	[tilespmem:s29], [sflag:$0x8] =	stream.linear.gather [hbm4b:s17+s3], $0x80, $0x38;
	[tilespmem:$0x1C200] =	vst v63  }
0x74: {  	_ =	swait.ge [sflag:s30], $0x80  }
0x75: {  	[sflag:s30] =	ssyncset.done $0x0  }
0x76: {  	[sflag:s30] =	ssyncadd.s32 $0xFFFFFF80  }
0x77: {  	[tilespmem:s31], [sflag:$0x2] =	stream.indirect.gather [hbm4b:s5+s28], $0x80, s28, s28, $0xb8;
	[tilespmem:$0x1C200] =	vst v63  }
0x78: {  	_ =	swait.ge [sflag:s0], $0x4000  }
0x79: {  	[sflag:s0] =	ssyncset.done $0x0  }
0x7a: {  	[sflag:s0] =	ssyncadd.s32 $0xFFFFC000  }
0x7b: {  	_ =	swait.ge [sflag:s4], $0x80  }
0x7c: {  	[sflag:s4] =	ssyncset.done $0x0  }
0x7d: {  	[sflag:s4] =	ssyncadd.s32 $0xFFFFFF80  }
0x7e: {  	[spmem:s2] =	stream.indirect.scatter.add.f32 [tilespmem:s23], [sflag:$0x3], $0x80, s25, s28, $0xb8;
	[tilespmem:$0x1C200] =	vst v63  }
0x7f: {  	_ =	swait.ge [sflag:s7], $0x4000  }
0x80: {  	[sflag:s7] =	ssyncset.done $0x0  }
0x81: {  	[sflag:s7] =	ssyncadd.s32 $0xFFFFC000  }
0x82: {  	_ =	swait.ge [sflag:s14], $0x4000  }
0x83: {  	[sflag:s14] =	ssyncset.done $0x0  }
0x84: {  	[sflag:s14] =	ssyncadd.s32 $0xFFFFC000  }
0x85: {  	_ =	swait.ge [sflag:s13], $0x80  }
0x86: {  	[sflag:s13] =	ssyncset.done $0x0  }
0x87: {  	[sflag:s13] =	ssyncadd.s32 $0xFFFFFF80  }
0x88: {  	[spmem:s2] =	stream.indirect.scatter.add.f32 [tilespmem:s31], [sflag:$0x4], $0x80, s29, s28, $0xb8;
	[tilespmem:$0x1C200] =	vst v63  }
0x89: {  	_ =	swait.ge [sflag:s15], $0x4000  }
0x8a: {  	[sflag:s15] =	ssyncset.done $0x0  }
0x8b: {  	[sflag:s15] =	ssyncadd.s32 $0xFFFFC000  }
0x8c: {  	[bflag:$0x0] =	sbarrier.arrive $0xFFFF  }
0x8d: {  	[tilespmem:s23], [sflag:$0x9] =	stream.linear.gather [spmem:s8], $0x4000, $0x38;
	[tilespmem:$0x1C200] =	vst v63  }
0x8e: {  	_ =	swait.ge [sflag:s24], $0x4000  }
0x8f: {  	[sflag:s24] =	ssyncset.done $0x0  }
0x90: {  	s21 =	rddreg [dreg:$0xc];
	[sflag:s24] =	ssyncadd.s32 $0xFFFFC000  }
0x91: {  	[hbm4b:s21+s3] =	stream.linear.scatter [tilespmem:s23], [sflag:$0x9], $0x4000, $0x38;
	[tilespmem:$0x1C200] =	vst v63  }
0x92: {  	_ =	swait.ge [sflag:s24], $0x4000  }
0x93: {  	[sflag:s24] =	ssyncset.done $0x0  }
0x94: {  	[sflag:s24] =	ssyncadd.s32 $0xFFFFC000  }
0x95: {  	[tilespmem:s23], [sflag:$0x9] =	stream.linear.gather [spmem:s9], $0x4000, $0x38;
	[tilespmem:$0x1C200] =	vst v63  }
0x96: {  	_ =	swait.ge [sflag:s24], $0x4000  }
0x97: {  	[sflag:s24] =	ssyncset.done $0x0  }
0x98: {  	s18 =	rddreg [dreg:$0xd];
	[sflag:s24] =	ssyncadd.s32 $0xFFFFC000  }
0x99: {  	[hbm4b:s18+s3] =	stream.linear.scatter [tilespmem:s23], [sflag:$0x9], $0x4000, $0x38;
	[tilespmem:$0x1C200] =	vst v63  }
0x9a: {  	_ =	swait.ge [sflag:s24], $0x4000  }
0x9b: {  	[sflag:s24] =	ssyncset.done $0x0  }
0x9c: {  	[sflag:s24] =	ssyncadd.s32 $0xFFFFC000  }
0x9d: {  	[tilespmem:s23], [sflag:$0x9] =	stream.linear.gather [spmem:s10], $0x4000, $0x38;
	[tilespmem:$0x1C200] =	vst v63  }
0x9e: {  	_ =	swait.ge [sflag:s24], $0x4000  }
0x9f: {  	[sflag:s24] =	ssyncset.done $0x0  }
0xa0: {  	s19 =	rddreg [dreg:$0xe];
	[sflag:s24] =	ssyncadd.s32 $0xFFFFC000  }
0xa1: {  	[hbm4b:s19+s3] =	stream.linear.scatter [tilespmem:s23], [sflag:$0x9], $0x4000, $0x38;
	[tilespmem:$0x1C200] =	vst v63  }
0xa2: {  	_ =	swait.ge [sflag:s24], $0x4000  }
0xa3: {  	[sflag:s24] =	ssyncset.done $0x0  }
0xa4: {  	[sflag:s24] =	ssyncadd.s32 $0xFFFFC000  }
0xa5: {  	[tilespmem:s23], [sflag:$0x9] =	stream.linear.gather [spmem:s11], $0x4000, $0x38;
	[tilespmem:$0x1C200] =	vst v63  }
0xa6: {  	_ =	swait.ge [sflag:s24], $0x4000  }
0xa7: {  	[sflag:s24] =	ssyncset.done $0x0  }
0xa8: {  	s20 =	rddreg [dreg:$0xf];
	[sflag:s24] =	ssyncadd.s32 $0xFFFFC000  }
0xa9: {  	[hbm4b:s20+s3] =	stream.linear.scatter [tilespmem:s23], [sflag:$0x9], $0x4000, $0x38;
	[tilespmem:$0x1C200] =	vst v63  }
0xaa: {  	_ =	swait.ge [sflag:s24], $0x4000  }
0xab: {  	[sflag:s24] =	ssyncset.done $0x0  }
0xac: {  	[sflag:s24] =	ssyncadd.s32 $0xFFFFC000  }
0xad: {  	[tilespmem:s23], [sflag:$0x9] =	stream.linear.gather [spmem:s12], $0x4000, $0x38;
	[tilespmem:$0x1C200] =	vst v63  }
0xae: {  	s16 =	sadd.s32 $0x1, s16;
	_ =	swait.ge [sflag:s24], $0x4000  }
0xaf: {  	p0 =	sne.s32 s16, s22;
	[sflag:s24] =	ssyncset.done $0x0  }
.Ltmp1:
0xb0: {  	s21 =	rddreg [dreg:$0x10];
	[sflag:s24] =	ssyncadd.s32 $0xFFFFC000;
	(pc) =	sbr.rel @p0 .LBB2_1-.Ltmp1, $4  }
0xb1: {  	[hbm4b:s21+s3] =	stream.linear.scatter [tilespmem:s23], [sflag:$0x9], $0x4000, $0x38;
	[tilespmem:$0x1C200] =	vst v63  }
0xb2: {  	_ =	swait.ge [sflag:s24], $0x4000  }
0xb3: {  	[sflag:s24] =	ssyncset.done $0x0  }
0xb4: {  	[sflag:s24] =	ssyncadd.s32 $0xFFFFC000  }
0xb5: {  	_ =	sfence.sel $0x180000  }
0xb6: {  	[bflag:$0x0] =	sbarrier.arrive $0xFFFF  }
0xb7: {  	_ =	strace $0x9000004A  }
0xb8: {  	s0 =	stileid.u32;
	[bflag:$0x2] =	sbarrier.arrive $0xFFFF  }
0xb9: {  	p0 =	sne.s32 s0, $0x0;
	s0 =	rddreg [dreg:$0x4]  }
0xba: {  	s0 =	sadd.s32 @!p0 $0x100000, s0  }
0xbb: {  	[sflag:s0] =	ssyncadd.tile.s32 @!p0 $0x1;
	_ =	shalt  }
.Lfunc_end2:
_tile_overlayer_lowered:
.L_overlay_start_2:
0xbc: {  	(tag) =	ssettag $0x2  }
0xbd: {  	s0 =	rddreg [dreg:$0x0];
	s2 =	stileid.u32  }
0xbe: {  	s1 =	rddreg [dreg:$0x1];
	p0 =	sne.s32 s2, $0x0  }
0xbf: {  	s3 =	rddreg [dreg:$0x2];
	[bflag:$0x3] =	sbarrier.arrive $0xFFFF;
	s2 =	simm.s32 @!p0 $0x1C09  }
0xc0: {  	[timem:s3], [sflag:s2] =	dma.local @!p0 [hbm:s0], s1  }
0xc1: {  	s0 =	simm.s32 @!p0 $0x9  }
0xc2: {  	_ =	swait.ge @!p0 [sflag:s0], s1  }
0xc3: {  	s1 =	ssub.s32 @!p0 $0x0, s1;
	[sflag:s0] =	ssyncset.done @!p0 $0x0  }
0xc4: {  	[sflag:s0] =	ssyncadd.s32 @!p0 s1  }
0xc5: {  	[bflag:$0x3] =	sbarrier.arrive $0xFFFF  }
0xc6: {  	_ =	shalt  }

// kernel: kernel.18.cloned.1.call-start
scs
__scs_entry_jumppad:
0x0: {  	(pc) =	sbr.rel $0x88, $3  }
0x1: {  	(tag) =	ssettag $0x0;
	lr =	simm.s32 $0x1  }
0x2: {  	[smem:$0x3F90] =	sst lr;
	_ =	strace $0xD0000000  }
0x3: {  	_ = 	snop  }
0x4: {  	_ = 	snop  }
0x5: {  	_ = 	snop  }
0x6: {  	_ = 	snop  }
0x7: {  	_ = 	snop  }
__scs_overlays_trampoline_lowered:
0x8: {  	[smem:$0x3F9F] =	sst s0  }
0x9: {  	[smem:$0x3FA0] =	sst s1  }
0xa: {  	[smem:$0x3FA1] =	sst s2  }
0xb: {  	[smem:$0x3FA2] =	sst s3  }
0xc: {  	[smem:$0x3FA3] =	sst s4  }
0xd: {  	[smem:$0x3FA4] =	sst s5  }
0xe: {  	[smem:$0x3FA5] =	sst s6  }
0xf: {  	[smem:$0x3FA6] =	sst s7  }
0x10: {  	[smem:$0x3FA7] =	sst s8  }
0x11: {  	[smem:$0x3FA8] =	sst s9;
	s0 =	simm.s32 @!p0 $0x0  }
0x12: {  	s1 =	sld [smem:$0x3F8E];
	s0 =	simm.s32 @p0 $0x1  }
0x13: {  	[smem:$0x3FA9] =	sst s0;
	s0 =	simm.s32 @!p1 $0x0  }
0x14: {  	s2 =	sld [smem:$0x3F8D];
	s0 =	simm.s32 @p1 $0x1  }
0x15: {  	[smem:$0x3FAA] =	sst s0;
	s0 =	simm.s32 @!p2 $0x0  }
0x16: {  	s3 =	sld [smem:$0x3FDB];
	s0 =	simm.s32 @p2 $0x1  }
0x17: {  	s4 =	simm.s32 $0x1BF5;
	[smem:$0x3FAC] =	sst s0  }
0x18: {  	s0 =	sld [smem:$0x3F8F];
	_ =	swait.ge [sflag:s4], $0x0  }
0x19: {  	s7 =	sld [smem:$0x3F90]  }
0x1a: {  	s8 =	sadd.s32 $0xFFFFE003, lr  }
0x1b: {  	s9 =	sadd.s32 $0xFFFFFEF7, lr;
	s5 =	simm.s32 $0xFFFFFFFF;
	p2 =	slt.u32 s8, $0xFFFFF086  }
0x1c: {  	p1 =	slt.u32 s9, $0xF7A;
	s5 =	simm.s32 @!p2 $0x0  }
0x1d: {  	s5 =	simm.s32 @p1 $0x1;
	p0 =	seq.s32 s7, s2  }
0x1e: {  	s7 =	smul.u32 @!p0 $0xF7A, s2;
	p2 =	seq.s32 @!p0 s5, $0x0  }
0x1f: {  	s9 =	smul.u32 $0xF7A, s1;
	s8 =	simm.s32 @!p0 $0x1BF5;
	p2 =	por !p2, p0  }
0x20: {  	[sflag:s8] =	ssyncset.s32 @!p0 $0xFFFFF086;
	s6 =	sadd.s32 @!p0 s3, s7;
	s7 =	simm.s32 @!p0 $0x108  }
0x21: {  	s3 =	sadd.s32 s3, s9;
	s6 =	sadd.s32 @!p0 $0x88, s6;
	s7 =	simm.s32 @p2 $0x1082  }
0x22: {  	[simem:s7], [sflag:s8] =	dma.local @!p0 [hbm:s6], $0xF7A  }
0x23: {  	s9 =	sor.u32 $0xD0000000, s2;
	s6 =	simm.s32 $0x108;
	_ =	swait.ge @!p0 [sflag:s8], $0x0  }
0x24: {  	s3 =	sadd.s32 $0x88, s3;
	s6 =	simm.s32 @!p1 $0x1082;
	[sflag:s4] =	ssyncset.s32 $0xFFFFF086  }
0x25: {  	[simem:s6], [sflag:s4] =	dma.local [hbm:s3], $0xF7A  }
0x26: {  	[smem:$0x3F90] =	sst s1;
	(tag) =	ssettag s2;
	_ =	strace s9  }
0x27: {  	s1 =	sld [smem:$0x3FA0]  }
0x28: {  	s2 =	sld [smem:$0x3FA1]  }
0x29: {  	s4 =	sld [smem:$0x3FA3]  }
0x2a: {  	p0 =	seq.s32 s5, $0x0;
	s5 =	sld [smem:$0x3FA4]  }
0x2b: {  	s6 =	sld [smem:$0x3FA5]  }
0x2c: {  	s7 =	sld [smem:$0x3FA6]  }
0x2d: {  	s3 =	simm.s32 $0x108;
	s8 =	sld [smem:$0x3FA7]  }
0x2e: {  	s3 =	simm.s32 @!p0 $0x1082;
	s9 =	sld [smem:$0x3FA8]  }
0x2f: {  	lr =	sadd.s32 s0, s3;
	s0 =	sld [smem:$0x3F9F]  }
0x30: {  	s3 =	sld [smem:$0x3FA2]  }
0x31: {  	[smem:$0x3FAB] =	sst s10  }
0x32: {  	s10 =	sld [smem:$0x3FA9];
	_ =	sdelay $0x3  }
0x33: {  	p0 =	seq.s32 s10, $0x1;
	s10 =	sld [smem:$0x3FAB];
	_ =	sdelay $0x3  }
0x34: {  	[smem:$0x3FAB] =	sst s10  }
0x35: {  	s10 =	sld [smem:$0x3FAA];
	_ =	sdelay $0x3  }
0x36: {  	p1 =	seq.s32 s10, $0x1;
	s10 =	sld [smem:$0x3FAB];
	_ =	sdelay $0x3  }
0x37: {  	[smem:$0x3FAB] =	sst s10  }
0x38: {  	s10 =	sld [smem:$0x3FAC]  }
0x39: {  	_ = 	snop;
	(pc) =	sbr.ind lr, $3  }
0x3a: {  	_ = 	snop  }
0x3b: {  	_ = 	snop  }
0x3c: {  	p2 =	seq.s32 s10, $0x1;
	s10 =	sld [smem:$0x3FAB]  }
0x3d: {  	_ =	shalt  }
0x3e: {  	_ =	shalt  }
0x3f: {  	_ =	shalt  }
0x40: {  	_ =	shalt  }
0x41: {  	_ =	shalt  }
0x42: {  	_ =	shalt  }
0x43: {  	_ =	shalt  }
0x44: {  	_ =	shalt  }
0x45: {  	_ =	shalt  }
0x46: {  	_ =	shalt  }
0x47: {  	_ =	shalt  }
0x48: {  	_ =	shalt  }
0x49: {  	_ =	shalt  }
0x4a: {  	_ =	shalt  }
0x4b: {  	_ =	shalt  }
0x4c: {  	_ =	shalt  }
0x4d: {  	_ =	shalt  }
0x4e: {  	_ =	shalt  }
0x4f: {  	_ =	shalt  }
0x50: {  	_ =	shalt  }
0x51: {  	_ =	shalt  }
0x52: {  	_ =	shalt  }
0x53: {  	_ =	shalt  }
0x54: {  	_ =	shalt  }
0x55: {  	_ =	shalt  }
0x56: {  	_ =	shalt  }
0x57: {  	_ =	shalt  }
0x58: {  	_ =	shalt  }
0x59: {  	_ =	shalt  }
0x5a: {  	_ =	shalt  }
0x5b: {  	_ =	shalt  }
0x5c: {  	_ =	shalt  }
0x5d: {  	_ =	shalt  }
0x5e: {  	_ =	shalt  }
0x5f: {  	_ =	shalt  }
0x60: {  	_ =	shalt  }
0x61: {  	_ =	shalt  }
0x62: {  	_ =	shalt  }
0x63: {  	_ =	shalt  }
0x64: {  	_ =	shalt  }
0x65: {  	_ =	shalt  }
0x66: {  	_ =	shalt  }
0x67: {  	_ =	shalt  }
0x68: {  	_ =	shalt  }
0x69: {  	_ =	shalt  }
0x6a: {  	_ =	shalt  }
0x6b: {  	_ =	shalt  }
0x6c: {  	_ =	shalt  }
0x6d: {  	_ =	shalt  }
0x6e: {  	_ =	shalt  }
0x6f: {  	_ =	shalt  }
0x70: {  	_ =	shalt  }
0x71: {  	_ =	shalt  }
0x72: {  	_ =	shalt  }
0x73: {  	_ =	shalt  }
0x74: {  	_ =	shalt  }
0x75: {  	_ =	shalt  }
0x76: {  	_ =	shalt  }
0x77: {  	_ =	shalt  }
0x78: {  	_ =	shalt  }
0x79: {  	_ =	shalt  }
0x7a: {  	_ =	shalt  }
0x7b: {  	_ =	shalt  }
0x7c: {  	_ =	shalt  }
0x7d: {  	_ =	shalt  }
0x7e: {  	_ =	shalt  }
0x7f: {  	_ =	shalt  }
0x80: {  	_ =	shalt  }
0x81: {  	_ =	shalt  }
0x82: {  	_ =	shalt  }
0x83: {  	_ =	shalt  }
0x84: {  	_ =	shalt  }
0x85: {  	_ =	shalt  }
0x86: {  	_ =	shalt  }
0x87: {  	_ =	shalt  }
.Lfunc_end0:
.L_simem_size_0:
called_computation.2_lowered:
.L_overlay_start_0:
0x88: {  	s2 =	sld [smem:$0x3FD9]  }
0x89: {  	s3 =	sld [smem:$0x3FFE];
	_ =	sdelay $0x1  }
0x8a: {  	s1 =	srdreg.scid  }
0x8b: {  	s0 =	sand.u32 $0x1, s1  }
0x8c: {  	s14 =	sshll.u32 s0, $0xA;
	s2 =	sadd.s32 s3, s2  }
0x8d: {  	s2 =	sadd.s32 s2, s14  }
0x8e: {  	[smem:$0x3FB7] =	sst s2  }
0x8f: {  	_ = 	snop  }
0x90: {  	s2 =	sld [smem:$0x3FD0];
	_ =	sdelay $0x2  }
0x91: {  	s15 =	simm.s32 $0xA;
	s4 =	simm.s32 $0x10  }
0x92: {  	[smem:s4], [sflag:s15] =	dma.local [hbm:s2], $0x1  }
0x93: {  	_ =	swait.eq [sflag:s15], $0x1  }
0x94: {  	[sflag:s15] =	ssyncset.done $0x0  }
0x95: {  	s16 =	sld [smem:$0x10];
	[sflag:s15] =	ssyncadd.s32 $0xFFFFFFFF  }
0x96: {  	s17 =	sld [smem:$0x11];
	(tm) =	ssettm $0x1  }
0x97: {  	s18 =	sld [smem:$0x3FFB];
	_ =	sdelay $0x3  }
0x98: {  	_ =	strace s18  }
0x99: {  	s4 =	sld [smem:$0x3FFC];
	_ =	sdelay $0x3  }
0x9a: {  	_ =	strace s4  }
0x9b: {  	s4 =	sld [smem:$0x3FFD];
	_ =	sdelay $0x3  }
0x9c: {  	_ =	strace s4  }
0x9d: {  	_ =	strace $0x8FFFFFFF  }
0x9e: {  	s19 =	sld [smem:$0x3FDB];
	_ =	sdelay $0x1  }
0x9f: {  	s5 =	simm.s32 $_scs_section_size  }
0xa0: {  	s6 =	simm.s32 $_size__tile_overlayer_lowered;
	s7 =	simm.s32 $_tile_overlayer_lowered  }
0xa1: {  	s22 =	simm.s32 $0x1BFF;
	s21 =	sshll.u32 s7, $0x1;
	s4 =	sadd.s32 s5, s19  }
0xa2: {  	s8 =	simm.s32 $0x0;
	s20 =	sshll.u32 s6, $0x1;
	s6 =	sadd.s32 s21, s4  }
0xa3: {  	[timem:s8], [sflag:s22] =	dma.local [hbm:s6], s20  }
0xa4: {  	_ =	swait.ge [sflag:s22], s20  }
0xa5: {  	s5 =	ssub.s32 $0x0, s20;
	[sflag:s22] =	ssyncset.done $0x0  }
0xa6: {  	[sflag:s22] =	ssyncadd.s32 s5;
	_ =	sdelay $0x1  }
0xa7: {  	s23 =	simm.s32 $0x1B8B  }
0xa8: {  	_ =	swait.ge [sflag:s23], $0x1  }
0xa9: {  	[sflag:s23] =	ssyncset.done $0x0  }
0xaa: {  	s25 =	simm.s32 $0x1B8E;
	s24 =	sld [smem:$0x3FFE];
	[sflag:s23] =	ssyncadd.s32 $0xFFFFFFFF  }
0xab: {  	s26 =	simm.s32 $execute0_lowered;
	[smem:$0x3FD2] =	sst s25  }
0xac: {  	s6 =	sshll.u32 s26, $0x1;
	_ =	strace $0x8000004C;
	[dreg:$0x1] =	wrdreg $0xFFFFFFFF  }
0xad: {  	s28 =	simm.s32 $_size_execute0_lowered;
	s4 =	sadd.s32 s4, s6;
	[dreg:$0x0] =	wrdreg $0x0  }
0xae: {  	s6 =	sshll.u32 s28, $0x1;
	[dreg:$0x2] =	wrdreg s4  }
0xaf: {  	[dreg:$0x3] =	wrdreg s6  }
0xb0: {  	[dreg:$0x4] =	wrdreg $0xC0  }
0xb1: {  	_ =	task [dreg:s8], $0x5FFFF  }
0xb2: {  	[dreg:$0x1] =	wrdreg $0xFFFFFFFF  }
0xb3: {  	[dreg:$0x0] =	wrdreg $0x60  }
0xb4: {  	[dreg:$0x2] =	wrdreg s24  }
0xb5: {  	[dreg:$0x3] =	wrdreg s16  }
0xb6: {  	[dreg:$0x4] =	wrdreg s17  }
0xb7: {  	[dreg:$0x5] =	wrdreg $0x82000  }
0xb8: {  	[dreg:$0x6] =	wrdreg $0x9  }
0xb9: {  	_ =	task.clear_ibuf [dreg:s8], $0x7FFFF;
	_ =	strace $0x9000004C  }
0xba: {  	s29 =	simm.s32 $0x9;
	_ =	strace $0x8000004E  }
0xbb: {  	_ =	swait.ge [sflag:s29], $0x1  }
0xbc: {  	[sflag:s29] =	ssyncadd.s32 $0xFFFFFFFF  }
0xbd: {  	_ =	strace $0x9000004E  }
0xbe: {  	_ =	sfence  }
0xbf: {  	s30 =	sld [smem:$0x0];
	_ =	sdelay $0x2  }
0xc0: {  	s31 =	sshll.u32 s1, $0xD;
	s1 =	sshrl.u32 s1, $0x2  }
0xc1: {  	s3 =	sand.u32 $0x4000, s31;
	s1 =	sadd.s32 s1, s30  }
0xc2: {  	s0 =	sor.u32 s3, s0;
	s1 =	sshll.u32 s1, $0x11  }
0xc3: {  	s0 =	sor.u32 s1, s0  }
0xc4: {  	s0 =	sadd.s32 $0x8F2B, s0  }
0xc5: {  	[sflag:s0] =	ssyncadd.remote.s32 $0x1  }
0xc6: {  	_ =	sfence.sel $0xFFFF  }
0xc7: {  	[dreg:$0x0] =	wrdreg $0xFFFFFFFF;
	(pc) =	sbr.abs _section_cstart, $3  }
0xc8: {  	[dreg:$0x1] =	wrdreg $0xFFFFFFFF  }
0xc9: {  	_ =	task.clear_ibuf [dreg:s8], $0x2FFFF;
	_ =	strace $0x9FFFFFFF  }
0xca: {  	(tm) =	ssettm $0x7FFFFFFF  }
0xcb: {  	_ =	shalt  }
tec
execute0_lowered:
.L_overlay_start_1:
0x0: {  	(tag) =	ssettag $0x1  }
0x1: {  	s0 =	rddreg [dreg:$0x0]  }
0x2: {  	s1 =	rddreg [dreg:$0x1]  }
0x3: {  	s4 =	rddreg [dreg:$0x2]  }
0x4: {  	s2 =	rddreg [dreg:$0x3];
	s3 =	simm.s32 $0x0;
	s6 =	srdreg.scid  }
0x5: {  	s11 =	stileid.u32;
	s13 =	simm.s32 $0x78;
	s28 =	simm.s32 $0x80  }
0x6: {  	s29 =	simm.s32 $0x180;
	s30 =	simm.s32 $0x6;
	s9 =	smul.u32 $0x78, s11  }
0x7: {  	s31 =	simm.s32 $0x4200;
	[smem:$0x7FF] =	sst s3;
	s10 =	smul.u32 $0x28, s11  }
0x8: {  	s5 =	sadd.s32 $0x10800, s0;
	s7 =	sand.u32 $0x1, s6;
	s25 =	smul.u32 $0x50000, s11  }
0x9: {  	s6 =	sadd.s32 $0x6000, s0;
	s0 =	sadd.s32 $0x10000, s0;
	s15 =	smul.u32 $0x14000, s11  }
0xa: {  	_ =	strace $0x8000004D;
	s8 =	ssub.s32 $0x2, s7;
	[dreg:$0x7] =	wrdreg s0  }
0xb: {  	p0 =	seq.s32 s7, $0x0;
	s7 =	smul.u32 $0x140000, s7;
	s24 =	sshrl.u32 s8, $0x1  }
0xc: {  	s14 =	sadd.s32 $0x780, s10;
	s13 =	simm.s32 @!p0 $0x28;
	s16 =	sadd.s32 $0x4000, s15  }
0xd: {  	s17 =	sadd.s32 $0x8000, s15;
	s18 =	sadd.s32 $0xC000, s15;
	s19 =	sadd.s32 $0x10000, s15  }
0xe: {  	s0 =	ssub.s32 s8, s24;
	s14 =	smov.u32 @p0 s9;
	s8 =	sshrl.u32 s25, $0x2  }
0xf: {  	s9 =	sadd.s32 s16, s2;
	s10 =	sadd.s32 s17, s2;
	s11 =	sadd.s32 s18, s2  }
0x10: {  	s12 =	sadd.s32 s19, s2;
	s15 =	sadd.s32 s15, s7;
	s16 =	sadd.s32 s7, s16  }
0x11: {  	s17 =	sadd.s32 s7, s17;
	s21 =	sadd.s32 s7, s18;
	s7 =	sadd.s32 s7, s19  }
0x12: {  	s8 =	sadd.s32 s8, s2;
	s20 =	sshll.u32 s14, $0x4;
	s26 =	sadd.s32 s14, s13  }
0x13: {  	s15 =	sshrl.u32 s15, $0x3;
	s16 =	sshrl.u32 s16, $0x3;
	s23 =	sshrl.u32 s17, $0x3  }
0x14: {  	s24 =	sshrl.u32 s21, $0x3;
	s22 =	sadd.s32 s1, s20;
	s20 =	sadd.s32 s6, s20  }
0x15: {  	s13 =	sshll.u32 s13, $0x7;
	s7 =	sshrl.u32 s7, $0x3;
	[dreg:$0x9] =	wrdreg s20  }
0x16: {  	s15 =	sadd.s32 s4, s15;
	s25 =	sadd.s32 s4, s24;
	[dreg:$0x8] =	wrdreg s22  }
0x17: {  	s13 =	sadd.s32 $0xFFFFFF00, s13;
	s24 =	simm.s32 $0x9;
	[dreg:$0xc] =	wrdreg s15  }
0x18: {  	s19 =	sadd.s32 $0x10, s22;
	s20 =	sshll.u32 s26, $0x4;
	[dreg:$0xf] =	wrdreg s25  }
0x19: {  	s22 =	sadd.s32 s4, s16;
	s15 =	sadd.s32 s4, s23;
	[dreg:$0x5] =	wrdreg s13  }
0x1a: {  	s26 =	sshll.u32 s14, $0x7;
	s4 =	sadd.s32 s4, s7;
	[dreg:$0xa] =	wrdreg s19  }
0x1b: {  	s23 =	simm.s32 $0x200;
	s25 =	simm.s32 $0x100;
	[dreg:$0xd] =	wrdreg s22  }
0x1c: {  	s7 =	simm.s32 $0x3;
	s14 =	simm.s32 $0x2;
	[dreg:$0xe] =	wrdreg s15  }
0x1d: {  	s13 =	simm.s32 $0x8;
	s16 =	simm.s32 $0x0;
	[dreg:$0x10] =	wrdreg s4  }
0x1e: {  	s18 =	sadd.s32 s6, s20;
	s22 =	smax.u32 s0, $0x1;
	[dreg:$0x6] =	wrdreg s26  }
0x1f: {  	s26 =	simm.s32 $0x5;
	s0 =	simm.s32 $0x1;
	s18 =	sadd.s32 $0xFFFFFFF0, s18  }
0x20: {  	s4 =	simm.s32 $0x7;
	s15 =	simm.s32 $0x4;
	[dreg:$0xb] =	wrdreg s18  }
.LBB2_1:
0x21: {  	s17 =	rddreg [dreg:$0x7]  }
0x22: {  	[tilespmem:s23], [sflag:$0x9] =	stream.linear.gather [hbm4b:s17+s3], $0x4000, $0x38;
	[tilespmem:$0x1C200] =	vst v63  }
0x23: {  	_ =	swait.ge [sflag:s24], $0x4000  }
0x24: {  	[sflag:s24] =	ssyncset.done $0x0  }
0x25: {  	[sflag:s24] =	ssyncadd.s32 $0xFFFFC000  }
0x26: {  	[spmem:s8] =	stream.linear.scatter [tilespmem:s23], [sflag:$0x9], $0x4000, $0x38;
	[tilespmem:$0x1C200] =	vst v63  }
0x27: {  	_ =	swait.ge [sflag:s24], $0x4000  }
0x28: {  	[sflag:s24] =	ssyncset.done $0x0  }
0x29: {  	[sflag:s24] =	ssyncadd.s32 $0xFFFFC000  }
0x2a: {  	[spmem:s9] =	stream.linear.scatter [tilespmem:s23], [sflag:$0x9], $0x4000, $0x38;
	[tilespmem:$0x1C200] =	vst v63  }
0x2b: {  	_ =	swait.ge [sflag:s24], $0x4000  }
0x2c: {  	[sflag:s24] =	ssyncset.done $0x0  }
0x2d: {  	[sflag:s24] =	ssyncadd.s32 $0xFFFFC000  }
0x2e: {  	[spmem:s10] =	stream.linear.scatter [tilespmem:s23], [sflag:$0x9], $0x4000, $0x38;
	[tilespmem:$0x1C200] =	vst v63  }
0x2f: {  	_ =	swait.ge [sflag:s24], $0x4000  }
0x30: {  	[sflag:s24] =	ssyncset.done $0x0  }
0x31: {  	[sflag:s24] =	ssyncadd.s32 $0xFFFFC000  }
0x32: {  	[spmem:s11] =	stream.linear.scatter [tilespmem:s23], [sflag:$0x9], $0x4000, $0x38;
	[tilespmem:$0x1C200] =	vst v63  }
0x33: {  	_ =	swait.ge [sflag:s24], $0x4000  }
0x34: {  	[sflag:s24] =	ssyncset.done $0x0  }
0x35: {  	[sflag:s24] =	ssyncadd.s32 $0xFFFFC000  }
0x36: {  	[spmem:s12] =	stream.linear.scatter [tilespmem:s23], [sflag:$0x9], $0x4000, $0x38;
	[tilespmem:$0x1C200] =	vst v63  }
0x37: {  	_ =	swait.ge [sflag:s24], $0x4000  }
0x38: {  	[sflag:s24] =	ssyncset.done $0x0  }
0x39: {  	[sflag:s24] =	ssyncadd.s32 $0xFFFFC000  }
0x3a: {  	[bflag:$0x0] =	sbarrier.arrive $0xFFFF  }
0x3b: {  	s19 =	rddreg [dreg:$0x8]  }
0x3c: {  	[tilespmem:s3], [sflag:$0x5] =	stream.linear.gather [hbm4b:s19+s3], $0x80, $0x38;
	[tilespmem:$0x1C200] =	vst v63  }
0x3d: {  	s20 =	rddreg [dreg:$0x9]  }
0x3e: {  	[tilespmem:s25], [sflag:$0x7] =	stream.linear.gather [hbm4b:s20+s3], $0x80, $0x38;
	[tilespmem:$0x1C200] =	vst v63  }
0x3f: {  	_ =	swait.ge [sflag:s26], $0x80  }
0x40: {  	[sflag:s26] =	ssyncset.done $0x0  }
0x41: {  	[sflag:s26] =	ssyncadd.s32 $0xFFFFFF80  }
0x42: {  	[tilespmem:s23], [sflag:$0x1] =	stream.indirect.gather [hbm4b:s5+s28], $0x80, s3, s28, $0xb8;
	[tilespmem:$0x1C200] =	vst v63  }
0x43: {  	s17 =	simm.s32 $0x0;
	s21 =	rddreg [dreg:$0xa]  }
0x44: {  	[tilespmem:s28], [sflag:$0x6] =	stream.linear.gather [hbm4b:s21+s3], $0x80, $0x38;
	[tilespmem:$0x1C200] =	vst v63  }
.LBB2_2:
0x45: {  	p0 =	seq.s32 s17, $0x0  }
0x46: {  	s18 =	simm.s32 @!p0 $0x4  }
0x47: {  	_ =	swait.ge @!p0 [sflag:s18], $0x4000  }
0x48: {  	s19 =	rddreg [dreg:$0x6]  }
0x49: {  	s19 =	sadd.s32 s17, s19  }
0x4a: {  	s21 =	sand.u32 $0x300, s17;
	s20 =	sand.u32 $0xFFFFFC00, s19  }
0x4b: {  	s20 =	sor.u32 s20, s21  }
0x4c: {  	s20 =	sor.u32 $0x80, s20  }
0x4d: {  	[sflag:s18] =	ssyncset.done @!p0 $0x0;
	s20 =	sshrl.u32 s20, $0x3  }
0x4e: {  	[sflag:s18] =	ssyncadd.s32 @!p0 $0xFFFFC000;
	s20 =	sadd.s32 s6, s20  }
0x4f: {  	[tilespmem:s29], [sflag:$0x8] =	stream.linear.gather [hbm4b:s20+s3], $0x80, $0x38;
	[tilespmem:$0x1C200] =	vst v63  }
0x50: {  	_ =	swait.ge [sflag:s30], $0x80  }
0x51: {  	s21 =	sadd.s32 $0x100, s19;
	s20 =	sadd.s32 $0x100, s17;
	[sflag:s30] =	ssyncset.done $0x0  }
0x52: {  	s18 =	sand.u32 $0xFFFFFC00, s21;
	s21 =	sand.u32 $0x300, s20;
	[sflag:s30] =	ssyncadd.s32 $0xFFFFFF80  }
0x53: {  	[tilespmem:s31], [sflag:$0x2] =	stream.indirect.gather [hbm4b:s5+s28], $0x80, s28, s28, $0xb8;
	[tilespmem:$0x1C200] =	vst v63  }
0x54: {  	s18 =	sor.u32 s21, s18;
	_ =	swait.ge [sflag:s0], $0x4000  }
0x55: {  	s18 =	sshrl.u32 s18, $0x3;
	[sflag:s0] =	ssyncset.done $0x0  }
0x56: {  	s21 =	sadd.s32 s1, s18;
	[sflag:s0] =	ssyncadd.s32 $0xFFFFC000  }
0x57: {  	[tilespmem:s3], [sflag:$0x5] =	stream.linear.gather [hbm4b:s21+s3], $0x80, $0x38;
	[tilespmem:$0x1C200] =	vst v63  }
0x58: {  	_ =	swait.ge [sflag:s4], $0x80  }
0x59: {  	[sflag:s4] =	ssyncset.done $0x0  }
0x5a: {  	[sflag:s4] =	ssyncadd.s32 $0xFFFFFF80  }
0x5b: {  	[spmem:s2] =	stream.indirect.scatter.add.f32 [tilespmem:s23], [sflag:$0x3], $0x80, s25, s28, $0xb8;
	[tilespmem:$0x1C200] =	vst v63  }
0x5c: {  	_ =	swait.ge [sflag:s7], $0x4000  }
0x5d: {  	[sflag:s7] =	ssyncset.done $0x0  }
0x5e: {  	s18 =	sadd.s32 s6, s18;
	[sflag:s7] =	ssyncadd.s32 $0xFFFFC000  }
0x5f: {  	[tilespmem:s25], [sflag:$0x7] =	stream.linear.gather [hbm4b:s18+s3], $0x80, $0x38;
	[tilespmem:$0x1C200] =	vst v63  }
0x60: {  	_ =	swait.ge [sflag:s26], $0x80  }
0x61: {  	s21 =	sadd.s32 $0x180, s19;
	s19 =	sadd.s32 $0x180, s17;
	[sflag:s26] =	ssyncset.done $0x0  }
0x62: {  	s17 =	sand.u32 $0x380, s19;
	s18 =	sand.u32 $0xFFFFFC00, s21;
	[sflag:s26] =	ssyncadd.s32 $0xFFFFFF80  }
0x63: {  	[tilespmem:s23], [sflag:$0x1] =	stream.indirect.gather [hbm4b:s5+s28], $0x80, s3, s28, $0xb8;
	[tilespmem:$0x1C200] =	vst v63  }
0x64: {  	s17 =	sor.u32 s17, s18;
	_ =	swait.ge [sflag:s14], $0x4000  }
0x65: {  	s17 =	sshrl.u32 s17, $0x3;
	[sflag:s14] =	ssyncset.done $0x0  }
0x66: {  	s17 =	sadd.s32 s1, s17;
	[sflag:s14] =	ssyncadd.s32 $0xFFFFC000  }
0x67: {  	[tilespmem:s28], [sflag:$0x6] =	stream.linear.gather [hbm4b:s17+s3], $0x80, $0x38;
	[tilespmem:$0x1C200] =	vst v63  }
0x68: {  	_ =	swait.ge [sflag:s13], $0x80  }
0x69: {  	s21 =	rddreg [dreg:$0x5]  }
0x6a: {  	p0 =	sne.s32 s21, s20  }
.Ltmp0:
0x6b: {  	_ = 	snop;
	(pc) =	sbr.rel @p0 .LBB2_2-.Ltmp0, $4  }
0x6c: {  	_ = 	snop  }
0x6d: {  	[sflag:s13] =	ssyncset.done $0x0  }
0x6e: {  	s17 =	smov.u32 s20;
	[sflag:s13] =	ssyncadd.s32 $0xFFFFFF80  }
0x6f: {  	[spmem:s2] =	stream.indirect.scatter.add.f32 [tilespmem:s31], [sflag:$0x4], $0x80, s29, s28, $0xb8;
	[tilespmem:$0x1C200] =	vst v63  }
0x70: {  	_ =	swait.ge [sflag:s15], $0x4000  }
0x71: {  	[sflag:s15] =	ssyncset.done $0x0  }
0x72: {  	s17 =	rddreg [dreg:$0xb];
	[sflag:s15] =	ssyncadd.s32 $0xFFFFC000  }
0x73: {  	[tilespmem:s29], [sflag:$0x8] =	stream.linear.gather [hbm4b:s17+s3], $0x80, $0x38;
	[tilespmem:$0x1C200] =	vst v63  }
0x74: {  	_ =	swait.ge [sflag:s30], $0x80  }
0x75: {  	[sflag:s30] =	ssyncset.done $0x0  }
0x76: {  	[sflag:s30] =	ssyncadd.s32 $0xFFFFFF80  }
0x77: {  	[tilespmem:s31], [sflag:$0x2] =	stream.indirect.gather [hbm4b:s5+s28], $0x80, s28, s28, $0xb8;
	[tilespmem:$0x1C200] =	vst v63  }
0x78: {  	_ =	swait.ge [sflag:s0], $0x4000  }
0x79: {  	[sflag:s0] =	ssyncset.done $0x0  }
0x7a: {  	[sflag:s0] =	ssyncadd.s32 $0xFFFFC000  }
0x7b: {  	_ =	swait.ge [sflag:s4], $0x80  }
0x7c: {  	[sflag:s4] =	ssyncset.done $0x0  }
0x7d: {  	[sflag:s4] =	ssyncadd.s32 $0xFFFFFF80  }
0x7e: {  	[spmem:s2] =	stream.indirect.scatter.add.f32 [tilespmem:s23], [sflag:$0x3], $0x80, s25, s28, $0xb8;
	[tilespmem:$0x1C200] =	vst v63  }
0x7f: {  	_ =	swait.ge [sflag:s7], $0x4000  }
0x80: {  	[sflag:s7] =	ssyncset.done $0x0  }
0x81: {  	[sflag:s7] =	ssyncadd.s32 $0xFFFFC000  }
0x82: {  	_ =	swait.ge [sflag:s14], $0x4000  }
0x83: {  	[sflag:s14] =	ssyncset.done $0x0  }
0x84: {  	[sflag:s14] =	ssyncadd.s32 $0xFFFFC000  }
0x85: {  	_ =	swait.ge [sflag:s13], $0x80  }
0x86: {  	[sflag:s13] =	ssyncset.done $0x0  }
0x87: {  	[sflag:s13] =	ssyncadd.s32 $0xFFFFFF80  }
0x88: {  	[spmem:s2] =	stream.indirect.scatter.add.f32 [tilespmem:s31], [sflag:$0x4], $0x80, s29, s28, $0xb8;
	[tilespmem:$0x1C200] =	vst v63  }
0x89: {  	_ =	swait.ge [sflag:s15], $0x4000  }
0x8a: {  	[sflag:s15] =	ssyncset.done $0x0  }
0x8b: {  	[sflag:s15] =	ssyncadd.s32 $0xFFFFC000  }
0x8c: {  	[bflag:$0x0] =	sbarrier.arrive $0xFFFF  }
0x8d: {  	[tilespmem:s23], [sflag:$0x9] =	stream.linear.gather [spmem:s8], $0x4000, $0x38;
	[tilespmem:$0x1C200] =	vst v63  }
0x8e: {  	_ =	swait.ge [sflag:s24], $0x4000  }
0x8f: {  	[sflag:s24] =	ssyncset.done $0x0  }
0x90: {  	s21 =	rddreg [dreg:$0xc];
	[sflag:s24] =	ssyncadd.s32 $0xFFFFC000  }
0x91: {  	[hbm4b:s21+s3] =	stream.linear.scatter [tilespmem:s23], [sflag:$0x9], $0x4000, $0x38;
	[tilespmem:$0x1C200] =	vst v63  }
0x92: {  	_ =	swait.ge [sflag:s24], $0x4000  }
0x93: {  	[sflag:s24] =	ssyncset.done $0x0  }
0x94: {  	[sflag:s24] =	ssyncadd.s32 $0xFFFFC000  }
0x95: {  	[tilespmem:s23], [sflag:$0x9] =	stream.linear.gather [spmem:s9], $0x4000, $0x38;
	[tilespmem:$0x1C200] =	vst v63  }
0x96: {  	_ =	swait.ge [sflag:s24], $0x4000  }
0x97: {  	[sflag:s24] =	ssyncset.done $0x0  }
0x98: {  	s18 =	rddreg [dreg:$0xd];
	[sflag:s24] =	ssyncadd.s32 $0xFFFFC000  }
0x99: {  	[hbm4b:s18+s3] =	stream.linear.scatter [tilespmem:s23], [sflag:$0x9], $0x4000, $0x38;
	[tilespmem:$0x1C200] =	vst v63  }
0x9a: {  	_ =	swait.ge [sflag:s24], $0x4000  }
0x9b: {  	[sflag:s24] =	ssyncset.done $0x0  }
0x9c: {  	[sflag:s24] =	ssyncadd.s32 $0xFFFFC000  }
0x9d: {  	[tilespmem:s23], [sflag:$0x9] =	stream.linear.gather [spmem:s10], $0x4000, $0x38;
	[tilespmem:$0x1C200] =	vst v63  }
0x9e: {  	_ =	swait.ge [sflag:s24], $0x4000  }
0x9f: {  	[sflag:s24] =	ssyncset.done $0x0  }
0xa0: {  	s19 =	rddreg [dreg:$0xe];
	[sflag:s24] =	ssyncadd.s32 $0xFFFFC000  }
0xa1: {  	[hbm4b:s19+s3] =	stream.linear.scatter [tilespmem:s23], [sflag:$0x9], $0x4000, $0x38;
	[tilespmem:$0x1C200] =	vst v63  }
0xa2: {  	_ =	swait.ge [sflag:s24], $0x4000  }
0xa3: {  	[sflag:s24] =	ssyncset.done $0x0  }
0xa4: {  	[sflag:s24] =	ssyncadd.s32 $0xFFFFC000  }
0xa5: {  	[tilespmem:s23], [sflag:$0x9] =	stream.linear.gather [spmem:s11], $0x4000, $0x38;
	[tilespmem:$0x1C200] =	vst v63  }
0xa6: {  	_ =	swait.ge [sflag:s24], $0x4000  }
0xa7: {  	[sflag:s24] =	ssyncset.done $0x0  }
0xa8: {  	s20 =	rddreg [dreg:$0xf];
	[sflag:s24] =	ssyncadd.s32 $0xFFFFC000  }
0xa9: {  	[hbm4b:s20+s3] =	stream.linear.scatter [tilespmem:s23], [sflag:$0x9], $0x4000, $0x38;
	[tilespmem:$0x1C200] =	vst v63  }
0xaa: {  	_ =	swait.ge [sflag:s24], $0x4000  }
0xab: {  	[sflag:s24] =	ssyncset.done $0x0  }
0xac: {  	[sflag:s24] =	ssyncadd.s32 $0xFFFFC000  }
0xad: {  	[tilespmem:s23], [sflag:$0x9] =	stream.linear.gather [spmem:s12], $0x4000, $0x38;
	[tilespmem:$0x1C200] =	vst v63  }
0xae: {  	s16 =	sadd.s32 $0x1, s16;
	_ =	swait.ge [sflag:s24], $0x4000  }
0xaf: {  	p0 =	sne.s32 s16, s22;
	[sflag:s24] =	ssyncset.done $0x0  }
.Ltmp1:
0xb0: {  	s21 =	rddreg [dreg:$0x10];
	[sflag:s24] =	ssyncadd.s32 $0xFFFFC000;
	(pc) =	sbr.rel @p0 .LBB2_1-.Ltmp1, $4  }
0xb1: {  	[hbm4b:s21+s3] =	stream.linear.scatter [tilespmem:s23], [sflag:$0x9], $0x4000, $0x38;
	[tilespmem:$0x1C200] =	vst v63  }
0xb2: {  	_ =	swait.ge [sflag:s24], $0x4000  }
0xb3: {  	[sflag:s24] =	ssyncset.done $0x0  }
0xb4: {  	[sflag:s24] =	ssyncadd.s32 $0xFFFFC000  }
0xb5: {  	_ =	sfence.sel $0x180000  }
0xb6: {  	[bflag:$0x0] =	sbarrier.arrive $0xFFFF  }
0xb7: {  	_ =	strace $0x9000004D  }
0xb8: {  	s0 =	stileid.u32;
	[bflag:$0x2] =	sbarrier.arrive $0xFFFF  }
0xb9: {  	p0 =	sne.s32 s0, $0x0;
	s0 =	rddreg [dreg:$0x4]  }
0xba: {  	s0 =	sadd.s32 @!p0 $0x100000, s0  }
0xbb: {  	[sflag:s0] =	ssyncadd.tile.s32 @!p0 $0x1;
	_ =	shalt  }
.Lfunc_end2:
_tile_overlayer_lowered:
.L_overlay_start_2:
0xbc: {  	(tag) =	ssettag $0x2  }
0xbd: {  	s0 =	rddreg [dreg:$0x0];
	s2 =	stileid.u32  }
0xbe: {  	s1 =	rddreg [dreg:$0x1];
	p0 =	sne.s32 s2, $0x0  }
0xbf: {  	s3 =	rddreg [dreg:$0x2];
	[bflag:$0x3] =	sbarrier.arrive $0xFFFF;
	s2 =	simm.s32 @!p0 $0x1C09  }
0xc0: {  	[timem:s3], [sflag:s2] =	dma.local @!p0 [hbm:s0], s1  }
0xc1: {  	s0 =	simm.s32 @!p0 $0x9  }
0xc2: {  	_ =	swait.ge @!p0 [sflag:s0], s1  }
0xc3: {  	s1 =	ssub.s32 @!p0 $0x0, s1;
	[sflag:s0] =	ssyncset.done @!p0 $0x0  }
0xc4: {  	[sflag:s0] =	ssyncadd.s32 @!p0 s1  }
0xc5: {  	[bflag:$0x3] =	sbarrier.arrive $0xFFFF  }
0xc6: {  	_ =	shalt  }

// kernel: kernel.21.cloned.1.call-start
scs
__scs_entry_jumppad:
0x0: {  	(pc) =	sbr.rel $0x88, $3  }
0x1: {  	(tag) =	ssettag $0x0;
	lr =	simm.s32 $0x1  }
0x2: {  	[smem:$0x3F90] =	sst lr;
	_ =	strace $0xD0000000  }
0x3: {  	_ = 	snop  }
0x4: {  	_ = 	snop  }
0x5: {  	_ = 	snop  }
0x6: {  	_ = 	snop  }
0x7: {  	_ = 	snop  }
__scs_overlays_trampoline_lowered:
0x8: {  	[smem:$0x3F9F] =	sst s0  }
0x9: {  	[smem:$0x3FA0] =	sst s1  }
0xa: {  	[smem:$0x3FA1] =	sst s2  }
0xb: {  	[smem:$0x3FA2] =	sst s3  }
0xc: {  	[smem:$0x3FA3] =	sst s4  }
0xd: {  	[smem:$0x3FA4] =	sst s5  }
0xe: {  	[smem:$0x3FA5] =	sst s6  }
0xf: {  	[smem:$0x3FA6] =	sst s7  }
0x10: {  	[smem:$0x3FA7] =	sst s8  }
0x11: {  	[smem:$0x3FA8] =	sst s9;
	s0 =	simm.s32 @!p0 $0x0  }
0x12: {  	s1 =	sld [smem:$0x3F8E];
	s0 =	simm.s32 @p0 $0x1  }
0x13: {  	[smem:$0x3FA9] =	sst s0;
	s0 =	simm.s32 @!p1 $0x0  }
0x14: {  	s2 =	sld [smem:$0x3F8D];
	s0 =	simm.s32 @p1 $0x1  }
0x15: {  	[smem:$0x3FAA] =	sst s0;
	s0 =	simm.s32 @!p2 $0x0  }
0x16: {  	s3 =	sld [smem:$0x3FDB];
	s0 =	simm.s32 @p2 $0x1  }
0x17: {  	s4 =	simm.s32 $0x1BF5;
	[smem:$0x3FAC] =	sst s0  }
0x18: {  	s0 =	sld [smem:$0x3F8F];
	_ =	swait.ge [sflag:s4], $0x0  }
0x19: {  	s7 =	sld [smem:$0x3F90]  }
0x1a: {  	s8 =	sadd.s32 $0xFFFFE003, lr  }
0x1b: {  	s9 =	sadd.s32 $0xFFFFFEF7, lr;
	s5 =	simm.s32 $0xFFFFFFFF;
	p2 =	slt.u32 s8, $0xFFFFF086  }
0x1c: {  	p1 =	slt.u32 s9, $0xF7A;
	s5 =	simm.s32 @!p2 $0x0  }
0x1d: {  	s5 =	simm.s32 @p1 $0x1;
	p0 =	seq.s32 s7, s2  }
0x1e: {  	s7 =	smul.u32 @!p0 $0xF7A, s2;
	p2 =	seq.s32 @!p0 s5, $0x0  }
0x1f: {  	s9 =	smul.u32 $0xF7A, s1;
	s8 =	simm.s32 @!p0 $0x1BF5;
	p2 =	por !p2, p0  }
0x20: {  	[sflag:s8] =	ssyncset.s32 @!p0 $0xFFFFF086;
	s6 =	sadd.s32 @!p0 s3, s7;
	s7 =	simm.s32 @!p0 $0x108  }
0x21: {  	s3 =	sadd.s32 s3, s9;
	s6 =	sadd.s32 @!p0 $0x88, s6;
	s7 =	simm.s32 @p2 $0x1082  }
0x22: {  	[simem:s7], [sflag:s8] =	dma.local @!p0 [hbm:s6], $0xF7A  }
0x23: {  	s9 =	sor.u32 $0xD0000000, s2;
	s6 =	simm.s32 $0x108;
	_ =	swait.ge @!p0 [sflag:s8], $0x0  }
0x24: {  	s3 =	sadd.s32 $0x88, s3;
	s6 =	simm.s32 @!p1 $0x1082;
	[sflag:s4] =	ssyncset.s32 $0xFFFFF086  }
0x25: {  	[simem:s6], [sflag:s4] =	dma.local [hbm:s3], $0xF7A  }
0x26: {  	[smem:$0x3F90] =	sst s1;
	(tag) =	ssettag s2;
	_ =	strace s9  }
0x27: {  	s1 =	sld [smem:$0x3FA0]  }
0x28: {  	s2 =	sld [smem:$0x3FA1]  }
0x29: {  	s4 =	sld [smem:$0x3FA3]  }
0x2a: {  	p0 =	seq.s32 s5, $0x0;
	s5 =	sld [smem:$0x3FA4]  }
0x2b: {  	s6 =	sld [smem:$0x3FA5]  }
0x2c: {  	s7 =	sld [smem:$0x3FA6]  }
0x2d: {  	s3 =	simm.s32 $0x108;
	s8 =	sld [smem:$0x3FA7]  }
0x2e: {  	s3 =	simm.s32 @!p0 $0x1082;
	s9 =	sld [smem:$0x3FA8]  }
0x2f: {  	lr =	sadd.s32 s0, s3;
	s0 =	sld [smem:$0x3F9F]  }
0x30: {  	s3 =	sld [smem:$0x3FA2]  }
0x31: {  	[smem:$0x3FAB] =	sst s10  }
0x32: {  	s10 =	sld [smem:$0x3FA9];
	_ =	sdelay $0x3  }
0x33: {  	p0 =	seq.s32 s10, $0x1;
	s10 =	sld [smem:$0x3FAB];
	_ =	sdelay $0x3  }
0x34: {  	[smem:$0x3FAB] =	sst s10  }
0x35: {  	s10 =	sld [smem:$0x3FAA];
	_ =	sdelay $0x3  }
0x36: {  	p1 =	seq.s32 s10, $0x1;
	s10 =	sld [smem:$0x3FAB];
	_ =	sdelay $0x3  }
0x37: {  	[smem:$0x3FAB] =	sst s10  }
0x38: {  	s10 =	sld [smem:$0x3FAC]  }
0x39: {  	_ = 	snop;
	(pc) =	sbr.ind lr, $3  }
0x3a: {  	_ = 	snop  }
0x3b: {  	_ = 	snop  }
0x3c: {  	p2 =	seq.s32 s10, $0x1;
	s10 =	sld [smem:$0x3FAB]  }
0x3d: {  	_ =	shalt  }
0x3e: {  	_ =	shalt  }
0x3f: {  	_ =	shalt  }
0x40: {  	_ =	shalt  }
0x41: {  	_ =	shalt  }
0x42: {  	_ =	shalt  }
0x43: {  	_ =	shalt  }
0x44: {  	_ =	shalt  }
0x45: {  	_ =	shalt  }
0x46: {  	_ =	shalt  }
0x47: {  	_ =	shalt  }
0x48: {  	_ =	shalt  }
0x49: {  	_ =	shalt  }
0x4a: {  	_ =	shalt  }
0x4b: {  	_ =	shalt  }
0x4c: {  	_ =	shalt  }
0x4d: {  	_ =	shalt  }
0x4e: {  	_ =	shalt  }
0x4f: {  	_ =	shalt  }
0x50: {  	_ =	shalt  }
0x51: {  	_ =	shalt  }
0x52: {  	_ =	shalt  }
0x53: {  	_ =	shalt  }
0x54: {  	_ =	shalt  }
0x55: {  	_ =	shalt  }
0x56: {  	_ =	shalt  }
0x57: {  	_ =	shalt  }
0x58: {  	_ =	shalt  }
0x59: {  	_ =	shalt  }
0x5a: {  	_ =	shalt  }
0x5b: {  	_ =	shalt  }
0x5c: {  	_ =	shalt  }
0x5d: {  	_ =	shalt  }
0x5e: {  	_ =	shalt  }
0x5f: {  	_ =	shalt  }
0x60: {  	_ =	shalt  }
0x61: {  	_ =	shalt  }
0x62: {  	_ =	shalt  }
0x63: {  	_ =	shalt  }
0x64: {  	_ =	shalt  }
0x65: {  	_ =	shalt  }
0x66: {  	_ =	shalt  }
0x67: {  	_ =	shalt  }
0x68: {  	_ =	shalt  }
0x69: {  	_ =	shalt  }
0x6a: {  	_ =	shalt  }
0x6b: {  	_ =	shalt  }
0x6c: {  	_ =	shalt  }
0x6d: {  	_ =	shalt  }
0x6e: {  	_ =	shalt  }
0x6f: {  	_ =	shalt  }
0x70: {  	_ =	shalt  }
0x71: {  	_ =	shalt  }
0x72: {  	_ =	shalt  }
0x73: {  	_ =	shalt  }
0x74: {  	_ =	shalt  }
0x75: {  	_ =	shalt  }
0x76: {  	_ =	shalt  }
0x77: {  	_ =	shalt  }
0x78: {  	_ =	shalt  }
0x79: {  	_ =	shalt  }
0x7a: {  	_ =	shalt  }
0x7b: {  	_ =	shalt  }
0x7c: {  	_ =	shalt  }
0x7d: {  	_ =	shalt  }
0x7e: {  	_ =	shalt  }
0x7f: {  	_ =	shalt  }
0x80: {  	_ =	shalt  }
0x81: {  	_ =	shalt  }
0x82: {  	_ =	shalt  }
0x83: {  	_ =	shalt  }
0x84: {  	_ =	shalt  }
0x85: {  	_ =	shalt  }
0x86: {  	_ =	shalt  }
0x87: {  	_ =	shalt  }
.Lfunc_end0:
.L_simem_size_0:
called_computation.3_lowered:
.L_overlay_start_0:
0x88: {  	s2 =	sld [smem:$0x3FD9]  }
0x89: {  	s3 =	sld [smem:$0x3FFE];
	_ =	sdelay $0x1  }
0x8a: {  	s1 =	srdreg.scid  }
0x8b: {  	s0 =	sand.u32 $0x1, s1  }
0x8c: {  	s14 =	sshll.u32 s0, $0xA;
	s2 =	sadd.s32 s3, s2  }
0x8d: {  	s2 =	sadd.s32 s2, s14  }
0x8e: {  	[smem:$0x3FB7] =	sst s2  }
0x8f: {  	_ = 	snop  }
0x90: {  	s2 =	sld [smem:$0x3FD0];
	_ =	sdelay $0x2  }
0x91: {  	s15 =	simm.s32 $0xA;
	s4 =	simm.s32 $0x10  }
0x92: {  	[smem:s4], [sflag:s15] =	dma.local [hbm:s2], $0x1  }
0x93: {  	_ =	swait.eq [sflag:s15], $0x1  }
0x94: {  	[sflag:s15] =	ssyncset.done $0x0  }
0x95: {  	[sflag:s15] =	ssyncadd.s32 $0xFFFFFFFF  }
0x96: {  	s16 =	sld [smem:$0x10];
	(tm) =	ssettm $0x1  }
0x97: {  	s17 =	sld [smem:$0x3FFB];
	_ =	sdelay $0x3  }
0x98: {  	_ =	strace s17  }
0x99: {  	s3 =	sld [smem:$0x3FFC];
	_ =	sdelay $0x3  }
0x9a: {  	_ =	strace s3  }
0x9b: {  	s3 =	sld [smem:$0x3FFD];
	_ =	sdelay $0x3  }
0x9c: {  	_ =	strace s3  }
0x9d: {  	_ =	strace $0x8FFFFFFF  }
0x9e: {  	s18 =	sld [smem:$0x3FDB];
	_ =	sdelay $0x1  }
0x9f: {  	s19 =	simm.s32 $_scs_section_size  }
0xa0: {  	s5 =	simm.s32 $_size__tile_overlayer_lowered;
	s6 =	simm.s32 $_tile_overlayer_lowered  }
0xa1: {  	s22 =	simm.s32 $0x1BFF;
	s21 =	sshll.u32 s6, $0x1;
	s3 =	sadd.s32 s19, s18  }
0xa2: {  	s7 =	simm.s32 $0x0;
	s20 =	sshll.u32 s5, $0x1;
	s5 =	sadd.s32 s21, s3  }
0xa3: {  	[timem:s7], [sflag:s22] =	dma.local [hbm:s5], s20  }
0xa4: {  	_ =	swait.ge [sflag:s22], s20  }
0xa5: {  	s4 =	ssub.s32 $0x0, s20;
	[sflag:s22] =	ssyncset.done $0x0  }
0xa6: {  	[sflag:s22] =	ssyncadd.s32 s4;
	_ =	sdelay $0x1  }
0xa7: {  	s23 =	simm.s32 $0x1B8B  }
0xa8: {  	_ =	swait.ge [sflag:s23], $0x1  }
0xa9: {  	[sflag:s23] =	ssyncset.done $0x0  }
0xaa: {  	s25 =	simm.s32 $0x1B8E;
	s24 =	sld [smem:$0x3FFE];
	[sflag:s23] =	ssyncadd.s32 $0xFFFFFFFF  }
0xab: {  	s26 =	simm.s32 $execute0_lowered;
	[smem:$0x3FD2] =	sst s25  }
0xac: {  	s5 =	sshll.u32 s26, $0x1;
	_ =	strace $0x8000004F;
	[dreg:$0x1] =	wrdreg $0xFFFFFFFF  }
0xad: {  	s28 =	simm.s32 $_size_execute0_lowered;
	s3 =	sadd.s32 s3, s5;
	[dreg:$0x0] =	wrdreg $0x0  }
0xae: {  	s5 =	sshll.u32 s28, $0x1;
	[dreg:$0x2] =	wrdreg s3  }
0xaf: {  	[dreg:$0x3] =	wrdreg s5  }
0xb0: {  	[dreg:$0x4] =	wrdreg $0xC0  }
0xb1: {  	_ =	task [dreg:s7], $0x5FFFF  }
0xb2: {  	[dreg:$0x1] =	wrdreg $0xFFFFFFFF  }
0xb3: {  	[dreg:$0x0] =	wrdreg $0x60  }
0xb4: {  	[dreg:$0x2] =	wrdreg s24  }
0xb5: {  	[dreg:$0x3] =	wrdreg s16  }
0xb6: {  	[dreg:$0x4] =	wrdreg $0x82000  }
0xb7: {  	[dreg:$0x5] =	wrdreg $0x9  }
0xb8: {  	_ =	task.clear_ibuf [dreg:s7], $0x6FFFF;
	_ =	strace $0x9000004F  }
0xb9: {  	s29 =	simm.s32 $0x9;
	_ =	strace $0x80000051  }
0xba: {  	_ =	swait.ge [sflag:s29], $0x1  }
0xbb: {  	[sflag:s29] =	ssyncadd.s32 $0xFFFFFFFF  }
0xbc: {  	_ =	strace $0x90000051  }
0xbd: {  	_ =	sfence  }
0xbe: {  	s30 =	sld [smem:$0x0];
	_ =	sdelay $0x2  }
0xbf: {  	s31 =	sshll.u32 s1, $0xD;
	s1 =	sshrl.u32 s1, $0x2  }
0xc0: {  	s3 =	sand.u32 $0x4000, s31;
	s1 =	sadd.s32 s1, s30  }
0xc1: {  	s0 =	sor.u32 s3, s0;
	s1 =	sshll.u32 s1, $0x11  }
0xc2: {  	s0 =	sor.u32 s1, s0  }
0xc3: {  	s0 =	sadd.s32 $0x8F2B, s0  }
0xc4: {  	[sflag:s0] =	ssyncadd.remote.s32 $0x1  }
0xc5: {  	_ =	sfence.sel $0xFFFF  }
0xc6: {  	[dreg:$0x0] =	wrdreg $0xFFFFFFFF;
	(pc) =	sbr.abs _section_cstart, $3  }
0xc7: {  	[dreg:$0x1] =	wrdreg $0xFFFFFFFF  }
0xc8: {  	_ =	task.clear_ibuf [dreg:s7], $0x2FFFF;
	_ =	strace $0x9FFFFFFF  }
0xc9: {  	(tm) =	ssettm $0x7FFFFFFF  }
tec
execute0_lowered:
.L_overlay_start_1:
0x0: {  	(tag) =	ssettag $0x1  }
0x1: {  	s0 =	rddreg [dreg:$0x0]  }
0x2: {  	s1 =	rddreg [dreg:$0x1]  }
0x3: {  	s2 =	rddreg [dreg:$0x2]  }
0x4: {  	s3 =	simm.s32 $0x0;
	s4 =	srdreg.scid;
	s11 =	stileid.u32  }
0x5: {  	s13 =	simm.s32 $0x78;
	s28 =	simm.s32 $0x80;
	s29 =	simm.s32 $0x180  }
0x6: {  	s30 =	simm.s32 $0x6;
	s31 =	simm.s32 $0x4200;
	s8 =	smul.u32 $0x78, s11  }
0x7: {  	[smem:$0x7FF] =	sst s3;
	s5 =	sadd.s32 $0x10800, s0;
	s10 =	smul.u32 $0x28, s11  }
0x8: {  	s6 =	sadd.s32 $0x6000, s0;
	s4 =	sand.u32 $0x1, s4;
	s24 =	smul.u32 $0x50000, s11  }
0x9: {  	s7 =	sadd.s32 $0x10000, s0;
	s0 =	sadd.s32 $0x60800, s0;
	s15 =	smul.u32 $0x14000, s11  }
0xa: {  	_ =	strace $0x80000050;
	[dreg:$0x6] =	wrdreg s7;
	s23 =	ssub.s32 $0x2, s4  }
0xb: {  	p0 =	seq.s32 s4, $0x0;
	s4 =	smul.u32 $0x140000, s4;
	s9 =	sshrl.u32 s23, $0x1  }
0xc: {  	s14 =	sadd.s32 $0x780, s10;
	s13 =	simm.s32 @!p0 $0x28;
	s25 =	sshrl.u32 s24, $0x2  }
0xd: {  	s16 =	sadd.s32 $0x4000, s15;
	s17 =	sadd.s32 $0x8000, s15;
	s18 =	sadd.s32 $0xC000, s15  }
0xe: {  	s19 =	sadd.s32 $0x10000, s15;
	s7 =	ssub.s32 s23, s9;
	s14 =	smov.u32 @p0 s8  }
0xf: {  	s8 =	sadd.s32 s25, s2;
	s9 =	sadd.s32 s16, s2;
	s10 =	sadd.s32 s17, s2  }
0x10: {  	s11 =	sadd.s32 s18, s2;
	s12 =	sadd.s32 s19, s2;
	s15 =	sadd.s32 s15, s4  }
0x11: {  	s16 =	sadd.s32 s4, s16;
	s17 =	sadd.s32 s4, s17;
	s21 =	sadd.s32 s4, s18  }
0x12: {  	s4 =	sadd.s32 s4, s19;
	s20 =	sshll.u32 s14, $0x4;
	s26 =	sadd.s32 s14, s13  }
0x13: {  	s15 =	sshrl.u32 s15, $0x3;
	s16 =	sshrl.u32 s16, $0x3;
	s23 =	sshrl.u32 s17, $0x3  }
0x14: {  	s24 =	sshrl.u32 s21, $0x3;
	s22 =	sadd.s32 s1, s20;
	s20 =	sadd.s32 s6, s20  }
0x15: {  	s13 =	sshll.u32 s13, $0x7;
	s4 =	sshrl.u32 s4, $0x3;
	[dreg:$0x8] =	wrdreg s20  }
0x16: {  	s15 =	sadd.s32 s0, s15;
	s25 =	sadd.s32 s0, s24;
	[dreg:$0x7] =	wrdreg s22  }
0x17: {  	s13 =	sadd.s32 $0xFFFFFF00, s13;
	s24 =	simm.s32 $0x9;
	[dreg:$0xb] =	wrdreg s15  }
0x18: {  	s19 =	sadd.s32 $0x10, s22;
	s20 =	sshll.u32 s26, $0x4;
	[dreg:$0xe] =	wrdreg s25  }
0x19: {  	s22 =	sadd.s32 s0, s16;
	s15 =	sadd.s32 s0, s23;
	[dreg:$0x4] =	wrdreg s13  }
0x1a: {  	s26 =	sshll.u32 s14, $0x7;
	s0 =	sadd.s32 s0, s4;
	[dreg:$0x9] =	wrdreg s19  }
0x1b: {  	s23 =	simm.s32 $0x200;
	s25 =	simm.s32 $0x100;
	[dreg:$0xc] =	wrdreg s22  }
0x1c: {  	s4 =	simm.s32 $0x7;
	s14 =	simm.s32 $0x2;
	[dreg:$0xd] =	wrdreg s15  }
0x1d: {  	s13 =	simm.s32 $0x8;
	s16 =	simm.s32 $0x0;
	[dreg:$0xf] =	wrdreg s0  }
0x1e: {  	s18 =	sadd.s32 s6, s20;
	s22 =	smax.u32 s7, $0x1;
	[dreg:$0x5] =	wrdreg s26  }
0x1f: {  	s26 =	simm.s32 $0x5;
	s0 =	simm.s32 $0x1;
	s18 =	sadd.s32 $0xFFFFFFF0, s18  }
0x20: {  	s7 =	simm.s32 $0x3;
	s15 =	simm.s32 $0x4;
	[dreg:$0xa] =	wrdreg s18  }
.LBB2_1:
0x21: {  	s17 =	rddreg [dreg:$0x6]  }
0x22: {  	[tilespmem:s23], [sflag:$0x9] =	stream.linear.gather [hbm4b:s17+s3], $0x4000, $0x38;
	[tilespmem:$0x1C200] =	vst v63  }
0x23: {  	_ =	swait.ge [sflag:s24], $0x4000  }
0x24: {  	[sflag:s24] =	ssyncset.done $0x0  }
0x25: {  	[sflag:s24] =	ssyncadd.s32 $0xFFFFC000  }
0x26: {  	[spmem:s8] =	stream.linear.scatter [tilespmem:s23], [sflag:$0x9], $0x4000, $0x38;
	[tilespmem:$0x1C200] =	vst v63  }
0x27: {  	_ =	swait.ge [sflag:s24], $0x4000  }
0x28: {  	[sflag:s24] =	ssyncset.done $0x0  }
0x29: {  	[sflag:s24] =	ssyncadd.s32 $0xFFFFC000  }
0x2a: {  	[spmem:s9] =	stream.linear.scatter [tilespmem:s23], [sflag:$0x9], $0x4000, $0x38;
	[tilespmem:$0x1C200] =	vst v63  }
0x2b: {  	_ =	swait.ge [sflag:s24], $0x4000  }
0x2c: {  	[sflag:s24] =	ssyncset.done $0x0  }
0x2d: {  	[sflag:s24] =	ssyncadd.s32 $0xFFFFC000  }
0x2e: {  	[spmem:s10] =	stream.linear.scatter [tilespmem:s23], [sflag:$0x9], $0x4000, $0x38;
	[tilespmem:$0x1C200] =	vst v63  }
0x2f: {  	_ =	swait.ge [sflag:s24], $0x4000  }
0x30: {  	[sflag:s24] =	ssyncset.done $0x0  }
0x31: {  	[sflag:s24] =	ssyncadd.s32 $0xFFFFC000  }
0x32: {  	[spmem:s11] =	stream.linear.scatter [tilespmem:s23], [sflag:$0x9], $0x4000, $0x38;
	[tilespmem:$0x1C200] =	vst v63  }
0x33: {  	_ =	swait.ge [sflag:s24], $0x4000  }
0x34: {  	[sflag:s24] =	ssyncset.done $0x0  }
0x35: {  	[sflag:s24] =	ssyncadd.s32 $0xFFFFC000  }
0x36: {  	[spmem:s12] =	stream.linear.scatter [tilespmem:s23], [sflag:$0x9], $0x4000, $0x38;
	[tilespmem:$0x1C200] =	vst v63  }
0x37: {  	_ =	swait.ge [sflag:s24], $0x4000  }
0x38: {  	[sflag:s24] =	ssyncset.done $0x0  }
0x39: {  	[sflag:s24] =	ssyncadd.s32 $0xFFFFC000  }
0x3a: {  	[bflag:$0x0] =	sbarrier.arrive $0xFFFF  }
0x3b: {  	s19 =	rddreg [dreg:$0x7]  }
0x3c: {  	[tilespmem:s3], [sflag:$0x5] =	stream.linear.gather [hbm4b:s19+s3], $0x80, $0x38;
	[tilespmem:$0x1C200] =	vst v63  }
0x3d: {  	s20 =	rddreg [dreg:$0x8]  }
0x3e: {  	[tilespmem:s25], [sflag:$0x7] =	stream.linear.gather [hbm4b:s20+s3], $0x80, $0x38;
	[tilespmem:$0x1C200] =	vst v63  }
0x3f: {  	_ =	swait.ge [sflag:s26], $0x80  }
0x40: {  	[sflag:s26] =	ssyncset.done $0x0  }
0x41: {  	[sflag:s26] =	ssyncadd.s32 $0xFFFFFF80  }
0x42: {  	[tilespmem:s23], [sflag:$0x1] =	stream.indirect.gather [hbm4b:s5+s28], $0x80, s3, s28, $0xb8;
	[tilespmem:$0x1C200] =	vst v63  }
0x43: {  	s17 =	simm.s32 $0x0;
	s21 =	rddreg [dreg:$0x9]  }
0x44: {  	[tilespmem:s28], [sflag:$0x6] =	stream.linear.gather [hbm4b:s21+s3], $0x80, $0x38;
	[tilespmem:$0x1C200] =	vst v63  }
.LBB2_2:
0x45: {  	p0 =	seq.s32 s17, $0x0  }
0x46: {  	s18 =	simm.s32 @!p0 $0x4  }
0x47: {  	_ =	swait.ge @!p0 [sflag:s18], $0x4000  }
0x48: {  	s19 =	rddreg [dreg:$0x5]  }
0x49: {  	s19 =	sadd.s32 s17, s19  }
0x4a: {  	s21 =	sand.u32 $0x300, s17;
	s20 =	sand.u32 $0xFFFFFC00, s19  }
0x4b: {  	s20 =	sor.u32 s20, s21  }
0x4c: {  	s20 =	sor.u32 $0x80, s20  }
0x4d: {  	[sflag:s18] =	ssyncset.done @!p0 $0x0;
	s20 =	sshrl.u32 s20, $0x3  }
0x4e: {  	[sflag:s18] =	ssyncadd.s32 @!p0 $0xFFFFC000;
	s20 =	sadd.s32 s6, s20  }
0x4f: {  	[tilespmem:s29], [sflag:$0x8] =	stream.linear.gather [hbm4b:s20+s3], $0x80, $0x38;
	[tilespmem:$0x1C200] =	vst v63  }
0x50: {  	_ =	swait.ge [sflag:s30], $0x80  }
0x51: {  	s21 =	sadd.s32 $0x100, s19;
	s20 =	sadd.s32 $0x100, s17;
	[sflag:s30] =	ssyncset.done $0x0  }
0x52: {  	s18 =	sand.u32 $0xFFFFFC00, s21;
	s21 =	sand.u32 $0x300, s20;
	[sflag:s30] =	ssyncadd.s32 $0xFFFFFF80  }
0x53: {  	[tilespmem:s31], [sflag:$0x2] =	stream.indirect.gather [hbm4b:s5+s28], $0x80, s28, s28, $0xb8;
	[tilespmem:$0x1C200] =	vst v63  }
0x54: {  	s18 =	sor.u32 s21, s18;
	_ =	swait.ge [sflag:s0], $0x4000  }
0x55: {  	s18 =	sshrl.u32 s18, $0x3;
	[sflag:s0] =	ssyncset.done $0x0  }
0x56: {  	s21 =	sadd.s32 s1, s18;
	[sflag:s0] =	ssyncadd.s32 $0xFFFFC000  }
0x57: {  	[tilespmem:s3], [sflag:$0x5] =	stream.linear.gather [hbm4b:s21+s3], $0x80, $0x38;
	[tilespmem:$0x1C200] =	vst v63  }
0x58: {  	_ =	swait.ge [sflag:s4], $0x80  }
0x59: {  	[sflag:s4] =	ssyncset.done $0x0  }
0x5a: {  	[sflag:s4] =	ssyncadd.s32 $0xFFFFFF80  }
0x5b: {  	[spmem:s2] =	stream.indirect.scatter.add.f32 [tilespmem:s23], [sflag:$0x3], $0x80, s25, s28, $0xb8;
	[tilespmem:$0x1C200] =	vst v63  }
0x5c: {  	_ =	swait.ge [sflag:s7], $0x4000  }
0x5d: {  	[sflag:s7] =	ssyncset.done $0x0  }
0x5e: {  	s18 =	sadd.s32 s6, s18;
	[sflag:s7] =	ssyncadd.s32 $0xFFFFC000  }
0x5f: {  	[tilespmem:s25], [sflag:$0x7] =	stream.linear.gather [hbm4b:s18+s3], $0x80, $0x38;
	[tilespmem:$0x1C200] =	vst v63  }
0x60: {  	_ =	swait.ge [sflag:s26], $0x80  }
0x61: {  	s21 =	sadd.s32 $0x180, s19;
	s19 =	sadd.s32 $0x180, s17;
	[sflag:s26] =	ssyncset.done $0x0  }
0x62: {  	s17 =	sand.u32 $0x380, s19;
	s18 =	sand.u32 $0xFFFFFC00, s21;
	[sflag:s26] =	ssyncadd.s32 $0xFFFFFF80  }
0x63: {  	[tilespmem:s23], [sflag:$0x1] =	stream.indirect.gather [hbm4b:s5+s28], $0x80, s3, s28, $0xb8;
	[tilespmem:$0x1C200] =	vst v63  }
0x64: {  	s17 =	sor.u32 s17, s18;
	_ =	swait.ge [sflag:s14], $0x4000  }
0x65: {  	s17 =	sshrl.u32 s17, $0x3;
	[sflag:s14] =	ssyncset.done $0x0  }
0x66: {  	s17 =	sadd.s32 s1, s17;
	[sflag:s14] =	ssyncadd.s32 $0xFFFFC000  }
0x67: {  	[tilespmem:s28], [sflag:$0x6] =	stream.linear.gather [hbm4b:s17+s3], $0x80, $0x38;
	[tilespmem:$0x1C200] =	vst v63  }
0x68: {  	_ =	swait.ge [sflag:s13], $0x80  }
0x69: {  	s21 =	rddreg [dreg:$0x4]  }
0x6a: {  	p0 =	sne.s32 s21, s20  }
.Ltmp0:
0x6b: {  	_ = 	snop;
	(pc) =	sbr.rel @p0 .LBB2_2-.Ltmp0, $4  }
0x6c: {  	_ = 	snop  }
0x6d: {  	[sflag:s13] =	ssyncset.done $0x0  }
0x6e: {  	s17 =	smov.u32 s20;
	[sflag:s13] =	ssyncadd.s32 $0xFFFFFF80  }
0x6f: {  	[spmem:s2] =	stream.indirect.scatter.add.f32 [tilespmem:s31], [sflag:$0x4], $0x80, s29, s28, $0xb8;
	[tilespmem:$0x1C200] =	vst v63  }
0x70: {  	_ =	swait.ge [sflag:s15], $0x4000  }
0x71: {  	[sflag:s15] =	ssyncset.done $0x0  }
0x72: {  	s17 =	rddreg [dreg:$0xa];
	[sflag:s15] =	ssyncadd.s32 $0xFFFFC000  }
0x73: {  	[tilespmem:s29], [sflag:$0x8] =	stream.linear.gather [hbm4b:s17+s3], $0x80, $0x38;
	[tilespmem:$0x1C200] =	vst v63  }
0x74: {  	_ =	swait.ge [sflag:s30], $0x80  }
0x75: {  	[sflag:s30] =	ssyncset.done $0x0  }
0x76: {  	[sflag:s30] =	ssyncadd.s32 $0xFFFFFF80  }
0x77: {  	[tilespmem:s31], [sflag:$0x2] =	stream.indirect.gather [hbm4b:s5+s28], $0x80, s28, s28, $0xb8;
	[tilespmem:$0x1C200] =	vst v63  }
0x78: {  	_ =	swait.ge [sflag:s0], $0x4000  }
0x79: {  	[sflag:s0] =	ssyncset.done $0x0  }
0x7a: {  	[sflag:s0] =	ssyncadd.s32 $0xFFFFC000  }
0x7b: {  	_ =	swait.ge [sflag:s4], $0x80  }
0x7c: {  	[sflag:s4] =	ssyncset.done $0x0  }
0x7d: {  	[sflag:s4] =	ssyncadd.s32 $0xFFFFFF80  }
0x7e: {  	[spmem:s2] =	stream.indirect.scatter.add.f32 [tilespmem:s23], [sflag:$0x3], $0x80, s25, s28, $0xb8;
	[tilespmem:$0x1C200] =	vst v63  }
0x7f: {  	_ =	swait.ge [sflag:s7], $0x4000  }
0x80: {  	[sflag:s7] =	ssyncset.done $0x0  }
0x81: {  	[sflag:s7] =	ssyncadd.s32 $0xFFFFC000  }
0x82: {  	_ =	swait.ge [sflag:s14], $0x4000  }
0x83: {  	[sflag:s14] =	ssyncset.done $0x0  }
0x84: {  	[sflag:s14] =	ssyncadd.s32 $0xFFFFC000  }
0x85: {  	_ =	swait.ge [sflag:s13], $0x80  }
0x86: {  	[sflag:s13] =	ssyncset.done $0x0  }
0x87: {  	[sflag:s13] =	ssyncadd.s32 $0xFFFFFF80  }
0x88: {  	[spmem:s2] =	stream.indirect.scatter.add.f32 [tilespmem:s31], [sflag:$0x4], $0x80, s29, s28, $0xb8;
	[tilespmem:$0x1C200] =	vst v63  }
0x89: {  	_ =	swait.ge [sflag:s15], $0x4000  }
0x8a: {  	[sflag:s15] =	ssyncset.done $0x0  }
0x8b: {  	[sflag:s15] =	ssyncadd.s32 $0xFFFFC000  }
0x8c: {  	[bflag:$0x0] =	sbarrier.arrive $0xFFFF  }
0x8d: {  	[tilespmem:s23], [sflag:$0x9] =	stream.linear.gather [spmem:s8], $0x4000, $0x38;
	[tilespmem:$0x1C200] =	vst v63  }
0x8e: {  	_ =	swait.ge [sflag:s24], $0x4000  }
0x8f: {  	[sflag:s24] =	ssyncset.done $0x0  }
0x90: {  	s21 =	rddreg [dreg:$0xb];
	[sflag:s24] =	ssyncadd.s32 $0xFFFFC000  }
0x91: {  	[hbm4b:s21+s3] =	stream.linear.scatter [tilespmem:s23], [sflag:$0x9], $0x4000, $0x38;
	[tilespmem:$0x1C200] =	vst v63  }
0x92: {  	_ =	swait.ge [sflag:s24], $0x4000  }
0x93: {  	[sflag:s24] =	ssyncset.done $0x0  }
0x94: {  	[sflag:s24] =	ssyncadd.s32 $0xFFFFC000  }
0x95: {  	[tilespmem:s23], [sflag:$0x9] =	stream.linear.gather [spmem:s9], $0x4000, $0x38;
	[tilespmem:$0x1C200] =	vst v63  }
0x96: {  	_ =	swait.ge [sflag:s24], $0x4000  }
0x97: {  	[sflag:s24] =	ssyncset.done $0x0  }
0x98: {  	s18 =	rddreg [dreg:$0xc];
	[sflag:s24] =	ssyncadd.s32 $0xFFFFC000  }
0x99: {  	[hbm4b:s18+s3] =	stream.linear.scatter [tilespmem:s23], [sflag:$0x9], $0x4000, $0x38;
	[tilespmem:$0x1C200] =	vst v63  }
0x9a: {  	_ =	swait.ge [sflag:s24], $0x4000  }
0x9b: {  	[sflag:s24] =	ssyncset.done $0x0  }
0x9c: {  	[sflag:s24] =	ssyncadd.s32 $0xFFFFC000  }
0x9d: {  	[tilespmem:s23], [sflag:$0x9] =	stream.linear.gather [spmem:s10], $0x4000, $0x38;
	[tilespmem:$0x1C200] =	vst v63  }
0x9e: {  	_ =	swait.ge [sflag:s24], $0x4000  }
0x9f: {  	[sflag:s24] =	ssyncset.done $0x0  }
0xa0: {  	s19 =	rddreg [dreg:$0xd];
	[sflag:s24] =	ssyncadd.s32 $0xFFFFC000  }
0xa1: {  	[hbm4b:s19+s3] =	stream.linear.scatter [tilespmem:s23], [sflag:$0x9], $0x4000, $0x38;
	[tilespmem:$0x1C200] =	vst v63  }
0xa2: {  	_ =	swait.ge [sflag:s24], $0x4000  }
0xa3: {  	[sflag:s24] =	ssyncset.done $0x0  }
0xa4: {  	[sflag:s24] =	ssyncadd.s32 $0xFFFFC000  }
0xa5: {  	[tilespmem:s23], [sflag:$0x9] =	stream.linear.gather [spmem:s11], $0x4000, $0x38;
	[tilespmem:$0x1C200] =	vst v63  }
0xa6: {  	_ =	swait.ge [sflag:s24], $0x4000  }
0xa7: {  	[sflag:s24] =	ssyncset.done $0x0  }
0xa8: {  	s20 =	rddreg [dreg:$0xe];
	[sflag:s24] =	ssyncadd.s32 $0xFFFFC000  }
0xa9: {  	[hbm4b:s20+s3] =	stream.linear.scatter [tilespmem:s23], [sflag:$0x9], $0x4000, $0x38;
	[tilespmem:$0x1C200] =	vst v63  }
0xaa: {  	_ =	swait.ge [sflag:s24], $0x4000  }
0xab: {  	[sflag:s24] =	ssyncset.done $0x0  }
0xac: {  	[sflag:s24] =	ssyncadd.s32 $0xFFFFC000  }
0xad: {  	[tilespmem:s23], [sflag:$0x9] =	stream.linear.gather [spmem:s12], $0x4000, $0x38;
	[tilespmem:$0x1C200] =	vst v63  }
0xae: {  	s16 =	sadd.s32 $0x1, s16;
	_ =	swait.ge [sflag:s24], $0x4000  }
0xaf: {  	p0 =	sne.s32 s16, s22;
	[sflag:s24] =	ssyncset.done $0x0  }
.Ltmp1:
0xb0: {  	s21 =	rddreg [dreg:$0xf];
	[sflag:s24] =	ssyncadd.s32 $0xFFFFC000;
	(pc) =	sbr.rel @p0 .LBB2_1-.Ltmp1, $4  }
0xb1: {  	[hbm4b:s21+s3] =	stream.linear.scatter [tilespmem:s23], [sflag:$0x9], $0x4000, $0x38;
	[tilespmem:$0x1C200] =	vst v63  }
0xb2: {  	_ =	swait.ge [sflag:s24], $0x4000  }
0xb3: {  	[sflag:s24] =	ssyncset.done $0x0  }
0xb4: {  	[sflag:s24] =	ssyncadd.s32 $0xFFFFC000  }
0xb5: {  	_ =	sfence.sel $0x180000  }
0xb6: {  	[bflag:$0x0] =	sbarrier.arrive $0xFFFF  }
0xb7: {  	_ =	strace $0x90000050  }
0xb8: {  	s0 =	stileid.u32;
	[bflag:$0x2] =	sbarrier.arrive $0xFFFF  }
0xb9: {  	p0 =	sne.s32 s0, $0x0;
	s0 =	rddreg [dreg:$0x3]  }
0xba: {  	s0 =	sadd.s32 @!p0 $0x100000, s0  }
0xbb: {  	[sflag:s0] =	ssyncadd.tile.s32 @!p0 $0x1;
	_ =	shalt  }
.Lfunc_end2:
_tile_overlayer_lowered:
.L_overlay_start_2:
0xbc: {  	(tag) =	ssettag $0x2  }
0xbd: {  	s0 =	rddreg [dreg:$0x0];
	s2 =	stileid.u32  }
0xbe: {  	s1 =	rddreg [dreg:$0x1];
	p0 =	sne.s32 s2, $0x0  }
0xbf: {  	s3 =	rddreg [dreg:$0x2];
	[bflag:$0x3] =	sbarrier.arrive $0xFFFF;
	s2 =	simm.s32 @!p0 $0x1C09  }
0xc0: {  	[timem:s3], [sflag:s2] =	dma.local @!p0 [hbm:s0], s1  }
0xc1: {  	s0 =	simm.s32 @!p0 $0x9  }
0xc2: {  	_ =	swait.ge @!p0 [sflag:s0], s1  }
0xc3: {  	s1 =	ssub.s32 @!p0 $0x0, s1;
	[sflag:s0] =	ssyncset.done @!p0 $0x0  }
0xc4: {  	[sflag:s0] =	ssyncadd.s32 @!p0 s1  }
0xc5: {  	[bflag:$0x3] =	sbarrier.arrive $0xFFFF  }
0xc6: {  	_ =	shalt  }

</sc_bundles>
